<compile_context>
chip_gen: v7x
topology: tpu7x:2x2x1
jax: 0.10.2.dev20260603
libtpu: 0.0.44.dev20260713+nightly
codegen_flags: <defaults>
</compile_context>

<pallas_src>
import functools

import jax
import jax.numpy as jnp
from jax import lax
from jax.experimental import pallas as pl
from jax.experimental.pallas import tpu as pltpu
from jax.experimental.pallas import tpu_sc as plsc

_B = 8
_K = 8
_V = 100000
_H = 256
_D = 256
_T = 4
_SOS = 1
_EOS = 2
_BK = _B * _K

_BV = 4096
_NV = (_V + _BV - 1) // _BV
_NSUB = 4
_SW = _BV // _NSUB
_NEG = -1e30
_NEGS = -1e38
_NEGM = -3e38
_BIGI = 2 ** 30


def _sel_rows(x, k, prec):
    r = lax.broadcasted_iota(jnp.int32, (_B, _BK), 1)
    p = lax.broadcasted_iota(jnp.int32, (_B, _BK), 0)
    sk = (r == p * _K + k).astype(jnp.float32)
    return lax.dot(sk, x, precision=prec, preferred_element_type=jnp.float32)


def _step_body(emb_ref, h_ref, sc_ref, sym_ref, wih_ref, whh_ref, bih_ref,
               bhh_ref, wout_ref, bout_ref,
               out_l8_ref, out_h_ref, out_sc_ref, out_sym_ref, out_pred_ref,
               out_mls_ref,
               h_s, m_s, topv_s, topi_s, lg_s, acc_s, work_s):
    p = pl.program_id(0)
    i = pl.program_id(1)
    prec = lax.Precision.HIGHEST

    @pl.when((p == 0) & (i == 0))
    def _prologue():
        emb = emb_ref[...].astype(jnp.bfloat16)
        h0 = h_ref[...]
        gi = lax.dot(emb, wih_ref[...],
                     preferred_element_type=jnp.float32) + bih_ref[...]
        gh = lax.dot(h0.astype(jnp.bfloat16), whh_ref[...],
                     preferred_element_type=jnp.float32) + bhh_ref[...]
        r = jax.nn.sigmoid(gi[:, :_H] + gh[:, :_H])
        z = jax.nn.sigmoid(gi[:, _H:2 * _H] + gh[:, _H:2 * _H])
        n = jnp.tanh(gi[:, 2 * _H:] + r * gh[:, 2 * _H:])
        h_s[...] = (1.0 - z) * n + z * h0
        m_s[...] = jnp.full((_BK, 1), _NEG, jnp.float32)
        acc_s[...] = jnp.zeros((_BK, 128), jnp.float32)
        topv_s[...] = jnp.full((_BK, _K), _NEG, jnp.float32)
        topi_s[...] = jnp.zeros((_BK, _K), jnp.int32)

    @pl.when(p == 0)
    def _phase0():
        logits = lax.dot(h_s[...].astype(jnp.bfloat16), wout_ref[...],
                         preferred_element_type=jnp.float32) + bout_ref[...]
        col = lax.broadcasted_iota(jnp.int32, (_BK, _BV), 1) + i * _BV
        lg = jnp.where(col < _V, logits, _NEG)
        lg_s[:, pl.ds(i * _BV, _BV)] = lg
        m_s[...] = jnp.maximum(m_s[...], jnp.max(lg, axis=1, keepdims=True))

        th = topv_s[:, _K - 1:_K]
        cnt = jnp.sum(jnp.where(lg >= th, 1.0, 0.0), axis=1, keepdims=True)
        mx = jnp.max(cnt)
        work_s[...] = lg
        for j in range(_K):
            @pl.when(mx > j)
            def _round():
                wk = work_s[...]
                vj = jnp.max(wk, axis=1, keepdims=True)
                ij = jnp.min(jnp.where(wk == vj, col, _BIGI), axis=1,
                             keepdims=True)
                work_s[...] = jnp.where((wk == vj) & (col == ij), _NEG, wk)
                tv = topv_s[...]
                ti = topi_s[...]
                beats = (tv > vj) | ((tv == vj) & (ti < ij))
                btf = jnp.where(beats, 1.0, 0.0)
                b_prev = jnp.concatenate(
                    [jnp.ones((_BK, 1), jnp.float32), btf[:, :_K - 1]],
                    axis=1) > 0.5
                tv_prev = jnp.concatenate(
                    [tv[:, :1], tv[:, :_K - 1]], axis=1)
                ti_prev = jnp.concatenate(
                    [ti[:, :1], ti[:, :_K - 1]], axis=1)
                vb = jnp.broadcast_to(vj, (_BK, _K))
                ib = jnp.broadcast_to(ij, (_BK, _K))
                topv_s[...] = jnp.where(beats, tv,
                                        jnp.where(b_prev, vb, tv_prev))
                topi_s[...] = jnp.where(beats, ti,
                                        jnp.where(b_prev, ib, ti_prev))

    @pl.when(p == 1)
    def _phase1():
        lg = lg_s[:, pl.ds(i * _BV, _BV)]
        e = jnp.exp(lg - m_s[...])
        acc = acc_s[...]
        for c in range(_BV // 128):
            acc = acc + e[:, c * 128:(c + 1) * 128]
        acc_s[...] = acc
        out_l8_ref[...] = _sel_rows(lg, 0, prec)

    @pl.when((p == 1) & (i == _NV - 1))
    def _epilogue():
        m_fin = m_s[...]
        s = jnp.sum(acc_s[...], axis=1, keepdims=True)
        logs = jnp.log(s)
        sc_in = jnp.where(sym_ref[...] == _EOS, _NEGS, sc_ref[...])
        cv = sc_in + ((topv_s[...] - m_fin) - logs)
        klocal = lax.broadcasted_iota(jnp.int32, (_BK, _K), 0) % _K
        ci = (klocal * _V + topi_s[...]).astype(jnp.float32)

        cvb = jnp.concatenate([_sel_rows(cv, k, prec) for k in range(_K)],
                              axis=1)
        cib = jnp.concatenate([_sel_rows(ci, k, prec) for k in range(_K)],
                              axis=1)

        fvs, fis = [], []
        for _ in range(_K):
            vj = jnp.max(cvb, axis=1, keepdims=True)
            ij = jnp.min(jnp.where(cvb == vj, cib, 1e30),
                         axis=1, keepdims=True)
            picked = (cvb == vj) & (cib == ij)
            cvb = jnp.where(picked, _NEGM, cvb)
            cib = jnp.where(picked, 1e30, cib)
            fvs.append(vj)
            fis.append(ij)
        scores_b = jnp.concatenate(fvs, axis=1)
        cand = jnp.concatenate(fis, axis=1).astype(jnp.int32)
        kdiv = cand // _V
        vmod = cand - kdiv * _V
        pred = kdiv + lax.broadcasted_iota(jnp.int32, (_B, _K), 0) * _K

        out_sc_ref[...] = scores_b
        out_sym_ref[...] = vmod
        out_pred_ref[...] = pred
        out_mls_ref[...] = jnp.concatenate([m_fin, logs], axis=1)

        h_cur = h_s[...]
        cgrid = lax.broadcasted_iota(jnp.int32, (_B, _BK), 1)
        rgrid = lax.broadcasted_iota(jnp.int32, (_BK, _B), 0)
        bgrid = lax.broadcasted_iota(jnp.int32, (_BK, _B), 1)
        h_new = jnp.zeros((_BK, _H), jnp.float32)
        for j in range(_K):
            pbj = (pred[:, j:j + 1] == cgrid).astype(jnp.float32)
            hj = lax.dot(pbj, h_cur, precision=prec,
                         preferred_element_type=jnp.float32)
            tj = (rgrid == bgrid * _K + j).astype(jnp.float32)
            h_new = h_new + lax.dot(tj, hj, precision=prec,
                                    preferred_element_type=jnp.float32)
        out_h_ref[...] = h_new


def _beam_step(emb, h, scores, sym, w_ih, w_hh, b_ih2, b_hh2, w_out, b_out2):
    full = lambda shape: pl.BlockSpec(shape, lambda p, i: (0, 0))
    return pl.pallas_call(
        _step_body,
        grid=(2, _NV),
        in_specs=[
            full((_BK, _D)),
            full((_BK, _H)),
            full((_BK, 1)),
            full((_BK, 1)),
            full((_D, 3 * _H)),
            full((_H, 3 * _H)),
            full((1, 3 * _H)),
            full((1, 3 * _H)),
            pl.BlockSpec((_H, _BV),
                         lambda p, i: (0, jnp.where(p == 0, i, 0))),
            pl.BlockSpec((1, _BV),
                         lambda p, i: (0, jnp.where(p == 0, i, 0))),
        ],
        out_specs=[
            pl.BlockSpec((_B, _BV),
                         lambda p, i: (0, jnp.where(p == 1, i, 0))),
            full((_BK, _H)),
            full((_B, _K)),
            full((_B, _K)),
            full((_B, _K)),
            full((_BK, 2)),
        ],
        out_shape=[
            jax.ShapeDtypeStruct((_B, _V), jnp.float32),
            jax.ShapeDtypeStruct((_BK, _H), jnp.float32),
            jax.ShapeDtypeStruct((_B, _K), jnp.float32),
            jax.ShapeDtypeStruct((_B, _K), jnp.int32),
            jax.ShapeDtypeStruct((_B, _K), jnp.int32),
            jax.ShapeDtypeStruct((_BK, 2), jnp.float32),
        ],
        scratch_shapes=[
            pltpu.VMEM((_BK, _H), jnp.float32),
            pltpu.VMEM((_BK, 1), jnp.float32),
            pltpu.VMEM((_BK, _K), jnp.float32),
            pltpu.VMEM((_BK, _K), jnp.int32),
            pltpu.VMEM((_BK, _NV * _BV), jnp.float32),
            pltpu.VMEM((_BK, 128), jnp.float32),
            pltpu.VMEM((_BK, _BV), jnp.float32),
        ],
    )(emb, h, scores, sym, w_ih, w_hh, b_ih2, b_hh2, w_out, b_out2)


def _gather_rows(table, idx):
    mesh = plsc.VectorSubcoreMesh(core_axis_name="c", subcore_axis_name="s")

    @functools.partial(
        pl.kernel,
        mesh=mesh,
        out_type=jax.ShapeDtypeStruct((_BK, _D), jnp.float32),
        scratch_types=[
            pltpu.VMEM((16,), jnp.int32),
            pltpu.VMEM((16, _D), jnp.float32),
            pltpu.SemaphoreType.DMA,
        ],
    )
    def k(table_hbm, idx_hbm, out_hbm, idx_v, rows_v, sem):
        wid = lax.axis_index("s") * 2 + lax.axis_index("c")

        @pl.when(wid < 4)
        def _():
            base = wid * 16
            pltpu.sync_copy(idx_hbm.at[pl.ds(base, 16)], idx_v)
            pltpu.async_copy(table_hbm.at[idx_v], rows_v, sem).wait()
            pltpu.sync_copy(rows_v, out_hbm.at[pl.ds(base, 16)])

    return k(table, idx)


def _normalize(raw, mls):
    def body(r_ref, l_ref, o_ref):
        o_ref[...] = (r_ref[...] - l_ref[:, 0:1]) - l_ref[:, 1:2]

    rows = _T * _B
    return pl.pallas_call(
        body,
        grid=(_NV,),
        in_specs=[
            pl.BlockSpec((rows, _BV), lambda i: (0, i)),
            pl.BlockSpec((rows, 2), lambda i: (0, 0)),
        ],
        out_specs=pl.BlockSpec((rows, _BV), lambda i: (0, i)),
        out_shape=jax.ShapeDtypeStruct((rows, _V), jnp.float32),
    )(raw, mls)


def kernel(encoder_hidden, embedding, W_ih, W_hh, b_ih, b_hh, W_out, b_out):
    h = jnp.repeat(encoder_hidden[0], _K, axis=0)
    beam0 = (jnp.arange(_BK) % _K) == 0
    scores = jnp.where(beam0, 0.0, _NEGS)[:, None].astype(jnp.float32)
    sym = jnp.full((_BK, 1), _SOS, jnp.int32)
    b_ih2 = b_ih.reshape(1, -1)
    b_hh2 = b_hh.reshape(1, -1)
    b_out2 = b_out.reshape(1, -1)
    W_ih = W_ih.astype(jnp.bfloat16)
    W_hh = W_hh.astype(jnp.bfloat16)
    W_out = W_out.astype(jnp.bfloat16)

    raw_list, mls_list, sym_list, pred_list = [], [], [], []
    scores_b = None
    for _ in range(_T):
        emb = _gather_rows(embedding, sym.reshape(_BK))
        raw8, h, scores_b, sym8, pred8, mls = _beam_step(
            emb, h, scores, sym, W_ih, W_hh, b_ih2, b_hh2, W_out, b_out2)
        raw_list.append(raw8)
        mls_list.append(mls[::_K])
        sym_list.append(sym8.reshape(_BK))
        pred_list.append(pred8.reshape(_BK))
        scores = scores_b.reshape(_BK, 1)
        sym = sym8.reshape(_BK, 1)

    raw = jnp.concatenate(raw_list, axis=0)
    mls_all = jnp.concatenate(mls_list, axis=0)
    dec = _normalize(raw, mls_all).reshape(_T, _B, _V)
    topk_symbols = jnp.stack(sym_list, axis=0)
    topk_predecessors = jnp.stack(pred_list, axis=0)
    return dec, scores_b, topk_symbols, topk_predecessors

# --- scband reference (transcript-rebuilt; emitter-appended) ---
"""Pipeline reference for scband-top-kdecoder-82755429860239 (READ-ONLY COPY).

The authoritative reference and input builder live on the scoring server;
editing this copy changes nothing except your own understanding.
"""

import jax, jax.numpy as jnp
import numpy as np

B = 8
K = 8
V = 100000
H = 256
D = 256
T = 4
SOS = 1
EOS = 2


def setup_inputs(seed: int = 0) -> dict:
    key = jax.random.key(seed)
    ks = jax.random.split(key, 8)
    return {
        "encoder_hidden": jax.random.normal(ks[0], (1, B, H), dtype=jnp.float32),
        "embedding": jax.random.normal(ks[1], (V, D), dtype=jnp.float32) * 0.02,
        "W_ih": jax.random.normal(ks[2], (D, 3 * H), dtype=jnp.float32) * 0.05,
        "W_hh": jax.random.normal(ks[3], (H, 3 * H), dtype=jnp.float32) * 0.05,
        "b_ih": jnp.zeros((3 * H,), dtype=jnp.float32),
        "b_hh": jnp.zeros((3 * H,), dtype=jnp.float32),
        "W_out": jax.random.normal(ks[4], (H, V), dtype=jnp.float32) * 0.05,
        "b_out": jnp.zeros((V,), dtype=jnp.float32),
    }


def _gru_cell(x, h, W_ih, W_hh, b_ih, b_hh):
    gi = x @ W_ih + b_ih
    gh = h @ W_hh + b_hh
    i_r, i_z, i_n = jnp.split(gi, 3, axis=-1)
    h_r, h_z, h_n = jnp.split(gh, 3, axis=-1)
    r = jax.nn.sigmoid(i_r + h_r)
    z = jax.nn.sigmoid(i_z + h_z)
    n = jnp.tanh(i_n + r * h_n)
    return (1.0 - z) * n + z * h


def reference(encoder_hidden, embedding, W_ih, W_hh, b_ih, b_hh, W_out, b_out):
    # inflate encoder hidden to B*K beams (repeat_interleave along batch)
    h = jnp.repeat(encoder_hidden[0], K, axis=0)  # [B*K, H]
    pos_index = (jnp.arange(B, dtype=jnp.int32) * K)[:, None]  # [B, 1]
    seq_scores = jnp.full((B * K, 1), -jnp.inf, dtype=jnp.float32)
    seq_scores = seq_scores.at[jnp.arange(B) * K].set(0.0)
    input_var = jnp.full((B * K,), SOS, dtype=jnp.int32)
    stored_outputs = []
    stored_scores = []
    stored_pred = []
    stored_sym = []
    for _ in range(T):
        # decoder forward_step: embedding lookup -> GRU cell -> log_softmax over vocab
        emb = jnp.take(embedding, input_var, axis=0)  # gather [B*K, D]
        h = _gru_cell(emb, h, W_ih, W_hh, b_ih, b_hh)
        log_probs = jax.nn.log_softmax(h @ W_out + b_out, axis=-1)  # [B*K, V]
        # inflate sequence scores over vocab and accumulate
        expanded = seq_scores + log_probs  # broadcast of repeat_interleave(seq_scores, V, dim=1)
        scores, candidates = jax.lax.top_k(expanded.reshape(B, K * V), K)  # [B, K]
        input_var = (candidates % V).reshape(B * K).astype(jnp.int32)
        seq_scores = scores.reshape(B * K, 1)
        predecessors = (candidates // V + pos_index).reshape(B * K)
        # reorder beam hidden states by predecessor (index_select)
        h = jnp.take(h, predecessors, axis=0)
        stored_scores.append(seq_scores)
        eos_mask = (input_var == EOS)[:, None]
        seq_scores = jnp.where(eos_mask, -jnp.inf, seq_scores)
        stored_outputs.append(log_probs)
        stored_pred.append(predecessors)
        stored_sym.append(input_var)
    outputs = jnp.stack(stored_outputs, axis=0)  # [T, B*K, V]
    decoder_outputs = outputs[:, ::K, :]  # top beam per batch, [T, B, V]
    final_scores = stored_scores[-1].reshape(B, K)
    topk_symbols = jnp.stack(stored_sym, axis=0)  # [T, B*K]
    topk_predecessors = jnp.stack(stored_pred, axis=0)  # [T, B*K]
    return decoder_outputs, final_scores, topk_symbols, topk_predecessors

if __name__ == "__main__":
    import jax
    _d = setup_inputs()
    print(jax.jit(kernel)(*tuple(_d.values())))

</pallas_src>

<mosaic_0001>
#map = affine_map<(d0, d1) -> (0, 0)>
#map1 = affine_map<(d0, d1) -> (0)>
module attributes {stable_mosaic.version = 14 : i64} {
  func.func @k(%arg0: i32, %arg1: i32, %arg2: memref<100000x256xf32, #tpu.memory_space<hbm>>, %arg3: memref<64xi32, #tpu.memory_space<hbm>>, %arg4: memref<64x256xf32, #tpu.memory_space<hbm>>, %arg5: memref<16xi32, #tpu.memory_space<vmem>>, %arg6: memref<16x256xf32, #tpu.memory_space<vmem>>, %arg7: memref<!tpu.dma_semaphore, #tpu.memory_space<semaphore_mem>>) attributes {dimension_semantics = [#tpu.dimension_semantics<core_parallel>, #tpu.dimension_semantics<subcore_parallel>], iteration_bounds = array<i64: 2, 16>, scalar_prefetch = 0 : i64, scratch_operands = 3 : i64, tpu.core_type = #tpu.core_type<sc_vector_subcore>, window_params = [{transform_indices = #map}, {transform_indices = #map1}, {transform_indices = #map}]} {
    %mul3A = arith.constant 2 : i32
    %mul3A_0 = arith.muli %arg1, %mul3A : i32
    %add3A = arith.addi %mul3A_0, %arg0 : i32
    %lt3A = arith.constant 4 : i32
    %lt3A_1 = arith.cmpi slt, %add3A, %lt3A : i32
    %convert_element_type3A = arith.extui %lt3A_1 : i1 to i32
    %cond3A = arith.constant 0 : i32
    %cond3A_2 = arith.cmpi ne, %convert_element_type3A, %cond3A : i32
    scf.if %cond3A_2 {
      %mul3A_3 = arith.constant 16 : i32
      %mul3A_4 = arith.muli %add3A, %mul3A_3 : i32
      "tpu.region"() ({
        %run_scoped3A = tpu.sem_alloc : memref<!tpu.dma_semaphore, #tpu.memory_space<semaphore_mem>>
        %dma_start3A_9 = tpu.memref_slice %arg3[%mul3A_4] : memref<64xi32, #tpu.memory_space<hbm>> -> memref<16xi32, #tpu.memory_space<hbm>>
        %dma_start3A_10 = tpu.memref_slice %arg3[%mul3A_4] : memref<64xi32, #tpu.memory_space<hbm>> -> memref<16xi32, #tpu.memory_space<hbm>>
        tpu.enqueue_dma source(%dma_start3A_10 : memref<16xi32, #tpu.memory_space<hbm>>) target(%arg5 : memref<16xi32, #tpu.memory_space<vmem>>) target_semaphore(%run_scoped3A : memref<!tpu.dma_semaphore, #tpu.memory_space<semaphore_mem>>)
        %dma_wait3A_11 = tpu.memref_slice %arg3[%mul3A_4] : memref<64xi32, #tpu.memory_space<hbm>> -> memref<16xi32, #tpu.memory_space<hbm>>
        %dma_wait3A_12 = tpu.memref_slice %arg3[%mul3A_4] : memref<64xi32, #tpu.memory_space<hbm>> -> memref<16xi32, #tpu.memory_space<hbm>>
        tpu.wait_dma2 semaphore(%run_scoped3A : memref<!tpu.dma_semaphore, #tpu.memory_space<semaphore_mem>>) src(%dma_wait3A_12 : memref<16xi32, #tpu.memory_space<hbm>>) dst(%arg5 : memref<16xi32, #tpu.memory_space<vmem>>)
        tpu.yield
      }) : () -> ()
      %dma_start3A = arith.constant 0 : i32
      %dma_start3A_5 = arith.constant 0 : i32
      %dma_start3A_6 = tpu.memref_slice %arg2[%dma_start3A, %dma_start3A_5] : memref<100000x256xf32, #tpu.memory_space<hbm>> -> memref<100000x256xf32, #tpu.memory_space<hbm>>
      tpu.enqueue_indirect_dma source(%dma_start3A_6 : memref<100000x256xf32, #tpu.memory_space<hbm>>) target(%arg6 : memref<16x256xf32, #tpu.memory_space<vmem>>) offsets(%arg5 : memref<16xi32, #tpu.memory_space<vmem>>) semaphore(%arg7 : memref<!tpu.dma_semaphore, #tpu.memory_space<semaphore_mem>>)
      %dma_wait3A = arith.constant 0 : i32
      %dma_wait3A_7 = arith.constant 0 : i32
      %dma_wait3A_8 = tpu.memref_slice %arg2[%dma_wait3A, %dma_wait3A_7] : memref<100000x256xf32, #tpu.memory_space<hbm>> -> memref<100000x256xf32, #tpu.memory_space<hbm>>
      tpu.wait_indirect_dma semaphore(%arg7 : memref<!tpu.dma_semaphore, #tpu.memory_space<semaphore_mem>>) src(%dma_wait3A_8 : memref<100000x256xf32, #tpu.memory_space<hbm>>) dst(%arg6 : memref<16x256xf32, #tpu.memory_space<vmem>>)
      "tpu.region"() ({
        %run_scoped3A = tpu.sem_alloc : memref<!tpu.dma_semaphore, #tpu.memory_space<semaphore_mem>>
        %dma_start3A_9 = arith.constant 0 : i32
        %dma_start3A_10 = tpu.memref_slice %arg4[%mul3A_4, %dma_start3A_9] : memref<64x256xf32, #tpu.memory_space<hbm>> -> memref<16x256xf32, #tpu.memory_space<hbm>>
        %dma_start3A_11 = arith.constant 0 : i32
        %dma_start3A_12 = tpu.memref_slice %arg4[%mul3A_4, %dma_start3A_11] : memref<64x256xf32, #tpu.memory_space<hbm>> -> memref<16x256xf32, #tpu.memory_space<hbm>>
        tpu.enqueue_dma source(%arg6 : memref<16x256xf32, #tpu.memory_space<vmem>>) target(%dma_start3A_12 : memref<16x256xf32, #tpu.memory_space<hbm>>) target_semaphore(%run_scoped3A : memref<!tpu.dma_semaphore, #tpu.memory_space<semaphore_mem>>)
        %dma_wait3A_13 = arith.constant 0 : i32
        %dma_wait3A_14 = tpu.memref_slice %arg4[%mul3A_4, %dma_wait3A_13] : memref<64x256xf32, #tpu.memory_space<hbm>> -> memref<16x256xf32, #tpu.memory_space<hbm>>
        %dma_wait3A_15 = arith.constant 0 : i32
        %dma_wait3A_16 = tpu.memref_slice %arg4[%mul3A_4, %dma_wait3A_15] : memref<64x256xf32, #tpu.memory_space<hbm>> -> memref<16x256xf32, #tpu.memory_space<hbm>>
        tpu.wait_dma2 semaphore(%run_scoped3A : memref<!tpu.dma_semaphore, #tpu.memory_space<semaphore_mem>>) src(%arg6 : memref<16x256xf32, #tpu.memory_space<vmem>>) dst(%dma_wait3A_16 : memref<16x256xf32, #tpu.memory_space<hbm>>)
        tpu.yield
      }) : () -> ()
    } else {
    }
    return
  }
}

#map = affine_map<(d0, d1) -> (0, 0)>
#map1 = affine_map<(d0, d1) -> (0)>
module attributes {stable_mosaic.version = 14 : i64} {
  func.func @k(%arg0: i32, %arg1: i32, %arg2: memref<100000x256xf32, #tpu.memory_space<hbm>>, %arg3: memref<64xi32, #tpu.memory_space<hbm>>, %arg4: memref<64x256xf32, #tpu.memory_space<hbm>>, %arg5: memref<16xi32, #tpu.memory_space<vmem>>, %arg6: memref<16x256xf32, #tpu.memory_space<vmem>>, %arg7: memref<!tpu.dma_semaphore, #tpu.memory_space<semaphore_mem>>) attributes {dimension_semantics = [#tpu.dimension_semantics<core_parallel>, #tpu.dimension_semantics<subcore_parallel>], iteration_bounds = array<i64: 2, 16>, scalar_prefetch = 0 : i64, scratch_operands = 3 : i64, tpu.core_type = #tpu.core_type<sc_vector_subcore>, window_params = [{transform_indices = #map}, {transform_indices = #map1}, {transform_indices = #map}]} {
    %mul3A = arith.constant 2 : i32
    %mul3A_0 = arith.muli %arg1, %mul3A : i32
    %add3A = arith.addi %mul3A_0, %arg0 : i32
    %lt3A = arith.constant 4 : i32
    %lt3A_1 = arith.cmpi slt, %add3A, %lt3A : i32
    %convert_element_type3A = arith.extui %lt3A_1 : i1 to i32
    %cond3A = arith.constant 0 : i32
    %cond3A_2 = arith.cmpi ne, %convert_element_type3A, %cond3A : i32
    scf.if %cond3A_2 {
      %mul3A_3 = arith.constant 16 : i32
      %mul3A_4 = arith.muli %add3A, %mul3A_3 : i32
      "tpu.region"() ({
        %run_scoped3A = tpu.sem_alloc : memref<!tpu.dma_semaphore, #tpu.memory_space<semaphore_mem>>
        %dma_start3A_9 = tpu.memref_slice %arg3[%mul3A_4] : memref<64xi32, #tpu.memory_space<hbm>> -> memref<16xi32, #tpu.memory_space<hbm>>
        %dma_start3A_10 = tpu.memref_slice %arg3[%mul3A_4] : memref<64xi32, #tpu.memory_space<hbm>> -> memref<16xi32, #tpu.memory_space<hbm>>
        tpu.enqueue_dma source(%dma_start3A_10 : memref<16xi32, #tpu.memory_space<hbm>>) target(%arg5 : memref<16xi32, #tpu.memory_space<vmem>>) target_semaphore(%run_scoped3A : memref<!tpu.dma_semaphore, #tpu.memory_space<semaphore_mem>>)
        %dma_wait3A_11 = tpu.memref_slice %arg3[%mul3A_4] : memref<64xi32, #tpu.memory_space<hbm>> -> memref<16xi32, #tpu.memory_space<hbm>>
        %dma_wait3A_12 = tpu.memref_slice %arg3[%mul3A_4] : memref<64xi32, #tpu.memory_space<hbm>> -> memref<16xi32, #tpu.memory_space<hbm>>
        tpu.wait_dma2 semaphore(%run_scoped3A : memref<!tpu.dma_semaphore, #tpu.memory_space<semaphore_mem>>) src(%dma_wait3A_12 : memref<16xi32, #tpu.memory_space<hbm>>) dst(%arg5 : memref<16xi32, #tpu.memory_space<vmem>>)
        tpu.yield
      }) : () -> ()
      %dma_start3A = arith.constant 0 : i32
      %dma_start3A_5 = arith.constant 0 : i32
      %dma_start3A_6 = tpu.memref_slice %arg2[%dma_start3A, %dma_start3A_5] : memref<100000x256xf32, #tpu.memory_space<hbm>> -> memref<100000x256xf32, #tpu.memory_space<hbm>>
      tpu.enqueue_indirect_dma source(%dma_start3A_6 : memref<100000x256xf32, #tpu.memory_space<hbm>>) target(%arg6 : memref<16x256xf32, #tpu.memory_space<vmem>>) offsets(%arg5 : memref<16xi32, #tpu.memory_space<vmem>>) semaphore(%arg7 : memref<!tpu.dma_semaphore, #tpu.memory_space<semaphore_mem>>)
      %dma_wait3A = arith.constant 0 : i32
      %dma_wait3A_7 = arith.constant 0 : i32
      %dma_wait3A_8 = tpu.memref_slice %arg2[%dma_wait3A, %dma_wait3A_7] : memref<100000x256xf32, #tpu.memory_space<hbm>> -> memref<100000x256xf32, #tpu.memory_space<hbm>>
      tpu.wait_indirect_dma semaphore(%arg7 : memref<!tpu.dma_semaphore, #tpu.memory_space<semaphore_mem>>) src(%dma_wait3A_8 : memref<100000x256xf32, #tpu.memory_space<hbm>>) dst(%arg6 : memref<16x256xf32, #tpu.memory_space<vmem>>)
      "tpu.region"() ({
        %run_scoped3A = tpu.sem_alloc : memref<!tpu.dma_semaphore, #tpu.memory_space<semaphore_mem>>
        %dma_start3A_9 = arith.constant 0 : i32
        %dma_start3A_10 = tpu.memref_slice %arg4[%mul3A_4, %dma_start3A_9] : memref<64x256xf32, #tpu.memory_space<hbm>> -> memref<16x256xf32, #tpu.memory_space<hbm>>
        %dma_start3A_11 = arith.constant 0 : i32
        %dma_start3A_12 = tpu.memref_slice %arg4[%mul3A_4, %dma_start3A_11] : memref<64x256xf32, #tpu.memory_space<hbm>> -> memref<16x256xf32, #tpu.memory_space<hbm>>
        tpu.enqueue_dma source(%arg6 : memref<16x256xf32, #tpu.memory_space<vmem>>) target(%dma_start3A_12 : memref<16x256xf32, #tpu.memory_space<hbm>>) target_semaphore(%run_scoped3A : memref<!tpu.dma_semaphore, #tpu.memory_space<semaphore_mem>>)
        %dma_wait3A_13 = arith.constant 0 : i32
        %dma_wait3A_14 = tpu.memref_slice %arg4[%mul3A_4, %dma_wait3A_13] : memref<64x256xf32, #tpu.memory_space<hbm>> -> memref<16x256xf32, #tpu.memory_space<hbm>>
        %dma_wait3A_15 = arith.constant 0 : i32
        %dma_wait3A_16 = tpu.memref_slice %arg4[%mul3A_4, %dma_wait3A_15] : memref<64x256xf32, #tpu.memory_space<hbm>> -> memref<16x256xf32, #tpu.memory_space<hbm>>
        tpu.wait_dma2 semaphore(%run_scoped3A : memref<!tpu.dma_semaphore, #tpu.memory_space<semaphore_mem>>) src(%arg6 : memref<16x256xf32, #tpu.memory_space<vmem>>) dst(%dma_wait3A_16 : memref<16x256xf32, #tpu.memory_space<hbm>>)
        tpu.yield
      }) : () -> ()
    } else {
    }
    return
  }
}

#map = affine_map<(d0, d1) -> (0, 0)>
#map1 = affine_map<(d0, d1) -> (0)>
module attributes {stable_mosaic.version = 14 : i64} {
  func.func @k(%arg0: i32, %arg1: i32, %arg2: memref<100000x256xf32, #tpu.memory_space<hbm>>, %arg3: memref<64xi32, #tpu.memory_space<hbm>>, %arg4: memref<64x256xf32, #tpu.memory_space<hbm>>, %arg5: memref<16xi32, #tpu.memory_space<vmem>>, %arg6: memref<16x256xf32, #tpu.memory_space<vmem>>, %arg7: memref<!tpu.dma_semaphore, #tpu.memory_space<semaphore_mem>>) attributes {dimension_semantics = [#tpu.dimension_semantics<core_parallel>, #tpu.dimension_semantics<subcore_parallel>], iteration_bounds = array<i64: 2, 16>, scalar_prefetch = 0 : i64, scratch_operands = 3 : i64, tpu.core_type = #tpu.core_type<sc_vector_subcore>, window_params = [{transform_indices = #map}, {transform_indices = #map1}, {transform_indices = #map}]} {
    %mul3A = arith.constant 2 : i32
    %mul3A_0 = arith.muli %arg1, %mul3A : i32
    %add3A = arith.addi %mul3A_0, %arg0 : i32
    %lt3A = arith.constant 4 : i32
    %lt3A_1 = arith.cmpi slt, %add3A, %lt3A : i32
    %convert_element_type3A = arith.extui %lt3A_1 : i1 to i32
    %cond3A = arith.constant 0 : i32
    %cond3A_2 = arith.cmpi ne, %convert_element_type3A, %cond3A : i32
    scf.if %cond3A_2 {
      %mul3A_3 = arith.constant 16 : i32
      %mul3A_4 = arith.muli %add3A, %mul3A_3 : i32
      "tpu.region"() ({
        %run_scoped3A = tpu.sem_alloc : memref<!tpu.dma_semaphore, #tpu.memory_space<semaphore_mem>>
        %dma_start3A_9 = tpu.memref_slice %arg3[%mul3A_4] : memref<64xi32, #tpu.memory_space<hbm>> -> memref<16xi32, #tpu.memory_space<hbm>>
        %dma_start3A_10 = tpu.memref_slice %arg3[%mul3A_4] : memref<64xi32, #tpu.memory_space<hbm>> -> memref<16xi32, #tpu.memory_space<hbm>>
        tpu.enqueue_dma source(%dma_start3A_10 : memref<16xi32, #tpu.memory_space<hbm>>) target(%arg5 : memref<16xi32, #tpu.memory_space<vmem>>) target_semaphore(%run_scoped3A : memref<!tpu.dma_semaphore, #tpu.memory_space<semaphore_mem>>)
        %dma_wait3A_11 = tpu.memref_slice %arg3[%mul3A_4] : memref<64xi32, #tpu.memory_space<hbm>> -> memref<16xi32, #tpu.memory_space<hbm>>
        %dma_wait3A_12 = tpu.memref_slice %arg3[%mul3A_4] : memref<64xi32, #tpu.memory_space<hbm>> -> memref<16xi32, #tpu.memory_space<hbm>>
        tpu.wait_dma2 semaphore(%run_scoped3A : memref<!tpu.dma_semaphore, #tpu.memory_space<semaphore_mem>>) src(%dma_wait3A_12 : memref<16xi32, #tpu.memory_space<hbm>>) dst(%arg5 : memref<16xi32, #tpu.memory_space<vmem>>)
        tpu.yield
      }) : () -> ()
      %dma_start3A = arith.constant 0 : i32
      %dma_start3A_5 = arith.constant 0 : i32
      %dma_start3A_6 = tpu.memref_slice %arg2[%dma_start3A, %dma_start3A_5] : memref<100000x256xf32, #tpu.memory_space<hbm>> -> memref<100000x256xf32, #tpu.memory_space<hbm>>
      tpu.enqueue_indirect_dma source(%dma_start3A_6 : memref<100000x256xf32, #tpu.memory_space<hbm>>) target(%arg6 : memref<16x256xf32, #tpu.memory_space<vmem>>) offsets(%arg5 : memref<16xi32, #tpu.memory_space<vmem>>) semaphore(%arg7 : memref<!tpu.dma_semaphore, #tpu.memory_space<semaphore_mem>>)
      %dma_wait3A = arith.constant 0 : i32
      %dma_wait3A_7 = arith.constant 0 : i32
      %dma_wait3A_8 = tpu.memref_slice %arg2[%dma_wait3A, %dma_wait3A_7] : memref<100000x256xf32, #tpu.memory_space<hbm>> -> memref<100000x256xf32, #tpu.memory_space<hbm>>
      tpu.wait_indirect_dma semaphore(%arg7 : memref<!tpu.dma_semaphore, #tpu.memory_space<semaphore_mem>>) src(%dma_wait3A_8 : memref<100000x256xf32, #tpu.memory_space<hbm>>) dst(%arg6 : memref<16x256xf32, #tpu.memory_space<vmem>>)
      "tpu.region"() ({
        %run_scoped3A = tpu.sem_alloc : memref<!tpu.dma_semaphore, #tpu.memory_space<semaphore_mem>>
        %dma_start3A_9 = arith.constant 0 : i32
        %dma_start3A_10 = tpu.memref_slice %arg4[%mul3A_4, %dma_start3A_9] : memref<64x256xf32, #tpu.memory_space<hbm>> -> memref<16x256xf32, #tpu.memory_space<hbm>>
        %dma_start3A_11 = arith.constant 0 : i32
        %dma_start3A_12 = tpu.memref_slice %arg4[%mul3A_4, %dma_start3A_11] : memref<64x256xf32, #tpu.memory_space<hbm>> -> memref<16x256xf32, #tpu.memory_space<hbm>>
        tpu.enqueue_dma source(%arg6 : memref<16x256xf32, #tpu.memory_space<vmem>>) target(%dma_start3A_12 : memref<16x256xf32, #tpu.memory_space<hbm>>) target_semaphore(%run_scoped3A : memref<!tpu.dma_semaphore, #tpu.memory_space<semaphore_mem>>)
        %dma_wait3A_13 = arith.constant 0 : i32
        %dma_wait3A_14 = tpu.memref_slice %arg4[%mul3A_4, %dma_wait3A_13] : memref<64x256xf32, #tpu.memory_space<hbm>> -> memref<16x256xf32, #tpu.memory_space<hbm>>
        %dma_wait3A_15 = arith.constant 0 : i32
        %dma_wait3A_16 = tpu.memref_slice %arg4[%mul3A_4, %dma_wait3A_15] : memref<64x256xf32, #tpu.memory_space<hbm>> -> memref<16x256xf32, #tpu.memory_space<hbm>>
        tpu.wait_dma2 semaphore(%run_scoped3A : memref<!tpu.dma_semaphore, #tpu.memory_space<semaphore_mem>>) src(%arg6 : memref<16x256xf32, #tpu.memory_space<vmem>>) dst(%dma_wait3A_16 : memref<16x256xf32, #tpu.memory_space<hbm>>)
        tpu.yield
      }) : () -> ()
    } else {
    }
    return
  }
}

#map = affine_map<(d0, d1) -> (0, 0)>
#map1 = affine_map<(d0, d1) -> (0)>
module attributes {stable_mosaic.version = 14 : i64} {
  func.func @k(%arg0: i32, %arg1: i32, %arg2: memref<100000x256xf32, #tpu.memory_space<hbm>>, %arg3: memref<64xi32, #tpu.memory_space<hbm>>, %arg4: memref<64x256xf32, #tpu.memory_space<hbm>>, %arg5: memref<16xi32, #tpu.memory_space<vmem>>, %arg6: memref<16x256xf32, #tpu.memory_space<vmem>>, %arg7: memref<!tpu.dma_semaphore, #tpu.memory_space<semaphore_mem>>) attributes {dimension_semantics = [#tpu.dimension_semantics<core_parallel>, #tpu.dimension_semantics<subcore_parallel>], iteration_bounds = array<i64: 2, 16>, scalar_prefetch = 0 : i64, scratch_operands = 3 : i64, tpu.core_type = #tpu.core_type<sc_vector_subcore>, window_params = [{transform_indices = #map}, {transform_indices = #map1}, {transform_indices = #map}]} {
    %mul3A = arith.constant 2 : i32
    %mul3A_0 = arith.muli %arg1, %mul3A : i32
    %add3A = arith.addi %mul3A_0, %arg0 : i32
    %lt3A = arith.constant 4 : i32
    %lt3A_1 = arith.cmpi slt, %add3A, %lt3A : i32
    %convert_element_type3A = arith.extui %lt3A_1 : i1 to i32
    %cond3A = arith.constant 0 : i32
    %cond3A_2 = arith.cmpi ne, %convert_element_type3A, %cond3A : i32
    scf.if %cond3A_2 {
      %mul3A_3 = arith.constant 16 : i32
      %mul3A_4 = arith.muli %add3A, %mul3A_3 : i32
      "tpu.region"() ({
        %run_scoped3A = tpu.sem_alloc : memref<!tpu.dma_semaphore, #tpu.memory_space<semaphore_mem>>
        %dma_start3A_9 = tpu.memref_slice %arg3[%mul3A_4] : memref<64xi32, #tpu.memory_space<hbm>> -> memref<16xi32, #tpu.memory_space<hbm>>
        %dma_start3A_10 = tpu.memref_slice %arg3[%mul3A_4] : memref<64xi32, #tpu.memory_space<hbm>> -> memref<16xi32, #tpu.memory_space<hbm>>
        tpu.enqueue_dma source(%dma_start3A_10 : memref<16xi32, #tpu.memory_space<hbm>>) target(%arg5 : memref<16xi32, #tpu.memory_space<vmem>>) target_semaphore(%run_scoped3A : memref<!tpu.dma_semaphore, #tpu.memory_space<semaphore_mem>>)
        %dma_wait3A_11 = tpu.memref_slice %arg3[%mul3A_4] : memref<64xi32, #tpu.memory_space<hbm>> -> memref<16xi32, #tpu.memory_space<hbm>>
        %dma_wait3A_12 = tpu.memref_slice %arg3[%mul3A_4] : memref<64xi32, #tpu.memory_space<hbm>> -> memref<16xi32, #tpu.memory_space<hbm>>
        tpu.wait_dma2 semaphore(%run_scoped3A : memref<!tpu.dma_semaphore, #tpu.memory_space<semaphore_mem>>) src(%dma_wait3A_12 : memref<16xi32, #tpu.memory_space<hbm>>) dst(%arg5 : memref<16xi32, #tpu.memory_space<vmem>>)
        tpu.yield
      }) : () -> ()
      %dma_start3A = arith.constant 0 : i32
      %dma_start3A_5 = arith.constant 0 : i32
      %dma_start3A_6 = tpu.memref_slice %arg2[%dma_start3A, %dma_start3A_5] : memref<100000x256xf32, #tpu.memory_space<hbm>> -> memref<100000x256xf32, #tpu.memory_space<hbm>>
      tpu.enqueue_indirect_dma source(%dma_start3A_6 : memref<100000x256xf32, #tpu.memory_space<hbm>>) target(%arg6 : memref<16x256xf32, #tpu.memory_space<vmem>>) offsets(%arg5 : memref<16xi32, #tpu.memory_space<vmem>>) semaphore(%arg7 : memref<!tpu.dma_semaphore, #tpu.memory_space<semaphore_mem>>)
      %dma_wait3A = arith.constant 0 : i32
      %dma_wait3A_7 = arith.constant 0 : i32
      %dma_wait3A_8 = tpu.memref_slice %arg2[%dma_wait3A, %dma_wait3A_7] : memref<100000x256xf32, #tpu.memory_space<hbm>> -> memref<100000x256xf32, #tpu.memory_space<hbm>>
      tpu.wait_indirect_dma semaphore(%arg7 : memref<!tpu.dma_semaphore, #tpu.memory_space<semaphore_mem>>) src(%dma_wait3A_8 : memref<100000x256xf32, #tpu.memory_space<hbm>>) dst(%arg6 : memref<16x256xf32, #tpu.memory_space<vmem>>)
      "tpu.region"() ({
        %run_scoped3A = tpu.sem_alloc : memref<!tpu.dma_semaphore, #tpu.memory_space<semaphore_mem>>
        %dma_start3A_9 = arith.constant 0 : i32
        %dma_start3A_10 = tpu.memref_slice %arg4[%mul3A_4, %dma_start3A_9] : memref<64x256xf32, #tpu.memory_space<hbm>> -> memref<16x256xf32, #tpu.memory_space<hbm>>
        %dma_start3A_11 = arith.constant 0 : i32
        %dma_start3A_12 = tpu.memref_slice %arg4[%mul3A_4, %dma_start3A_11] : memref<64x256xf32, #tpu.memory_space<hbm>> -> memref<16x256xf32, #tpu.memory_space<hbm>>
        tpu.enqueue_dma source(%arg6 : memref<16x256xf32, #tpu.memory_space<vmem>>) target(%dma_start3A_12 : memref<16x256xf32, #tpu.memory_space<hbm>>) target_semaphore(%run_scoped3A : memref<!tpu.dma_semaphore, #tpu.memory_space<semaphore_mem>>)
        %dma_wait3A_13 = arith.constant 0 : i32
        %dma_wait3A_14 = tpu.memref_slice %arg4[%mul3A_4, %dma_wait3A_13] : memref<64x256xf32, #tpu.memory_space<hbm>> -> memref<16x256xf32, #tpu.memory_space<hbm>>
        %dma_wait3A_15 = arith.constant 0 : i32
        %dma_wait3A_16 = tpu.memref_slice %arg4[%mul3A_4, %dma_wait3A_15] : memref<64x256xf32, #tpu.memory_space<hbm>> -> memref<16x256xf32, #tpu.memory_space<hbm>>
        tpu.wait_dma2 semaphore(%run_scoped3A : memref<!tpu.dma_semaphore, #tpu.memory_space<semaphore_mem>>) src(%arg6 : memref<16x256xf32, #tpu.memory_space<vmem>>) dst(%dma_wait3A_16 : memref<16x256xf32, #tpu.memory_space<hbm>>)
        tpu.yield
      }) : () -> ()
    } else {
    }
    return
  }
}

module attributes {stable_mosaic.version = 14 : i64} {
  func.func @_step_body(%arg0: i32, %arg1: i32, %arg2: memref<64x256xf32, #tpu.memory_space<vmem>>, %arg3: memref<64x256xf32, #tpu.memory_space<vmem>>, %arg4: memref<64x1xf32, #tpu.memory_space<vmem>>, %arg5: memref<64x1xi32, #tpu.memory_space<vmem>>, %arg6: memref<256x768xbf16, #tpu.memory_space<vmem>>, %arg7: memref<256x768xbf16, #tpu.memory_space<vmem>>, %arg8: memref<1x768xf32, #tpu.memory_space<vmem>>, %arg9: memref<1x768xf32, #tpu.memory_space<vmem>>, %arg10: memref<256x4096xbf16, #tpu.memory_space<vmem>>, %arg11: memref<1x4096xf32, #tpu.memory_space<vmem>>, %arg12: memref<8x4096xf32, #tpu.memory_space<vmem>>, %arg13: memref<64x256xf32, #tpu.memory_space<vmem>>, %arg14: memref<8x8xf32, #tpu.memory_space<vmem>>, %arg15: memref<8x8xi32, #tpu.memory_space<vmem>>, %arg16: memref<8x8xi32, #tpu.memory_space<vmem>>, %arg17: memref<64x2xf32, #tpu.memory_space<vmem>>, %arg18: memref<64x256xf32, #tpu.memory_space<vmem>>, %arg19: memref<64x1xf32, #tpu.memory_space<vmem>>, %arg20: memref<64x8xf32, #tpu.memory_space<vmem>>, %arg21: memref<64x8xi32, #tpu.memory_space<vmem>>, %arg22: memref<64x102400xf32, #tpu.memory_space<vmem>>, %arg23: memref<64x128xf32, #tpu.memory_space<vmem>>, %arg24: memref<64x4096xf32, #tpu.memory_space<vmem>>) attributes {dimension_semantics = [#tpu.dimension_semantics<arbitrary>, #tpu.dimension_semantics<arbitrary>], iteration_bounds = array<i64: 2, 25>, scalar_prefetch = 0 : i64, scratch_operands = 7 : i64, tpu.core_type = #tpu.core_type<tc>, window_params = [{pipeline_mode = #tpu.pipeline_mode<synchronous>, transform_indices = @transform_0, window_bounds = array<i64: 64, 256>}, {pipeline_mode = #tpu.pipeline_mode<synchronous>, transform_indices = @transform_1, window_bounds = array<i64: 64, 256>}, {pipeline_mode = #tpu.pipeline_mode<synchronous>, transform_indices = @transform_2, window_bounds = array<i64: 64, 1>}, {pipeline_mode = #tpu.pipeline_mode<synchronous>, transform_indices = @transform_3, window_bounds = array<i64: 64, 1>}, {pipeline_mode = #tpu.pipeline_mode<synchronous>, transform_indices = @transform_4, window_bounds = array<i64: 256, 768>}, {pipeline_mode = #tpu.pipeline_mode<synchronous>, transform_indices = @transform_5, window_bounds = array<i64: 256, 768>}, {pipeline_mode = #tpu.pipeline_mode<synchronous>, transform_indices = @transform_6, window_bounds = array<i64: 1, 768>}, {pipeline_mode = #tpu.pipeline_mode<synchronous>, transform_indices = @transform_7, window_bounds = array<i64: 1, 768>}, {transform_indices = @transform_8, window_bounds = array<i64: 256, 4096>}, {transform_indices = @transform_9, window_bounds = array<i64: 1, 4096>}, {transform_indices = @transform_10, window_bounds = array<i64: 8, 4096>}, {pipeline_mode = #tpu.pipeline_mode<synchronous>, transform_indices = @transform_11, window_bounds = array<i64: 64, 256>}, {pipeline_mode = #tpu.pipeline_mode<synchronous>, transform_indices = @transform_12, window_bounds = array<i64: 8, 8>}, {pipeline_mode = #tpu.pipeline_mode<synchronous>, transform_indices = @transform_13, window_bounds = array<i64: 8, 8>}, {pipeline_mode = #tpu.pipeline_mode<synchronous>, transform_indices = @transform_14, window_bounds = array<i64: 8, 8>}, {pipeline_mode = #tpu.pipeline_mode<synchronous>, transform_indices = @transform_15, window_bounds = array<i64: 64, 2>}]} {
    %eq3A = arith.constant 0 : i32
    %eq3A_0 = arith.cmpi eq, %arg0, %eq3A : i32
    %eq3A_1 = arith.constant 0 : i32
    %eq3A_2 = arith.cmpi eq, %arg1, %eq3A_1 : i32
    %and3A = arith.andi %eq3A_0, %eq3A_2 : i1
    %convert_element_type3A = arith.extui %and3A : i1 to i32
    %cond3A = arith.constant 0 : i32
    %cond3A_3 = arith.cmpi ne, %convert_element_type3A, %cond3A : i32
    scf.if %cond3A_3 {
      %get3A = arith.constant 0 : index
      %get3A_22 = arith.constant 0 : index
      %get3A_23 = vector.load %arg2[%get3A, %get3A_22] : memref<64x256xf32, #tpu.memory_space<vmem>>, vector<64x256xf32>
      %convert_element_type3A_24 = arith.truncf %get3A_23 : vector<64x256xf32> to vector<64x256xbf16>
      %get3A_25 = arith.constant 0 : index
      %get3A_26 = arith.constant 0 : index
      %get3A_27 = vector.load %arg3[%get3A_25, %get3A_26] : memref<64x256xf32, #tpu.memory_space<vmem>>, vector<64x256xf32>
      %get3A_28 = arith.constant 0 : index
      %get3A_29 = arith.constant 0 : index
      %get3A_30 = vector.load %arg6[%get3A_28, %get3A_29] : memref<256x768xbf16, #tpu.memory_space<vmem>>, vector<256x768xbf16>
      %dot_general3A = arith.constant dense<0.000000e+00> : vector<64x768xf32>
      %dot_general3A_31 = tpu.matmul %convert_element_type3A_24, %get3A_30, %dot_general3A {dimension_numbers = #tpu.dot_dimension_numbers<[1], [0], [0], [1], [0, 0, 1, 1], [], []>, transpose_lhs_hint = false} : vector<64x256xbf16>, vector<256x768xbf16>, vector<64x768xf32> -> vector<64x768xf32>
      %get3A_32 = arith.constant 0 : index
      %get3A_33 = arith.constant 0 : index
      %get3A_34 = vector.load %arg8[%get3A_32, %get3A_33] : memref<1x768xf32, #tpu.memory_space<vmem>>, vector<1x768xf32>
      %add3A = vector.broadcast %get3A_34 : vector<1x768xf32> to vector<64x768xf32>
      %add3A_35 = arith.addf %dot_general3A_31, %add3A : vector<64x768xf32>
      %convert_element_type3A_36 = arith.truncf %get3A_27 : vector<64x256xf32> to vector<64x256xbf16>
      %get3A_37 = arith.constant 0 : index
      %get3A_38 = arith.constant 0 : index
      %get3A_39 = vector.load %arg7[%get3A_37, %get3A_38] : memref<256x768xbf16, #tpu.memory_space<vmem>>, vector<256x768xbf16>
      %dot_general3A_40 = arith.constant dense<0.000000e+00> : vector<64x768xf32>
      %dot_general3A_41 = tpu.matmul %convert_element_type3A_36, %get3A_39, %dot_general3A_40 {dimension_numbers = #tpu.dot_dimension_numbers<[1], [0], [0], [1], [0, 0, 1, 1], [], []>, transpose_lhs_hint = false} : vector<64x256xbf16>, vector<256x768xbf16>, vector<64x768xf32> -> vector<64x768xf32>
      %get3A_42 = arith.constant 0 : index
      %get3A_43 = arith.constant 0 : index
      %get3A_44 = vector.load %arg9[%get3A_42, %get3A_43] : memref<1x768xf32, #tpu.memory_space<vmem>>, vector<1x768xf32>
      %add3A_45 = vector.broadcast %get3A_44 : vector<1x768xf32> to vector<64x768xf32>
      %add3A_46 = arith.addf %dot_general3A_41, %add3A_45 : vector<64x768xf32>
      %slice3A = vector.extract_strided_slice %add3A_35 {offsets = [0, 0], sizes = [64, 256], strides = [1, 1]} : vector<64x768xf32> to vector<64x256xf32>
      %slice3A_47 = vector.extract_strided_slice %add3A_46 {offsets = [0, 0], sizes = [64, 256], strides = [1, 1]} : vector<64x768xf32> to vector<64x256xf32>
      %add3A_48 = arith.addf %slice3A, %slice3A_47 : vector<64x256xf32>
      %logistic3A = arith.negf %add3A_48 : vector<64x256xf32>
      %logistic3A_49 = math.exp %logistic3A : vector<64x256xf32>
      %logistic3A_50 = arith.constant 1.000000e+00 : f32
      %logistic3A_51 = vector.broadcast %logistic3A_50 : f32 to vector<64x256xf32>
      %logistic3A_52 = arith.addf %logistic3A_51, %logistic3A_49 : vector<64x256xf32>
      %logistic3A_53 = arith.divf %logistic3A_51, %logistic3A_52 : vector<64x256xf32>
      %slice3A_54 = vector.extract_strided_slice %add3A_35 {offsets = [0, 256], sizes = [64, 256], strides = [1, 1]} : vector<64x768xf32> to vector<64x256xf32>
      %slice3A_55 = vector.extract_strided_slice %add3A_46 {offsets = [0, 256], sizes = [64, 256], strides = [1, 1]} : vector<64x768xf32> to vector<64x256xf32>
      %add3A_56 = arith.addf %slice3A_54, %slice3A_55 : vector<64x256xf32>
      %logistic3A_57 = arith.negf %add3A_56 : vector<64x256xf32>
      %logistic3A_58 = math.exp %logistic3A_57 : vector<64x256xf32>
      %logistic3A_59 = arith.constant 1.000000e+00 : f32
      %logistic3A_60 = vector.broadcast %logistic3A_59 : f32 to vector<64x256xf32>
      %logistic3A_61 = arith.addf %logistic3A_60, %logistic3A_58 : vector<64x256xf32>
      %logistic3A_62 = arith.divf %logistic3A_60, %logistic3A_61 : vector<64x256xf32>
      %slice3A_63 = vector.extract_strided_slice %add3A_35 {offsets = [0, 512], sizes = [64, 256], strides = [1, 1]} : vector<64x768xf32> to vector<64x256xf32>
      %slice3A_64 = vector.extract_strided_slice %add3A_46 {offsets = [0, 512], sizes = [64, 256], strides = [1, 1]} : vector<64x768xf32> to vector<64x256xf32>
      %mul3A = arith.mulf %logistic3A_53, %slice3A_64 : vector<64x256xf32>
      %add3A_65 = arith.addf %slice3A_63, %mul3A : vector<64x256xf32>
      %tanh3A = math.tanh %add3A_65 : vector<64x256xf32>
      %sub3A = arith.constant 1.000000e+00 : f32
      %sub3A_66 = vector.broadcast %sub3A : f32 to vector<64x256xf32>
      %sub3A_67 = arith.subf %sub3A_66, %logistic3A_62 : vector<64x256xf32>
      %mul3A_68 = arith.mulf %sub3A_67, %tanh3A : vector<64x256xf32>
      %mul3A_69 = arith.mulf %logistic3A_62, %get3A_27 : vector<64x256xf32>
      %add3A_70 = arith.addf %mul3A_68, %mul3A_69 : vector<64x256xf32>
      %swap3A = arith.constant 0 : index
      %swap3A_71 = arith.constant 0 : index
      %swap3A_72 = vector.load %arg18[%swap3A, %swap3A_71] : memref<64x256xf32, #tpu.memory_space<vmem>>, vector<64x256xf32>
      tpu.vector_store %arg18[%swap3A, %swap3A_71], %add3A_70 {strides = array<i32>} : memref<64x256xf32, #tpu.memory_space<vmem>>, vector<64x256xf32>,
      %broadcast_in_dim3A = arith.constant -1.000000e+30 : f32
      %broadcast_in_dim3A_73 = vector.broadcast %broadcast_in_dim3A : f32 to vector<64x1xf32>
      %swap3A_74 = arith.constant 0 : index
      %swap3A_75 = arith.constant 0 : index
      %swap3A_76 = vector.load %arg19[%swap3A_74, %swap3A_75] : memref<64x1xf32, #tpu.memory_space<vmem>>, vector<64x1xf32>
      tpu.vector_store %arg19[%swap3A_74, %swap3A_75], %broadcast_in_dim3A_73 {strides = array<i32>} : memref<64x1xf32, #tpu.memory_space<vmem>>, vector<64x1xf32>,
      %broadcast_in_dim3A_77 = arith.constant 0.000000e+00 : f32
      %broadcast_in_dim3A_78 = vector.broadcast %broadcast_in_dim3A_77 : f32 to vector<64x128xf32>
      %swap3A_79 = arith.constant 0 : index
      %swap3A_80 = arith.constant 0 : index
      %swap3A_81 = vector.load %arg23[%swap3A_79, %swap3A_80] : memref<64x128xf32, #tpu.memory_space<vmem>>, vector<64x128xf32>
      tpu.vector_store %arg23[%swap3A_79, %swap3A_80], %broadcast_in_dim3A_78 {strides = array<i32>} : memref<64x128xf32, #tpu.memory_space<vmem>>, vector<64x128xf32>,
      %broadcast_in_dim3A_82 = arith.constant -1.000000e+30 : f32
      %broadcast_in_dim3A_83 = vector.broadcast %broadcast_in_dim3A_82 : f32 to vector<64x8xf32>
      %swap3A_84 = arith.constant 0 : index
      %swap3A_85 = arith.constant 0 : index
      %swap3A_86 = vector.load %arg20[%swap3A_84, %swap3A_85] : memref<64x8xf32, #tpu.memory_space<vmem>>, vector<64x8xf32>
      tpu.vector_store %arg20[%swap3A_84, %swap3A_85], %broadcast_in_dim3A_83 {strides = array<i32>} : memref<64x8xf32, #tpu.memory_space<vmem>>, vector<64x8xf32>,
      %broadcast_in_dim3A_87 = arith.constant 0 : i32
      %broadcast_in_dim3A_88 = vector.broadcast %broadcast_in_dim3A_87 : i32 to vector<64x8xi32>
      %swap3A_89 = arith.constant 0 : index
      %swap3A_90 = arith.constant 0 : index
      %swap3A_91 = vector.load %arg21[%swap3A_89, %swap3A_90] : memref<64x8xi32, #tpu.memory_space<vmem>>, vector<64x8xi32>
      tpu.vector_store %arg21[%swap3A_89, %swap3A_90], %broadcast_in_dim3A_88 {strides = array<i32>} : memref<64x8xi32, #tpu.memory_space<vmem>>, vector<64x8xi32>,
    } else {
    }
    %eq3A_4 = arith.constant 0 : i32
    %eq3A_5 = arith.cmpi eq, %arg0, %eq3A_4 : i32
    %convert_element_type3A_6 = arith.extui %eq3A_5 : i1 to i32
    %cond3A_7 = arith.constant 0 : i32
    %cond3A_8 = arith.cmpi ne, %convert_element_type3A_6, %cond3A_7 : i32
    scf.if %cond3A_8 {
      %get3A = arith.constant 0 : index
      %get3A_22 = arith.constant 0 : index
      %get3A_23 = vector.load %arg18[%get3A, %get3A_22] : memref<64x256xf32, #tpu.memory_space<vmem>>, vector<64x256xf32>
      %convert_element_type3A_24 = arith.truncf %get3A_23 : vector<64x256xf32> to vector<64x256xbf16>
      %get3A_25 = arith.constant 0 : index
      %get3A_26 = arith.constant 0 : index
      %get3A_27 = vector.load %arg10[%get3A_25, %get3A_26] : memref<256x4096xbf16, #tpu.memory_space<vmem>>, vector<256x4096xbf16>
      %dot_general3A = arith.constant dense<0.000000e+00> : vector<64x4096xf32>
      %dot_general3A_28 = tpu.matmul %convert_element_type3A_24, %get3A_27, %dot_general3A {dimension_numbers = #tpu.dot_dimension_numbers<[1], [0], [0], [1], [0, 0, 1, 1], [], []>, transpose_lhs_hint = false} : vector<64x256xbf16>, vector<256x4096xbf16>, vector<64x4096xf32> -> vector<64x4096xf32>
      %get3A_29 = arith.constant 0 : index
      %get3A_30 = arith.constant 0 : index
      %get3A_31 = vector.load %arg11[%get3A_29, %get3A_30] : memref<1x4096xf32, #tpu.memory_space<vmem>>, vector<1x4096xf32>
      %add3A = vector.broadcast %get3A_31 : vector<1x4096xf32> to vector<64x4096xf32>
      %add3A_32 = arith.addf %dot_general3A_28, %add3A : vector<64x4096xf32>
      %iota3A = tpu.iota {dimensions = array<i32: 1>} : vector<64x4096xi32>
      %mul3A = arith.constant 4096 : i32
      %mul3A_33 = arith.muli %arg1, %mul3A : i32
      %add3A_34 = vector.broadcast %mul3A_33 : i32 to vector<64x4096xi32>
      %add3A_35 = arith.addi %iota3A, %add3A_34 : vector<64x4096xi32>
      %lt3A = arith.constant 100000 : i32
      %lt3A_36 = vector.broadcast %lt3A : i32 to vector<64x4096xi32>
      %lt3A_37 = arith.cmpi slt, %add3A_35, %lt3A_36 : vector<64x4096xi32>
      %jit3A = arith.constant -1.000000e+30 : f32
      %broadcast_in_dim3A = vector.broadcast %jit3A : f32 to vector<64x4096xf32>
      %select_n3A = arith.select %lt3A_37, %add3A_32, %broadcast_in_dim3A : vector<64x4096xi1>, vector<64x4096xf32>
      %mul3A_38 = arith.constant 4096 : i32
      %mul3A_39 = arith.muli %arg1, %mul3A_38 : i32
      %swap3A = arith.constant 0 : index
      %swap3A_40 = arith.index_cast %mul3A_39 : i32 to index
      %swap3A_41 = vector.load %arg22[%swap3A, %swap3A_40] : memref<64x102400xf32, #tpu.memory_space<vmem>>, vector<64x4096xf32>
      tpu.vector_store %arg22[%swap3A, %swap3A_40], %select_n3A {strides = array<i32>} : memref<64x102400xf32, #tpu.memory_space<vmem>>, vector<64x4096xf32>,
      %get3A_42 = arith.constant 0 : index
      %get3A_43 = arith.constant 0 : index
      %get3A_44 = vector.load %arg19[%get3A_42, %get3A_43] : memref<64x1xf32, #tpu.memory_space<vmem>>, vector<64x1xf32>
      %reduce_max3A = arith.constant dense<0xFF800000> : vector<64xf32>
      %reduce_max3A_45 = vector.multi_reduction <maximumf>, %select_n3A, %reduce_max3A [1] : vector<64x4096xf32> to vector<64xf32>
      %broadcast_in_dim3A_46 = vector.shape_cast %reduce_max3A_45 : vector<64xf32> to vector<64x1xf32>
      %max3A = arith.maximumf %get3A_44, %broadcast_in_dim3A_46 : vector<64x1xf32>
      %swap3A_47 = arith.constant 0 : index
      %swap3A_48 = arith.constant 0 : index
      %swap3A_49 = vector.load %arg19[%swap3A_47, %swap3A_48] : memref<64x1xf32, #tpu.memory_space<vmem>>, vector<64x1xf32>
      tpu.vector_store %arg19[%swap3A_47, %swap3A_48], %max3A {strides = array<i32>} : memref<64x1xf32, #tpu.memory_space<vmem>>, vector<64x1xf32>,
      %get3A_50 = arith.constant 0 : index
      %get3A_51 = arith.constant 7 : index
      %get3A_52 = vector.load %arg20[%get3A_50, %get3A_51] : memref<64x8xf32, #tpu.memory_space<vmem>>, vector<64x1xf32>
      %ge3A = vector.broadcast %get3A_52 : vector<64x1xf32> to vector<64x4096xf32>
      %ge3A_53 = arith.cmpf oge, %select_n3A, %ge3A : vector<64x4096xf32>
      %jit3A_54 = arith.constant 1.000000e+00 : f32
      %jit3A_55 = arith.constant 0.000000e+00 : f32
      %broadcast_in_dim3A_56 = vector.broadcast %jit3A_54 : f32 to vector<64x4096xf32>
      %broadcast_in_dim3A_57 = vector.broadcast %jit3A_55 : f32 to vector<64x4096xf32>
      %select_n3A_58 = arith.select %ge3A_53, %broadcast_in_dim3A_56, %broadcast_in_dim3A_57 : vector<64x4096xi1>, vector<64x4096xf32>
      %reduce_sum3A = arith.constant dense<0.000000e+00> : vector<64xf32>
      %reduce_sum3A_59 = vector.multi_reduction <add>, %select_n3A_58, %reduce_sum3A [1] : vector<64x4096xf32> to vector<64xf32>
      %broadcast_in_dim3A_60 = vector.shape_cast %reduce_sum3A_59 : vector<64xf32> to vector<64x1xf32>
      %reduce_max3A_61 = vector.shape_cast %broadcast_in_dim3A_60 : vector<64x1xf32> to vector<1x64x1xf32>
      %reduce_max3A_62 = arith.constant dense<0xFF800000> : vector<1xf32>
      %reduce_max3A_63 = vector.multi_reduction <maximumf>, %reduce_max3A_61, %reduce_max3A_62 [1, 2] : vector<1x64x1xf32> to vector<1xf32>
      %reduce_max3A_64 = vector.shape_cast %reduce_max3A_63 : vector<1xf32> to vector<1x1x1xf32>
      %reduce_max3A_65 = vector.extract %reduce_max3A_64[0, 0, 0] : f32 from vector<1x1x1xf32>
      %swap3A_66 = arith.constant 0 : index
      %swap3A_67 = arith.constant 0 : index
      %swap3A_68 = vector.load %arg24[%swap3A_66, %swap3A_67] : memref<64x4096xf32, #tpu.memory_space<vmem>>, vector<64x4096xf32>
      tpu.vector_store %arg24[%swap3A_66, %swap3A_67], %select_n3A {strides = array<i32>} : memref<64x4096xf32, #tpu.memory_space<vmem>>, vector<64x4096xf32>,
      %gt3A = arith.constant 0.000000e+00 : f32
      %gt3A_69 = arith.cmpf ogt, %reduce_max3A_65, %gt3A : f32
      %convert_element_type3A_70 = arith.extui %gt3A_69 : i1 to i32
      %cond3A_71 = arith.constant 0 : i32
      %cond3A_72 = arith.cmpi ne, %convert_element_type3A_70, %cond3A_71 : i32
      scf.if %cond3A_72 {
        %get3A_108 = arith.constant 0 : index
        %get3A_109 = arith.constant 0 : index
        %get3A_110 = vector.load %arg24[%get3A_108, %get3A_109] : memref<64x4096xf32, #tpu.memory_space<vmem>>, vector<64x4096xf32>
        %reduce_max3A_111 = arith.constant dense<0xFF800000> : vector<64xf32>
        %reduce_max3A_112 = vector.multi_reduction <maximumf>, %get3A_110, %reduce_max3A_111 [1] : vector<64x4096xf32> to vector<64xf32>
        %broadcast_in_dim3A_113 = vector.shape_cast %reduce_max3A_112 : vector<64xf32> to vector<64x1xf32>
        %eq3A_114 = vector.broadcast %broadcast_in_dim3A_113 : vector<64x1xf32> to vector<64x4096xf32>
        %eq3A_115 = arith.cmpf oeq, %get3A_110, %eq3A_114 : vector<64x4096xf32>
        %jit3A_116 = arith.constant 1073741824 : i32
        %broadcast_in_dim3A_117 = vector.broadcast %jit3A_116 : i32 to vector<64x4096xi32>
        %select_n3A_118 = arith.select %eq3A_115, %add3A_35, %broadcast_in_dim3A_117 : vector<64x4096xi1>, vector<64x4096xi32>
        %reduce_min3A = arith.constant dense<2147483647> : vector<64xi32>
        %reduce_min3A_119 = vector.multi_reduction <minsi>, %select_n3A_118, %reduce_min3A [1] : vector<64x4096xi32> to vector<64xi32>
        %broadcast_in_dim3A_120 = vector.shape_cast %reduce_min3A_119 : vector<64xi32> to vector<64x1xi32>
        %eq3A_121 = vector.broadcast %broadcast_in_dim3A_113 : vector<64x1xf32> to vector<64x4096xf32>
        %eq3A_122 = arith.cmpf oeq, %get3A_110, %eq3A_121 : vector<64x4096xf32>
        %eq3A_123 = vector.broadcast %broadcast_in_dim3A_120 : vector<64x1xi32> to vector<64x4096xi32>
        %eq3A_124 = arith.cmpi eq, %add3A_35, %eq3A_123 : vector<64x4096xi32>
        %and3A_125 = arith.andi %eq3A_122, %eq3A_124 : vector<64x4096xi1>
        %jit3A_126 = arith.constant -1.000000e+30 : f32
        %broadcast_in_dim3A_127 = vector.broadcast %jit3A_126 : f32 to vector<64x4096xf32>
        %select_n3A_128 = arith.select %and3A_125, %broadcast_in_dim3A_127, %get3A_110 : vector<64x4096xi1>, vector<64x4096xf32>
        %swap3A_129 = arith.constant 0 : index
        %swap3A_130 = arith.constant 0 : index
        %swap3A_131 = vector.load %arg24[%swap3A_129, %swap3A_130] : memref<64x4096xf32, #tpu.memory_space<vmem>>, vector<64x4096xf32>
        tpu.vector_store %arg24[%swap3A_129, %swap3A_130], %select_n3A_128 {strides = array<i32>} : memref<64x4096xf32, #tpu.memory_space<vmem>>, vector<64x4096xf32>,
        %get3A_132 = arith.constant 0 : index
        %get3A_133 = arith.constant 0 : index
        %get3A_134 = vector.load %arg20[%get3A_132, %get3A_133] : memref<64x8xf32, #tpu.memory_space<vmem>>, vector<64x8xf32>
        %get3A_135 = arith.constant 0 : index
        %get3A_136 = arith.constant 0 : index
        %get3A_137 = vector.load %arg21[%get3A_135, %get3A_136] : memref<64x8xi32, #tpu.memory_space<vmem>>, vector<64x8xi32>
        %gt3A_138 = vector.broadcast %broadcast_in_dim3A_113 : vector<64x1xf32> to vector<64x8xf32>
        %gt3A_139 = arith.cmpf ogt, %get3A_134, %gt3A_138 : vector<64x8xf32>
        %eq3A_140 = vector.broadcast %broadcast_in_dim3A_113 : vector<64x1xf32> to vector<64x8xf32>
        %eq3A_141 = arith.cmpf oeq, %get3A_134, %eq3A_140 : vector<64x8xf32>
        %lt3A_142 = vector.broadcast %broadcast_in_dim3A_120 : vector<64x1xi32> to vector<64x8xi32>
        %lt3A_143 = arith.cmpi slt, %get3A_137, %lt3A_142 : vector<64x8xi32>
        %and3A_144 = arith.andi %eq3A_141, %lt3A_143 : vector<64x8xi1>
        %or3A = arith.ori %gt3A_139, %and3A_144 : vector<64x8xi1>
        %jit3A_145 = arith.constant 1.000000e+00 : f32
        %jit3A_146 = arith.constant 0.000000e+00 : f32
        %broadcast_in_dim3A_147 = vector.broadcast %jit3A_145 : f32 to vector<64x8xf32>
        %broadcast_in_dim3A_148 = vector.broadcast %jit3A_146 : f32 to vector<64x8xf32>
        %select_n3A_149 = arith.select %or3A, %broadcast_in_dim3A_147, %broadcast_in_dim3A_148 : vector<64x8xi1>, vector<64x8xf32>
        %broadcast_in_dim3A_150 = arith.constant 1.000000e+00 : f32
        %broadcast_in_dim3A_151 = vector.broadcast %broadcast_in_dim3A_150 : f32 to vector<64x1xf32>
        %slice3A = vector.extract_strided_slice %select_n3A_149 {offsets = [0, 0], sizes = [64, 7], strides = [1, 1]} : vector<64x8xf32> to vector<64x7xf32>
        %concatenate3A = tpu.concatenate %broadcast_in_dim3A_151, %slice3A in 1 : vector<64x1xf32>, vector<64x7xf32> -> vector<64x8xf32>
        %gt3A_152 = arith.constant 5.000000e-01 : f32
        %gt3A_153 = vector.broadcast %gt3A_152 : f32 to vector<64x8xf32>
        %gt3A_154 = arith.cmpf ogt, %concatenate3A, %gt3A_153 : vector<64x8xf32>
        %slice3A_155 = vector.extract_strided_slice %get3A_134 {offsets = [0, 0], sizes = [64, 1], strides = [1, 1]} : vector<64x8xf32> to vector<64x1xf32>
        %slice3A_156 = vector.extract_strided_slice %get3A_134 {offsets = [0, 0], sizes = [64, 7], strides = [1, 1]} : vector<64x8xf32> to vector<64x7xf32>
        %concatenate3A_157 = tpu.concatenate %slice3A_155, %slice3A_156 in 1 : vector<64x1xf32>, vector<64x7xf32> -> vector<64x8xf32>
        %slice3A_158 = vector.extract_strided_slice %get3A_137 {offsets = [0, 0], sizes = [64, 1], strides = [1, 1]} : vector<64x8xi32> to vector<64x1xi32>
        %slice3A_159 = vector.extract_strided_slice %get3A_137 {offsets = [0, 0], sizes = [64, 7], strides = [1, 1]} : vector<64x8xi32> to vector<64x7xi32>
        %concatenate3A_160 = tpu.concatenate %slice3A_158, %slice3A_159 in 1 : vector<64x1xi32>, vector<64x7xi32> -> vector<64x8xi32>
        %broadcast_in_dim3A_161 = vector.shape_cast %broadcast_in_dim3A_113 : vector<64x1xf32> to vector<64x1xf32>
        %broadcast_in_dim3A_162 = vector.broadcast %broadcast_in_dim3A_161 : vector<64x1xf32> to vector<64x8xf32>
        %broadcast_in_dim3A_163 = vector.shape_cast %broadcast_in_dim3A_120 : vector<64x1xi32> to vector<64x1xi32>
        %broadcast_in_dim3A_164 = vector.broadcast %broadcast_in_dim3A_163 : vector<64x1xi32> to vector<64x8xi32>
        %select_n3A_165 = arith.select %gt3A_154, %broadcast_in_dim3A_162, %concatenate3A_157 : vector<64x8xi1>, vector<64x8xf32>
        %select_n3A_166 = arith.select %or3A, %get3A_134, %select_n3A_165 : vector<64x8xi1>, vector<64x8xf32>
        %swap3A_167 = arith.constant 0 : index
        %swap3A_168 = arith.constant 0 : index
        %swap3A_169 = vector.load %arg20[%swap3A_167, %swap3A_168] : memref<64x8xf32, #tpu.memory_space<vmem>>, vector<64x8xf32>
        tpu.vector_store %arg20[%swap3A_167, %swap3A_168], %select_n3A_166 {strides = array<i32>} : memref<64x8xf32, #tpu.memory_space<vmem>>, vector<64x8xf32>,
        %select_n3A_170 = arith.select %gt3A_154, %broadcast_in_dim3A_164, %concatenate3A_160 : vector<64x8xi1>, vector<64x8xi32>
        %select_n3A_171 = arith.select %or3A, %get3A_137, %select_n3A_170 : vector<64x8xi1>, vector<64x8xi32>
        %swap3A_172 = arith.constant 0 : index
        %swap3A_173 = arith.constant 0 : index
        %swap3A_174 = vector.load %arg21[%swap3A_172, %swap3A_173] : memref<64x8xi32, #tpu.memory_space<vmem>>, vector<64x8xi32>
        tpu.vector_store %arg21[%swap3A_172, %swap3A_173], %select_n3A_171 {strides = array<i32>} : memref<64x8xi32, #tpu.memory_space<vmem>>, vector<64x8xi32>,
      } else {
      }
      %gt3A_73 = arith.constant 1.000000e+00 : f32
      %gt3A_74 = arith.cmpf ogt, %reduce_max3A_65, %gt3A_73 : f32
      %convert_element_type3A_75 = arith.extui %gt3A_74 : i1 to i32
      %cond3A_76 = arith.constant 0 : i32
      %cond3A_77 = arith.cmpi ne, %convert_element_type3A_75, %cond3A_76 : i32
      scf.if %cond3A_77 {
        %get3A_108 = arith.constant 0 : index
        %get3A_109 = arith.constant 0 : index
        %get3A_110 = vector.load %arg24[%get3A_108, %get3A_109] : memref<64x4096xf32, #tpu.memory_space<vmem>>, vector<64x4096xf32>
        %reduce_max3A_111 = arith.constant dense<0xFF800000> : vector<64xf32>
        %reduce_max3A_112 = vector.multi_reduction <maximumf>, %get3A_110, %reduce_max3A_111 [1] : vector<64x4096xf32> to vector<64xf32>
        %broadcast_in_dim3A_113 = vector.shape_cast %reduce_max3A_112 : vector<64xf32> to vector<64x1xf32>
        %eq3A_114 = vector.broadcast %broadcast_in_dim3A_113 : vector<64x1xf32> to vector<64x4096xf32>
        %eq3A_115 = arith.cmpf oeq, %get3A_110, %eq3A_114 : vector<64x4096xf32>
        %jit3A_116 = arith.constant 1073741824 : i32
        %broadcast_in_dim3A_117 = vector.broadcast %jit3A_116 : i32 to vector<64x4096xi32>
        %select_n3A_118 = arith.select %eq3A_115, %add3A_35, %broadcast_in_dim3A_117 : vector<64x4096xi1>, vector<64x4096xi32>
        %reduce_min3A = arith.constant dense<2147483647> : vector<64xi32>
        %reduce_min3A_119 = vector.multi_reduction <minsi>, %select_n3A_118, %reduce_min3A [1] : vector<64x4096xi32> to vector<64xi32>
        %broadcast_in_dim3A_120 = vector.shape_cast %reduce_min3A_119 : vector<64xi32> to vector<64x1xi32>
        %eq3A_121 = vector.broadcast %broadcast_in_dim3A_113 : vector<64x1xf32> to vector<64x4096xf32>
        %eq3A_122 = arith.cmpf oeq, %get3A_110, %eq3A_121 : vector<64x4096xf32>
        %eq3A_123 = vector.broadcast %broadcast_in_dim3A_120 : vector<64x1xi32> to vector<64x4096xi32>
        %eq3A_124 = arith.cmpi eq, %add3A_35, %eq3A_123 : vector<64x4096xi32>
        %and3A_125 = arith.andi %eq3A_122, %eq3A_124 : vector<64x4096xi1>
        %jit3A_126 = arith.constant -1.000000e+30 : f32
        %broadcast_in_dim3A_127 = vector.broadcast %jit3A_126 : f32 to vector<64x4096xf32>
        %select_n3A_128 = arith.select %and3A_125, %broadcast_in_dim3A_127, %get3A_110 : vector<64x4096xi1>, vector<64x4096xf32>
        %swap3A_129 = arith.constant 0 : index
        %swap3A_130 = arith.constant 0 : index
        %swap3A_131 = vector.load %arg24[%swap3A_129, %swap3A_130] : memref<64x4096xf32, #tpu.memory_space<vmem>>, vector<64x4096xf32>
        tpu.vector_store %arg24[%swap3A_129, %swap3A_130], %select_n3A_128 {strides = array<i32>} : memref<64x4096xf32, #tpu.memory_space<vmem>>, vector<64x4096xf32>,
        %get3A_132 = arith.constant 0 : index
        %get3A_133 = arith.constant 0 : index
        %get3A_134 = vector.load %arg20[%get3A_132, %get3A_133] : memref<64x8xf32, #tpu.memory_space<vmem>>, vector<64x8xf32>
        %get3A_135 = arith.constant 0 : index
        %get3A_136 = arith.constant 0 : index
        %get3A_137 = vector.load %arg21[%get3A_135, %get3A_136] : memref<64x8xi32, #tpu.memory_space<vmem>>, vector<64x8xi32>
        %gt3A_138 = vector.broadcast %broadcast_in_dim3A_113 : vector<64x1xf32> to vector<64x8xf32>
        %gt3A_139 = arith.cmpf ogt, %get3A_134, %gt3A_138 : vector<64x8xf32>
        %eq3A_140 = vector.broadcast %broadcast_in_dim3A_113 : vector<64x1xf32> to vector<64x8xf32>
        %eq3A_141 = arith.cmpf oeq, %get3A_134, %eq3A_140 : vector<64x8xf32>
        %lt3A_142 = vector.broadcast %broadcast_in_dim3A_120 : vector<64x1xi32> to vector<64x8xi32>
        %lt3A_143 = arith.cmpi slt, %get3A_137, %lt3A_142 : vector<64x8xi32>
        %and3A_144 = arith.andi %eq3A_141, %lt3A_143 : vector<64x8xi1>
        %or3A = arith.ori %gt3A_139, %and3A_144 : vector<64x8xi1>
        %jit3A_145 = arith.constant 1.000000e+00 : f32
        %jit3A_146 = arith.constant 0.000000e+00 : f32
        %broadcast_in_dim3A_147 = vector.broadcast %jit3A_145 : f32 to vector<64x8xf32>
        %broadcast_in_dim3A_148 = vector.broadcast %jit3A_146 : f32 to vector<64x8xf32>
        %select_n3A_149 = arith.select %or3A, %broadcast_in_dim3A_147, %broadcast_in_dim3A_148 : vector<64x8xi1>, vector<64x8xf32>
        %broadcast_in_dim3A_150 = arith.constant 1.000000e+00 : f32
        %broadcast_in_dim3A_151 = vector.broadcast %broadcast_in_dim3A_150 : f32 to vector<64x1xf32>
        %slice3A = vector.extract_strided_slice %select_n3A_149 {offsets = [0, 0], sizes = [64, 7], strides = [1, 1]} : vector<64x8xf32> to vector<64x7xf32>
        %concatenate3A = tpu.concatenate %broadcast_in_dim3A_151, %slice3A in 1 : vector<64x1xf32>, vector<64x7xf32> -> vector<64x8xf32>
        %gt3A_152 = arith.constant 5.000000e-01 : f32
        %gt3A_153 = vector.broadcast %gt3A_152 : f32 to vector<64x8xf32>
        %gt3A_154 = arith.cmpf ogt, %concatenate3A, %gt3A_153 : vector<64x8xf32>
        %slice3A_155 = vector.extract_strided_slice %get3A_134 {offsets = [0, 0], sizes = [64, 1], strides = [1, 1]} : vector<64x8xf32> to vector<64x1xf32>
        %slice3A_156 = vector.extract_strided_slice %get3A_134 {offsets = [0, 0], sizes = [64, 7], strides = [1, 1]} : vector<64x8xf32> to vector<64x7xf32>
        %concatenate3A_157 = tpu.concatenate %slice3A_155, %slice3A_156 in 1 : vector<64x1xf32>, vector<64x7xf32> -> vector<64x8xf32>
        %slice3A_158 = vector.extract_strided_slice %get3A_137 {offsets = [0, 0], sizes = [64, 1], strides = [1, 1]} : vector<64x8xi32> to vector<64x1xi32>
        %slice3A_159 = vector.extract_strided_slice %get3A_137 {offsets = [0, 0], sizes = [64, 7], strides = [1, 1]} : vector<64x8xi32> to vector<64x7xi32>
        %concatenate3A_160 = tpu.concatenate %slice3A_158, %slice3A_159 in 1 : vector<64x1xi32>, vector<64x7xi32> -> vector<64x8xi32>
        %broadcast_in_dim3A_161 = vector.shape_cast %broadcast_in_dim3A_113 : vector<64x1xf32> to vector<64x1xf32>
        %broadcast_in_dim3A_162 = vector.broadcast %broadcast_in_dim3A_161 : vector<64x1xf32> to vector<64x8xf32>
        %broadcast_in_dim3A_163 = vector.shape_cast %broadcast_in_dim3A_120 : vector<64x1xi32> to vector<64x1xi32>
        %broadcast_in_dim3A_164 = vector.broadcast %broadcast_in_dim3A_163 : vector<64x1xi32> to vector<64x8xi32>
        %select_n3A_165 = arith.select %gt3A_154, %broadcast_in_dim3A_162, %concatenate3A_157 : vector<64x8xi1>, vector<64x8xf32>
        %select_n3A_166 = arith.select %or3A, %get3A_134, %select_n3A_165 : vector<64x8xi1>, vector<64x8xf32>
        %swap3A_167 = arith.constant 0 : index
        %swap3A_168 = arith.constant 0 : index
        %swap3A_169 = vector.load %arg20[%swap3A_167, %swap3A_168] : memref<64x8xf32, #tpu.memory_space<vmem>>, vector<64x8xf32>
        tpu.vector_store %arg20[%swap3A_167, %swap3A_168], %select_n3A_166 {strides = array<i32>} : memref<64x8xf32, #tpu.memory_space<vmem>>, vector<64x8xf32>,
        %select_n3A_170 = arith.select %gt3A_154, %broadcast_in_dim3A_164, %concatenate3A_160 : vector<64x8xi1>, vector<64x8xi32>
        %select_n3A_171 = arith.select %or3A, %get3A_137, %select_n3A_170 : vector<64x8xi1>, vector<64x8xi32>
        %swap3A_172 = arith.constant 0 : index
        %swap3A_173 = arith.constant 0 : index
        %swap3A_174 = vector.load %arg21[%swap3A_172, %swap3A_173] : memref<64x8xi32, #tpu.memory_space<vmem>>, vector<64x8xi32>
        tpu.vector_store %arg21[%swap3A_172, %swap3A_173], %select_n3A_171 {strides = array<i32>} : memref<64x8xi32, #tpu.memory_space<vmem>>, vector<64x8xi32>,
      } else {
      }
      %gt3A_78 = arith.constant 2.000000e+00 : f32
      %gt3A_79 = arith.cmpf ogt, %reduce_max3A_65, %gt3A_78 : f32
      %convert_element_type3A_80 = arith.extui %gt3A_79 : i1 to i32
      %cond3A_81 = arith.constant 0 : i32
      %cond3A_82 = arith.cmpi ne, %convert_element_type3A_80, %cond3A_81 : i32
      scf.if %cond3A_82 {
        %get3A_108 = arith.constant 0 : index
        %get3A_109 = arith.constant 0 : index
        %get3A_110 = vector.load %arg24[%get3A_108, %get3A_109] : memref<64x4096xf32, #tpu.memory_space<vmem>>, vector<64x4096xf32>
        %reduce_max3A_111 = arith.constant dense<0xFF800000> : vector<64xf32>
        %reduce_max3A_112 = vector.multi_reduction <maximumf>, %get3A_110, %reduce_max3A_111 [1] : vector<64x4096xf32> to vector<64xf32>
        %broadcast_in_dim3A_113 = vector.shape_cast %reduce_max3A_112 : vector<64xf32> to vector<64x1xf32>
        %eq3A_114 = vector.broadcast %broadcast_in_dim3A_113 : vector<64x1xf32> to vector<64x4096xf32>
        %eq3A_115 = arith.cmpf oeq, %get3A_110, %eq3A_114 : vector<64x4096xf32>
        %jit3A_116 = arith.constant 1073741824 : i32
        %broadcast_in_dim3A_117 = vector.broadcast %jit3A_116 : i32 to vector<64x4096xi32>
        %select_n3A_118 = arith.select %eq3A_115, %add3A_35, %broadcast_in_dim3A_117 : vector<64x4096xi1>, vector<64x4096xi32>
        %reduce_min3A = arith.constant dense<2147483647> : vector<64xi32>
        %reduce_min3A_119 = vector.multi_reduction <minsi>, %select_n3A_118, %reduce_min3A [1] : vector<64x4096xi32> to vector<64xi32>
        %broadcast_in_dim3A_120 = vector.shape_cast %reduce_min3A_119 : vector<64xi32> to vector<64x1xi32>
        %eq3A_121 = vector.broadcast %broadcast_in_dim3A_113 : vector<64x1xf32> to vector<64x4096xf32>
        %eq3A_122 = arith.cmpf oeq, %get3A_110, %eq3A_121 : vector<64x4096xf32>
        %eq3A_123 = vector.broadcast %broadcast_in_dim3A_120 : vector<64x1xi32> to vector<64x4096xi32>
        %eq3A_124 = arith.cmpi eq, %add3A_35, %eq3A_123 : vector<64x4096xi32>
        %and3A_125 = arith.andi %eq3A_122, %eq3A_124 : vector<64x4096xi1>
        %jit3A_126 = arith.constant -1.000000e+30 : f32
        %broadcast_in_dim3A_127 = vector.broadcast %jit3A_126 : f32 to vector<64x4096xf32>
        %select_n3A_128 = arith.select %and3A_125, %broadcast_in_dim3A_127, %get3A_110 : vector<64x4096xi1>, vector<64x4096xf32>
        %swap3A_129 = arith.constant 0 : index
        %swap3A_130 = arith.constant 0 : index
        %swap3A_131 = vector.load %arg24[%swap3A_129, %swap3A_130] : memref<64x4096xf32, #tpu.memory_space<vmem>>, vector<64x4096xf32>
        tpu.vector_store %arg24[%swap3A_129, %swap3A_130], %select_n3A_128 {strides = array<i32>} : memref<64x4096xf32, #tpu.memory_space<vmem>>, vector<64x4096xf32>,
        %get3A_132 = arith.constant 0 : index
        %get3A_133 = arith.constant 0 : index
        %get3A_134 = vector.load %arg20[%get3A_132, %get3A_133] : memref<64x8xf32, #tpu.memory_space<vmem>>, vector<64x8xf32>
        %get3A_135 = arith.constant 0 : index
        %get3A_136 = arith.constant 0 : index
        %get3A_137 = vector.load %arg21[%get3A_135, %get3A_136] : memref<64x8xi32, #tpu.memory_space<vmem>>, vector<64x8xi32>
        %gt3A_138 = vector.broadcast %broadcast_in_dim3A_113 : vector<64x1xf32> to vector<64x8xf32>
        %gt3A_139 = arith.cmpf ogt, %get3A_134, %gt3A_138 : vector<64x8xf32>
        %eq3A_140 = vector.broadcast %broadcast_in_dim3A_113 : vector<64x1xf32> to vector<64x8xf32>
        %eq3A_141 = arith.cmpf oeq, %get3A_134, %eq3A_140 : vector<64x8xf32>
        %lt3A_142 = vector.broadcast %broadcast_in_dim3A_120 : vector<64x1xi32> to vector<64x8xi32>
        %lt3A_143 = arith.cmpi slt, %get3A_137, %lt3A_142 : vector<64x8xi32>
        %and3A_144 = arith.andi %eq3A_141, %lt3A_143 : vector<64x8xi1>
        %or3A = arith.ori %gt3A_139, %and3A_144 : vector<64x8xi1>
        %jit3A_145 = arith.constant 1.000000e+00 : f32
        %jit3A_146 = arith.constant 0.000000e+00 : f32
        %broadcast_in_dim3A_147 = vector.broadcast %jit3A_145 : f32 to vector<64x8xf32>
        %broadcast_in_dim3A_148 = vector.broadcast %jit3A_146 : f32 to vector<64x8xf32>
        %select_n3A_149 = arith.select %or3A, %broadcast_in_dim3A_147, %broadcast_in_dim3A_148 : vector<64x8xi1>, vector<64x8xf32>
        %broadcast_in_dim3A_150 = arith.constant 1.000000e+00 : f32
        %broadcast_in_dim3A_151 = vector.broadcast %broadcast_in_dim3A_150 : f32 to vector<64x1xf32>
        %slice3A = vector.extract_strided_slice %select_n3A_149 {offsets = [0, 0], sizes = [64, 7], strides = [1, 1]} : vector<64x8xf32> to vector<64x7xf32>
        %concatenate3A = tpu.concatenate %broadcast_in_dim3A_151, %slice3A in 1 : vector<64x1xf32>, vector<64x7xf32> -> vector<64x8xf32>
        %gt3A_152 = arith.constant 5.000000e-01 : f32
        %gt3A_153 = vector.broadcast %gt3A_152 : f32 to vector<64x8xf32>
        %gt3A_154 = arith.cmpf ogt, %concatenate3A, %gt3A_153 : vector<64x8xf32>
        %slice3A_155 = vector.extract_strided_slice %get3A_134 {offsets = [0, 0], sizes = [64, 1], strides = [1, 1]} : vector<64x8xf32> to vector<64x1xf32>
        %slice3A_156 = vector.extract_strided_slice %get3A_134 {offsets = [0, 0], sizes = [64, 7], strides = [1, 1]} : vector<64x8xf32> to vector<64x7xf32>
        %concatenate3A_157 = tpu.concatenate %slice3A_155, %slice3A_156 in 1 : vector<64x1xf32>, vector<64x7xf32> -> vector<64x8xf32>
        %slice3A_158 = vector.extract_strided_slice %get3A_137 {offsets = [0, 0], sizes = [64, 1], strides = [1, 1]} : vector<64x8xi32> to vector<64x1xi32>
        %slice3A_159 = vector.extract_strided_slice %get3A_137 {offsets = [0, 0], sizes = [64, 7], strides = [1, 1]} : vector<64x8xi32> to vector<64x7xi32>
        %concatenate3A_160 = tpu.concatenate %slice3A_158, %slice3A_159 in 1 : vector<64x1xi32>, vector<64x7xi32> -> vector<64x8xi32>
        %broadcast_in_dim3A_161 = vector.shape_cast %broadcast_in_dim3A_113 : vector<64x1xf32> to vector<64x1xf32>
        %broadcast_in_dim3A_162 = vector.broadcast %broadcast_in_dim3A_161 : vector<64x1xf32> to vector<64x8xf32>
        %broadcast_in_dim3A_163 = vector.shape_cast %broadcast_in_dim3A_120 : vector<64x1xi32> to vector<64x1xi32>
        %broadcast_in_dim3A_164 = vector.broadcast %broadcast_in_dim3A_163 : vector<64x1xi32> to vector<64x8xi32>
        %select_n3A_165 = arith.select %gt3A_154, %broadcast_in_dim3A_162, %concatenate3A_157 : vector<64x8xi1>, vector<64x8xf32>
        %select_n3A_166 = arith.select %or3A, %get3A_134, %select_n3A_165 : vector<64x8xi1>, vector<64x8xf32>
        %swap3A_167 = arith.constant 0 : index
        %swap3A_168 = arith.constant 0 : index
        %swap3A_169 = vector.load %arg20[%swap3A_167, %swap3A_168] : memref<64x8xf32, #tpu.memory_space<vmem>>, vector<64x8xf32>
        tpu.vector_store %arg20[%swap3A_167, %swap3A_168], %select_n3A_166 {strides = array<i32>} : memref<64x8xf32, #tpu.memory_space<vmem>>, vector<64x8xf32>,
        %select_n3A_170 = arith.select %gt3A_154, %broadcast_in_dim3A_164, %concatenate3A_160 : vector<64x8xi1>, vector<64x8xi32>
        %select_n3A_171 = arith.select %or3A, %get3A_137, %select_n3A_170 : vector<64x8xi1>, vector<64x8xi32>
        %swap3A_172 = arith.constant 0 : index
        %swap3A_173 = arith.constant 0 : index
        %swap3A_174 = vector.load %arg21[%swap3A_172, %swap3A_173] : memref<64x8xi32, #tpu.memory_space<vmem>>, vector<64x8xi32>
        tpu.vector_store %arg21[%swap3A_172, %swap3A_173], %select_n3A_171 {strides = array<i32>} : memref<64x8xi32, #tpu.memory_space<vmem>>, vector<64x8xi32>,
      } else {
      }
      %gt3A_83 = arith.constant 3.000000e+00 : f32
      %gt3A_84 = arith.cmpf ogt, %reduce_max3A_65, %gt3A_83 : f32
      %convert_element_type3A_85 = arith.extui %gt3A_84 : i1 to i32
      %cond3A_86 = arith.constant 0 : i32
      %cond3A_87 = arith.cmpi ne, %convert_element_type3A_85, %cond3A_86 : i32
      scf.if %cond3A_87 {
        %get3A_108 = arith.constant 0 : index
        %get3A_109 = arith.constant 0 : index
        %get3A_110 = vector.load %arg24[%get3A_108, %get3A_109] : memref<64x4096xf32, #tpu.memory_space<vmem>>, vector<64x4096xf32>
        %reduce_max3A_111 = arith.constant dense<0xFF800000> : vector<64xf32>
        %reduce_max3A_112 = vector.multi_reduction <maximumf>, %get3A_110, %reduce_max3A_111 [1] : vector<64x4096xf32> to vector<64xf32>
        %broadcast_in_dim3A_113 = vector.shape_cast %reduce_max3A_112 : vector<64xf32> to vector<64x1xf32>
        %eq3A_114 = vector.broadcast %broadcast_in_dim3A_113 : vector<64x1xf32> to vector<64x4096xf32>
        %eq3A_115 = arith.cmpf oeq, %get3A_110, %eq3A_114 : vector<64x4096xf32>
        %jit3A_116 = arith.constant 1073741824 : i32
        %broadcast_in_dim3A_117 = vector.broadcast %jit3A_116 : i32 to vector<64x4096xi32>
        %select_n3A_118 = arith.select %eq3A_115, %add3A_35, %broadcast_in_dim3A_117 : vector<64x4096xi1>, vector<64x4096xi32>
        %reduce_min3A = arith.constant dense<2147483647> : vector<64xi32>
        %reduce_min3A_119 = vector.multi_reduction <minsi>, %select_n3A_118, %reduce_min3A [1] : vector<64x4096xi32> to vector<64xi32>
        %broadcast_in_dim3A_120 = vector.shape_cast %reduce_min3A_119 : vector<64xi32> to vector<64x1xi32>
        %eq3A_121 = vector.broadcast %broadcast_in_dim3A_113 : vector<64x1xf32> to vector<64x4096xf32>
        %eq3A_122 = arith.cmpf oeq, %get3A_110, %eq3A_121 : vector<64x4096xf32>
        %eq3A_123 = vector.broadcast %broadcast_in_dim3A_120 : vector<64x1xi32> to vector<64x4096xi32>
        %eq3A_124 = arith.cmpi eq, %add3A_35, %eq3A_123 : vector<64x4096xi32>
        %and3A_125 = arith.andi %eq3A_122, %eq3A_124 : vector<64x4096xi1>
        %jit3A_126 = arith.constant -1.000000e+30 : f32
        %broadcast_in_dim3A_127 = vector.broadcast %jit3A_126 : f32 to vector<64x4096xf32>
        %select_n3A_128 = arith.select %and3A_125, %broadcast_in_dim3A_127, %get3A_110 : vector<64x4096xi1>, vector<64x4096xf32>
        %swap3A_129 = arith.constant 0 : index
        %swap3A_130 = arith.constant 0 : index
        %swap3A_131 = vector.load %arg24[%swap3A_129, %swap3A_130] : memref<64x4096xf32, #tpu.memory_space<vmem>>, vector<64x4096xf32>
        tpu.vector_store %arg24[%swap3A_129, %swap3A_130], %select_n3A_128 {strides = array<i32>} : memref<64x4096xf32, #tpu.memory_space<vmem>>, vector<64x4096xf32>,
        %get3A_132 = arith.constant 0 : index
        %get3A_133 = arith.constant 0 : index
        %get3A_134 = vector.load %arg20[%get3A_132, %get3A_133] : memref<64x8xf32, #tpu.memory_space<vmem>>, vector<64x8xf32>
        %get3A_135 = arith.constant 0 : index
        %get3A_136 = arith.constant 0 : index
        %get3A_137 = vector.load %arg21[%get3A_135, %get3A_136] : memref<64x8xi32, #tpu.memory_space<vmem>>, vector<64x8xi32>
        %gt3A_138 = vector.broadcast %broadcast_in_dim3A_113 : vector<64x1xf32> to vector<64x8xf32>
        %gt3A_139 = arith.cmpf ogt, %get3A_134, %gt3A_138 : vector<64x8xf32>
        %eq3A_140 = vector.broadcast %broadcast_in_dim3A_113 : vector<64x1xf32> to vector<64x8xf32>
        %eq3A_141 = arith.cmpf oeq, %get3A_134, %eq3A_140 : vector<64x8xf32>
        %lt3A_142 = vector.broadcast %broadcast_in_dim3A_120 : vector<64x1xi32> to vector<64x8xi32>
        %lt3A_143 = arith.cmpi slt, %get3A_137, %lt3A_142 : vector<64x8xi32>
        %and3A_144 = arith.andi %eq3A_141, %lt3A_143 : vector<64x8xi1>
        %or3A = arith.ori %gt3A_139, %and3A_144 : vector<64x8xi1>
        %jit3A_145 = arith.constant 1.000000e+00 : f32
        %jit3A_146 = arith.constant 0.000000e+00 : f32
        %broadcast_in_dim3A_147 = vector.broadcast %jit3A_145 : f32 to vector<64x8xf32>
        %broadcast_in_dim3A_148 = vector.broadcast %jit3A_146 : f32 to vector<64x8xf32>
        %select_n3A_149 = arith.select %or3A, %broadcast_in_dim3A_147, %broadcast_in_dim3A_148 : vector<64x8xi1>, vector<64x8xf32>
        %broadcast_in_dim3A_150 = arith.constant 1.000000e+00 : f32
        %broadcast_in_dim3A_151 = vector.broadcast %broadcast_in_dim3A_150 : f32 to vector<64x1xf32>
        %slice3A = vector.extract_strided_slice %select_n3A_149 {offsets = [0, 0], sizes = [64, 7], strides = [1, 1]} : vector<64x8xf32> to vector<64x7xf32>
        %concatenate3A = tpu.concatenate %broadcast_in_dim3A_151, %slice3A in 1 : vector<64x1xf32>, vector<64x7xf32> -> vector<64x8xf32>
        %gt3A_152 = arith.constant 5.000000e-01 : f32
        %gt3A_153 = vector.broadcast %gt3A_152 : f32 to vector<64x8xf32>
        %gt3A_154 = arith.cmpf ogt, %concatenate3A, %gt3A_153 : vector<64x8xf32>
        %slice3A_155 = vector.extract_strided_slice %get3A_134 {offsets = [0, 0], sizes = [64, 1], strides = [1, 1]} : vector<64x8xf32> to vector<64x1xf32>
        %slice3A_156 = vector.extract_strided_slice %get3A_134 {offsets = [0, 0], sizes = [64, 7], strides = [1, 1]} : vector<64x8xf32> to vector<64x7xf32>
        %concatenate3A_157 = tpu.concatenate %slice3A_155, %slice3A_156 in 1 : vector<64x1xf32>, vector<64x7xf32> -> vector<64x8xf32>
        %slice3A_158 = vector.extract_strided_slice %get3A_137 {offsets = [0, 0], sizes = [64, 1], strides = [1, 1]} : vector<64x8xi32> to vector<64x1xi32>
        %slice3A_159 = vector.extract_strided_slice %get3A_137 {offsets = [0, 0], sizes = [64, 7], strides = [1, 1]} : vector<64x8xi32> to vector<64x7xi32>
        %concatenate3A_160 = tpu.concatenate %slice3A_158, %slice3A_159 in 1 : vector<64x1xi32>, vector<64x7xi32> -> vector<64x8xi32>
        %broadcast_in_dim3A_161 = vector.shape_cast %broadcast_in_dim3A_113 : vector<64x1xf32> to vector<64x1xf32>
        %broadcast_in_dim3A_162 = vector.broadcast %broadcast_in_dim3A_161 : vector<64x1xf32> to vector<64x8xf32>
        %broadcast_in_dim3A_163 = vector.shape_cast %broadcast_in_dim3A_120 : vector<64x1xi32> to vector<64x1xi32>
        %broadcast_in_dim3A_164 = vector.broadcast %broadcast_in_dim3A_163 : vector<64x1xi32> to vector<64x8xi32>
        %select_n3A_165 = arith.select %gt3A_154, %broadcast_in_dim3A_162, %concatenate3A_157 : vector<64x8xi1>, vector<64x8xf32>
        %select_n3A_166 = arith.select %or3A, %get3A_134, %select_n3A_165 : vector<64x8xi1>, vector<64x8xf32>
        %swap3A_167 = arith.constant 0 : index
        %swap3A_168 = arith.constant 0 : index
        %swap3A_169 = vector.load %arg20[%swap3A_167, %swap3A_168] : memref<64x8xf32, #tpu.memory_space<vmem>>, vector<64x8xf32>
        tpu.vector_store %arg20[%swap3A_167, %swap3A_168], %select_n3A_166 {strides = array<i32>} : memref<64x8xf32, #tpu.memory_space<vmem>>, vector<64x8xf32>,
        %select_n3A_170 = arith.select %gt3A_154, %broadcast_in_dim3A_164, %concatenate3A_160 : vector<64x8xi1>, vector<64x8xi32>
        %select_n3A_171 = arith.select %or3A, %get3A_137, %select_n3A_170 : vector<64x8xi1>, vector<64x8xi32>
        %swap3A_172 = arith.constant 0 : index
        %swap3A_173 = arith.constant 0 : index
        %swap3A_174 = vector.load %arg21[%swap3A_172, %swap3A_173] : memref<64x8xi32, #tpu.memory_space<vmem>>, vector<64x8xi32>
        tpu.vector_store %arg21[%swap3A_172, %swap3A_173], %select_n3A_171 {strides = array<i32>} : memref<64x8xi32, #tpu.memory_space<vmem>>, vector<64x8xi32>,
      } else {
      }
      %gt3A_88 = arith.constant 4.000000e+00 : f32
      %gt3A_89 = arith.cmpf ogt, %reduce_max3A_65, %gt3A_88 : f32
      %convert_element_type3A_90 = arith.extui %gt3A_89 : i1 to i32
      %cond3A_91 = arith.constant 0 : i32
      %cond3A_92 = arith.cmpi ne, %convert_element_type3A_90, %cond3A_91 : i32
      scf.if %cond3A_92 {
        %get3A_108 = arith.constant 0 : index
        %get3A_109 = arith.constant 0 : index
        %get3A_110 = vector.load %arg24[%get3A_108, %get3A_109] : memref<64x4096xf32, #tpu.memory_space<vmem>>, vector<64x4096xf32>
        %reduce_max3A_111 = arith.constant dense<0xFF800000> : vector<64xf32>
        %reduce_max3A_112 = vector.multi_reduction <maximumf>, %get3A_110, %reduce_max3A_111 [1] : vector<64x4096xf32> to vector<64xf32>
        %broadcast_in_dim3A_113 = vector.shape_cast %reduce_max3A_112 : vector<64xf32> to vector<64x1xf32>
        %eq3A_114 = vector.broadcast %broadcast_in_dim3A_113 : vector<64x1xf32> to vector<64x4096xf32>
        %eq3A_115 = arith.cmpf oeq, %get3A_110, %eq3A_114 : vector<64x4096xf32>
        %jit3A_116 = arith.constant 1073741824 : i32
        %broadcast_in_dim3A_117 = vector.broadcast %jit3A_116 : i32 to vector<64x4096xi32>
        %select_n3A_118 = arith.select %eq3A_115, %add3A_35, %broadcast_in_dim3A_117 : vector<64x4096xi1>, vector<64x4096xi32>
        %reduce_min3A = arith.constant dense<2147483647> : vector<64xi32>
        %reduce_min3A_119 = vector.multi_reduction <minsi>, %select_n3A_118, %reduce_min3A [1] : vector<64x4096xi32> to vector<64xi32>
        %broadcast_in_dim3A_120 = vector.shape_cast %reduce_min3A_119 : vector<64xi32> to vector<64x1xi32>
        %eq3A_121 = vector.broadcast %broadcast_in_dim3A_113 : vector<64x1xf32> to vector<64x4096xf32>
        %eq3A_122 = arith.cmpf oeq, %get3A_110, %eq3A_121 : vector<64x4096xf32>
        %eq3A_123 = vector.broadcast %broadcast_in_dim3A_120 : vector<64x1xi32> to vector<64x4096xi32>
        %eq3A_124 = arith.cmpi eq, %add3A_35, %eq3A_123 : vector<64x4096xi32>
        %and3A_125 = arith.andi %eq3A_122, %eq3A_124 : vector<64x4096xi1>
        %jit3A_126 = arith.constant -1.000000e+30 : f32
        %broadcast_in_dim3A_127 = vector.broadcast %jit3A_126 : f32 to vector<64x4096xf32>
        %select_n3A_128 = arith.select %and3A_125, %broadcast_in_dim3A_127, %get3A_110 : vector<64x4096xi1>, vector<64x4096xf32>
        %swap3A_129 = arith.constant 0 : index
        %swap3A_130 = arith.constant 0 : index
        %swap3A_131 = vector.load %arg24[%swap3A_129, %swap3A_130] : memref<64x4096xf32, #tpu.memory_space<vmem>>, vector<64x4096xf32>
        tpu.vector_store %arg24[%swap3A_129, %swap3A_130], %select_n3A_128 {strides = array<i32>} : memref<64x4096xf32, #tpu.memory_space<vmem>>, vector<64x4096xf32>,
        %get3A_132 = arith.constant 0 : index
        %get3A_133 = arith.constant 0 : index
        %get3A_134 = vector.load %arg20[%get3A_132, %get3A_133] : memref<64x8xf32, #tpu.memory_space<vmem>>, vector<64x8xf32>
        %get3A_135 = arith.constant 0 : index
        %get3A_136 = arith.constant 0 : index
        %get3A_137 = vector.load %arg21[%get3A_135, %get3A_136] : memref<64x8xi32, #tpu.memory_space<vmem>>, vector<64x8xi32>
        %gt3A_138 = vector.broadcast %broadcast_in_dim3A_113 : vector<64x1xf32> to vector<64x8xf32>
        %gt3A_139 = arith.cmpf ogt, %get3A_134, %gt3A_138 : vector<64x8xf32>
        %eq3A_140 = vector.broadcast %broadcast_in_dim3A_113 : vector<64x1xf32> to vector<64x8xf32>
        %eq3A_141 = arith.cmpf oeq, %get3A_134, %eq3A_140 : vector<64x8xf32>
        %lt3A_142 = vector.broadcast %broadcast_in_dim3A_120 : vector<64x1xi32> to vector<64x8xi32>
        %lt3A_143 = arith.cmpi slt, %get3A_137, %lt3A_142 : vector<64x8xi32>
        %and3A_144 = arith.andi %eq3A_141, %lt3A_143 : vector<64x8xi1>
        %or3A = arith.ori %gt3A_139, %and3A_144 : vector<64x8xi1>
        %jit3A_145 = arith.constant 1.000000e+00 : f32
        %jit3A_146 = arith.constant 0.000000e+00 : f32
        %broadcast_in_dim3A_147 = vector.broadcast %jit3A_145 : f32 to vector<64x8xf32>
        %broadcast_in_dim3A_148 = vector.broadcast %jit3A_146 : f32 to vector<64x8xf32>
        %select_n3A_149 = arith.select %or3A, %broadcast_in_dim3A_147, %broadcast_in_dim3A_148 : vector<64x8xi1>, vector<64x8xf32>
        %broadcast_in_dim3A_150 = arith.constant 1.000000e+00 : f32
        %broadcast_in_dim3A_151 = vector.broadcast %broadcast_in_dim3A_150 : f32 to vector<64x1xf32>
        %slice3A = vector.extract_strided_slice %select_n3A_149 {offsets = [0, 0], sizes = [64, 7], strides = [1, 1]} : vector<64x8xf32> to vector<64x7xf32>
        %concatenate3A = tpu.concatenate %broadcast_in_dim3A_151, %slice3A in 1 : vector<64x1xf32>, vector<64x7xf32> -> vector<64x8xf32>
        %gt3A_152 = arith.constant 5.000000e-01 : f32
        %gt3A_153 = vector.broadcast %gt3A_152 : f32 to vector<64x8xf32>
        %gt3A_154 = arith.cmpf ogt, %concatenate3A, %gt3A_153 : vector<64x8xf32>
        %slice3A_155 = vector.extract_strided_slice %get3A_134 {offsets = [0, 0], sizes = [64, 1], strides = [1, 1]} : vector<64x8xf32> to vector<64x1xf32>
        %slice3A_156 = vector.extract_strided_slice %get3A_134 {offsets = [0, 0], sizes = [64, 7], strides = [1, 1]} : vector<64x8xf32> to vector<64x7xf32>
        %concatenate3A_157 = tpu.concatenate %slice3A_155, %slice3A_156 in 1 : vector<64x1xf32>, vector<64x7xf32> -> vector<64x8xf32>
        %slice3A_158 = vector.extract_strided_slice %get3A_137 {offsets = [0, 0], sizes = [64, 1], strides = [1, 1]} : vector<64x8xi32> to vector<64x1xi32>
        %slice3A_159 = vector.extract_strided_slice %get3A_137 {offsets = [0, 0], sizes = [64, 7], strides = [1, 1]} : vector<64x8xi32> to vector<64x7xi32>
        %concatenate3A_160 = tpu.concatenate %slice3A_158, %slice3A_159 in 1 : vector<64x1xi32>, vector<64x7xi32> -> vector<64x8xi32>
        %broadcast_in_dim3A_161 = vector.shape_cast %broadcast_in_dim3A_113 : vector<64x1xf32> to vector<64x1xf32>
        %broadcast_in_dim3A_162 = vector.broadcast %broadcast_in_dim3A_161 : vector<64x1xf32> to vector<64x8xf32>
        %broadcast_in_dim3A_163 = vector.shape_cast %broadcast_in_dim3A_120 : vector<64x1xi32> to vector<64x1xi32>
        %broadcast_in_dim3A_164 = vector.broadcast %broadcast_in_dim3A_163 : vector<64x1xi32> to vector<64x8xi32>
        %select_n3A_165 = arith.select %gt3A_154, %broadcast_in_dim3A_162, %concatenate3A_157 : vector<64x8xi1>, vector<64x8xf32>
        %select_n3A_166 = arith.select %or3A, %get3A_134, %select_n3A_165 : vector<64x8xi1>, vector<64x8xf32>
        %swap3A_167 = arith.constant 0 : index
        %swap3A_168 = arith.constant 0 : index
        %swap3A_169 = vector.load %arg20[%swap3A_167, %swap3A_168] : memref<64x8xf32, #tpu.memory_space<vmem>>, vector<64x8xf32>
        tpu.vector_store %arg20[%swap3A_167, %swap3A_168], %select_n3A_166 {strides = array<i32>} : memref<64x8xf32, #tpu.memory_space<vmem>>, vector<64x8xf32>,
        %select_n3A_170 = arith.select %gt3A_154, %broadcast_in_dim3A_164, %concatenate3A_160 : vector<64x8xi1>, vector<64x8xi32>
        %select_n3A_171 = arith.select %or3A, %get3A_137, %select_n3A_170 : vector<64x8xi1>, vector<64x8xi32>
        %swap3A_172 = arith.constant 0 : index
        %swap3A_173 = arith.constant 0 : index
        %swap3A_174 = vector.load %arg21[%swap3A_172, %swap3A_173] : memref<64x8xi32, #tpu.memory_space<vmem>>, vector<64x8xi32>
        tpu.vector_store %arg21[%swap3A_172, %swap3A_173], %select_n3A_171 {strides = array<i32>} : memref<64x8xi32, #tpu.memory_space<vmem>>, vector<64x8xi32>,
      } else {
      }
      %gt3A_93 = arith.constant 5.000000e+00 : f32
      %gt3A_94 = arith.cmpf ogt, %reduce_max3A_65, %gt3A_93 : f32
      %convert_element_type3A_95 = arith.extui %gt3A_94 : i1 to i32
      %cond3A_96 = arith.constant 0 : i32
      %cond3A_97 = arith.cmpi ne, %convert_element_type3A_95, %cond3A_96 : i32
      scf.if %cond3A_97 {
        %get3A_108 = arith.constant 0 : index
        %get3A_109 = arith.constant 0 : index
        %get3A_110 = vector.load %arg24[%get3A_108, %get3A_109] : memref<64x4096xf32, #tpu.memory_space<vmem>>, vector<64x4096xf32>
        %reduce_max3A_111 = arith.constant dense<0xFF800000> : vector<64xf32>
        %reduce_max3A_112 = vector.multi_reduction <maximumf>, %get3A_110, %reduce_max3A_111 [1] : vector<64x4096xf32> to vector<64xf32>
        %broadcast_in_dim3A_113 = vector.shape_cast %reduce_max3A_112 : vector<64xf32> to vector<64x1xf32>
        %eq3A_114 = vector.broadcast %broadcast_in_dim3A_113 : vector<64x1xf32> to vector<64x4096xf32>
        %eq3A_115 = arith.cmpf oeq, %get3A_110, %eq3A_114 : vector<64x4096xf32>
        %jit3A_116 = arith.constant 1073741824 : i32
        %broadcast_in_dim3A_117 = vector.broadcast %jit3A_116 : i32 to vector<64x4096xi32>
        %select_n3A_118 = arith.select %eq3A_115, %add3A_35, %broadcast_in_dim3A_117 : vector<64x4096xi1>, vector<64x4096xi32>
        %reduce_min3A = arith.constant dense<2147483647> : vector<64xi32>
        %reduce_min3A_119 = vector.multi_reduction <minsi>, %select_n3A_118, %reduce_min3A [1] : vector<64x4096xi32> to vector<64xi32>
        %broadcast_in_dim3A_120 = vector.shape_cast %reduce_min3A_119 : vector<64xi32> to vector<64x1xi32>
        %eq3A_121 = vector.broadcast %broadcast_in_dim3A_113 : vector<64x1xf32> to vector<64x4096xf32>
        %eq3A_122 = arith.cmpf oeq, %get3A_110, %eq3A_121 : vector<64x4096xf32>
        %eq3A_123 = vector.broadcast %broadcast_in_dim3A_120 : vector<64x1xi32> to vector<64x4096xi32>
        %eq3A_124 = arith.cmpi eq, %add3A_35, %eq3A_123 : vector<64x4096xi32>
        %and3A_125 = arith.andi %eq3A_122, %eq3A_124 : vector<64x4096xi1>
        %jit3A_126 = arith.constant -1.000000e+30 : f32
        %broadcast_in_dim3A_127 = vector.broadcast %jit3A_126 : f32 to vector<64x4096xf32>
        %select_n3A_128 = arith.select %and3A_125, %broadcast_in_dim3A_127, %get3A_110 : vector<64x4096xi1>, vector<64x4096xf32>
        %swap3A_129 = arith.constant 0 : index
        %swap3A_130 = arith.constant 0 : index
        %swap3A_131 = vector.load %arg24[%swap3A_129, %swap3A_130] : memref<64x4096xf32, #tpu.memory_space<vmem>>, vector<64x4096xf32>
        tpu.vector_store %arg24[%swap3A_129, %swap3A_130], %select_n3A_128 {strides = array<i32>} : memref<64x4096xf32, #tpu.memory_space<vmem>>, vector<64x4096xf32>,
        %get3A_132 = arith.constant 0 : index
        %get3A_133 = arith.constant 0 : index
        %get3A_134 = vector.load %arg20[%get3A_132, %get3A_133] : memref<64x8xf32, #tpu.memory_space<vmem>>, vector<64x8xf32>
        %get3A_135 = arith.constant 0 : index
        %get3A_136 = arith.constant 0 : index
        %get3A_137 = vector.load %arg21[%get3A_135, %get3A_136] : memref<64x8xi32, #tpu.memory_space<vmem>>, vector<64x8xi32>
        %gt3A_138 = vector.broadcast %broadcast_in_dim3A_113 : vector<64x1xf32> to vector<64x8xf32>
        %gt3A_139 = arith.cmpf ogt, %get3A_134, %gt3A_138 : vector<64x8xf32>
        %eq3A_140 = vector.broadcast %broadcast_in_dim3A_113 : vector<64x1xf32> to vector<64x8xf32>
        %eq3A_141 = arith.cmpf oeq, %get3A_134, %eq3A_140 : vector<64x8xf32>
        %lt3A_142 = vector.broadcast %broadcast_in_dim3A_120 : vector<64x1xi32> to vector<64x8xi32>
        %lt3A_143 = arith.cmpi slt, %get3A_137, %lt3A_142 : vector<64x8xi32>
        %and3A_144 = arith.andi %eq3A_141, %lt3A_143 : vector<64x8xi1>
        %or3A = arith.ori %gt3A_139, %and3A_144 : vector<64x8xi1>
        %jit3A_145 = arith.constant 1.000000e+00 : f32
        %jit3A_146 = arith.constant 0.000000e+00 : f32
        %broadcast_in_dim3A_147 = vector.broadcast %jit3A_145 : f32 to vector<64x8xf32>
        %broadcast_in_dim3A_148 = vector.broadcast %jit3A_146 : f32 to vector<64x8xf32>
        %select_n3A_149 = arith.select %or3A, %broadcast_in_dim3A_147, %broadcast_in_dim3A_148 : vector<64x8xi1>, vector<64x8xf32>
        %broadcast_in_dim3A_150 = arith.constant 1.000000e+00 : f32
        %broadcast_in_dim3A_151 = vector.broadcast %broadcast_in_dim3A_150 : f32 to vector<64x1xf32>
        %slice3A = vector.extract_strided_slice %select_n3A_149 {offsets = [0, 0], sizes = [64, 7], strides = [1, 1]} : vector<64x8xf32> to vector<64x7xf32>
        %concatenate3A = tpu.concatenate %broadcast_in_dim3A_151, %slice3A in 1 : vector<64x1xf32>, vector<64x7xf32> -> vector<64x8xf32>
        %gt3A_152 = arith.constant 5.000000e-01 : f32
        %gt3A_153 = vector.broadcast %gt3A_152 : f32 to vector<64x8xf32>
        %gt3A_154 = arith.cmpf ogt, %concatenate3A, %gt3A_153 : vector<64x8xf32>
        %slice3A_155 = vector.extract_strided_slice %get3A_134 {offsets = [0, 0], sizes = [64, 1], strides = [1, 1]} : vector<64x8xf32> to vector<64x1xf32>
        %slice3A_156 = vector.extract_strided_slice %get3A_134 {offsets = [0, 0], sizes = [64, 7], strides = [1, 1]} : vector<64x8xf32> to vector<64x7xf32>
        %concatenate3A_157 = tpu.concatenate %slice3A_155, %slice3A_156 in 1 : vector<64x1xf32>, vector<64x7xf32> -> vector<64x8xf32>
        %slice3A_158 = vector.extract_strided_slice %get3A_137 {offsets = [0, 0], sizes = [64, 1], strides = [1, 1]} : vector<64x8xi32> to vector<64x1xi32>
        %slice3A_159 = vector.extract_strided_slice %get3A_137 {offsets = [0, 0], sizes = [64, 7], strides = [1, 1]} : vector<64x8xi32> to vector<64x7xi32>
        %concatenate3A_160 = tpu.concatenate %slice3A_158, %slice3A_159 in 1 : vector<64x1xi32>, vector<64x7xi32> -> vector<64x8xi32>
        %broadcast_in_dim3A_161 = vector.shape_cast %broadcast_in_dim3A_113 : vector<64x1xf32> to vector<64x1xf32>
        %broadcast_in_dim3A_162 = vector.broadcast %broadcast_in_dim3A_161 : vector<64x1xf32> to vector<64x8xf32>
        %broadcast_in_dim3A_163 = vector.shape_cast %broadcast_in_dim3A_120 : vector<64x1xi32> to vector<64x1xi32>
        %broadcast_in_dim3A_164 = vector.broadcast %broadcast_in_dim3A_163 : vector<64x1xi32> to vector<64x8xi32>
        %select_n3A_165 = arith.select %gt3A_154, %broadcast_in_dim3A_162, %concatenate3A_157 : vector<64x8xi1>, vector<64x8xf32>
        %select_n3A_166 = arith.select %or3A, %get3A_134, %select_n3A_165 : vector<64x8xi1>, vector<64x8xf32>
        %swap3A_167 = arith.constant 0 : index
        %swap3A_168 = arith.constant 0 : index
        %swap3A_169 = vector.load %arg20[%swap3A_167, %swap3A_168] : memref<64x8xf32, #tpu.memory_space<vmem>>, vector<64x8xf32>
        tpu.vector_store %arg20[%swap3A_167, %swap3A_168], %select_n3A_166 {strides = array<i32>} : memref<64x8xf32, #tpu.memory_space<vmem>>, vector<64x8xf32>,
        %select_n3A_170 = arith.select %gt3A_154, %broadcast_in_dim3A_164, %concatenate3A_160 : vector<64x8xi1>, vector<64x8xi32>
        %select_n3A_171 = arith.select %or3A, %get3A_137, %select_n3A_170 : vector<64x8xi1>, vector<64x8xi32>
        %swap3A_172 = arith.constant 0 : index
        %swap3A_173 = arith.constant 0 : index
        %swap3A_174 = vector.load %arg21[%swap3A_172, %swap3A_173] : memref<64x8xi32, #tpu.memory_space<vmem>>, vector<64x8xi32>
        tpu.vector_store %arg21[%swap3A_172, %swap3A_173], %select_n3A_171 {strides = array<i32>} : memref<64x8xi32, #tpu.memory_space<vmem>>, vector<64x8xi32>,
      } else {
      }
      %gt3A_98 = arith.constant 6.000000e+00 : f32
      %gt3A_99 = arith.cmpf ogt, %reduce_max3A_65, %gt3A_98 : f32
      %convert_element_type3A_100 = arith.extui %gt3A_99 : i1 to i32
      %cond3A_101 = arith.constant 0 : i32
      %cond3A_102 = arith.cmpi ne, %convert_element_type3A_100, %cond3A_101 : i32
      scf.if %cond3A_102 {
        %get3A_108 = arith.constant 0 : index
        %get3A_109 = arith.constant 0 : index
        %get3A_110 = vector.load %arg24[%get3A_108, %get3A_109] : memref<64x4096xf32, #tpu.memory_space<vmem>>, vector<64x4096xf32>
        %reduce_max3A_111 = arith.constant dense<0xFF800000> : vector<64xf32>
        %reduce_max3A_112 = vector.multi_reduction <maximumf>, %get3A_110, %reduce_max3A_111 [1] : vector<64x4096xf32> to vector<64xf32>
        %broadcast_in_dim3A_113 = vector.shape_cast %reduce_max3A_112 : vector<64xf32> to vector<64x1xf32>
        %eq3A_114 = vector.broadcast %broadcast_in_dim3A_113 : vector<64x1xf32> to vector<64x4096xf32>
        %eq3A_115 = arith.cmpf oeq, %get3A_110, %eq3A_114 : vector<64x4096xf32>
        %jit3A_116 = arith.constant 1073741824 : i32
        %broadcast_in_dim3A_117 = vector.broadcast %jit3A_116 : i32 to vector<64x4096xi32>
        %select_n3A_118 = arith.select %eq3A_115, %add3A_35, %broadcast_in_dim3A_117 : vector<64x4096xi1>, vector<64x4096xi32>
        %reduce_min3A = arith.constant dense<2147483647> : vector<64xi32>
        %reduce_min3A_119 = vector.multi_reduction <minsi>, %select_n3A_118, %reduce_min3A [1] : vector<64x4096xi32> to vector<64xi32>
        %broadcast_in_dim3A_120 = vector.shape_cast %reduce_min3A_119 : vector<64xi32> to vector<64x1xi32>
        %eq3A_121 = vector.broadcast %broadcast_in_dim3A_113 : vector<64x1xf32> to vector<64x4096xf32>
        %eq3A_122 = arith.cmpf oeq, %get3A_110, %eq3A_121 : vector<64x4096xf32>
        %eq3A_123 = vector.broadcast %broadcast_in_dim3A_120 : vector<64x1xi32> to vector<64x4096xi32>
        %eq3A_124 = arith.cmpi eq, %add3A_35, %eq3A_123 : vector<64x4096xi32>
        %and3A_125 = arith.andi %eq3A_122, %eq3A_124 : vector<64x4096xi1>
        %jit3A_126 = arith.constant -1.000000e+30 : f32
        %broadcast_in_dim3A_127 = vector.broadcast %jit3A_126 : f32 to vector<64x4096xf32>
        %select_n3A_128 = arith.select %and3A_125, %broadcast_in_dim3A_127, %get3A_110 : vector<64x4096xi1>, vector<64x4096xf32>
        %swap3A_129 = arith.constant 0 : index
        %swap3A_130 = arith.constant 0 : index
        %swap3A_131 = vector.load %arg24[%swap3A_129, %swap3A_130] : memref<64x4096xf32, #tpu.memory_space<vmem>>, vector<64x4096xf32>
        tpu.vector_store %arg24[%swap3A_129, %swap3A_130], %select_n3A_128 {strides = array<i32>} : memref<64x4096xf32, #tpu.memory_space<vmem>>, vector<64x4096xf32>,
        %get3A_132 = arith.constant 0 : index
        %get3A_133 = arith.constant 0 : index
        %get3A_134 = vector.load %arg20[%get3A_132, %get3A_133] : memref<64x8xf32, #tpu.memory_space<vmem>>, vector<64x8xf32>
        %get3A_135 = arith.constant 0 : index
        %get3A_136 = arith.constant 0 : index
        %get3A_137 = vector.load %arg21[%get3A_135, %get3A_136] : memref<64x8xi32, #tpu.memory_space<vmem>>, vector<64x8xi32>
        %gt3A_138 = vector.broadcast %broadcast_in_dim3A_113 : vector<64x1xf32> to vector<64x8xf32>
        %gt3A_139 = arith.cmpf ogt, %get3A_134, %gt3A_138 : vector<64x8xf32>
        %eq3A_140 = vector.broadcast %broadcast_in_dim3A_113 : vector<64x1xf32> to vector<64x8xf32>
        %eq3A_141 = arith.cmpf oeq, %get3A_134, %eq3A_140 : vector<64x8xf32>
        %lt3A_142 = vector.broadcast %broadcast_in_dim3A_120 : vector<64x1xi32> to vector<64x8xi32>
        %lt3A_143 = arith.cmpi slt, %get3A_137, %lt3A_142 : vector<64x8xi32>
        %and3A_144 = arith.andi %eq3A_141, %lt3A_143 : vector<64x8xi1>
        %or3A = arith.ori %gt3A_139, %and3A_144 : vector<64x8xi1>
        %jit3A_145 = arith.constant 1.000000e+00 : f32
        %jit3A_146 = arith.constant 0.000000e+00 : f32
        %broadcast_in_dim3A_147 = vector.broadcast %jit3A_145 : f32 to vector<64x8xf32>
        %broadcast_in_dim3A_148 = vector.broadcast %jit3A_146 : f32 to vector<64x8xf32>
        %select_n3A_149 = arith.select %or3A, %broadcast_in_dim3A_147, %broadcast_in_dim3A_148 : vector<64x8xi1>, vector<64x8xf32>
        %broadcast_in_dim3A_150 = arith.constant 1.000000e+00 : f32
        %broadcast_in_dim3A_151 = vector.broadcast %broadcast_in_dim3A_150 : f32 to vector<64x1xf32>
        %slice3A = vector.extract_strided_slice %select_n3A_149 {offsets = [0, 0], sizes = [64, 7], strides = [1, 1]} : vector<64x8xf32> to vector<64x7xf32>
        %concatenate3A = tpu.concatenate %broadcast_in_dim3A_151, %slice3A in 1 : vector<64x1xf32>, vector<64x7xf32> -> vector<64x8xf32>
        %gt3A_152 = arith.constant 5.000000e-01 : f32
        %gt3A_153 = vector.broadcast %gt3A_152 : f32 to vector<64x8xf32>
        %gt3A_154 = arith.cmpf ogt, %concatenate3A, %gt3A_153 : vector<64x8xf32>
        %slice3A_155 = vector.extract_strided_slice %get3A_134 {offsets = [0, 0], sizes = [64, 1], strides = [1, 1]} : vector<64x8xf32> to vector<64x1xf32>
        %slice3A_156 = vector.extract_strided_slice %get3A_134 {offsets = [0, 0], sizes = [64, 7], strides = [1, 1]} : vector<64x8xf32> to vector<64x7xf32>
        %concatenate3A_157 = tpu.concatenate %slice3A_155, %slice3A_156 in 1 : vector<64x1xf32>, vector<64x7xf32> -> vector<64x8xf32>
        %slice3A_158 = vector.extract_strided_slice %get3A_137 {offsets = [0, 0], sizes = [64, 1], strides = [1, 1]} : vector<64x8xi32> to vector<64x1xi32>
        %slice3A_159 = vector.extract_strided_slice %get3A_137 {offsets = [0, 0], sizes = [64, 7], strides = [1, 1]} : vector<64x8xi32> to vector<64x7xi32>
        %concatenate3A_160 = tpu.concatenate %slice3A_158, %slice3A_159 in 1 : vector<64x1xi32>, vector<64x7xi32> -> vector<64x8xi32>
        %broadcast_in_dim3A_161 = vector.shape_cast %broadcast_in_dim3A_113 : vector<64x1xf32> to vector<64x1xf32>
        %broadcast_in_dim3A_162 = vector.broadcast %broadcast_in_dim3A_161 : vector<64x1xf32> to vector<64x8xf32>
        %broadcast_in_dim3A_163 = vector.shape_cast %broadcast_in_dim3A_120 : vector<64x1xi32> to vector<64x1xi32>
        %broadcast_in_dim3A_164 = vector.broadcast %broadcast_in_dim3A_163 : vector<64x1xi32> to vector<64x8xi32>
        %select_n3A_165 = arith.select %gt3A_154, %broadcast_in_dim3A_162, %concatenate3A_157 : vector<64x8xi1>, vector<64x8xf32>
        %select_n3A_166 = arith.select %or3A, %get3A_134, %select_n3A_165 : vector<64x8xi1>, vector<64x8xf32>
        %swap3A_167 = arith.constant 0 : index
        %swap3A_168 = arith.constant 0 : index
        %swap3A_169 = vector.load %arg20[%swap3A_167, %swap3A_168] : memref<64x8xf32, #tpu.memory_space<vmem>>, vector<64x8xf32>
        tpu.vector_store %arg20[%swap3A_167, %swap3A_168], %select_n3A_166 {strides = array<i32>} : memref<64x8xf32, #tpu.memory_space<vmem>>, vector<64x8xf32>,
        %select_n3A_170 = arith.select %gt3A_154, %broadcast_in_dim3A_164, %concatenate3A_160 : vector<64x8xi1>, vector<64x8xi32>
        %select_n3A_171 = arith.select %or3A, %get3A_137, %select_n3A_170 : vector<64x8xi1>, vector<64x8xi32>
        %swap3A_172 = arith.constant 0 : index
        %swap3A_173 = arith.constant 0 : index
        %swap3A_174 = vector.load %arg21[%swap3A_172, %swap3A_173] : memref<64x8xi32, #tpu.memory_space<vmem>>, vector<64x8xi32>
        tpu.vector_store %arg21[%swap3A_172, %swap3A_173], %select_n3A_171 {strides = array<i32>} : memref<64x8xi32, #tpu.memory_space<vmem>>, vector<64x8xi32>,
      } else {
      }
      %gt3A_103 = arith.constant 7.000000e+00 : f32
      %gt3A_104 = arith.cmpf ogt, %reduce_max3A_65, %gt3A_103 : f32
      %convert_element_type3A_105 = arith.extui %gt3A_104 : i1 to i32
      %cond3A_106 = arith.constant 0 : i32
      %cond3A_107 = arith.cmpi ne, %convert_element_type3A_105, %cond3A_106 : i32
      scf.if %cond3A_107 {
        %get3A_108 = arith.constant 0 : index
        %get3A_109 = arith.constant 0 : index
        %get3A_110 = vector.load %arg24[%get3A_108, %get3A_109] : memref<64x4096xf32, #tpu.memory_space<vmem>>, vector<64x4096xf32>
        %reduce_max3A_111 = arith.constant dense<0xFF800000> : vector<64xf32>
        %reduce_max3A_112 = vector.multi_reduction <maximumf>, %get3A_110, %reduce_max3A_111 [1] : vector<64x4096xf32> to vector<64xf32>
        %broadcast_in_dim3A_113 = vector.shape_cast %reduce_max3A_112 : vector<64xf32> to vector<64x1xf32>
        %eq3A_114 = vector.broadcast %broadcast_in_dim3A_113 : vector<64x1xf32> to vector<64x4096xf32>
        %eq3A_115 = arith.cmpf oeq, %get3A_110, %eq3A_114 : vector<64x4096xf32>
        %jit3A_116 = arith.constant 1073741824 : i32
        %broadcast_in_dim3A_117 = vector.broadcast %jit3A_116 : i32 to vector<64x4096xi32>
        %select_n3A_118 = arith.select %eq3A_115, %add3A_35, %broadcast_in_dim3A_117 : vector<64x4096xi1>, vector<64x4096xi32>
        %reduce_min3A = arith.constant dense<2147483647> : vector<64xi32>
        %reduce_min3A_119 = vector.multi_reduction <minsi>, %select_n3A_118, %reduce_min3A [1] : vector<64x4096xi32> to vector<64xi32>
        %broadcast_in_dim3A_120 = vector.shape_cast %reduce_min3A_119 : vector<64xi32> to vector<64x1xi32>
        %eq3A_121 = vector.broadcast %broadcast_in_dim3A_113 : vector<64x1xf32> to vector<64x4096xf32>
        %eq3A_122 = arith.cmpf oeq, %get3A_110, %eq3A_121 : vector<64x4096xf32>
        %eq3A_123 = vector.broadcast %broadcast_in_dim3A_120 : vector<64x1xi32> to vector<64x4096xi32>
        %eq3A_124 = arith.cmpi eq, %add3A_35, %eq3A_123 : vector<64x4096xi32>
        %and3A_125 = arith.andi %eq3A_122, %eq3A_124 : vector<64x4096xi1>
        %jit3A_126 = arith.constant -1.000000e+30 : f32
        %broadcast_in_dim3A_127 = vector.broadcast %jit3A_126 : f32 to vector<64x4096xf32>
        %select_n3A_128 = arith.select %and3A_125, %broadcast_in_dim3A_127, %get3A_110 : vector<64x4096xi1>, vector<64x4096xf32>
        %swap3A_129 = arith.constant 0 : index
        %swap3A_130 = arith.constant 0 : index
        %swap3A_131 = vector.load %arg24[%swap3A_129, %swap3A_130] : memref<64x4096xf32, #tpu.memory_space<vmem>>, vector<64x4096xf32>
        tpu.vector_store %arg24[%swap3A_129, %swap3A_130], %select_n3A_128 {strides = array<i32>} : memref<64x4096xf32, #tpu.memory_space<vmem>>, vector<64x4096xf32>,
        %get3A_132 = arith.constant 0 : index
        %get3A_133 = arith.constant 0 : index
        %get3A_134 = vector.load %arg20[%get3A_132, %get3A_133] : memref<64x8xf32, #tpu.memory_space<vmem>>, vector<64x8xf32>
        %get3A_135 = arith.constant 0 : index
        %get3A_136 = arith.constant 0 : index
        %get3A_137 = vector.load %arg21[%get3A_135, %get3A_136] : memref<64x8xi32, #tpu.memory_space<vmem>>, vector<64x8xi32>
        %gt3A_138 = vector.broadcast %broadcast_in_dim3A_113 : vector<64x1xf32> to vector<64x8xf32>
        %gt3A_139 = arith.cmpf ogt, %get3A_134, %gt3A_138 : vector<64x8xf32>
        %eq3A_140 = vector.broadcast %broadcast_in_dim3A_113 : vector<64x1xf32> to vector<64x8xf32>
        %eq3A_141 = arith.cmpf oeq, %get3A_134, %eq3A_140 : vector<64x8xf32>
        %lt3A_142 = vector.broadcast %broadcast_in_dim3A_120 : vector<64x1xi32> to vector<64x8xi32>
        %lt3A_143 = arith.cmpi slt, %get3A_137, %lt3A_142 : vector<64x8xi32>
        %and3A_144 = arith.andi %eq3A_141, %lt3A_143 : vector<64x8xi1>
        %or3A = arith.ori %gt3A_139, %and3A_144 : vector<64x8xi1>
        %jit3A_145 = arith.constant 1.000000e+00 : f32
        %jit3A_146 = arith.constant 0.000000e+00 : f32
        %broadcast_in_dim3A_147 = vector.broadcast %jit3A_145 : f32 to vector<64x8xf32>
        %broadcast_in_dim3A_148 = vector.broadcast %jit3A_146 : f32 to vector<64x8xf32>
        %select_n3A_149 = arith.select %or3A, %broadcast_in_dim3A_147, %broadcast_in_dim3A_148 : vector<64x8xi1>, vector<64x8xf32>
        %broadcast_in_dim3A_150 = arith.constant 1.000000e+00 : f32
        %broadcast_in_dim3A_151 = vector.broadcast %broadcast_in_dim3A_150 : f32 to vector<64x1xf32>
        %slice3A = vector.extract_strided_slice %select_n3A_149 {offsets = [0, 0], sizes = [64, 7], strides = [1, 1]} : vector<64x8xf32> to vector<64x7xf32>
        %concatenate3A = tpu.concatenate %broadcast_in_dim3A_151, %slice3A in 1 : vector<64x1xf32>, vector<64x7xf32> -> vector<64x8xf32>
        %gt3A_152 = arith.constant 5.000000e-01 : f32
        %gt3A_153 = vector.broadcast %gt3A_152 : f32 to vector<64x8xf32>
        %gt3A_154 = arith.cmpf ogt, %concatenate3A, %gt3A_153 : vector<64x8xf32>
        %slice3A_155 = vector.extract_strided_slice %get3A_134 {offsets = [0, 0], sizes = [64, 1], strides = [1, 1]} : vector<64x8xf32> to vector<64x1xf32>
        %slice3A_156 = vector.extract_strided_slice %get3A_134 {offsets = [0, 0], sizes = [64, 7], strides = [1, 1]} : vector<64x8xf32> to vector<64x7xf32>
        %concatenate3A_157 = tpu.concatenate %slice3A_155, %slice3A_156 in 1 : vector<64x1xf32>, vector<64x7xf32> -> vector<64x8xf32>
        %slice3A_158 = vector.extract_strided_slice %get3A_137 {offsets = [0, 0], sizes = [64, 1], strides = [1, 1]} : vector<64x8xi32> to vector<64x1xi32>
        %slice3A_159 = vector.extract_strided_slice %get3A_137 {offsets = [0, 0], sizes = [64, 7], strides = [1, 1]} : vector<64x8xi32> to vector<64x7xi32>
        %concatenate3A_160 = tpu.concatenate %slice3A_158, %slice3A_159 in 1 : vector<64x1xi32>, vector<64x7xi32> -> vector<64x8xi32>
        %broadcast_in_dim3A_161 = vector.shape_cast %broadcast_in_dim3A_113 : vector<64x1xf32> to vector<64x1xf32>
        %broadcast_in_dim3A_162 = vector.broadcast %broadcast_in_dim3A_161 : vector<64x1xf32> to vector<64x8xf32>
        %broadcast_in_dim3A_163 = vector.shape_cast %broadcast_in_dim3A_120 : vector<64x1xi32> to vector<64x1xi32>
        %broadcast_in_dim3A_164 = vector.broadcast %broadcast_in_dim3A_163 : vector<64x1xi32> to vector<64x8xi32>
        %select_n3A_165 = arith.select %gt3A_154, %broadcast_in_dim3A_162, %concatenate3A_157 : vector<64x8xi1>, vector<64x8xf32>
        %select_n3A_166 = arith.select %or3A, %get3A_134, %select_n3A_165 : vector<64x8xi1>, vector<64x8xf32>
        %swap3A_167 = arith.constant 0 : index
        %swap3A_168 = arith.constant 0 : index
        %swap3A_169 = vector.load %arg20[%swap3A_167, %swap3A_168] : memref<64x8xf32, #tpu.memory_space<vmem>>, vector<64x8xf32>
        tpu.vector_store %arg20[%swap3A_167, %swap3A_168], %select_n3A_166 {strides = array<i32>} : memref<64x8xf32, #tpu.memory_space<vmem>>, vector<64x8xf32>,
        %select_n3A_170 = arith.select %gt3A_154, %broadcast_in_dim3A_164, %concatenate3A_160 : vector<64x8xi1>, vector<64x8xi32>
        %select_n3A_171 = arith.select %or3A, %get3A_137, %select_n3A_170 : vector<64x8xi1>, vector<64x8xi32>
        %swap3A_172 = arith.constant 0 : index
        %swap3A_173 = arith.constant 0 : index
        %swap3A_174 = vector.load %arg21[%swap3A_172, %swap3A_173] : memref<64x8xi32, #tpu.memory_space<vmem>>, vector<64x8xi32>
        tpu.vector_store %arg21[%swap3A_172, %swap3A_173], %select_n3A_171 {strides = array<i32>} : memref<64x8xi32, #tpu.memory_space<vmem>>, vector<64x8xi32>,
      } else {
      }
    } else {
    }
    %eq3A_9 = arith.constant 1 : i32
    %eq3A_10 = arith.cmpi eq, %arg0, %eq3A_9 : i32
    %convert_element_type3A_11 = arith.extui %eq3A_10 : i1 to i32
    %cond3A_12 = arith.constant 0 : i32
    %cond3A_13 = arith.cmpi ne, %convert_element_type3A_11, %cond3A_12 : i32
    scf.if %cond3A_13 {
      %mul3A = arith.constant 4096 : i32
      %mul3A_22 = arith.muli %arg1, %mul3A : i32
      %get3A = arith.constant 0 : index
      %get3A_23 = arith.index_cast %mul3A_22 : i32 to index
      %get3A_24 = vector.load %arg22[%get3A, %get3A_23] : memref<64x102400xf32, #tpu.memory_space<vmem>>, vector<64x4096xf32>
      %get3A_25 = arith.constant 0 : index
      %get3A_26 = arith.constant 0 : index
      %get3A_27 = vector.load %arg19[%get3A_25, %get3A_26] : memref<64x1xf32, #tpu.memory_space<vmem>>, vector<64x1xf32>
      %sub3A = vector.broadcast %get3A_27 : vector<64x1xf32> to vector<64x4096xf32>
      %sub3A_28 = arith.subf %get3A_24, %sub3A : vector<64x4096xf32>
      %exp3A = math.exp %sub3A_28 : vector<64x4096xf32>
      %get3A_29 = arith.constant 0 : index
      %get3A_30 = arith.constant 0 : index
      %get3A_31 = vector.load %arg23[%get3A_29, %get3A_30] : memref<64x128xf32, #tpu.memory_space<vmem>>, vector<64x128xf32>
      %slice3A = vector.extract_strided_slice %exp3A {offsets = [0, 0], sizes = [64, 128], strides = [1, 1]} : vector<64x4096xf32> to vector<64x128xf32>
      %add3A = arith.addf %get3A_31, %slice3A : vector<64x128xf32>
      %slice3A_32 = vector.extract_strided_slice %exp3A {offsets = [0, 128], sizes = [64, 128], strides = [1, 1]} : vector<64x4096xf32> to vector<64x128xf32>
      %add3A_33 = arith.addf %add3A, %slice3A_32 : vector<64x128xf32>
      %slice3A_34 = vector.extract_strided_slice %exp3A {offsets = [0, 256], sizes = [64, 128], strides = [1, 1]} : vector<64x4096xf32> to vector<64x128xf32>
      %add3A_35 = arith.addf %add3A_33, %slice3A_34 : vector<64x128xf32>
      %slice3A_36 = vector.extract_strided_slice %exp3A {offsets = [0, 384], sizes = [64, 128], strides = [1, 1]} : vector<64x4096xf32> to vector<64x128xf32>
      %add3A_37 = arith.addf %add3A_35, %slice3A_36 : vector<64x128xf32>
      %slice3A_38 = vector.extract_strided_slice %exp3A {offsets = [0, 512], sizes = [64, 128], strides = [1, 1]} : vector<64x4096xf32> to vector<64x128xf32>
      %add3A_39 = arith.addf %add3A_37, %slice3A_38 : vector<64x128xf32>
      %slice3A_40 = vector.extract_strided_slice %exp3A {offsets = [0, 640], sizes = [64, 128], strides = [1, 1]} : vector<64x4096xf32> to vector<64x128xf32>
      %add3A_41 = arith.addf %add3A_39, %slice3A_40 : vector<64x128xf32>
      %slice3A_42 = vector.extract_strided_slice %exp3A {offsets = [0, 768], sizes = [64, 128], strides = [1, 1]} : vector<64x4096xf32> to vector<64x128xf32>
      %add3A_43 = arith.addf %add3A_41, %slice3A_42 : vector<64x128xf32>
      %slice3A_44 = vector.extract_strided_slice %exp3A {offsets = [0, 896], sizes = [64, 128], strides = [1, 1]} : vector<64x4096xf32> to vector<64x128xf32>
      %add3A_45 = arith.addf %add3A_43, %slice3A_44 : vector<64x128xf32>
      %slice3A_46 = vector.extract_strided_slice %exp3A {offsets = [0, 1024], sizes = [64, 128], strides = [1, 1]} : vector<64x4096xf32> to vector<64x128xf32>
      %add3A_47 = arith.addf %add3A_45, %slice3A_46 : vector<64x128xf32>
      %slice3A_48 = vector.extract_strided_slice %exp3A {offsets = [0, 1152], sizes = [64, 128], strides = [1, 1]} : vector<64x4096xf32> to vector<64x128xf32>
      %add3A_49 = arith.addf %add3A_47, %slice3A_48 : vector<64x128xf32>
      %slice3A_50 = vector.extract_strided_slice %exp3A {offsets = [0, 1280], sizes = [64, 128], strides = [1, 1]} : vector<64x4096xf32> to vector<64x128xf32>
      %add3A_51 = arith.addf %add3A_49, %slice3A_50 : vector<64x128xf32>
      %slice3A_52 = vector.extract_strided_slice %exp3A {offsets = [0, 1408], sizes = [64, 128], strides = [1, 1]} : vector<64x4096xf32> to vector<64x128xf32>
      %add3A_53 = arith.addf %add3A_51, %slice3A_52 : vector<64x128xf32>
      %slice3A_54 = vector.extract_strided_slice %exp3A {offsets = [0, 1536], sizes = [64, 128], strides = [1, 1]} : vector<64x4096xf32> to vector<64x128xf32>
      %add3A_55 = arith.addf %add3A_53, %slice3A_54 : vector<64x128xf32>
      %slice3A_56 = vector.extract_strided_slice %exp3A {offsets = [0, 1664], sizes = [64, 128], strides = [1, 1]} : vector<64x4096xf32> to vector<64x128xf32>
      %add3A_57 = arith.addf %add3A_55, %slice3A_56 : vector<64x128xf32>
      %slice3A_58 = vector.extract_strided_slice %exp3A {offsets = [0, 1792], sizes = [64, 128], strides = [1, 1]} : vector<64x4096xf32> to vector<64x128xf32>
      %add3A_59 = arith.addf %add3A_57, %slice3A_58 : vector<64x128xf32>
      %slice3A_60 = vector.extract_strided_slice %exp3A {offsets = [0, 1920], sizes = [64, 128], strides = [1, 1]} : vector<64x4096xf32> to vector<64x128xf32>
      %add3A_61 = arith.addf %add3A_59, %slice3A_60 : vector<64x128xf32>
      %slice3A_62 = vector.extract_strided_slice %exp3A {offsets = [0, 2048], sizes = [64, 128], strides = [1, 1]} : vector<64x4096xf32> to vector<64x128xf32>
      %add3A_63 = arith.addf %add3A_61, %slice3A_62 : vector<64x128xf32>
      %slice3A_64 = vector.extract_strided_slice %exp3A {offsets = [0, 2176], sizes = [64, 128], strides = [1, 1]} : vector<64x4096xf32> to vector<64x128xf32>
      %add3A_65 = arith.addf %add3A_63, %slice3A_64 : vector<64x128xf32>
      %slice3A_66 = vector.extract_strided_slice %exp3A {offsets = [0, 2304], sizes = [64, 128], strides = [1, 1]} : vector<64x4096xf32> to vector<64x128xf32>
      %add3A_67 = arith.addf %add3A_65, %slice3A_66 : vector<64x128xf32>
      %slice3A_68 = vector.extract_strided_slice %exp3A {offsets = [0, 2432], sizes = [64, 128], strides = [1, 1]} : vector<64x4096xf32> to vector<64x128xf32>
      %add3A_69 = arith.addf %add3A_67, %slice3A_68 : vector<64x128xf32>
      %slice3A_70 = vector.extract_strided_slice %exp3A {offsets = [0, 2560], sizes = [64, 128], strides = [1, 1]} : vector<64x4096xf32> to vector<64x128xf32>
      %add3A_71 = arith.addf %add3A_69, %slice3A_70 : vector<64x128xf32>
      %slice3A_72 = vector.extract_strided_slice %exp3A {offsets = [0, 2688], sizes = [64, 128], strides = [1, 1]} : vector<64x4096xf32> to vector<64x128xf32>
      %add3A_73 = arith.addf %add3A_71, %slice3A_72 : vector<64x128xf32>
      %slice3A_74 = vector.extract_strided_slice %exp3A {offsets = [0, 2816], sizes = [64, 128], strides = [1, 1]} : vector<64x4096xf32> to vector<64x128xf32>
      %add3A_75 = arith.addf %add3A_73, %slice3A_74 : vector<64x128xf32>
      %slice3A_76 = vector.extract_strided_slice %exp3A {offsets = [0, 2944], sizes = [64, 128], strides = [1, 1]} : vector<64x4096xf32> to vector<64x128xf32>
      %add3A_77 = arith.addf %add3A_75, %slice3A_76 : vector<64x128xf32>
      %slice3A_78 = vector.extract_strided_slice %exp3A {offsets = [0, 3072], sizes = [64, 128], strides = [1, 1]} : vector<64x4096xf32> to vector<64x128xf32>
      %add3A_79 = arith.addf %add3A_77, %slice3A_78 : vector<64x128xf32>
      %slice3A_80 = vector.extract_strided_slice %exp3A {offsets = [0, 3200], sizes = [64, 128], strides = [1, 1]} : vector<64x4096xf32> to vector<64x128xf32>
      %add3A_81 = arith.addf %add3A_79, %slice3A_80 : vector<64x128xf32>
      %slice3A_82 = vector.extract_strided_slice %exp3A {offsets = [0, 3328], sizes = [64, 128], strides = [1, 1]} : vector<64x4096xf32> to vector<64x128xf32>
      %add3A_83 = arith.addf %add3A_81, %slice3A_82 : vector<64x128xf32>
      %slice3A_84 = vector.extract_strided_slice %exp3A {offsets = [0, 3456], sizes = [64, 128], strides = [1, 1]} : vector<64x4096xf32> to vector<64x128xf32>
      %add3A_85 = arith.addf %add3A_83, %slice3A_84 : vector<64x128xf32>
      %slice3A_86 = vector.extract_strided_slice %exp3A {offsets = [0, 3584], sizes = [64, 128], strides = [1, 1]} : vector<64x4096xf32> to vector<64x128xf32>
      %add3A_87 = arith.addf %add3A_85, %slice3A_86 : vector<64x128xf32>
      %slice3A_88 = vector.extract_strided_slice %exp3A {offsets = [0, 3712], sizes = [64, 128], strides = [1, 1]} : vector<64x4096xf32> to vector<64x128xf32>
      %add3A_89 = arith.addf %add3A_87, %slice3A_88 : vector<64x128xf32>
      %slice3A_90 = vector.extract_strided_slice %exp3A {offsets = [0, 3840], sizes = [64, 128], strides = [1, 1]} : vector<64x4096xf32> to vector<64x128xf32>
      %add3A_91 = arith.addf %add3A_89, %slice3A_90 : vector<64x128xf32>
      %slice3A_92 = vector.extract_strided_slice %exp3A {offsets = [0, 3968], sizes = [64, 128], strides = [1, 1]} : vector<64x4096xf32> to vector<64x128xf32>
      %add3A_93 = arith.addf %add3A_91, %slice3A_92 : vector<64x128xf32>
      %swap3A = arith.constant 0 : index
      %swap3A_94 = arith.constant 0 : index
      %swap3A_95 = vector.load %arg23[%swap3A, %swap3A_94] : memref<64x128xf32, #tpu.memory_space<vmem>>, vector<64x128xf32>
      tpu.vector_store %arg23[%swap3A, %swap3A_94], %add3A_93 {strides = array<i32>} : memref<64x128xf32, #tpu.memory_space<vmem>>, vector<64x128xf32>,
      %iota3A = tpu.iota {dimensions = array<i32: 1>} : vector<8x64xi32>
      %iota3A_96 = tpu.iota {dimensions = array<i32: 0>} : vector<8x64xi32>
      %mul3A_97 = arith.constant 8 : i32
      %mul3A_98 = vector.broadcast %mul3A_97 : i32 to vector<8x64xi32>
      %mul3A_99 = arith.muli %iota3A_96, %mul3A_98 : vector<8x64xi32>
      %add3A_100 = arith.constant 0 : i32
      %add3A_101 = vector.broadcast %add3A_100 : i32 to vector<8x64xi32>
      %add3A_102 = arith.addi %mul3A_99, %add3A_101 : vector<8x64xi32>
      %eq3A_103 = arith.cmpi eq, %iota3A, %add3A_102 : vector<8x64xi32>
      %convert_element_type3A_104 = arith.extui %eq3A_103 : vector<8x64xi1> to vector<8x64xi32>
      %convert_element_type3A_105 = arith.sitofp %convert_element_type3A_104 : vector<8x64xi32> to vector<8x64xf32>
      %dot_general3A = arith.constant dense<0.000000e+00> : vector<8x4096xf32>
      %dot_general3A_106 = tpu.matmul %convert_element_type3A_105, %get3A_24, %dot_general3A {dimension_numbers = #tpu.dot_dimension_numbers<[1], [0], [0], [1], [0, 0, 1, 1], [], []>, precision = #tpu.contract_precision<fp32>, transpose_lhs_hint = false} : vector<8x64xf32>, vector<64x4096xf32>, vector<8x4096xf32> -> vector<8x4096xf32>
      %swap3A_107 = arith.constant 0 : index
      %swap3A_108 = arith.constant 0 : index
      %swap3A_109 = vector.load %arg12[%swap3A_107, %swap3A_108] : memref<8x4096xf32, #tpu.memory_space<vmem>>, vector<8x4096xf32>
      tpu.vector_store %arg12[%swap3A_107, %swap3A_108], %dot_general3A_106 {strides = array<i32>} : memref<8x4096xf32, #tpu.memory_space<vmem>>, vector<8x4096xf32>,
    } else {
    }
    %eq3A_14 = arith.constant 1 : i32
    %eq3A_15 = arith.cmpi eq, %arg0, %eq3A_14 : i32
    %eq3A_16 = arith.constant 24 : i32
    %eq3A_17 = arith.cmpi eq, %arg1, %eq3A_16 : i32
    %and3A_18 = arith.andi %eq3A_15, %eq3A_17 : i1
    %convert_element_type3A_19 = arith.extui %and3A_18 : i1 to i32
    %cond3A_20 = arith.constant 0 : i32
    %cond3A_21 = arith.cmpi ne, %convert_element_type3A_19, %cond3A_20 : i32
    scf.if %cond3A_21 {
      %get3A = arith.constant 0 : index
      %get3A_22 = arith.constant 0 : index
      %get3A_23 = vector.load %arg19[%get3A, %get3A_22] : memref<64x1xf32, #tpu.memory_space<vmem>>, vector<64x1xf32>
      %get3A_24 = arith.constant 0 : index
      %get3A_25 = arith.constant 0 : index
      %get3A_26 = vector.load %arg23[%get3A_24, %get3A_25] : memref<64x128xf32, #tpu.memory_space<vmem>>, vector<64x128xf32>
      %reduce_sum3A = arith.constant dense<0.000000e+00> : vector<64xf32>
      %reduce_sum3A_27 = vector.multi_reduction <add>, %get3A_26, %reduce_sum3A [1] : vector<64x128xf32> to vector<64xf32>
      %broadcast_in_dim3A = vector.shape_cast %reduce_sum3A_27 : vector<64xf32> to vector<64x1xf32>
      %log3A = math.log %broadcast_in_dim3A : vector<64x1xf32>
      %get3A_28 = arith.constant 0 : index
      %get3A_29 = arith.constant 0 : index
      %get3A_30 = vector.load %arg5[%get3A_28, %get3A_29] : memref<64x1xi32, #tpu.memory_space<vmem>>, vector<64x1xi32>
      %eq3A_31 = arith.constant 2 : i32
      %eq3A_32 = vector.broadcast %eq3A_31 : i32 to vector<64x1xi32>
      %eq3A_33 = arith.cmpi eq, %get3A_30, %eq3A_32 : vector<64x1xi32>
      %get3A_34 = arith.constant 0 : index
      %get3A_35 = arith.constant 0 : index
      %get3A_36 = vector.load %arg4[%get3A_34, %get3A_35] : memref<64x1xf32, #tpu.memory_space<vmem>>, vector<64x1xf32>
      %jit3A = arith.constant -9.99999968E+37 : f32
      %broadcast_in_dim3A_37 = vector.broadcast %jit3A : f32 to vector<64x1xf32>
      %select_n3A = arith.select %eq3A_33, %broadcast_in_dim3A_37, %get3A_36 : vector<64x1xi1>, vector<64x1xf32>
      %get3A_38 = arith.constant 0 : index
      %get3A_39 = arith.constant 0 : index
      %get3A_40 = vector.load %arg20[%get3A_38, %get3A_39] : memref<64x8xf32, #tpu.memory_space<vmem>>, vector<64x8xf32>
      %sub3A = vector.broadcast %get3A_23 : vector<64x1xf32> to vector<64x8xf32>
      %sub3A_41 = arith.subf %get3A_40, %sub3A : vector<64x8xf32>
      %sub3A_42 = vector.broadcast %log3A : vector<64x1xf32> to vector<64x8xf32>
      %sub3A_43 = arith.subf %sub3A_41, %sub3A_42 : vector<64x8xf32>
      %add3A = vector.broadcast %select_n3A : vector<64x1xf32> to vector<64x8xf32>
      %add3A_44 = arith.addf %add3A, %sub3A_43 : vector<64x8xf32>
      %iota3A = tpu.iota {dimensions = array<i32: 0>} : vector<64x8xi32>
      %jit3A_45 = arith.constant 8 : i32
      %eq3A_46 = arith.constant 0 : i32
      %eq3A_47 = arith.cmpi eq, %jit3A_45, %eq3A_46 : i32
      %jit3A_48 = arith.constant 1 : i32
      %select_n3A_49 = arith.select %eq3A_47, %jit3A_48, %jit3A_45 : i32
      %rem3A = vector.broadcast %select_n3A_49 : i32 to vector<64x8xi32>
      %rem3A_50 = arith.remsi %iota3A, %rem3A : vector<64x8xi32>
      %ne3A = arith.constant 0 : i32
      %ne3A_51 = vector.broadcast %ne3A : i32 to vector<64x8xi32>
      %ne3A_52 = arith.cmpi ne, %rem3A_50, %ne3A_51 : vector<64x8xi32>
      %lt3A = arith.constant 0 : i32
      %lt3A_53 = vector.broadcast %lt3A : i32 to vector<64x8xi32>
      %lt3A_54 = arith.cmpi slt, %rem3A_50, %lt3A_53 : vector<64x8xi32>
      %lt3A_55 = arith.constant 0 : i32
      %lt3A_56 = arith.cmpi slt, %select_n3A_49, %lt3A_55 : i32
      %ne3A_57 = vector.broadcast %lt3A_56 : i1 to vector<64x8xi1>
      %ne3A_58 = vector.broadcast %ne3A_57 : vector<64x8xi1> to vector<64x8xi1>
      %ne3A_59 = arith.xori %lt3A_54, %ne3A_58 : vector<64x8xi1>
      %and3A_60 = arith.andi %ne3A_59, %ne3A_52 : vector<64x8xi1>
      %add3A_61 = vector.broadcast %select_n3A_49 : i32 to vector<64x8xi32>
      %add3A_62 = arith.addi %rem3A_50, %add3A_61 : vector<64x8xi32>
      %select_n3A_63 = arith.select %and3A_60, %add3A_62, %rem3A_50 : vector<64x8xi1>, vector<64x8xi32>
      %mul3A = arith.constant 100000 : i32
      %mul3A_64 = vector.broadcast %mul3A : i32 to vector<64x8xi32>
      %mul3A_65 = arith.muli %select_n3A_63, %mul3A_64 : vector<64x8xi32>
      %get3A_66 = arith.constant 0 : index
      %get3A_67 = arith.constant 0 : index
      %get3A_68 = vector.load %arg21[%get3A_66, %get3A_67] : memref<64x8xi32, #tpu.memory_space<vmem>>, vector<64x8xi32>
      %add3A_69 = arith.addi %mul3A_65, %get3A_68 : vector<64x8xi32>
      %convert_element_type3A_70 = arith.sitofp %add3A_69 : vector<64x8xi32> to vector<64x8xf32>
      %iota3A_71 = tpu.iota {dimensions = array<i32: 1>} : vector<8x64xi32>
      %iota3A_72 = tpu.iota {dimensions = array<i32: 0>} : vector<8x64xi32>
      %mul3A_73 = arith.constant 8 : i32
      %mul3A_74 = vector.broadcast %mul3A_73 : i32 to vector<8x64xi32>
      %mul3A_75 = arith.muli %iota3A_72, %mul3A_74 : vector<8x64xi32>
      %add3A_76 = arith.constant 0 : i32
      %add3A_77 = vector.broadcast %add3A_76 : i32 to vector<8x64xi32>
      %add3A_78 = arith.addi %mul3A_75, %add3A_77 : vector<8x64xi32>
      %eq3A_79 = arith.cmpi eq, %iota3A_71, %add3A_78 : vector<8x64xi32>
      %convert_element_type3A_80 = arith.extui %eq3A_79 : vector<8x64xi1> to vector<8x64xi32>
      %convert_element_type3A_81 = arith.sitofp %convert_element_type3A_80 : vector<8x64xi32> to vector<8x64xf32>
      %dot_general3A = arith.constant dense<0.000000e+00> : vector<8x8xf32>
      %dot_general3A_82 = tpu.matmul %convert_element_type3A_81, %add3A_44, %dot_general3A {dimension_numbers = #tpu.dot_dimension_numbers<[1], [0], [0], [1], [0, 0, 1, 1], [], []>, precision = #tpu.contract_precision<fp32>, transpose_lhs_hint = false} : vector<8x64xf32>, vector<64x8xf32>, vector<8x8xf32> -> vector<8x8xf32>
      %iota3A_83 = tpu.iota {dimensions = array<i32: 1>} : vector<8x64xi32>
      %iota3A_84 = tpu.iota {dimensions = array<i32: 0>} : vector<8x64xi32>
      %mul3A_85 = arith.constant 8 : i32
      %mul3A_86 = vector.broadcast %mul3A_85 : i32 to vector<8x64xi32>
      %mul3A_87 = arith.muli %iota3A_84, %mul3A_86 : vector<8x64xi32>
      %add3A_88 = arith.constant 1 : i32
      %add3A_89 = vector.broadcast %add3A_88 : i32 to vector<8x64xi32>
      %add3A_90 = arith.addi %mul3A_87, %add3A_89 : vector<8x64xi32>
      %eq3A_91 = arith.cmpi eq, %iota3A_83, %add3A_90 : vector<8x64xi32>
      %convert_element_type3A_92 = arith.extui %eq3A_91 : vector<8x64xi1> to vector<8x64xi32>
      %convert_element_type3A_93 = arith.sitofp %convert_element_type3A_92 : vector<8x64xi32> to vector<8x64xf32>
      %dot_general3A_94 = arith.constant dense<0.000000e+00> : vector<8x8xf32>
      %dot_general3A_95 = tpu.matmul %convert_element_type3A_93, %add3A_44, %dot_general3A_94 {dimension_numbers = #tpu.dot_dimension_numbers<[1], [0], [0], [1], [0, 0, 1, 1], [], []>, precision = #tpu.contract_precision<fp32>, transpose_lhs_hint = false} : vector<8x64xf32>, vector<64x8xf32>, vector<8x8xf32> -> vector<8x8xf32>
      %iota3A_96 = tpu.iota {dimensions = array<i32: 1>} : vector<8x64xi32>
      %iota3A_97 = tpu.iota {dimensions = array<i32: 0>} : vector<8x64xi32>
      %mul3A_98 = arith.constant 8 : i32
      %mul3A_99 = vector.broadcast %mul3A_98 : i32 to vector<8x64xi32>
      %mul3A_100 = arith.muli %iota3A_97, %mul3A_99 : vector<8x64xi32>
      %add3A_101 = arith.constant 2 : i32
      %add3A_102 = vector.broadcast %add3A_101 : i32 to vector<8x64xi32>
      %add3A_103 = arith.addi %mul3A_100, %add3A_102 : vector<8x64xi32>
      %eq3A_104 = arith.cmpi eq, %iota3A_96, %add3A_103 : vector<8x64xi32>
      %convert_element_type3A_105 = arith.extui %eq3A_104 : vector<8x64xi1> to vector<8x64xi32>
      %convert_element_type3A_106 = arith.sitofp %convert_element_type3A_105 : vector<8x64xi32> to vector<8x64xf32>
      %dot_general3A_107 = arith.constant dense<0.000000e+00> : vector<8x8xf32>
      %dot_general3A_108 = tpu.matmul %convert_element_type3A_106, %add3A_44, %dot_general3A_107 {dimension_numbers = #tpu.dot_dimension_numbers<[1], [0], [0], [1], [0, 0, 1, 1], [], []>, precision = #tpu.contract_precision<fp32>, transpose_lhs_hint = false} : vector<8x64xf32>, vector<64x8xf32>, vector<8x8xf32> -> vector<8x8xf32>
      %iota3A_109 = tpu.iota {dimensions = array<i32: 1>} : vector<8x64xi32>
      %iota3A_110 = tpu.iota {dimensions = array<i32: 0>} : vector<8x64xi32>
      %mul3A_111 = arith.constant 8 : i32
      %mul3A_112 = vector.broadcast %mul3A_111 : i32 to vector<8x64xi32>
      %mul3A_113 = arith.muli %iota3A_110, %mul3A_112 : vector<8x64xi32>
      %add3A_114 = arith.constant 3 : i32
      %add3A_115 = vector.broadcast %add3A_114 : i32 to vector<8x64xi32>
      %add3A_116 = arith.addi %mul3A_113, %add3A_115 : vector<8x64xi32>
      %eq3A_117 = arith.cmpi eq, %iota3A_109, %add3A_116 : vector<8x64xi32>
      %convert_element_type3A_118 = arith.extui %eq3A_117 : vector<8x64xi1> to vector<8x64xi32>
      %convert_element_type3A_119 = arith.sitofp %convert_element_type3A_118 : vector<8x64xi32> to vector<8x64xf32>
      %dot_general3A_120 = arith.constant dense<0.000000e+00> : vector<8x8xf32>
      %dot_general3A_121 = tpu.matmul %convert_element_type3A_119, %add3A_44, %dot_general3A_120 {dimension_numbers = #tpu.dot_dimension_numbers<[1], [0], [0], [1], [0, 0, 1, 1], [], []>, precision = #tpu.contract_precision<fp32>, transpose_lhs_hint = false} : vector<8x64xf32>, vector<64x8xf32>, vector<8x8xf32> -> vector<8x8xf32>
      %iota3A_122 = tpu.iota {dimensions = array<i32: 1>} : vector<8x64xi32>
      %iota3A_123 = tpu.iota {dimensions = array<i32: 0>} : vector<8x64xi32>
      %mul3A_124 = arith.constant 8 : i32
      %mul3A_125 = vector.broadcast %mul3A_124 : i32 to vector<8x64xi32>
      %mul3A_126 = arith.muli %iota3A_123, %mul3A_125 : vector<8x64xi32>
      %add3A_127 = arith.constant 4 : i32
      %add3A_128 = vector.broadcast %add3A_127 : i32 to vector<8x64xi32>
      %add3A_129 = arith.addi %mul3A_126, %add3A_128 : vector<8x64xi32>
      %eq3A_130 = arith.cmpi eq, %iota3A_122, %add3A_129 : vector<8x64xi32>
      %convert_element_type3A_131 = arith.extui %eq3A_130 : vector<8x64xi1> to vector<8x64xi32>
      %convert_element_type3A_132 = arith.sitofp %convert_element_type3A_131 : vector<8x64xi32> to vector<8x64xf32>
      %dot_general3A_133 = arith.constant dense<0.000000e+00> : vector<8x8xf32>
      %dot_general3A_134 = tpu.matmul %convert_element_type3A_132, %add3A_44, %dot_general3A_133 {dimension_numbers = #tpu.dot_dimension_numbers<[1], [0], [0], [1], [0, 0, 1, 1], [], []>, precision = #tpu.contract_precision<fp32>, transpose_lhs_hint = false} : vector<8x64xf32>, vector<64x8xf32>, vector<8x8xf32> -> vector<8x8xf32>
      %iota3A_135 = tpu.iota {dimensions = array<i32: 1>} : vector<8x64xi32>
      %iota3A_136 = tpu.iota {dimensions = array<i32: 0>} : vector<8x64xi32>
      %mul3A_137 = arith.constant 8 : i32
      %mul3A_138 = vector.broadcast %mul3A_137 : i32 to vector<8x64xi32>
      %mul3A_139 = arith.muli %iota3A_136, %mul3A_138 : vector<8x64xi32>
      %add3A_140 = arith.constant 5 : i32
      %add3A_141 = vector.broadcast %add3A_140 : i32 to vector<8x64xi32>
      %add3A_142 = arith.addi %mul3A_139, %add3A_141 : vector<8x64xi32>
      %eq3A_143 = arith.cmpi eq, %iota3A_135, %add3A_142 : vector<8x64xi32>
      %convert_element_type3A_144 = arith.extui %eq3A_143 : vector<8x64xi1> to vector<8x64xi32>
      %convert_element_type3A_145 = arith.sitofp %convert_element_type3A_144 : vector<8x64xi32> to vector<8x64xf32>
      %dot_general3A_146 = arith.constant dense<0.000000e+00> : vector<8x8xf32>
      %dot_general3A_147 = tpu.matmul %convert_element_type3A_145, %add3A_44, %dot_general3A_146 {dimension_numbers = #tpu.dot_dimension_numbers<[1], [0], [0], [1], [0, 0, 1, 1], [], []>, precision = #tpu.contract_precision<fp32>, transpose_lhs_hint = false} : vector<8x64xf32>, vector<64x8xf32>, vector<8x8xf32> -> vector<8x8xf32>
      %iota3A_148 = tpu.iota {dimensions = array<i32: 1>} : vector<8x64xi32>
      %iota3A_149 = tpu.iota {dimensions = array<i32: 0>} : vector<8x64xi32>
      %mul3A_150 = arith.constant 8 : i32
      %mul3A_151 = vector.broadcast %mul3A_150 : i32 to vector<8x64xi32>
      %mul3A_152 = arith.muli %iota3A_149, %mul3A_151 : vector<8x64xi32>
      %add3A_153 = arith.constant 6 : i32
      %add3A_154 = vector.broadcast %add3A_153 : i32 to vector<8x64xi32>
      %add3A_155 = arith.addi %mul3A_152, %add3A_154 : vector<8x64xi32>
      %eq3A_156 = arith.cmpi eq, %iota3A_148, %add3A_155 : vector<8x64xi32>
      %convert_element_type3A_157 = arith.extui %eq3A_156 : vector<8x64xi1> to vector<8x64xi32>
      %convert_element_type3A_158 = arith.sitofp %convert_element_type3A_157 : vector<8x64xi32> to vector<8x64xf32>
      %dot_general3A_159 = arith.constant dense<0.000000e+00> : vector<8x8xf32>
      %dot_general3A_160 = tpu.matmul %convert_element_type3A_158, %add3A_44, %dot_general3A_159 {dimension_numbers = #tpu.dot_dimension_numbers<[1], [0], [0], [1], [0, 0, 1, 1], [], []>, precision = #tpu.contract_precision<fp32>, transpose_lhs_hint = false} : vector<8x64xf32>, vector<64x8xf32>, vector<8x8xf32> -> vector<8x8xf32>
      %iota3A_161 = tpu.iota {dimensions = array<i32: 1>} : vector<8x64xi32>
      %iota3A_162 = tpu.iota {dimensions = array<i32: 0>} : vector<8x64xi32>
      %mul3A_163 = arith.constant 8 : i32
      %mul3A_164 = vector.broadcast %mul3A_163 : i32 to vector<8x64xi32>
      %mul3A_165 = arith.muli %iota3A_162, %mul3A_164 : vector<8x64xi32>
      %add3A_166 = arith.constant 7 : i32
      %add3A_167 = vector.broadcast %add3A_166 : i32 to vector<8x64xi32>
      %add3A_168 = arith.addi %mul3A_165, %add3A_167 : vector<8x64xi32>
      %eq3A_169 = arith.cmpi eq, %iota3A_161, %add3A_168 : vector<8x64xi32>
      %convert_element_type3A_170 = arith.extui %eq3A_169 : vector<8x64xi1> to vector<8x64xi32>
      %convert_element_type3A_171 = arith.sitofp %convert_element_type3A_170 : vector<8x64xi32> to vector<8x64xf32>
      %dot_general3A_172 = arith.constant dense<0.000000e+00> : vector<8x8xf32>
      %dot_general3A_173 = tpu.matmul %convert_element_type3A_171, %add3A_44, %dot_general3A_172 {dimension_numbers = #tpu.dot_dimension_numbers<[1], [0], [0], [1], [0, 0, 1, 1], [], []>, precision = #tpu.contract_precision<fp32>, transpose_lhs_hint = false} : vector<8x64xf32>, vector<64x8xf32>, vector<8x8xf32> -> vector<8x8xf32>
      %concatenate3A = tpu.concatenate %dot_general3A_82, %dot_general3A_95, %dot_general3A_108, %dot_general3A_121, %dot_general3A_134, %dot_general3A_147, %dot_general3A_160, %dot_general3A_173 in 1 : vector<8x8xf32>, vector<8x8xf32>, vector<8x8xf32>, vector<8x8xf32>, vector<8x8xf32>, vector<8x8xf32>, vector<8x8xf32>, vector<8x8xf32> -> vector<8x64xf32>
      %iota3A_174 = tpu.iota {dimensions = array<i32: 1>} : vector<8x64xi32>
      %iota3A_175 = tpu.iota {dimensions = array<i32: 0>} : vector<8x64xi32>
      %mul3A_176 = arith.constant 8 : i32
      %mul3A_177 = vector.broadcast %mul3A_176 : i32 to vector<8x64xi32>
      %mul3A_178 = arith.muli %iota3A_175, %mul3A_177 : vector<8x64xi32>
      %add3A_179 = arith.constant 0 : i32
      %add3A_180 = vector.broadcast %add3A_179 : i32 to vector<8x64xi32>
      %add3A_181 = arith.addi %mul3A_178, %add3A_180 : vector<8x64xi32>
      %eq3A_182 = arith.cmpi eq, %iota3A_174, %add3A_181 : vector<8x64xi32>
      %convert_element_type3A_183 = arith.extui %eq3A_182 : vector<8x64xi1> to vector<8x64xi32>
      %convert_element_type3A_184 = arith.sitofp %convert_element_type3A_183 : vector<8x64xi32> to vector<8x64xf32>
      %dot_general3A_185 = arith.constant dense<0.000000e+00> : vector<8x8xf32>
      %dot_general3A_186 = tpu.matmul %convert_element_type3A_184, %convert_element_type3A_70, %dot_general3A_185 {dimension_numbers = #tpu.dot_dimension_numbers<[1], [0], [0], [1], [0, 0, 1, 1], [], []>, precision = #tpu.contract_precision<fp32>, transpose_lhs_hint = false} : vector<8x64xf32>, vector<64x8xf32>, vector<8x8xf32> -> vector<8x8xf32>
      %iota3A_187 = tpu.iota {dimensions = array<i32: 1>} : vector<8x64xi32>
      %iota3A_188 = tpu.iota {dimensions = array<i32: 0>} : vector<8x64xi32>
      %mul3A_189 = arith.constant 8 : i32
      %mul3A_190 = vector.broadcast %mul3A_189 : i32 to vector<8x64xi32>
      %mul3A_191 = arith.muli %iota3A_188, %mul3A_190 : vector<8x64xi32>
      %add3A_192 = arith.constant 1 : i32
      %add3A_193 = vector.broadcast %add3A_192 : i32 to vector<8x64xi32>
      %add3A_194 = arith.addi %mul3A_191, %add3A_193 : vector<8x64xi32>
      %eq3A_195 = arith.cmpi eq, %iota3A_187, %add3A_194 : vector<8x64xi32>
      %convert_element_type3A_196 = arith.extui %eq3A_195 : vector<8x64xi1> to vector<8x64xi32>
      %convert_element_type3A_197 = arith.sitofp %convert_element_type3A_196 : vector<8x64xi32> to vector<8x64xf32>
      %dot_general3A_198 = arith.constant dense<0.000000e+00> : vector<8x8xf32>
      %dot_general3A_199 = tpu.matmul %convert_element_type3A_197, %convert_element_type3A_70, %dot_general3A_198 {dimension_numbers = #tpu.dot_dimension_numbers<[1], [0], [0], [1], [0, 0, 1, 1], [], []>, precision = #tpu.contract_precision<fp32>, transpose_lhs_hint = false} : vector<8x64xf32>, vector<64x8xf32>, vector<8x8xf32> -> vector<8x8xf32>
      %iota3A_200 = tpu.iota {dimensions = array<i32: 1>} : vector<8x64xi32>
      %iota3A_201 = tpu.iota {dimensions = array<i32: 0>} : vector<8x64xi32>
      %mul3A_202 = arith.constant 8 : i32
      %mul3A_203 = vector.broadcast %mul3A_202 : i32 to vector<8x64xi32>
      %mul3A_204 = arith.muli %iota3A_201, %mul3A_203 : vector<8x64xi32>
      %add3A_205 = arith.constant 2 : i32
      %add3A_206 = vector.broadcast %add3A_205 : i32 to vector<8x64xi32>
      %add3A_207 = arith.addi %mul3A_204, %add3A_206 : vector<8x64xi32>
      %eq3A_208 = arith.cmpi eq, %iota3A_200, %add3A_207 : vector<8x64xi32>
      %convert_element_type3A_209 = arith.extui %eq3A_208 : vector<8x64xi1> to vector<8x64xi32>
      %convert_element_type3A_210 = arith.sitofp %convert_element_type3A_209 : vector<8x64xi32> to vector<8x64xf32>
      %dot_general3A_211 = arith.constant dense<0.000000e+00> : vector<8x8xf32>
      %dot_general3A_212 = tpu.matmul %convert_element_type3A_210, %convert_element_type3A_70, %dot_general3A_211 {dimension_numbers = #tpu.dot_dimension_numbers<[1], [0], [0], [1], [0, 0, 1, 1], [], []>, precision = #tpu.contract_precision<fp32>, transpose_lhs_hint = false} : vector<8x64xf32>, vector<64x8xf32>, vector<8x8xf32> -> vector<8x8xf32>
      %iota3A_213 = tpu.iota {dimensions = array<i32: 1>} : vector<8x64xi32>
      %iota3A_214 = tpu.iota {dimensions = array<i32: 0>} : vector<8x64xi32>
      %mul3A_215 = arith.constant 8 : i32
      %mul3A_216 = vector.broadcast %mul3A_215 : i32 to vector<8x64xi32>
      %mul3A_217 = arith.muli %iota3A_214, %mul3A_216 : vector<8x64xi32>
      %add3A_218 = arith.constant 3 : i32
      %add3A_219 = vector.broadcast %add3A_218 : i32 to vector<8x64xi32>
      %add3A_220 = arith.addi %mul3A_217, %add3A_219 : vector<8x64xi32>
      %eq3A_221 = arith.cmpi eq, %iota3A_213, %add3A_220 : vector<8x64xi32>
      %convert_element_type3A_222 = arith.extui %eq3A_221 : vector<8x64xi1> to vector<8x64xi32>
      %convert_element_type3A_223 = arith.sitofp %convert_element_type3A_222 : vector<8x64xi32> to vector<8x64xf32>
      %dot_general3A_224 = arith.constant dense<0.000000e+00> : vector<8x8xf32>
      %dot_general3A_225 = tpu.matmul %convert_element_type3A_223, %convert_element_type3A_70, %dot_general3A_224 {dimension_numbers = #tpu.dot_dimension_numbers<[1], [0], [0], [1], [0, 0, 1, 1], [], []>, precision = #tpu.contract_precision<fp32>, transpose_lhs_hint = false} : vector<8x64xf32>, vector<64x8xf32>, vector<8x8xf32> -> vector<8x8xf32>
      %iota3A_226 = tpu.iota {dimensions = array<i32: 1>} : vector<8x64xi32>
      %iota3A_227 = tpu.iota {dimensions = array<i32: 0>} : vector<8x64xi32>
      %mul3A_228 = arith.constant 8 : i32
      %mul3A_229 = vector.broadcast %mul3A_228 : i32 to vector<8x64xi32>
      %mul3A_230 = arith.muli %iota3A_227, %mul3A_229 : vector<8x64xi32>
      %add3A_231 = arith.constant 4 : i32
      %add3A_232 = vector.broadcast %add3A_231 : i32 to vector<8x64xi32>
      %add3A_233 = arith.addi %mul3A_230, %add3A_232 : vector<8x64xi32>
      %eq3A_234 = arith.cmpi eq, %iota3A_226, %add3A_233 : vector<8x64xi32>
      %convert_element_type3A_235 = arith.extui %eq3A_234 : vector<8x64xi1> to vector<8x64xi32>
      %convert_element_type3A_236 = arith.sitofp %convert_element_type3A_235 : vector<8x64xi32> to vector<8x64xf32>
      %dot_general3A_237 = arith.constant dense<0.000000e+00> : vector<8x8xf32>
      %dot_general3A_238 = tpu.matmul %convert_element_type3A_236, %convert_element_type3A_70, %dot_general3A_237 {dimension_numbers = #tpu.dot_dimension_numbers<[1], [0], [0], [1], [0, 0, 1, 1], [], []>, precision = #tpu.contract_precision<fp32>, transpose_lhs_hint = false} : vector<8x64xf32>, vector<64x8xf32>, vector<8x8xf32> -> vector<8x8xf32>
      %iota3A_239 = tpu.iota {dimensions = array<i32: 1>} : vector<8x64xi32>
      %iota3A_240 = tpu.iota {dimensions = array<i32: 0>} : vector<8x64xi32>
      %mul3A_241 = arith.constant 8 : i32
      %mul3A_242 = vector.broadcast %mul3A_241 : i32 to vector<8x64xi32>
      %mul3A_243 = arith.muli %iota3A_240, %mul3A_242 : vector<8x64xi32>
      %add3A_244 = arith.constant 5 : i32
      %add3A_245 = vector.broadcast %add3A_244 : i32 to vector<8x64xi32>
      %add3A_246 = arith.addi %mul3A_243, %add3A_245 : vector<8x64xi32>
      %eq3A_247 = arith.cmpi eq, %iota3A_239, %add3A_246 : vector<8x64xi32>
      %convert_element_type3A_248 = arith.extui %eq3A_247 : vector<8x64xi1> to vector<8x64xi32>
      %convert_element_type3A_249 = arith.sitofp %convert_element_type3A_248 : vector<8x64xi32> to vector<8x64xf32>
      %dot_general3A_250 = arith.constant dense<0.000000e+00> : vector<8x8xf32>
      %dot_general3A_251 = tpu.matmul %convert_element_type3A_249, %convert_element_type3A_70, %dot_general3A_250 {dimension_numbers = #tpu.dot_dimension_numbers<[1], [0], [0], [1], [0, 0, 1, 1], [], []>, precision = #tpu.contract_precision<fp32>, transpose_lhs_hint = false} : vector<8x64xf32>, vector<64x8xf32>, vector<8x8xf32> -> vector<8x8xf32>
      %iota3A_252 = tpu.iota {dimensions = array<i32: 1>} : vector<8x64xi32>
      %iota3A_253 = tpu.iota {dimensions = array<i32: 0>} : vector<8x64xi32>
      %mul3A_254 = arith.constant 8 : i32
      %mul3A_255 = vector.broadcast %mul3A_254 : i32 to vector<8x64xi32>
      %mul3A_256 = arith.muli %iota3A_253, %mul3A_255 : vector<8x64xi32>
      %add3A_257 = arith.constant 6 : i32
      %add3A_258 = vector.broadcast %add3A_257 : i32 to vector<8x64xi32>
      %add3A_259 = arith.addi %mul3A_256, %add3A_258 : vector<8x64xi32>
      %eq3A_260 = arith.cmpi eq, %iota3A_252, %add3A_259 : vector<8x64xi32>
      %convert_element_type3A_261 = arith.extui %eq3A_260 : vector<8x64xi1> to vector<8x64xi32>
      %convert_element_type3A_262 = arith.sitofp %convert_element_type3A_261 : vector<8x64xi32> to vector<8x64xf32>
      %dot_general3A_263 = arith.constant dense<0.000000e+00> : vector<8x8xf32>
      %dot_general3A_264 = tpu.matmul %convert_element_type3A_262, %convert_element_type3A_70, %dot_general3A_263 {dimension_numbers = #tpu.dot_dimension_numbers<[1], [0], [0], [1], [0, 0, 1, 1], [], []>, precision = #tpu.contract_precision<fp32>, transpose_lhs_hint = false} : vector<8x64xf32>, vector<64x8xf32>, vector<8x8xf32> -> vector<8x8xf32>
      %iota3A_265 = tpu.iota {dimensions = array<i32: 1>} : vector<8x64xi32>
      %iota3A_266 = tpu.iota {dimensions = array<i32: 0>} : vector<8x64xi32>
      %mul3A_267 = arith.constant 8 : i32
      %mul3A_268 = vector.broadcast %mul3A_267 : i32 to vector<8x64xi32>
      %mul3A_269 = arith.muli %iota3A_266, %mul3A_268 : vector<8x64xi32>
      %add3A_270 = arith.constant 7 : i32
      %add3A_271 = vector.broadcast %add3A_270 : i32 to vector<8x64xi32>
      %add3A_272 = arith.addi %mul3A_269, %add3A_271 : vector<8x64xi32>
      %eq3A_273 = arith.cmpi eq, %iota3A_265, %add3A_272 : vector<8x64xi32>
      %convert_element_type3A_274 = arith.extui %eq3A_273 : vector<8x64xi1> to vector<8x64xi32>
      %convert_element_type3A_275 = arith.sitofp %convert_element_type3A_274 : vector<8x64xi32> to vector<8x64xf32>
      %dot_general3A_276 = arith.constant dense<0.000000e+00> : vector<8x8xf32>
      %dot_general3A_277 = tpu.matmul %convert_element_type3A_275, %convert_element_type3A_70, %dot_general3A_276 {dimension_numbers = #tpu.dot_dimension_numbers<[1], [0], [0], [1], [0, 0, 1, 1], [], []>, precision = #tpu.contract_precision<fp32>, transpose_lhs_hint = false} : vector<8x64xf32>, vector<64x8xf32>, vector<8x8xf32> -> vector<8x8xf32>
      %concatenate3A_278 = tpu.concatenate %dot_general3A_186, %dot_general3A_199, %dot_general3A_212, %dot_general3A_225, %dot_general3A_238, %dot_general3A_251, %dot_general3A_264, %dot_general3A_277 in 1 : vector<8x8xf32>, vector<8x8xf32>, vector<8x8xf32>, vector<8x8xf32>, vector<8x8xf32>, vector<8x8xf32>, vector<8x8xf32>, vector<8x8xf32> -> vector<8x64xf32>
      %reduce_max3A = arith.constant dense<0xFF800000> : vector<8xf32>
      %reduce_max3A_279 = vector.multi_reduction <maximumf>, %concatenate3A, %reduce_max3A [1] : vector<8x64xf32> to vector<8xf32>
      %broadcast_in_dim3A_280 = vector.shape_cast %reduce_max3A_279 : vector<8xf32> to vector<8x1xf32>
      %eq3A_281 = vector.broadcast %broadcast_in_dim3A_280 : vector<8x1xf32> to vector<8x64xf32>
      %eq3A_282 = arith.cmpf oeq, %concatenate3A, %eq3A_281 : vector<8x64xf32>
      %jit3A_283 = arith.constant 1.000000e+30 : f32
      %broadcast_in_dim3A_284 = vector.broadcast %jit3A_283 : f32 to vector<8x64xf32>
      %select_n3A_285 = arith.select %eq3A_282, %concatenate3A_278, %broadcast_in_dim3A_284 : vector<8x64xi1>, vector<8x64xf32>
      %reduce_min3A = arith.constant dense<0x7F800000> : vector<8xf32>
      %reduce_min3A_286 = vector.multi_reduction <minimumf>, %select_n3A_285, %reduce_min3A [1] : vector<8x64xf32> to vector<8xf32>
      %broadcast_in_dim3A_287 = vector.shape_cast %reduce_min3A_286 : vector<8xf32> to vector<8x1xf32>
      %eq3A_288 = vector.broadcast %broadcast_in_dim3A_280 : vector<8x1xf32> to vector<8x64xf32>
      %eq3A_289 = arith.cmpf oeq, %concatenate3A, %eq3A_288 : vector<8x64xf32>
      %eq3A_290 = vector.broadcast %broadcast_in_dim3A_287 : vector<8x1xf32> to vector<8x64xf32>
      %eq3A_291 = arith.cmpf oeq, %concatenate3A_278, %eq3A_290 : vector<8x64xf32>
      %and3A_292 = arith.andi %eq3A_289, %eq3A_291 : vector<8x64xi1>
      %jit3A_293 = arith.constant -3.000000e+38 : f32
      %broadcast_in_dim3A_294 = vector.broadcast %jit3A_293 : f32 to vector<8x64xf32>
      %select_n3A_295 = arith.select %and3A_292, %broadcast_in_dim3A_294, %concatenate3A : vector<8x64xi1>, vector<8x64xf32>
      %jit3A_296 = arith.constant 1.000000e+30 : f32
      %broadcast_in_dim3A_297 = vector.broadcast %jit3A_296 : f32 to vector<8x64xf32>
      %select_n3A_298 = arith.select %and3A_292, %broadcast_in_dim3A_297, %concatenate3A_278 : vector<8x64xi1>, vector<8x64xf32>
      %reduce_max3A_299 = arith.constant dense<0xFF800000> : vector<8xf32>
      %reduce_max3A_300 = vector.multi_reduction <maximumf>, %select_n3A_295, %reduce_max3A_299 [1] : vector<8x64xf32> to vector<8xf32>
      %broadcast_in_dim3A_301 = vector.shape_cast %reduce_max3A_300 : vector<8xf32> to vector<8x1xf32>
      %eq3A_302 = vector.broadcast %broadcast_in_dim3A_301 : vector<8x1xf32> to vector<8x64xf32>
      %eq3A_303 = arith.cmpf oeq, %select_n3A_295, %eq3A_302 : vector<8x64xf32>
      %jit3A_304 = arith.constant 1.000000e+30 : f32
      %broadcast_in_dim3A_305 = vector.broadcast %jit3A_304 : f32 to vector<8x64xf32>
      %select_n3A_306 = arith.select %eq3A_303, %select_n3A_298, %broadcast_in_dim3A_305 : vector<8x64xi1>, vector<8x64xf32>
      %reduce_min3A_307 = arith.constant dense<0x7F800000> : vector<8xf32>
      %reduce_min3A_308 = vector.multi_reduction <minimumf>, %select_n3A_306, %reduce_min3A_307 [1] : vector<8x64xf32> to vector<8xf32>
      %broadcast_in_dim3A_309 = vector.shape_cast %reduce_min3A_308 : vector<8xf32> to vector<8x1xf32>
      %eq3A_310 = vector.broadcast %broadcast_in_dim3A_301 : vector<8x1xf32> to vector<8x64xf32>
      %eq3A_311 = arith.cmpf oeq, %select_n3A_295, %eq3A_310 : vector<8x64xf32>
      %eq3A_312 = vector.broadcast %broadcast_in_dim3A_309 : vector<8x1xf32> to vector<8x64xf32>
      %eq3A_313 = arith.cmpf oeq, %select_n3A_298, %eq3A_312 : vector<8x64xf32>
      %and3A_314 = arith.andi %eq3A_311, %eq3A_313 : vector<8x64xi1>
      %jit3A_315 = arith.constant -3.000000e+38 : f32
      %broadcast_in_dim3A_316 = vector.broadcast %jit3A_315 : f32 to vector<8x64xf32>
      %select_n3A_317 = arith.select %and3A_314, %broadcast_in_dim3A_316, %select_n3A_295 : vector<8x64xi1>, vector<8x64xf32>
      %jit3A_318 = arith.constant 1.000000e+30 : f32
      %broadcast_in_dim3A_319 = vector.broadcast %jit3A_318 : f32 to vector<8x64xf32>
      %select_n3A_320 = arith.select %and3A_314, %broadcast_in_dim3A_319, %select_n3A_298 : vector<8x64xi1>, vector<8x64xf32>
      %reduce_max3A_321 = arith.constant dense<0xFF800000> : vector<8xf32>
      %reduce_max3A_322 = vector.multi_reduction <maximumf>, %select_n3A_317, %reduce_max3A_321 [1] : vector<8x64xf32> to vector<8xf32>
      %broadcast_in_dim3A_323 = vector.shape_cast %reduce_max3A_322 : vector<8xf32> to vector<8x1xf32>
      %eq3A_324 = vector.broadcast %broadcast_in_dim3A_323 : vector<8x1xf32> to vector<8x64xf32>
      %eq3A_325 = arith.cmpf oeq, %select_n3A_317, %eq3A_324 : vector<8x64xf32>
      %jit3A_326 = arith.constant 1.000000e+30 : f32
      %broadcast_in_dim3A_327 = vector.broadcast %jit3A_326 : f32 to vector<8x64xf32>
      %select_n3A_328 = arith.select %eq3A_325, %select_n3A_320, %broadcast_in_dim3A_327 : vector<8x64xi1>, vector<8x64xf32>
      %reduce_min3A_329 = arith.constant dense<0x7F800000> : vector<8xf32>
      %reduce_min3A_330 = vector.multi_reduction <minimumf>, %select_n3A_328, %reduce_min3A_329 [1] : vector<8x64xf32> to vector<8xf32>
      %broadcast_in_dim3A_331 = vector.shape_cast %reduce_min3A_330 : vector<8xf32> to vector<8x1xf32>
      %eq3A_332 = vector.broadcast %broadcast_in_dim3A_323 : vector<8x1xf32> to vector<8x64xf32>
      %eq3A_333 = arith.cmpf oeq, %select_n3A_317, %eq3A_332 : vector<8x64xf32>
      %eq3A_334 = vector.broadcast %broadcast_in_dim3A_331 : vector<8x1xf32> to vector<8x64xf32>
      %eq3A_335 = arith.cmpf oeq, %select_n3A_320, %eq3A_334 : vector<8x64xf32>
      %and3A_336 = arith.andi %eq3A_333, %eq3A_335 : vector<8x64xi1>
      %jit3A_337 = arith.constant -3.000000e+38 : f32
      %broadcast_in_dim3A_338 = vector.broadcast %jit3A_337 : f32 to vector<8x64xf32>
      %select_n3A_339 = arith.select %and3A_336, %broadcast_in_dim3A_338, %select_n3A_317 : vector<8x64xi1>, vector<8x64xf32>
      %jit3A_340 = arith.constant 1.000000e+30 : f32
      %broadcast_in_dim3A_341 = vector.broadcast %jit3A_340 : f32 to vector<8x64xf32>
      %select_n3A_342 = arith.select %and3A_336, %broadcast_in_dim3A_341, %select_n3A_320 : vector<8x64xi1>, vector<8x64xf32>
      %reduce_max3A_343 = arith.constant dense<0xFF800000> : vector<8xf32>
      %reduce_max3A_344 = vector.multi_reduction <maximumf>, %select_n3A_339, %reduce_max3A_343 [1] : vector<8x64xf32> to vector<8xf32>
      %broadcast_in_dim3A_345 = vector.shape_cast %reduce_max3A_344 : vector<8xf32> to vector<8x1xf32>
      %eq3A_346 = vector.broadcast %broadcast_in_dim3A_345 : vector<8x1xf32> to vector<8x64xf32>
      %eq3A_347 = arith.cmpf oeq, %select_n3A_339, %eq3A_346 : vector<8x64xf32>
      %jit3A_348 = arith.constant 1.000000e+30 : f32
      %broadcast_in_dim3A_349 = vector.broadcast %jit3A_348 : f32 to vector<8x64xf32>
      %select_n3A_350 = arith.select %eq3A_347, %select_n3A_342, %broadcast_in_dim3A_349 : vector<8x64xi1>, vector<8x64xf32>
      %reduce_min3A_351 = arith.constant dense<0x7F800000> : vector<8xf32>
      %reduce_min3A_352 = vector.multi_reduction <minimumf>, %select_n3A_350, %reduce_min3A_351 [1] : vector<8x64xf32> to vector<8xf32>
      %broadcast_in_dim3A_353 = vector.shape_cast %reduce_min3A_352 : vector<8xf32> to vector<8x1xf32>
      %eq3A_354 = vector.broadcast %broadcast_in_dim3A_345 : vector<8x1xf32> to vector<8x64xf32>
      %eq3A_355 = arith.cmpf oeq, %select_n3A_339, %eq3A_354 : vector<8x64xf32>
      %eq3A_356 = vector.broadcast %broadcast_in_dim3A_353 : vector<8x1xf32> to vector<8x64xf32>
      %eq3A_357 = arith.cmpf oeq, %select_n3A_342, %eq3A_356 : vector<8x64xf32>
      %and3A_358 = arith.andi %eq3A_355, %eq3A_357 : vector<8x64xi1>
      %jit3A_359 = arith.constant -3.000000e+38 : f32
      %broadcast_in_dim3A_360 = vector.broadcast %jit3A_359 : f32 to vector<8x64xf32>
      %select_n3A_361 = arith.select %and3A_358, %broadcast_in_dim3A_360, %select_n3A_339 : vector<8x64xi1>, vector<8x64xf32>
      %jit3A_362 = arith.constant 1.000000e+30 : f32
      %broadcast_in_dim3A_363 = vector.broadcast %jit3A_362 : f32 to vector<8x64xf32>
      %select_n3A_364 = arith.select %and3A_358, %broadcast_in_dim3A_363, %select_n3A_342 : vector<8x64xi1>, vector<8x64xf32>
      %reduce_max3A_365 = arith.constant dense<0xFF800000> : vector<8xf32>
      %reduce_max3A_366 = vector.multi_reduction <maximumf>, %select_n3A_361, %reduce_max3A_365 [1] : vector<8x64xf32> to vector<8xf32>
      %broadcast_in_dim3A_367 = vector.shape_cast %reduce_max3A_366 : vector<8xf32> to vector<8x1xf32>
      %eq3A_368 = vector.broadcast %broadcast_in_dim3A_367 : vector<8x1xf32> to vector<8x64xf32>
      %eq3A_369 = arith.cmpf oeq, %select_n3A_361, %eq3A_368 : vector<8x64xf32>
      %jit3A_370 = arith.constant 1.000000e+30 : f32
      %broadcast_in_dim3A_371 = vector.broadcast %jit3A_370 : f32 to vector<8x64xf32>
      %select_n3A_372 = arith.select %eq3A_369, %select_n3A_364, %broadcast_in_dim3A_371 : vector<8x64xi1>, vector<8x64xf32>
      %reduce_min3A_373 = arith.constant dense<0x7F800000> : vector<8xf32>
      %reduce_min3A_374 = vector.multi_reduction <minimumf>, %select_n3A_372, %reduce_min3A_373 [1] : vector<8x64xf32> to vector<8xf32>
      %broadcast_in_dim3A_375 = vector.shape_cast %reduce_min3A_374 : vector<8xf32> to vector<8x1xf32>
      %eq3A_376 = vector.broadcast %broadcast_in_dim3A_367 : vector<8x1xf32> to vector<8x64xf32>
      %eq3A_377 = arith.cmpf oeq, %select_n3A_361, %eq3A_376 : vector<8x64xf32>
      %eq3A_378 = vector.broadcast %broadcast_in_dim3A_375 : vector<8x1xf32> to vector<8x64xf32>
      %eq3A_379 = arith.cmpf oeq, %select_n3A_364, %eq3A_378 : vector<8x64xf32>
      %and3A_380 = arith.andi %eq3A_377, %eq3A_379 : vector<8x64xi1>
      %jit3A_381 = arith.constant -3.000000e+38 : f32
      %broadcast_in_dim3A_382 = vector.broadcast %jit3A_381 : f32 to vector<8x64xf32>
      %select_n3A_383 = arith.select %and3A_380, %broadcast_in_dim3A_382, %select_n3A_361 : vector<8x64xi1>, vector<8x64xf32>
      %jit3A_384 = arith.constant 1.000000e+30 : f32
      %broadcast_in_dim3A_385 = vector.broadcast %jit3A_384 : f32 to vector<8x64xf32>
      %select_n3A_386 = arith.select %and3A_380, %broadcast_in_dim3A_385, %select_n3A_364 : vector<8x64xi1>, vector<8x64xf32>
      %reduce_max3A_387 = arith.constant dense<0xFF800000> : vector<8xf32>
      %reduce_max3A_388 = vector.multi_reduction <maximumf>, %select_n3A_383, %reduce_max3A_387 [1] : vector<8x64xf32> to vector<8xf32>
      %broadcast_in_dim3A_389 = vector.shape_cast %reduce_max3A_388 : vector<8xf32> to vector<8x1xf32>
      %eq3A_390 = vector.broadcast %broadcast_in_dim3A_389 : vector<8x1xf32> to vector<8x64xf32>
      %eq3A_391 = arith.cmpf oeq, %select_n3A_383, %eq3A_390 : vector<8x64xf32>
      %jit3A_392 = arith.constant 1.000000e+30 : f32
      %broadcast_in_dim3A_393 = vector.broadcast %jit3A_392 : f32 to vector<8x64xf32>
      %select_n3A_394 = arith.select %eq3A_391, %select_n3A_386, %broadcast_in_dim3A_393 : vector<8x64xi1>, vector<8x64xf32>
      %reduce_min3A_395 = arith.constant dense<0x7F800000> : vector<8xf32>
      %reduce_min3A_396 = vector.multi_reduction <minimumf>, %select_n3A_394, %reduce_min3A_395 [1] : vector<8x64xf32> to vector<8xf32>
      %broadcast_in_dim3A_397 = vector.shape_cast %reduce_min3A_396 : vector<8xf32> to vector<8x1xf32>
      %eq3A_398 = vector.broadcast %broadcast_in_dim3A_389 : vector<8x1xf32> to vector<8x64xf32>
      %eq3A_399 = arith.cmpf oeq, %select_n3A_383, %eq3A_398 : vector<8x64xf32>
      %eq3A_400 = vector.broadcast %broadcast_in_dim3A_397 : vector<8x1xf32> to vector<8x64xf32>
      %eq3A_401 = arith.cmpf oeq, %select_n3A_386, %eq3A_400 : vector<8x64xf32>
      %and3A_402 = arith.andi %eq3A_399, %eq3A_401 : vector<8x64xi1>
      %jit3A_403 = arith.constant -3.000000e+38 : f32
      %broadcast_in_dim3A_404 = vector.broadcast %jit3A_403 : f32 to vector<8x64xf32>
      %select_n3A_405 = arith.select %and3A_402, %broadcast_in_dim3A_404, %select_n3A_383 : vector<8x64xi1>, vector<8x64xf32>
      %jit3A_406 = arith.constant 1.000000e+30 : f32
      %broadcast_in_dim3A_407 = vector.broadcast %jit3A_406 : f32 to vector<8x64xf32>
      %select_n3A_408 = arith.select %and3A_402, %broadcast_in_dim3A_407, %select_n3A_386 : vector<8x64xi1>, vector<8x64xf32>
      %reduce_max3A_409 = arith.constant dense<0xFF800000> : vector<8xf32>
      %reduce_max3A_410 = vector.multi_reduction <maximumf>, %select_n3A_405, %reduce_max3A_409 [1] : vector<8x64xf32> to vector<8xf32>
      %broadcast_in_dim3A_411 = vector.shape_cast %reduce_max3A_410 : vector<8xf32> to vector<8x1xf32>
      %eq3A_412 = vector.broadcast %broadcast_in_dim3A_411 : vector<8x1xf32> to vector<8x64xf32>
      %eq3A_413 = arith.cmpf oeq, %select_n3A_405, %eq3A_412 : vector<8x64xf32>
      %jit3A_414 = arith.constant 1.000000e+30 : f32
      %broadcast_in_dim3A_415 = vector.broadcast %jit3A_414 : f32 to vector<8x64xf32>
      %select_n3A_416 = arith.select %eq3A_413, %select_n3A_408, %broadcast_in_dim3A_415 : vector<8x64xi1>, vector<8x64xf32>
      %reduce_min3A_417 = arith.constant dense<0x7F800000> : vector<8xf32>
      %reduce_min3A_418 = vector.multi_reduction <minimumf>, %select_n3A_416, %reduce_min3A_417 [1] : vector<8x64xf32> to vector<8xf32>
      %broadcast_in_dim3A_419 = vector.shape_cast %reduce_min3A_418 : vector<8xf32> to vector<8x1xf32>
      %eq3A_420 = vector.broadcast %broadcast_in_dim3A_411 : vector<8x1xf32> to vector<8x64xf32>
      %eq3A_421 = arith.cmpf oeq, %select_n3A_405, %eq3A_420 : vector<8x64xf32>
      %eq3A_422 = vector.broadcast %broadcast_in_dim3A_419 : vector<8x1xf32> to vector<8x64xf32>
      %eq3A_423 = arith.cmpf oeq, %select_n3A_408, %eq3A_422 : vector<8x64xf32>
      %and3A_424 = arith.andi %eq3A_421, %eq3A_423 : vector<8x64xi1>
      %jit3A_425 = arith.constant -3.000000e+38 : f32
      %broadcast_in_dim3A_426 = vector.broadcast %jit3A_425 : f32 to vector<8x64xf32>
      %select_n3A_427 = arith.select %and3A_424, %broadcast_in_dim3A_426, %select_n3A_405 : vector<8x64xi1>, vector<8x64xf32>
      %jit3A_428 = arith.constant 1.000000e+30 : f32
      %broadcast_in_dim3A_429 = vector.broadcast %jit3A_428 : f32 to vector<8x64xf32>
      %select_n3A_430 = arith.select %and3A_424, %broadcast_in_dim3A_429, %select_n3A_408 : vector<8x64xi1>, vector<8x64xf32>
      %reduce_max3A_431 = arith.constant dense<0xFF800000> : vector<8xf32>
      %reduce_max3A_432 = vector.multi_reduction <maximumf>, %select_n3A_427, %reduce_max3A_431 [1] : vector<8x64xf32> to vector<8xf32>
      %broadcast_in_dim3A_433 = vector.shape_cast %reduce_max3A_432 : vector<8xf32> to vector<8x1xf32>
      %eq3A_434 = vector.broadcast %broadcast_in_dim3A_433 : vector<8x1xf32> to vector<8x64xf32>
      %eq3A_435 = arith.cmpf oeq, %select_n3A_427, %eq3A_434 : vector<8x64xf32>
      %jit3A_436 = arith.constant 1.000000e+30 : f32
      %broadcast_in_dim3A_437 = vector.broadcast %jit3A_436 : f32 to vector<8x64xf32>
      %select_n3A_438 = arith.select %eq3A_435, %select_n3A_430, %broadcast_in_dim3A_437 : vector<8x64xi1>, vector<8x64xf32>
      %reduce_min3A_439 = arith.constant dense<0x7F800000> : vector<8xf32>
      %reduce_min3A_440 = vector.multi_reduction <minimumf>, %select_n3A_438, %reduce_min3A_439 [1] : vector<8x64xf32> to vector<8xf32>
      %broadcast_in_dim3A_441 = vector.shape_cast %reduce_min3A_440 : vector<8xf32> to vector<8x1xf32>
      %concatenate3A_442 = tpu.concatenate %broadcast_in_dim3A_280, %broadcast_in_dim3A_301, %broadcast_in_dim3A_323, %broadcast_in_dim3A_345, %broadcast_in_dim3A_367, %broadcast_in_dim3A_389, %broadcast_in_dim3A_411, %broadcast_in_dim3A_433 in 1 : vector<8x1xf32>, vector<8x1xf32>, vector<8x1xf32>, vector<8x1xf32>, vector<8x1xf32>, vector<8x1xf32>, vector<8x1xf32>, vector<8x1xf32> -> vector<8x8xf32>
      %concatenate3A_443 = tpu.concatenate %broadcast_in_dim3A_287, %broadcast_in_dim3A_309, %broadcast_in_dim3A_331, %broadcast_in_dim3A_353, %broadcast_in_dim3A_375, %broadcast_in_dim3A_397, %broadcast_in_dim3A_419, %broadcast_in_dim3A_441 in 1 : vector<8x1xf32>, vector<8x1xf32>, vector<8x1xf32>, vector<8x1xf32>, vector<8x1xf32>, vector<8x1xf32>, vector<8x1xf32>, vector<8x1xf32> -> vector<8x8xf32>
      %convert_element_type3A_444 = arith.fptosi %concatenate3A_443 : vector<8x8xf32> to vector<8x8xi32>
      %jit3A_445 = arith.constant 100000 : i32
      %div3A = vector.broadcast %jit3A_445 : i32 to vector<8x8xi32>
      %div3A_446 = arith.divsi %convert_element_type3A_444, %div3A : vector<8x8xi32>
      %sign3A = arith.constant 0 : i32
      %sign3A_447 = vector.broadcast %sign3A : i32 to vector<8x8xi32>
      %sign3A_448 = arith.cmpi sgt, %convert_element_type3A_444, %sign3A_447 : vector<8x8xi32>
      %sign3A_449 = arith.extui %sign3A_448 : vector<8x8xi1> to vector<8x8xi32>
      %sign3A_450 = arith.constant 0 : i32
      %sign3A_451 = vector.broadcast %sign3A_450 : i32 to vector<8x8xi32>
      %sign3A_452 = arith.cmpi slt, %convert_element_type3A_444, %sign3A_451 : vector<8x8xi32>
      %sign3A_453 = arith.extui %sign3A_452 : vector<8x8xi1> to vector<8x8xi32>
      %sign3A_454 = arith.subi %sign3A_449, %sign3A_453 : vector<8x8xi32>
      %sign3A_455 = arith.constant 0 : i32
      %sign3A_456 = arith.cmpi sgt, %jit3A_445, %sign3A_455 : i32
      %sign3A_457 = arith.extui %sign3A_456 : i1 to i32
      %sign3A_458 = arith.constant 0 : i32
      %sign3A_459 = arith.cmpi slt, %jit3A_445, %sign3A_458 : i32
      %sign3A_460 = arith.extui %sign3A_459 : i1 to i32
      %sign3A_461 = arith.subi %sign3A_457, %sign3A_460 : i32
      %ne3A_462 = vector.broadcast %sign3A_461 : i32 to vector<8x8xi32>
      %ne3A_463 = arith.cmpi ne, %sign3A_454, %ne3A_462 : vector<8x8xi32>
      %rem3A_464 = vector.broadcast %jit3A_445 : i32 to vector<8x8xi32>
      %rem3A_465 = arith.remsi %convert_element_type3A_444, %rem3A_464 : vector<8x8xi32>
      %ne3A_466 = arith.constant 0 : i32
      %ne3A_467 = vector.broadcast %ne3A_466 : i32 to vector<8x8xi32>
      %ne3A_468 = arith.cmpi ne, %rem3A_465, %ne3A_467 : vector<8x8xi32>
      %and3A_469 = arith.andi %ne3A_463, %ne3A_468 : vector<8x8xi1>
      %sub3A_470 = arith.constant 1 : i32
      %sub3A_471 = vector.broadcast %sub3A_470 : i32 to vector<8x8xi32>
      %sub3A_472 = arith.subi %div3A_446, %sub3A_471 : vector<8x8xi32>
      %select_n3A_473 = arith.select %and3A_469, %sub3A_472, %div3A_446 : vector<8x8xi1>, vector<8x8xi32>
      %mul3A_474 = arith.constant 100000 : i32
      %mul3A_475 = vector.broadcast %mul3A_474 : i32 to vector<8x8xi32>
      %mul3A_476 = arith.muli %select_n3A_473, %mul3A_475 : vector<8x8xi32>
      %sub3A_477 = arith.subi %convert_element_type3A_444, %mul3A_476 : vector<8x8xi32>
      %iota3A_478 = tpu.iota {dimensions = array<i32: 0>} : vector<8x8xi32>
      %mul3A_479 = arith.constant 8 : i32
      %mul3A_480 = vector.broadcast %mul3A_479 : i32 to vector<8x8xi32>
      %mul3A_481 = arith.muli %iota3A_478, %mul3A_480 : vector<8x8xi32>
      %add3A_482 = arith.addi %select_n3A_473, %mul3A_481 : vector<8x8xi32>
      %swap3A = arith.constant 0 : index
      %swap3A_483 = arith.constant 0 : index
      %swap3A_484 = vector.load %arg14[%swap3A, %swap3A_483] : memref<8x8xf32, #tpu.memory_space<vmem>>, vector<8x8xf32>
      tpu.vector_store %arg14[%swap3A, %swap3A_483], %concatenate3A_442 {strides = array<i32>} : memref<8x8xf32, #tpu.memory_space<vmem>>, vector<8x8xf32>,
      %swap3A_485 = arith.constant 0 : index
      %swap3A_486 = arith.constant 0 : index
      %swap3A_487 = vector.load %arg15[%swap3A_485, %swap3A_486] : memref<8x8xi32, #tpu.memory_space<vmem>>, vector<8x8xi32>
      tpu.vector_store %arg15[%swap3A_485, %swap3A_486], %sub3A_477 {strides = array<i32>} : memref<8x8xi32, #tpu.memory_space<vmem>>, vector<8x8xi32>,
      %swap3A_488 = arith.constant 0 : index
      %swap3A_489 = arith.constant 0 : index
      %swap3A_490 = vector.load %arg16[%swap3A_488, %swap3A_489] : memref<8x8xi32, #tpu.memory_space<vmem>>, vector<8x8xi32>
      tpu.vector_store %arg16[%swap3A_488, %swap3A_489], %add3A_482 {strides = array<i32>} : memref<8x8xi32, #tpu.memory_space<vmem>>, vector<8x8xi32>,
      %concatenate3A_491 = tpu.concatenate %get3A_23, %log3A in 1 : vector<64x1xf32>, vector<64x1xf32> -> vector<64x2xf32>
      %swap3A_492 = arith.constant 0 : index
      %swap3A_493 = arith.constant 0 : index
      %swap3A_494 = vector.load %arg17[%swap3A_492, %swap3A_493] : memref<64x2xf32, #tpu.memory_space<vmem>>, vector<64x2xf32>
      tpu.vector_store %arg17[%swap3A_492, %swap3A_493], %concatenate3A_491 {strides = array<i32>} : memref<64x2xf32, #tpu.memory_space<vmem>>, vector<64x2xf32>,
      %get3A_495 = arith.constant 0 : index
      %get3A_496 = arith.constant 0 : index
      %get3A_497 = vector.load %arg18[%get3A_495, %get3A_496] : memref<64x256xf32, #tpu.memory_space<vmem>>, vector<64x256xf32>
      %iota3A_498 = tpu.iota {dimensions = array<i32: 1>} : vector<8x64xi32>
      %iota3A_499 = tpu.iota {dimensions = array<i32: 0>} : vector<64x8xi32>
      %iota3A_500 = tpu.iota {dimensions = array<i32: 1>} : vector<64x8xi32>
      %broadcast_in_dim3A_501 = arith.constant 0.000000e+00 : f32
      %broadcast_in_dim3A_502 = vector.broadcast %broadcast_in_dim3A_501 : f32 to vector<64x256xf32>
      %slice3A = vector.extract_strided_slice %add3A_482 {offsets = [0, 0], sizes = [8, 1], strides = [1, 1]} : vector<8x8xi32> to vector<8x1xi32>
      %eq3A_503 = vector.broadcast %slice3A : vector<8x1xi32> to vector<8x64xi32>
      %eq3A_504 = arith.cmpi eq, %eq3A_503, %iota3A_498 : vector<8x64xi32>
      %convert_element_type3A_505 = arith.extui %eq3A_504 : vector<8x64xi1> to vector<8x64xi32>
      %convert_element_type3A_506 = arith.sitofp %convert_element_type3A_505 : vector<8x64xi32> to vector<8x64xf32>
      %dot_general3A_507 = arith.constant dense<0.000000e+00> : vector<8x256xf32>
      %dot_general3A_508 = tpu.matmul %convert_element_type3A_506, %get3A_497, %dot_general3A_507 {dimension_numbers = #tpu.dot_dimension_numbers<[1], [0], [0], [1], [0, 0, 1, 1], [], []>, precision = #tpu.contract_precision<fp32>, transpose_lhs_hint = false} : vector<8x64xf32>, vector<64x256xf32>, vector<8x256xf32> -> vector<8x256xf32>
      %mul3A_509 = arith.constant 8 : i32
      %mul3A_510 = vector.broadcast %mul3A_509 : i32 to vector<64x8xi32>
      %mul3A_511 = arith.muli %iota3A_500, %mul3A_510 : vector<64x8xi32>
      %add3A_512 = arith.constant 0 : i32
      %add3A_513 = vector.broadcast %add3A_512 : i32 to vector<64x8xi32>
      %add3A_514 = arith.addi %mul3A_511, %add3A_513 : vector<64x8xi32>
      %eq3A_515 = arith.cmpi eq, %iota3A_499, %add3A_514 : vector<64x8xi32>
      %convert_element_type3A_516 = arith.extui %eq3A_515 : vector<64x8xi1> to vector<64x8xi32>
      %convert_element_type3A_517 = arith.sitofp %convert_element_type3A_516 : vector<64x8xi32> to vector<64x8xf32>
      %dot_general3A_518 = arith.constant dense<0.000000e+00> : vector<64x256xf32>
      %dot_general3A_519 = tpu.matmul %convert_element_type3A_517, %dot_general3A_508, %dot_general3A_518 {dimension_numbers = #tpu.dot_dimension_numbers<[1], [0], [0], [1], [0, 0, 1, 1], [], []>, precision = #tpu.contract_precision<fp32>, transpose_lhs_hint = false} : vector<64x8xf32>, vector<8x256xf32>, vector<64x256xf32> -> vector<64x256xf32>
      %add3A_520 = arith.addf %broadcast_in_dim3A_502, %dot_general3A_519 : vector<64x256xf32>
      %slice3A_521 = vector.extract_strided_slice %add3A_482 {offsets = [0, 1], sizes = [8, 1], strides = [1, 1]} : vector<8x8xi32> to vector<8x1xi32>
      %eq3A_522 = vector.broadcast %slice3A_521 : vector<8x1xi32> to vector<8x64xi32>
      %eq3A_523 = arith.cmpi eq, %eq3A_522, %iota3A_498 : vector<8x64xi32>
      %convert_element_type3A_524 = arith.extui %eq3A_523 : vector<8x64xi1> to vector<8x64xi32>
      %convert_element_type3A_525 = arith.sitofp %convert_element_type3A_524 : vector<8x64xi32> to vector<8x64xf32>
      %dot_general3A_526 = arith.constant dense<0.000000e+00> : vector<8x256xf32>
      %dot_general3A_527 = tpu.matmul %convert_element_type3A_525, %get3A_497, %dot_general3A_526 {dimension_numbers = #tpu.dot_dimension_numbers<[1], [0], [0], [1], [0, 0, 1, 1], [], []>, precision = #tpu.contract_precision<fp32>, transpose_lhs_hint = false} : vector<8x64xf32>, vector<64x256xf32>, vector<8x256xf32> -> vector<8x256xf32>
      %mul3A_528 = arith.constant 8 : i32
      %mul3A_529 = vector.broadcast %mul3A_528 : i32 to vector<64x8xi32>
      %mul3A_530 = arith.muli %iota3A_500, %mul3A_529 : vector<64x8xi32>
      %add3A_531 = arith.constant 1 : i32
      %add3A_532 = vector.broadcast %add3A_531 : i32 to vector<64x8xi32>
      %add3A_533 = arith.addi %mul3A_530, %add3A_532 : vector<64x8xi32>
      %eq3A_534 = arith.cmpi eq, %iota3A_499, %add3A_533 : vector<64x8xi32>
      %convert_element_type3A_535 = arith.extui %eq3A_534 : vector<64x8xi1> to vector<64x8xi32>
      %convert_element_type3A_536 = arith.sitofp %convert_element_type3A_535 : vector<64x8xi32> to vector<64x8xf32>
      %dot_general3A_537 = arith.constant dense<0.000000e+00> : vector<64x256xf32>
      %dot_general3A_538 = tpu.matmul %convert_element_type3A_536, %dot_general3A_527, %dot_general3A_537 {dimension_numbers = #tpu.dot_dimension_numbers<[1], [0], [0], [1], [0, 0, 1, 1], [], []>, precision = #tpu.contract_precision<fp32>, transpose_lhs_hint = false} : vector<64x8xf32>, vector<8x256xf32>, vector<64x256xf32> -> vector<64x256xf32>
      %add3A_539 = arith.addf %add3A_520, %dot_general3A_538 : vector<64x256xf32>
      %slice3A_540 = vector.extract_strided_slice %add3A_482 {offsets = [0, 2], sizes = [8, 1], strides = [1, 1]} : vector<8x8xi32> to vector<8x1xi32>
      %eq3A_541 = vector.broadcast %slice3A_540 : vector<8x1xi32> to vector<8x64xi32>
      %eq3A_542 = arith.cmpi eq, %eq3A_541, %iota3A_498 : vector<8x64xi32>
      %convert_element_type3A_543 = arith.extui %eq3A_542 : vector<8x64xi1> to vector<8x64xi32>
      %convert_element_type3A_544 = arith.sitofp %convert_element_type3A_543 : vector<8x64xi32> to vector<8x64xf32>
      %dot_general3A_545 = arith.constant dense<0.000000e+00> : vector<8x256xf32>
      %dot_general3A_546 = tpu.matmul %convert_element_type3A_544, %get3A_497, %dot_general3A_545 {dimension_numbers = #tpu.dot_dimension_numbers<[1], [0], [0], [1], [0, 0, 1, 1], [], []>, precision = #tpu.contract_precision<fp32>, transpose_lhs_hint = false} : vector<8x64xf32>, vector<64x256xf32>, vector<8x256xf32> -> vector<8x256xf32>
      %mul3A_547 = arith.constant 8 : i32
      %mul3A_548 = vector.broadcast %mul3A_547 : i32 to vector<64x8xi32>
      %mul3A_549 = arith.muli %iota3A_500, %mul3A_548 : vector<64x8xi32>
      %add3A_550 = arith.constant 2 : i32
      %add3A_551 = vector.broadcast %add3A_550 : i32 to vector<64x8xi32>
      %add3A_552 = arith.addi %mul3A_549, %add3A_551 : vector<64x8xi32>
      %eq3A_553 = arith.cmpi eq, %iota3A_499, %add3A_552 : vector<64x8xi32>
      %convert_element_type3A_554 = arith.extui %eq3A_553 : vector<64x8xi1> to vector<64x8xi32>
      %convert_element_type3A_555 = arith.sitofp %convert_element_type3A_554 : vector<64x8xi32> to vector<64x8xf32>
      %dot_general3A_556 = arith.constant dense<0.000000e+00> : vector<64x256xf32>
      %dot_general3A_557 = tpu.matmul %convert_element_type3A_555, %dot_general3A_546, %dot_general3A_556 {dimension_numbers = #tpu.dot_dimension_numbers<[1], [0], [0], [1], [0, 0, 1, 1], [], []>, precision = #tpu.contract_precision<fp32>, transpose_lhs_hint = false} : vector<64x8xf32>, vector<8x256xf32>, vector<64x256xf32> -> vector<64x256xf32>
      %add3A_558 = arith.addf %add3A_539, %dot_general3A_557 : vector<64x256xf32>
      %slice3A_559 = vector.extract_strided_slice %add3A_482 {offsets = [0, 3], sizes = [8, 1], strides = [1, 1]} : vector<8x8xi32> to vector<8x1xi32>
      %eq3A_560 = vector.broadcast %slice3A_559 : vector<8x1xi32> to vector<8x64xi32>
      %eq3A_561 = arith.cmpi eq, %eq3A_560, %iota3A_498 : vector<8x64xi32>
      %convert_element_type3A_562 = arith.extui %eq3A_561 : vector<8x64xi1> to vector<8x64xi32>
      %convert_element_type3A_563 = arith.sitofp %convert_element_type3A_562 : vector<8x64xi32> to vector<8x64xf32>
      %dot_general3A_564 = arith.constant dense<0.000000e+00> : vector<8x256xf32>
      %dot_general3A_565 = tpu.matmul %convert_element_type3A_563, %get3A_497, %dot_general3A_564 {dimension_numbers = #tpu.dot_dimension_numbers<[1], [0], [0], [1], [0, 0, 1, 1], [], []>, precision = #tpu.contract_precision<fp32>, transpose_lhs_hint = false} : vector<8x64xf32>, vector<64x256xf32>, vector<8x256xf32> -> vector<8x256xf32>
      %mul3A_566 = arith.constant 8 : i32
      %mul3A_567 = vector.broadcast %mul3A_566 : i32 to vector<64x8xi32>
      %mul3A_568 = arith.muli %iota3A_500, %mul3A_567 : vector<64x8xi32>
      %add3A_569 = arith.constant 3 : i32
      %add3A_570 = vector.broadcast %add3A_569 : i32 to vector<64x8xi32>
      %add3A_571 = arith.addi %mul3A_568, %add3A_570 : vector<64x8xi32>
      %eq3A_572 = arith.cmpi eq, %iota3A_499, %add3A_571 : vector<64x8xi32>
      %convert_element_type3A_573 = arith.extui %eq3A_572 : vector<64x8xi1> to vector<64x8xi32>
      %convert_element_type3A_574 = arith.sitofp %convert_element_type3A_573 : vector<64x8xi32> to vector<64x8xf32>
      %dot_general3A_575 = arith.constant dense<0.000000e+00> : vector<64x256xf32>
      %dot_general3A_576 = tpu.matmul %convert_element_type3A_574, %dot_general3A_565, %dot_general3A_575 {dimension_numbers = #tpu.dot_dimension_numbers<[1], [0], [0], [1], [0, 0, 1, 1], [], []>, precision = #tpu.contract_precision<fp32>, transpose_lhs_hint = false} : vector<64x8xf32>, vector<8x256xf32>, vector<64x256xf32> -> vector<64x256xf32>
      %add3A_577 = arith.addf %add3A_558, %dot_general3A_576 : vector<64x256xf32>
      %slice3A_578 = vector.extract_strided_slice %add3A_482 {offsets = [0, 4], sizes = [8, 1], strides = [1, 1]} : vector<8x8xi32> to vector<8x1xi32>
      %eq3A_579 = vector.broadcast %slice3A_578 : vector<8x1xi32> to vector<8x64xi32>
      %eq3A_580 = arith.cmpi eq, %eq3A_579, %iota3A_498 : vector<8x64xi32>
      %convert_element_type3A_581 = arith.extui %eq3A_580 : vector<8x64xi1> to vector<8x64xi32>
      %convert_element_type3A_582 = arith.sitofp %convert_element_type3A_581 : vector<8x64xi32> to vector<8x64xf32>
      %dot_general3A_583 = arith.constant dense<0.000000e+00> : vector<8x256xf32>
      %dot_general3A_584 = tpu.matmul %convert_element_type3A_582, %get3A_497, %dot_general3A_583 {dimension_numbers = #tpu.dot_dimension_numbers<[1], [0], [0], [1], [0, 0, 1, 1], [], []>, precision = #tpu.contract_precision<fp32>, transpose_lhs_hint = false} : vector<8x64xf32>, vector<64x256xf32>, vector<8x256xf32> -> vector<8x256xf32>
      %mul3A_585 = arith.constant 8 : i32
      %mul3A_586 = vector.broadcast %mul3A_585 : i32 to vector<64x8xi32>
      %mul3A_587 = arith.muli %iota3A_500, %mul3A_586 : vector<64x8xi32>
      %add3A_588 = arith.constant 4 : i32
      %add3A_589 = vector.broadcast %add3A_588 : i32 to vector<64x8xi32>
      %add3A_590 = arith.addi %mul3A_587, %add3A_589 : vector<64x8xi32>
      %eq3A_591 = arith.cmpi eq, %iota3A_499, %add3A_590 : vector<64x8xi32>
      %convert_element_type3A_592 = arith.extui %eq3A_591 : vector<64x8xi1> to vector<64x8xi32>
      %convert_element_type3A_593 = arith.sitofp %convert_element_type3A_592 : vector<64x8xi32> to vector<64x8xf32>
      %dot_general3A_594 = arith.constant dense<0.000000e+00> : vector<64x256xf32>
      %dot_general3A_595 = tpu.matmul %convert_element_type3A_593, %dot_general3A_584, %dot_general3A_594 {dimension_numbers = #tpu.dot_dimension_numbers<[1], [0], [0], [1], [0, 0, 1, 1], [], []>, precision = #tpu.contract_precision<fp32>, transpose_lhs_hint = false} : vector<64x8xf32>, vector<8x256xf32>, vector<64x256xf32> -> vector<64x256xf32>
      %add3A_596 = arith.addf %add3A_577, %dot_general3A_595 : vector<64x256xf32>
      %slice3A_597 = vector.extract_strided_slice %add3A_482 {offsets = [0, 5], sizes = [8, 1], strides = [1, 1]} : vector<8x8xi32> to vector<8x1xi32>
      %eq3A_598 = vector.broadcast %slice3A_597 : vector<8x1xi32> to vector<8x64xi32>
      %eq3A_599 = arith.cmpi eq, %eq3A_598, %iota3A_498 : vector<8x64xi32>
      %convert_element_type3A_600 = arith.extui %eq3A_599 : vector<8x64xi1> to vector<8x64xi32>
      %convert_element_type3A_601 = arith.sitofp %convert_element_type3A_600 : vector<8x64xi32> to vector<8x64xf32>
      %dot_general3A_602 = arith.constant dense<0.000000e+00> : vector<8x256xf32>
      %dot_general3A_603 = tpu.matmul %convert_element_type3A_601, %get3A_497, %dot_general3A_602 {dimension_numbers = #tpu.dot_dimension_numbers<[1], [0], [0], [1], [0, 0, 1, 1], [], []>, precision = #tpu.contract_precision<fp32>, transpose_lhs_hint = false} : vector<8x64xf32>, vector<64x256xf32>, vector<8x256xf32> -> vector<8x256xf32>
      %mul3A_604 = arith.constant 8 : i32
      %mul3A_605 = vector.broadcast %mul3A_604 : i32 to vector<64x8xi32>
      %mul3A_606 = arith.muli %iota3A_500, %mul3A_605 : vector<64x8xi32>
      %add3A_607 = arith.constant 5 : i32
      %add3A_608 = vector.broadcast %add3A_607 : i32 to vector<64x8xi32>
      %add3A_609 = arith.addi %mul3A_606, %add3A_608 : vector<64x8xi32>
      %eq3A_610 = arith.cmpi eq, %iota3A_499, %add3A_609 : vector<64x8xi32>
      %convert_element_type3A_611 = arith.extui %eq3A_610 : vector<64x8xi1> to vector<64x8xi32>
      %convert_element_type3A_612 = arith.sitofp %convert_element_type3A_611 : vector<64x8xi32> to vector<64x8xf32>
      %dot_general3A_613 = arith.constant dense<0.000000e+00> : vector<64x256xf32>
      %dot_general3A_614 = tpu.matmul %convert_element_type3A_612, %dot_general3A_603, %dot_general3A_613 {dimension_numbers = #tpu.dot_dimension_numbers<[1], [0], [0], [1], [0, 0, 1, 1], [], []>, precision = #tpu.contract_precision<fp32>, transpose_lhs_hint = false} : vector<64x8xf32>, vector<8x256xf32>, vector<64x256xf32> -> vector<64x256xf32>
      %add3A_615 = arith.addf %add3A_596, %dot_general3A_614 : vector<64x256xf32>
      %slice3A_616 = vector.extract_strided_slice %add3A_482 {offsets = [0, 6], sizes = [8, 1], strides = [1, 1]} : vector<8x8xi32> to vector<8x1xi32>
      %eq3A_617 = vector.broadcast %slice3A_616 : vector<8x1xi32> to vector<8x64xi32>
      %eq3A_618 = arith.cmpi eq, %eq3A_617, %iota3A_498 : vector<8x64xi32>
      %convert_element_type3A_619 = arith.extui %eq3A_618 : vector<8x64xi1> to vector<8x64xi32>
      %convert_element_type3A_620 = arith.sitofp %convert_element_type3A_619 : vector<8x64xi32> to vector<8x64xf32>
      %dot_general3A_621 = arith.constant dense<0.000000e+00> : vector<8x256xf32>
      %dot_general3A_622 = tpu.matmul %convert_element_type3A_620, %get3A_497, %dot_general3A_621 {dimension_numbers = #tpu.dot_dimension_numbers<[1], [0], [0], [1], [0, 0, 1, 1], [], []>, precision = #tpu.contract_precision<fp32>, transpose_lhs_hint = false} : vector<8x64xf32>, vector<64x256xf32>, vector<8x256xf32> -> vector<8x256xf32>
      %mul3A_623 = arith.constant 8 : i32
      %mul3A_624 = vector.broadcast %mul3A_623 : i32 to vector<64x8xi32>
      %mul3A_625 = arith.muli %iota3A_500, %mul3A_624 : vector<64x8xi32>
      %add3A_626 = arith.constant 6 : i32
      %add3A_627 = vector.broadcast %add3A_626 : i32 to vector<64x8xi32>
      %add3A_628 = arith.addi %mul3A_625, %add3A_627 : vector<64x8xi32>
      %eq3A_629 = arith.cmpi eq, %iota3A_499, %add3A_628 : vector<64x8xi32>
      %convert_element_type3A_630 = arith.extui %eq3A_629 : vector<64x8xi1> to vector<64x8xi32>
      %convert_element_type3A_631 = arith.sitofp %convert_element_type3A_630 : vector<64x8xi32> to vector<64x8xf32>
      %dot_general3A_632 = arith.constant dense<0.000000e+00> : vector<64x256xf32>
      %dot_general3A_633 = tpu.matmul %convert_element_type3A_631, %dot_general3A_622, %dot_general3A_632 {dimension_numbers = #tpu.dot_dimension_numbers<[1], [0], [0], [1], [0, 0, 1, 1], [], []>, precision = #tpu.contract_precision<fp32>, transpose_lhs_hint = false} : vector<64x8xf32>, vector<8x256xf32>, vector<64x256xf32> -> vector<64x256xf32>
      %add3A_634 = arith.addf %add3A_615, %dot_general3A_633 : vector<64x256xf32>
      %slice3A_635 = vector.extract_strided_slice %add3A_482 {offsets = [0, 7], sizes = [8, 1], strides = [1, 1]} : vector<8x8xi32> to vector<8x1xi32>
      %eq3A_636 = vector.broadcast %slice3A_635 : vector<8x1xi32> to vector<8x64xi32>
      %eq3A_637 = arith.cmpi eq, %eq3A_636, %iota3A_498 : vector<8x64xi32>
      %convert_element_type3A_638 = arith.extui %eq3A_637 : vector<8x64xi1> to vector<8x64xi32>
      %convert_element_type3A_639 = arith.sitofp %convert_element_type3A_638 : vector<8x64xi32> to vector<8x64xf32>
      %dot_general3A_640 = arith.constant dense<0.000000e+00> : vector<8x256xf32>
      %dot_general3A_641 = tpu.matmul %convert_element_type3A_639, %get3A_497, %dot_general3A_640 {dimension_numbers = #tpu.dot_dimension_numbers<[1], [0], [0], [1], [0, 0, 1, 1], [], []>, precision = #tpu.contract_precision<fp32>, transpose_lhs_hint = false} : vector<8x64xf32>, vector<64x256xf32>, vector<8x256xf32> -> vector<8x256xf32>
      %mul3A_642 = arith.constant 8 : i32
      %mul3A_643 = vector.broadcast %mul3A_642 : i32 to vector<64x8xi32>
      %mul3A_644 = arith.muli %iota3A_500, %mul3A_643 : vector<64x8xi32>
      %add3A_645 = arith.constant 7 : i32
      %add3A_646 = vector.broadcast %add3A_645 : i32 to vector<64x8xi32>
      %add3A_647 = arith.addi %mul3A_644, %add3A_646 : vector<64x8xi32>
      %eq3A_648 = arith.cmpi eq, %iota3A_499, %add3A_647 : vector<64x8xi32>
      %convert_element_type3A_649 = arith.extui %eq3A_648 : vector<64x8xi1> to vector<64x8xi32>
      %convert_element_type3A_650 = arith.sitofp %convert_element_type3A_649 : vector<64x8xi32> to vector<64x8xf32>
      %dot_general3A_651 = arith.constant dense<0.000000e+00> : vector<64x256xf32>
      %dot_general3A_652 = tpu.matmul %convert_element_type3A_650, %dot_general3A_641, %dot_general3A_651 {dimension_numbers = #tpu.dot_dimension_numbers<[1], [0], [0], [1], [0, 0, 1, 1], [], []>, precision = #tpu.contract_precision<fp32>, transpose_lhs_hint = false} : vector<64x8xf32>, vector<8x256xf32>, vector<64x256xf32> -> vector<64x256xf32>
      %add3A_653 = arith.addf %add3A_634, %dot_general3A_652 : vector<64x256xf32>
      %swap3A_654 = arith.constant 0 : index
      %swap3A_655 = arith.constant 0 : index
      %swap3A_656 = vector.load %arg13[%swap3A_654, %swap3A_655] : memref<64x256xf32, #tpu.memory_space<vmem>>, vector<64x256xf32>
      tpu.vector_store %arg13[%swap3A_654, %swap3A_655], %add3A_653 {strides = array<i32>} : memref<64x256xf32, #tpu.memory_space<vmem>>, vector<64x256xf32>,
    } else {
    }
    return
  }
  func.func @transform_0(%arg0: i32, %arg1: i32) -> (i32, i32) {
    %c0_i32 = arith.constant 0 : i32
    %c0_i32_0 = arith.constant 0 : i32
    %c0_i32_1 = arith.constant 0 : i32
    return %c0_i32, %c0_i32_0 : i32, i32
  }
  func.func @transform_1(%arg0: i32, %arg1: i32) -> (i32, i32) {
    %c0_i32 = arith.constant 0 : i32
    %c0_i32_0 = arith.constant 0 : i32
    %c0_i32_1 = arith.constant 0 : i32
    return %c0_i32, %c0_i32_0 : i32, i32
  }
  func.func @transform_2(%arg0: i32, %arg1: i32) -> (i32, i32) {
    %c0_i32 = arith.constant 0 : i32
    %c0_i32_0 = arith.constant 0 : i32
    %c0_i32_1 = arith.constant 0 : i32
    return %c0_i32, %c0_i32_0 : i32, i32
  }
  func.func @transform_3(%arg0: i32, %arg1: i32) -> (i32, i32) {
    %c0_i32 = arith.constant 0 : i32
    %c0_i32_0 = arith.constant 0 : i32
    %c0_i32_1 = arith.constant 0 : i32
    return %c0_i32, %c0_i32_0 : i32, i32
  }
  func.func @transform_4(%arg0: i32, %arg1: i32) -> (i32, i32) {
    %c0_i32 = arith.constant 0 : i32
    %c0_i32_0 = arith.constant 0 : i32
    %c0_i32_1 = arith.constant 0 : i32
    return %c0_i32, %c0_i32_0 : i32, i32
  }
  func.func @transform_5(%arg0: i32, %arg1: i32) -> (i32, i32) {
    %c0_i32 = arith.constant 0 : i32
    %c0_i32_0 = arith.constant 0 : i32
    %c0_i32_1 = arith.constant 0 : i32
    return %c0_i32, %c0_i32_0 : i32, i32
  }
  func.func @transform_6(%arg0: i32, %arg1: i32) -> (i32, i32) {
    %c0_i32 = arith.constant 0 : i32
    %c0_i32_0 = arith.constant 0 : i32
    %c0_i32_1 = arith.constant 0 : i32
    return %c0_i32, %c0_i32_0 : i32, i32
  }
  func.func @transform_7(%arg0: i32, %arg1: i32) -> (i32, i32) {
    %c0_i32 = arith.constant 0 : i32
    %c0_i32_0 = arith.constant 0 : i32
    %c0_i32_1 = arith.constant 0 : i32
    return %c0_i32, %c0_i32_0 : i32, i32
  }
  func.func @transform_8(%arg0: i32, %arg1: i32) -> (i32, i32) {
    %eq3A = arith.constant 0 : i32
    %eq3A_0 = arith.cmpi eq, %arg0, %eq3A : i32
    %jit3A = arith.constant 0 : i32
    %select_n3A = arith.select %eq3A_0, %arg1, %jit3A : i32
    %c0_i32 = arith.constant 0 : i32
    %c0_i32_1 = arith.constant 0 : i32
    return %c0_i32, %select_n3A : i32, i32
  }
  func.func @transform_9(%arg0: i32, %arg1: i32) -> (i32, i32) {
    %eq3A = arith.constant 0 : i32
    %eq3A_0 = arith.cmpi eq, %arg0, %eq3A : i32
    %jit3A = arith.constant 0 : i32
    %select_n3A = arith.select %eq3A_0, %arg1, %jit3A : i32
    %c0_i32 = arith.constant 0 : i32
    %c0_i32_1 = arith.constant 0 : i32
    return %c0_i32, %select_n3A : i32, i32
  }
  func.func @transform_10(%arg0: i32, %arg1: i32) -> (i32, i32) {
    %eq3A = arith.constant 1 : i32
    %eq3A_0 = arith.cmpi eq, %arg0, %eq3A : i32
    %jit3A = arith.constant 0 : i32
    %select_n3A = arith.select %eq3A_0, %arg1, %jit3A : i32
    %c0_i32 = arith.constant 0 : i32
    %c0_i32_1 = arith.constant 0 : i32
    return %c0_i32, %select_n3A : i32, i32
  }
  func.func @transform_11(%arg0: i32, %arg1: i32) -> (i32, i32) {
    %c0_i32 = arith.constant 0 : i32
    %c0_i32_0 = arith.constant 0 : i32
    %c0_i32_1 = arith.constant 0 : i32
    return %c0_i32, %c0_i32_0 : i32, i32
  }
  func.func @transform_12(%arg0: i32, %arg1: i32) -> (i32, i32) {
    %c0_i32 = arith.constant 0 : i32
    %c0_i32_0 = arith.constant 0 : i32
    %c0_i32_1 = arith.constant 0 : i32
    return %c0_i32, %c0_i32_0 : i32, i32
  }
  func.func @transform_13(%arg0: i32, %arg1: i32) -> (i32, i32) {
    %c0_i32 = arith.constant 0 : i32
    %c0_i32_0 = arith.constant 0 : i32
    %c0_i32_1 = arith.constant 0 : i32
    return %c0_i32, %c0_i32_0 : i32, i32
  }
  func.func @transform_14(%arg0: i32, %arg1: i32) -> (i32, i32) {
    %c0_i32 = arith.constant 0 : i32
    %c0_i32_0 = arith.constant 0 : i32
    %c0_i32_1 = arith.constant 0 : i32
    return %c0_i32, %c0_i32_0 : i32, i32
  }
  func.func @transform_15(%arg0: i32, %arg1: i32) -> (i32, i32) {
    %c0_i32 = arith.constant 0 : i32
    %c0_i32_0 = arith.constant 0 : i32
    %c0_i32_1 = arith.constant 0 : i32
    return %c0_i32, %c0_i32_0 : i32, i32
  }
}

module attributes {stable_mosaic.version = 14 : i64} {
  func.func @_step_body(%arg0: i32, %arg1: i32, %arg2: memref<64x256xf32, #tpu.memory_space<vmem>>, %arg3: memref<64x256xf32, #tpu.memory_space<vmem>>, %arg4: memref<64x1xf32, #tpu.memory_space<vmem>>, %arg5: memref<64x1xi32, #tpu.memory_space<vmem>>, %arg6: memref<256x768xbf16, #tpu.memory_space<vmem>>, %arg7: memref<256x768xbf16, #tpu.memory_space<vmem>>, %arg8: memref<1x768xf32, #tpu.memory_space<vmem>>, %arg9: memref<1x768xf32, #tpu.memory_space<vmem>>, %arg10: memref<256x4096xbf16, #tpu.memory_space<vmem>>, %arg11: memref<1x4096xf32, #tpu.memory_space<vmem>>, %arg12: memref<8x4096xf32, #tpu.memory_space<vmem>>, %arg13: memref<64x256xf32, #tpu.memory_space<vmem>>, %arg14: memref<8x8xf32, #tpu.memory_space<vmem>>, %arg15: memref<8x8xi32, #tpu.memory_space<vmem>>, %arg16: memref<8x8xi32, #tpu.memory_space<vmem>>, %arg17: memref<64x2xf32, #tpu.memory_space<vmem>>, %arg18: memref<64x256xf32, #tpu.memory_space<vmem>>, %arg19: memref<64x1xf32, #tpu.memory_space<vmem>>, %arg20: memref<64x8xf32, #tpu.memory_space<vmem>>, %arg21: memref<64x8xi32, #tpu.memory_space<vmem>>, %arg22: memref<64x102400xf32, #tpu.memory_space<vmem>>, %arg23: memref<64x128xf32, #tpu.memory_space<vmem>>, %arg24: memref<64x4096xf32, #tpu.memory_space<vmem>>) attributes {dimension_semantics = [#tpu.dimension_semantics<arbitrary>, #tpu.dimension_semantics<arbitrary>], iteration_bounds = array<i64: 2, 25>, scalar_prefetch = 0 : i64, scratch_operands = 7 : i64, tpu.core_type = #tpu.core_type<tc>, window_params = [{pipeline_mode = #tpu.pipeline_mode<synchronous>, transform_indices = @transform_0, window_bounds = array<i64: 64, 256>}, {pipeline_mode = #tpu.pipeline_mode<synchronous>, transform_indices = @transform_1, window_bounds = array<i64: 64, 256>}, {pipeline_mode = #tpu.pipeline_mode<synchronous>, transform_indices = @transform_2, window_bounds = array<i64: 64, 1>}, {pipeline_mode = #tpu.pipeline_mode<synchronous>, transform_indices = @transform_3, window_bounds = array<i64: 64, 1>}, {pipeline_mode = #tpu.pipeline_mode<synchronous>, transform_indices = @transform_4, window_bounds = array<i64: 256, 768>}, {pipeline_mode = #tpu.pipeline_mode<synchronous>, transform_indices = @transform_5, window_bounds = array<i64: 256, 768>}, {pipeline_mode = #tpu.pipeline_mode<synchronous>, transform_indices = @transform_6, window_bounds = array<i64: 1, 768>}, {pipeline_mode = #tpu.pipeline_mode<synchronous>, transform_indices = @transform_7, window_bounds = array<i64: 1, 768>}, {transform_indices = @transform_8, window_bounds = array<i64: 256, 4096>}, {transform_indices = @transform_9, window_bounds = array<i64: 1, 4096>}, {transform_indices = @transform_10, window_bounds = array<i64: 8, 4096>}, {pipeline_mode = #tpu.pipeline_mode<synchronous>, transform_indices = @transform_11, window_bounds = array<i64: 64, 256>}, {pipeline_mode = #tpu.pipeline_mode<synchronous>, transform_indices = @transform_12, window_bounds = array<i64: 8, 8>}, {pipeline_mode = #tpu.pipeline_mode<synchronous>, transform_indices = @transform_13, window_bounds = array<i64: 8, 8>}, {pipeline_mode = #tpu.pipeline_mode<synchronous>, transform_indices = @transform_14, window_bounds = array<i64: 8, 8>}, {pipeline_mode = #tpu.pipeline_mode<synchronous>, transform_indices = @transform_15, window_bounds = array<i64: 64, 2>}]} {
    %eq3A = arith.constant 0 : i32
    %eq3A_0 = arith.cmpi eq, %arg0, %eq3A : i32
    %eq3A_1 = arith.constant 0 : i32
    %eq3A_2 = arith.cmpi eq, %arg1, %eq3A_1 : i32
    %and3A = arith.andi %eq3A_0, %eq3A_2 : i1
    %convert_element_type3A = arith.extui %and3A : i1 to i32
    %cond3A = arith.constant 0 : i32
    %cond3A_3 = arith.cmpi ne, %convert_element_type3A, %cond3A : i32
    scf.if %cond3A_3 {
      %get3A = arith.constant 0 : index
      %get3A_22 = arith.constant 0 : index
      %get3A_23 = vector.load %arg2[%get3A, %get3A_22] : memref<64x256xf32, #tpu.memory_space<vmem>>, vector<64x256xf32>
      %convert_element_type3A_24 = arith.truncf %get3A_23 : vector<64x256xf32> to vector<64x256xbf16>
      %get3A_25 = arith.constant 0 : index
      %get3A_26 = arith.constant 0 : index
      %get3A_27 = vector.load %arg3[%get3A_25, %get3A_26] : memref<64x256xf32, #tpu.memory_space<vmem>>, vector<64x256xf32>
      %get3A_28 = arith.constant 0 : index
      %get3A_29 = arith.constant 0 : index
      %get3A_30 = vector.load %arg6[%get3A_28, %get3A_29] : memref<256x768xbf16, #tpu.memory_space<vmem>>, vector<256x768xbf16>
      %dot_general3A = arith.constant dense<0.000000e+00> : vector<64x768xf32>
      %dot_general3A_31 = tpu.matmul %convert_element_type3A_24, %get3A_30, %dot_general3A {dimension_numbers = #tpu.dot_dimension_numbers<[1], [0], [0], [1], [0, 0, 1, 1], [], []>, transpose_lhs_hint = false} : vector<64x256xbf16>, vector<256x768xbf16>, vector<64x768xf32> -> vector<64x768xf32>
      %get3A_32 = arith.constant 0 : index
      %get3A_33 = arith.constant 0 : index
      %get3A_34 = vector.load %arg8[%get3A_32, %get3A_33] : memref<1x768xf32, #tpu.memory_space<vmem>>, vector<1x768xf32>
      %add3A = vector.broadcast %get3A_34 : vector<1x768xf32> to vector<64x768xf32>
      %add3A_35 = arith.addf %dot_general3A_31, %add3A : vector<64x768xf32>
      %convert_element_type3A_36 = arith.truncf %get3A_27 : vector<64x256xf32> to vector<64x256xbf16>
      %get3A_37 = arith.constant 0 : index
      %get3A_38 = arith.constant 0 : index
      %get3A_39 = vector.load %arg7[%get3A_37, %get3A_38] : memref<256x768xbf16, #tpu.memory_space<vmem>>, vector<256x768xbf16>
      %dot_general3A_40 = arith.constant dense<0.000000e+00> : vector<64x768xf32>
      %dot_general3A_41 = tpu.matmul %convert_element_type3A_36, %get3A_39, %dot_general3A_40 {dimension_numbers = #tpu.dot_dimension_numbers<[1], [0], [0], [1], [0, 0, 1, 1], [], []>, transpose_lhs_hint = false} : vector<64x256xbf16>, vector<256x768xbf16>, vector<64x768xf32> -> vector<64x768xf32>
      %get3A_42 = arith.constant 0 : index
      %get3A_43 = arith.constant 0 : index
      %get3A_44 = vector.load %arg9[%get3A_42, %get3A_43] : memref<1x768xf32, #tpu.memory_space<vmem>>, vector<1x768xf32>
      %add3A_45 = vector.broadcast %get3A_44 : vector<1x768xf32> to vector<64x768xf32>
      %add3A_46 = arith.addf %dot_general3A_41, %add3A_45 : vector<64x768xf32>
      %slice3A = vector.extract_strided_slice %add3A_35 {offsets = [0, 0], sizes = [64, 256], strides = [1, 1]} : vector<64x768xf32> to vector<64x256xf32>
      %slice3A_47 = vector.extract_strided_slice %add3A_46 {offsets = [0, 0], sizes = [64, 256], strides = [1, 1]} : vector<64x768xf32> to vector<64x256xf32>
      %add3A_48 = arith.addf %slice3A, %slice3A_47 : vector<64x256xf32>
      %logistic3A = arith.negf %add3A_48 : vector<64x256xf32>
      %logistic3A_49 = math.exp %logistic3A : vector<64x256xf32>
      %logistic3A_50 = arith.constant 1.000000e+00 : f32
      %logistic3A_51 = vector.broadcast %logistic3A_50 : f32 to vector<64x256xf32>
      %logistic3A_52 = arith.addf %logistic3A_51, %logistic3A_49 : vector<64x256xf32>
      %logistic3A_53 = arith.divf %logistic3A_51, %logistic3A_52 : vector<64x256xf32>
      %slice3A_54 = vector.extract_strided_slice %add3A_35 {offsets = [0, 256], sizes = [64, 256], strides = [1, 1]} : vector<64x768xf32> to vector<64x256xf32>
      %slice3A_55 = vector.extract_strided_slice %add3A_46 {offsets = [0, 256], sizes = [64, 256], strides = [1, 1]} : vector<64x768xf32> to vector<64x256xf32>
      %add3A_56 = arith.addf %slice3A_54, %slice3A_55 : vector<64x256xf32>
      %logistic3A_57 = arith.negf %add3A_56 : vector<64x256xf32>
      %logistic3A_58 = math.exp %logistic3A_57 : vector<64x256xf32>
      %logistic3A_59 = arith.constant 1.000000e+00 : f32
      %logistic3A_60 = vector.broadcast %logistic3A_59 : f32 to vector<64x256xf32>
      %logistic3A_61 = arith.addf %logistic3A_60, %logistic3A_58 : vector<64x256xf32>
      %logistic3A_62 = arith.divf %logistic3A_60, %logistic3A_61 : vector<64x256xf32>
      %slice3A_63 = vector.extract_strided_slice %add3A_35 {offsets = [0, 512], sizes = [64, 256], strides = [1, 1]} : vector<64x768xf32> to vector<64x256xf32>
      %slice3A_64 = vector.extract_strided_slice %add3A_46 {offsets = [0, 512], sizes = [64, 256], strides = [1, 1]} : vector<64x768xf32> to vector<64x256xf32>
      %mul3A = arith.mulf %logistic3A_53, %slice3A_64 : vector<64x256xf32>
      %add3A_65 = arith.addf %slice3A_63, %mul3A : vector<64x256xf32>
      %tanh3A = math.tanh %add3A_65 : vector<64x256xf32>
      %sub3A = arith.constant 1.000000e+00 : f32
      %sub3A_66 = vector.broadcast %sub3A : f32 to vector<64x256xf32>
      %sub3A_67 = arith.subf %sub3A_66, %logistic3A_62 : vector<64x256xf32>
      %mul3A_68 = arith.mulf %sub3A_67, %tanh3A : vector<64x256xf32>
      %mul3A_69 = arith.mulf %logistic3A_62, %get3A_27 : vector<64x256xf32>
      %add3A_70 = arith.addf %mul3A_68, %mul3A_69 : vector<64x256xf32>
      %swap3A = arith.constant 0 : index
      %swap3A_71 = arith.constant 0 : index
      %swap3A_72 = vector.load %arg18[%swap3A, %swap3A_71] : memref<64x256xf32, #tpu.memory_space<vmem>>, vector<64x256xf32>
      tpu.vector_store %arg18[%swap3A, %swap3A_71], %add3A_70 {strides = array<i32>} : memref<64x256xf32, #tpu.memory_space<vmem>>, vector<64x256xf32>,
      %broadcast_in_dim3A = arith.constant -1.000000e+30 : f32
      %broadcast_in_dim3A_73 = vector.broadcast %broadcast_in_dim3A : f32 to vector<64x1xf32>
      %swap3A_74 = arith.constant 0 : index
      %swap3A_75 = arith.constant 0 : index
      %swap3A_76 = vector.load %arg19[%swap3A_74, %swap3A_75] : memref<64x1xf32, #tpu.memory_space<vmem>>, vector<64x1xf32>
      tpu.vector_store %arg19[%swap3A_74, %swap3A_75], %broadcast_in_dim3A_73 {strides = array<i32>} : memref<64x1xf32, #tpu.memory_space<vmem>>, vector<64x1xf32>,
      %broadcast_in_dim3A_77 = arith.constant 0.000000e+00 : f32
      %broadcast_in_dim3A_78 = vector.broadcast %broadcast_in_dim3A_77 : f32 to vector<64x128xf32>
      %swap3A_79 = arith.constant 0 : index
      %swap3A_80 = arith.constant 0 : index
      %swap3A_81 = vector.load %arg23[%swap3A_79, %swap3A_80] : memref<64x128xf32, #tpu.memory_space<vmem>>, vector<64x128xf32>
      tpu.vector_store %arg23[%swap3A_79, %swap3A_80], %broadcast_in_dim3A_78 {strides = array<i32>} : memref<64x128xf32, #tpu.memory_space<vmem>>, vector<64x128xf32>,
      %broadcast_in_dim3A_82 = arith.constant -1.000000e+30 : f32
      %broadcast_in_dim3A_83 = vector.broadcast %broadcast_in_dim3A_82 : f32 to vector<64x8xf32>
      %swap3A_84 = arith.constant 0 : index
      %swap3A_85 = arith.constant 0 : index
      %swap3A_86 = vector.load %arg20[%swap3A_84, %swap3A_85] : memref<64x8xf32, #tpu.memory_space<vmem>>, vector<64x8xf32>
      tpu.vector_store %arg20[%swap3A_84, %swap3A_85], %broadcast_in_dim3A_83 {strides = array<i32>} : memref<64x8xf32, #tpu.memory_space<vmem>>, vector<64x8xf32>,
      %broadcast_in_dim3A_87 = arith.constant 0 : i32
      %broadcast_in_dim3A_88 = vector.broadcast %broadcast_in_dim3A_87 : i32 to vector<64x8xi32>
      %swap3A_89 = arith.constant 0 : index
      %swap3A_90 = arith.constant 0 : index
      %swap3A_91 = vector.load %arg21[%swap3A_89, %swap3A_90] : memref<64x8xi32, #tpu.memory_space<vmem>>, vector<64x8xi32>
      tpu.vector_store %arg21[%swap3A_89, %swap3A_90], %broadcast_in_dim3A_88 {strides = array<i32>} : memref<64x8xi32, #tpu.memory_space<vmem>>, vector<64x8xi32>,
    } else {
    }
    %eq3A_4 = arith.constant 0 : i32
    %eq3A_5 = arith.cmpi eq, %arg0, %eq3A_4 : i32
    %convert_element_type3A_6 = arith.extui %eq3A_5 : i1 to i32
    %cond3A_7 = arith.constant 0 : i32
    %cond3A_8 = arith.cmpi ne, %convert_element_type3A_6, %cond3A_7 : i32
    scf.if %cond3A_8 {
      %get3A = arith.constant 0 : index
      %get3A_22 = arith.constant 0 : index
      %get3A_23 = vector.load %arg18[%get3A, %get3A_22] : memref<64x256xf32, #tpu.memory_space<vmem>>, vector<64x256xf32>
      %convert_element_type3A_24 = arith.truncf %get3A_23 : vector<64x256xf32> to vector<64x256xbf16>
      %get3A_25 = arith.constant 0 : index
      %get3A_26 = arith.constant 0 : index
      %get3A_27 = vector.load %arg10[%get3A_25, %get3A_26] : memref<256x4096xbf16, #tpu.memory_space<vmem>>, vector<256x4096xbf16>
      %dot_general3A = arith.constant dense<0.000000e+00> : vector<64x4096xf32>
      %dot_general3A_28 = tpu.matmul %convert_element_type3A_24, %get3A_27, %dot_general3A {dimension_numbers = #tpu.dot_dimension_numbers<[1], [0], [0], [1], [0, 0, 1, 1], [], []>, transpose_lhs_hint = false} : vector<64x256xbf16>, vector<256x4096xbf16>, vector<64x4096xf32> -> vector<64x4096xf32>
      %get3A_29 = arith.constant 0 : index
      %get3A_30 = arith.constant 0 : index
      %get3A_31 = vector.load %arg11[%get3A_29, %get3A_30] : memref<1x4096xf32, #tpu.memory_space<vmem>>, vector<1x4096xf32>
      %add3A = vector.broadcast %get3A_31 : vector<1x4096xf32> to vector<64x4096xf32>
      %add3A_32 = arith.addf %dot_general3A_28, %add3A : vector<64x4096xf32>
      %iota3A = tpu.iota {dimensions = array<i32: 1>} : vector<64x4096xi32>
      %mul3A = arith.constant 4096 : i32
      %mul3A_33 = arith.muli %arg1, %mul3A : i32
      %add3A_34 = vector.broadcast %mul3A_33 : i32 to vector<64x4096xi32>
      %add3A_35 = arith.addi %iota3A, %add3A_34 : vector<64x4096xi32>
      %lt3A = arith.constant 100000 : i32
      %lt3A_36 = vector.broadcast %lt3A : i32 to vector<64x4096xi32>
      %lt3A_37 = arith.cmpi slt, %add3A_35, %lt3A_36 : vector<64x4096xi32>
      %jit3A = arith.constant -1.000000e+30 : f32
      %broadcast_in_dim3A = vector.broadcast %jit3A : f32 to vector<64x4096xf32>
      %select_n3A = arith.select %lt3A_37, %add3A_32, %broadcast_in_dim3A : vector<64x4096xi1>, vector<64x4096xf32>
      %mul3A_38 = arith.constant 4096 : i32
      %mul3A_39 = arith.muli %arg1, %mul3A_38 : i32
      %swap3A = arith.constant 0 : index
      %swap3A_40 = arith.index_cast %mul3A_39 : i32 to index
      %swap3A_41 = vector.load %arg22[%swap3A, %swap3A_40] : memref<64x102400xf32, #tpu.memory_space<vmem>>, vector<64x4096xf32>
      tpu.vector_store %arg22[%swap3A, %swap3A_40], %select_n3A {strides = array<i32>} : memref<64x102400xf32, #tpu.memory_space<vmem>>, vector<64x4096xf32>,
      %get3A_42 = arith.constant 0 : index
      %get3A_43 = arith.constant 0 : index
      %get3A_44 = vector.load %arg19[%get3A_42, %get3A_43] : memref<64x1xf32, #tpu.memory_space<vmem>>, vector<64x1xf32>
      %reduce_max3A = arith.constant dense<0xFF800000> : vector<64xf32>
      %reduce_max3A_45 = vector.multi_reduction <maximumf>, %select_n3A, %reduce_max3A [1] : vector<64x4096xf32> to vector<64xf32>
      %broadcast_in_dim3A_46 = vector.shape_cast %reduce_max3A_45 : vector<64xf32> to vector<64x1xf32>
      %max3A = arith.maximumf %get3A_44, %broadcast_in_dim3A_46 : vector<64x1xf32>
      %swap3A_47 = arith.constant 0 : index
      %swap3A_48 = arith.constant 0 : index
      %swap3A_49 = vector.load %arg19[%swap3A_47, %swap3A_48] : memref<64x1xf32, #tpu.memory_space<vmem>>, vector<64x1xf32>
      tpu.vector_store %arg19[%swap3A_47, %swap3A_48], %max3A {strides = array<i32>} : memref<64x1xf32, #tpu.memory_space<vmem>>, vector<64x1xf32>,
      %get3A_50 = arith.constant 0 : index
      %get3A_51 = arith.constant 7 : index
      %get3A_52 = vector.load %arg20[%get3A_50, %get3A_51] : memref<64x8xf32, #tpu.memory_space<vmem>>, vector<64x1xf32>
      %ge3A = vector.broadcast %get3A_52 : vector<64x1xf32> to vector<64x4096xf32>
      %ge3A_53 = arith.cmpf oge, %select_n3A, %ge3A : vector<64x4096xf32>
      %jit3A_54 = arith.constant 1.000000e+00 : f32
      %jit3A_55 = arith.constant 0.000000e+00 : f32
      %broadcast_in_dim3A_56 = vector.broadcast %jit3A_54 : f32 to vector<64x4096xf32>
      %broadcast_in_dim3A_57 = vector.broadcast %jit3A_55 : f32 to vector<64x4096xf32>
      %select_n3A_58 = arith.select %ge3A_53, %broadcast_in_dim3A_56, %broadcast_in_dim3A_57 : vector<64x4096xi1>, vector<64x4096xf32>
      %reduce_sum3A = arith.constant dense<0.000000e+00> : vector<64xf32>
      %reduce_sum3A_59 = vector.multi_reduction <add>, %select_n3A_58, %reduce_sum3A [1] : vector<64x4096xf32> to vector<64xf32>
      %broadcast_in_dim3A_60 = vector.shape_cast %reduce_sum3A_59 : vector<64xf32> to vector<64x1xf32>
      %reduce_max3A_61 = vector.shape_cast %broadcast_in_dim3A_60 : vector<64x1xf32> to vector<1x64x1xf32>
      %reduce_max3A_62 = arith.constant dense<0xFF800000> : vector<1xf32>
      %reduce_max3A_63 = vector.multi_reduction <maximumf>, %reduce_max3A_61, %reduce_max3A_62 [1, 2] : vector<1x64x1xf32> to vector<1xf32>
      %reduce_max3A_64 = vector.shape_cast %reduce_max3A_63 : vector<1xf32> to vector<1x1x1xf32>
      %reduce_max3A_65 = vector.extract %reduce_max3A_64[0, 0, 0] : f32 from vector<1x1x1xf32>
      %swap3A_66 = arith.constant 0 : index
      %swap3A_67 = arith.constant 0 : index
      %swap3A_68 = vector.load %arg24[%swap3A_66, %swap3A_67] : memref<64x4096xf32, #tpu.memory_space<vmem>>, vector<64x4096xf32>
      tpu.vector_store %arg24[%swap3A_66, %swap3A_67], %select_n3A {strides = array<i32>} : memref<64x4096xf32, #tpu.memory_space<vmem>>, vector<64x4096xf32>,
      %gt3A = arith.constant 0.000000e+00 : f32
      %gt3A_69 = arith.cmpf ogt, %reduce_max3A_65, %gt3A : f32
      %convert_element_type3A_70 = arith.extui %gt3A_69 : i1 to i32
      %cond3A_71 = arith.constant 0 : i32
      %cond3A_72 = arith.cmpi ne, %convert_element_type3A_70, %cond3A_71 : i32
      scf.if %cond3A_72 {
        %get3A_108 = arith.constant 0 : index
        %get3A_109 = arith.constant 0 : index
        %get3A_110 = vector.load %arg24[%get3A_108, %get3A_109] : memref<64x4096xf32, #tpu.memory_space<vmem>>, vector<64x4096xf32>
        %reduce_max3A_111 = arith.constant dense<0xFF800000> : vector<64xf32>
        %reduce_max3A_112 = vector.multi_reduction <maximumf>, %get3A_110, %reduce_max3A_111 [1] : vector<64x4096xf32> to vector<64xf32>
        %broadcast_in_dim3A_113 = vector.shape_cast %reduce_max3A_112 : vector<64xf32> to vector<64x1xf32>
        %eq3A_114 = vector.broadcast %broadcast_in_dim3A_113 : vector<64x1xf32> to vector<64x4096xf32>
        %eq3A_115 = arith.cmpf oeq, %get3A_110, %eq3A_114 : vector<64x4096xf32>
        %jit3A_116 = arith.constant 1073741824 : i32
        %broadcast_in_dim3A_117 = vector.broadcast %jit3A_116 : i32 to vector<64x4096xi32>
        %select_n3A_118 = arith.select %eq3A_115, %add3A_35, %broadcast_in_dim3A_117 : vector<64x4096xi1>, vector<64x4096xi32>
        %reduce_min3A = arith.constant dense<2147483647> : vector<64xi32>
        %reduce_min3A_119 = vector.multi_reduction <minsi>, %select_n3A_118, %reduce_min3A [1] : vector<64x4096xi32> to vector<64xi32>
        %broadcast_in_dim3A_120 = vector.shape_cast %reduce_min3A_119 : vector<64xi32> to vector<64x1xi32>
        %eq3A_121 = vector.broadcast %broadcast_in_dim3A_113 : vector<64x1xf32> to vector<64x4096xf32>
        %eq3A_122 = arith.cmpf oeq, %get3A_110, %eq3A_121 : vector<64x4096xf32>
        %eq3A_123 = vector.broadcast %broadcast_in_dim3A_120 : vector<64x1xi32> to vector<64x4096xi32>
        %eq3A_124 = arith.cmpi eq, %add3A_35, %eq3A_123 : vector<64x4096xi32>
        %and3A_125 = arith.andi %eq3A_122, %eq3A_124 : vector<64x4096xi1>
        %jit3A_126 = arith.constant -1.000000e+30 : f32
        %broadcast_in_dim3A_127 = vector.broadcast %jit3A_126 : f32 to vector<64x4096xf32>
        %select_n3A_128 = arith.select %and3A_125, %broadcast_in_dim3A_127, %get3A_110 : vector<64x4096xi1>, vector<64x4096xf32>
        %swap3A_129 = arith.constant 0 : index
        %swap3A_130 = arith.constant 0 : index
        %swap3A_131 = vector.load %arg24[%swap3A_129, %swap3A_130] : memref<64x4096xf32, #tpu.memory_space<vmem>>, vector<64x4096xf32>
        tpu.vector_store %arg24[%swap3A_129, %swap3A_130], %select_n3A_128 {strides = array<i32>} : memref<64x4096xf32, #tpu.memory_space<vmem>>, vector<64x4096xf32>,
        %get3A_132 = arith.constant 0 : index
        %get3A_133 = arith.constant 0 : index
        %get3A_134 = vector.load %arg20[%get3A_132, %get3A_133] : memref<64x8xf32, #tpu.memory_space<vmem>>, vector<64x8xf32>
        %get3A_135 = arith.constant 0 : index
        %get3A_136 = arith.constant 0 : index
        %get3A_137 = vector.load %arg21[%get3A_135, %get3A_136] : memref<64x8xi32, #tpu.memory_space<vmem>>, vector<64x8xi32>
        %gt3A_138 = vector.broadcast %broadcast_in_dim3A_113 : vector<64x1xf32> to vector<64x8xf32>
        %gt3A_139 = arith.cmpf ogt, %get3A_134, %gt3A_138 : vector<64x8xf32>
        %eq3A_140 = vector.broadcast %broadcast_in_dim3A_113 : vector<64x1xf32> to vector<64x8xf32>
        %eq3A_141 = arith.cmpf oeq, %get3A_134, %eq3A_140 : vector<64x8xf32>
        %lt3A_142 = vector.broadcast %broadcast_in_dim3A_120 : vector<64x1xi32> to vector<64x8xi32>
        %lt3A_143 = arith.cmpi slt, %get3A_137, %lt3A_142 : vector<64x8xi32>
        %and3A_144 = arith.andi %eq3A_141, %lt3A_143 : vector<64x8xi1>
        %or3A = arith.ori %gt3A_139, %and3A_144 : vector<64x8xi1>
        %jit3A_145 = arith.constant 1.000000e+00 : f32
        %jit3A_146 = arith.constant 0.000000e+00 : f32
        %broadcast_in_dim3A_147 = vector.broadcast %jit3A_145 : f32 to vector<64x8xf32>
        %broadcast_in_dim3A_148 = vector.broadcast %jit3A_146 : f32 to vector<64x8xf32>
        %select_n3A_149 = arith.select %or3A, %broadcast_in_dim3A_147, %broadcast_in_dim3A_148 : vector<64x8xi1>, vector<64x8xf32>
        %broadcast_in_dim3A_150 = arith.constant 1.000000e+00 : f32
        %broadcast_in_dim3A_151 = vector.broadcast %broadcast_in_dim3A_150 : f32 to vector<64x1xf32>
        %slice3A = vector.extract_strided_slice %select_n3A_149 {offsets = [0, 0], sizes = [64, 7], strides = [1, 1]} : vector<64x8xf32> to vector<64x7xf32>
        %concatenate3A = tpu.concatenate %broadcast_in_dim3A_151, %slice3A in 1 : vector<64x1xf32>, vector<64x7xf32> -> vector<64x8xf32>
        %gt3A_152 = arith.constant 5.000000e-01 : f32
        %gt3A_153 = vector.broadcast %gt3A_152 : f32 to vector<64x8xf32>
        %gt3A_154 = arith.cmpf ogt, %concatenate3A, %gt3A_153 : vector<64x8xf32>
        %slice3A_155 = vector.extract_strided_slice %get3A_134 {offsets = [0, 0], sizes = [64, 1], strides = [1, 1]} : vector<64x8xf32> to vector<64x1xf32>
        %slice3A_156 = vector.extract_strided_slice %get3A_134 {offsets = [0, 0], sizes = [64, 7], strides = [1, 1]} : vector<64x8xf32> to vector<64x7xf32>
        %concatenate3A_157 = tpu.concatenate %slice3A_155, %slice3A_156 in 1 : vector<64x1xf32>, vector<64x7xf32> -> vector<64x8xf32>
        %slice3A_158 = vector.extract_strided_slice %get3A_137 {offsets = [0, 0], sizes = [64, 1], strides = [1, 1]} : vector<64x8xi32> to vector<64x1xi32>
        %slice3A_159 = vector.extract_strided_slice %get3A_137 {offsets = [0, 0], sizes = [64, 7], strides = [1, 1]} : vector<64x8xi32> to vector<64x7xi32>
        %concatenate3A_160 = tpu.concatenate %slice3A_158, %slice3A_159 in 1 : vector<64x1xi32>, vector<64x7xi32> -> vector<64x8xi32>
        %broadcast_in_dim3A_161 = vector.shape_cast %broadcast_in_dim3A_113 : vector<64x1xf32> to vector<64x1xf32>
        %broadcast_in_dim3A_162 = vector.broadcast %broadcast_in_dim3A_161 : vector<64x1xf32> to vector<64x8xf32>
        %broadcast_in_dim3A_163 = vector.shape_cast %broadcast_in_dim3A_120 : vector<64x1xi32> to vector<64x1xi32>
        %broadcast_in_dim3A_164 = vector.broadcast %broadcast_in_dim3A_163 : vector<64x1xi32> to vector<64x8xi32>
        %select_n3A_165 = arith.select %gt3A_154, %broadcast_in_dim3A_162, %concatenate3A_157 : vector<64x8xi1>, vector<64x8xf32>
        %select_n3A_166 = arith.select %or3A, %get3A_134, %select_n3A_165 : vector<64x8xi1>, vector<64x8xf32>
        %swap3A_167 = arith.constant 0 : index
        %swap3A_168 = arith.constant 0 : index
        %swap3A_169 = vector.load %arg20[%swap3A_167, %swap3A_168] : memref<64x8xf32, #tpu.memory_space<vmem>>, vector<64x8xf32>
        tpu.vector_store %arg20[%swap3A_167, %swap3A_168], %select_n3A_166 {strides = array<i32>} : memref<64x8xf32, #tpu.memory_space<vmem>>, vector<64x8xf32>,
        %select_n3A_170 = arith.select %gt3A_154, %broadcast_in_dim3A_164, %concatenate3A_160 : vector<64x8xi1>, vector<64x8xi32>
        %select_n3A_171 = arith.select %or3A, %get3A_137, %select_n3A_170 : vector<64x8xi1>, vector<64x8xi32>
        %swap3A_172 = arith.constant 0 : index
        %swap3A_173 = arith.constant 0 : index
        %swap3A_174 = vector.load %arg21[%swap3A_172, %swap3A_173] : memref<64x8xi32, #tpu.memory_space<vmem>>, vector<64x8xi32>
        tpu.vector_store %arg21[%swap3A_172, %swap3A_173], %select_n3A_171 {strides = array<i32>} : memref<64x8xi32, #tpu.memory_space<vmem>>, vector<64x8xi32>,
      } else {
      }
      %gt3A_73 = arith.constant 1.000000e+00 : f32
      %gt3A_74 = arith.cmpf ogt, %reduce_max3A_65, %gt3A_73 : f32
      %convert_element_type3A_75 = arith.extui %gt3A_74 : i1 to i32
      %cond3A_76 = arith.constant 0 : i32
      %cond3A_77 = arith.cmpi ne, %convert_element_type3A_75, %cond3A_76 : i32
      scf.if %cond3A_77 {
        %get3A_108 = arith.constant 0 : index
        %get3A_109 = arith.constant 0 : index
        %get3A_110 = vector.load %arg24[%get3A_108, %get3A_109] : memref<64x4096xf32, #tpu.memory_space<vmem>>, vector<64x4096xf32>
        %reduce_max3A_111 = arith.constant dense<0xFF800000> : vector<64xf32>
        %reduce_max3A_112 = vector.multi_reduction <maximumf>, %get3A_110, %reduce_max3A_111 [1] : vector<64x4096xf32> to vector<64xf32>
        %broadcast_in_dim3A_113 = vector.shape_cast %reduce_max3A_112 : vector<64xf32> to vector<64x1xf32>
        %eq3A_114 = vector.broadcast %broadcast_in_dim3A_113 : vector<64x1xf32> to vector<64x4096xf32>
        %eq3A_115 = arith.cmpf oeq, %get3A_110, %eq3A_114 : vector<64x4096xf32>
        %jit3A_116 = arith.constant 1073741824 : i32
        %broadcast_in_dim3A_117 = vector.broadcast %jit3A_116 : i32 to vector<64x4096xi32>
        %select_n3A_118 = arith.select %eq3A_115, %add3A_35, %broadcast_in_dim3A_117 : vector<64x4096xi1>, vector<64x4096xi32>
        %reduce_min3A = arith.constant dense<2147483647> : vector<64xi32>
        %reduce_min3A_119 = vector.multi_reduction <minsi>, %select_n3A_118, %reduce_min3A [1] : vector<64x4096xi32> to vector<64xi32>
        %broadcast_in_dim3A_120 = vector.shape_cast %reduce_min3A_119 : vector<64xi32> to vector<64x1xi32>
        %eq3A_121 = vector.broadcast %broadcast_in_dim3A_113 : vector<64x1xf32> to vector<64x4096xf32>
        %eq3A_122 = arith.cmpf oeq, %get3A_110, %eq3A_121 : vector<64x4096xf32>
        %eq3A_123 = vector.broadcast %broadcast_in_dim3A_120 : vector<64x1xi32> to vector<64x4096xi32>
        %eq3A_124 = arith.cmpi eq, %add3A_35, %eq3A_123 : vector<64x4096xi32>
        %and3A_125 = arith.andi %eq3A_122, %eq3A_124 : vector<64x4096xi1>
        %jit3A_126 = arith.constant -1.000000e+30 : f32
        %broadcast_in_dim3A_127 = vector.broadcast %jit3A_126 : f32 to vector<64x4096xf32>
        %select_n3A_128 = arith.select %and3A_125, %broadcast_in_dim3A_127, %get3A_110 : vector<64x4096xi1>, vector<64x4096xf32>
        %swap3A_129 = arith.constant 0 : index
        %swap3A_130 = arith.constant 0 : index
        %swap3A_131 = vector.load %arg24[%swap3A_129, %swap3A_130] : memref<64x4096xf32, #tpu.memory_space<vmem>>, vector<64x4096xf32>
        tpu.vector_store %arg24[%swap3A_129, %swap3A_130], %select_n3A_128 {strides = array<i32>} : memref<64x4096xf32, #tpu.memory_space<vmem>>, vector<64x4096xf32>,
        %get3A_132 = arith.constant 0 : index
        %get3A_133 = arith.constant 0 : index
        %get3A_134 = vector.load %arg20[%get3A_132, %get3A_133] : memref<64x8xf32, #tpu.memory_space<vmem>>, vector<64x8xf32>
        %get3A_135 = arith.constant 0 : index
        %get3A_136 = arith.constant 0 : index
        %get3A_137 = vector.load %arg21[%get3A_135, %get3A_136] : memref<64x8xi32, #tpu.memory_space<vmem>>, vector<64x8xi32>
        %gt3A_138 = vector.broadcast %broadcast_in_dim3A_113 : vector<64x1xf32> to vector<64x8xf32>
        %gt3A_139 = arith.cmpf ogt, %get3A_134, %gt3A_138 : vector<64x8xf32>
        %eq3A_140 = vector.broadcast %broadcast_in_dim3A_113 : vector<64x1xf32> to vector<64x8xf32>
        %eq3A_141 = arith.cmpf oeq, %get3A_134, %eq3A_140 : vector<64x8xf32>
        %lt3A_142 = vector.broadcast %broadcast_in_dim3A_120 : vector<64x1xi32> to vector<64x8xi32>
        %lt3A_143 = arith.cmpi slt, %get3A_137, %lt3A_142 : vector<64x8xi32>
        %and3A_144 = arith.andi %eq3A_141, %lt3A_143 : vector<64x8xi1>
        %or3A = arith.ori %gt3A_139, %and3A_144 : vector<64x8xi1>
        %jit3A_145 = arith.constant 1.000000e+00 : f32
        %jit3A_146 = arith.constant 0.000000e+00 : f32
        %broadcast_in_dim3A_147 = vector.broadcast %jit3A_145 : f32 to vector<64x8xf32>
        %broadcast_in_dim3A_148 = vector.broadcast %jit3A_146 : f32 to vector<64x8xf32>
        %select_n3A_149 = arith.select %or3A, %broadcast_in_dim3A_147, %broadcast_in_dim3A_148 : vector<64x8xi1>, vector<64x8xf32>
        %broadcast_in_dim3A_150 = arith.constant 1.000000e+00 : f32
        %broadcast_in_dim3A_151 = vector.broadcast %broadcast_in_dim3A_150 : f32 to vector<64x1xf32>
        %slice3A = vector.extract_strided_slice %select_n3A_149 {offsets = [0, 0], sizes = [64, 7], strides = [1, 1]} : vector<64x8xf32> to vector<64x7xf32>
        %concatenate3A = tpu.concatenate %broadcast_in_dim3A_151, %slice3A in 1 : vector<64x1xf32>, vector<64x7xf32> -> vector<64x8xf32>
        %gt3A_152 = arith.constant 5.000000e-01 : f32
        %gt3A_153 = vector.broadcast %gt3A_152 : f32 to vector<64x8xf32>
        %gt3A_154 = arith.cmpf ogt, %concatenate3A, %gt3A_153 : vector<64x8xf32>
        %slice3A_155 = vector.extract_strided_slice %get3A_134 {offsets = [0, 0], sizes = [64, 1], strides = [1, 1]} : vector<64x8xf32> to vector<64x1xf32>
        %slice3A_156 = vector.extract_strided_slice %get3A_134 {offsets = [0, 0], sizes = [64, 7], strides = [1, 1]} : vector<64x8xf32> to vector<64x7xf32>
        %concatenate3A_157 = tpu.concatenate %slice3A_155, %slice3A_156 in 1 : vector<64x1xf32>, vector<64x7xf32> -> vector<64x8xf32>
        %slice3A_158 = vector.extract_strided_slice %get3A_137 {offsets = [0, 0], sizes = [64, 1], strides = [1, 1]} : vector<64x8xi32> to vector<64x1xi32>
        %slice3A_159 = vector.extract_strided_slice %get3A_137 {offsets = [0, 0], sizes = [64, 7], strides = [1, 1]} : vector<64x8xi32> to vector<64x7xi32>
        %concatenate3A_160 = tpu.concatenate %slice3A_158, %slice3A_159 in 1 : vector<64x1xi32>, vector<64x7xi32> -> vector<64x8xi32>
        %broadcast_in_dim3A_161 = vector.shape_cast %broadcast_in_dim3A_113 : vector<64x1xf32> to vector<64x1xf32>
        %broadcast_in_dim3A_162 = vector.broadcast %broadcast_in_dim3A_161 : vector<64x1xf32> to vector<64x8xf32>
        %broadcast_in_dim3A_163 = vector.shape_cast %broadcast_in_dim3A_120 : vector<64x1xi32> to vector<64x1xi32>
        %broadcast_in_dim3A_164 = vector.broadcast %broadcast_in_dim3A_163 : vector<64x1xi32> to vector<64x8xi32>
        %select_n3A_165 = arith.select %gt3A_154, %broadcast_in_dim3A_162, %concatenate3A_157 : vector<64x8xi1>, vector<64x8xf32>
        %select_n3A_166 = arith.select %or3A, %get3A_134, %select_n3A_165 : vector<64x8xi1>, vector<64x8xf32>
        %swap3A_167 = arith.constant 0 : index
        %swap3A_168 = arith.constant 0 : index
        %swap3A_169 = vector.load %arg20[%swap3A_167, %swap3A_168] : memref<64x8xf32, #tpu.memory_space<vmem>>, vector<64x8xf32>
        tpu.vector_store %arg20[%swap3A_167, %swap3A_168], %select_n3A_166 {strides = array<i32>} : memref<64x8xf32, #tpu.memory_space<vmem>>, vector<64x8xf32>,
        %select_n3A_170 = arith.select %gt3A_154, %broadcast_in_dim3A_164, %concatenate3A_160 : vector<64x8xi1>, vector<64x8xi32>
        %select_n3A_171 = arith.select %or3A, %get3A_137, %select_n3A_170 : vector<64x8xi1>, vector<64x8xi32>
        %swap3A_172 = arith.constant 0 : index
        %swap3A_173 = arith.constant 0 : index
        %swap3A_174 = vector.load %arg21[%swap3A_172, %swap3A_173] : memref<64x8xi32, #tpu.memory_space<vmem>>, vector<64x8xi32>
        tpu.vector_store %arg21[%swap3A_172, %swap3A_173], %select_n3A_171 {strides = array<i32>} : memref<64x8xi32, #tpu.memory_space<vmem>>, vector<64x8xi32>,
      } else {
      }
      %gt3A_78 = arith.constant 2.000000e+00 : f32
      %gt3A_79 = arith.cmpf ogt, %reduce_max3A_65, %gt3A_78 : f32
      %convert_element_type3A_80 = arith.extui %gt3A_79 : i1 to i32
      %cond3A_81 = arith.constant 0 : i32
      %cond3A_82 = arith.cmpi ne, %convert_element_type3A_80, %cond3A_81 : i32
      scf.if %cond3A_82 {
        %get3A_108 = arith.constant 0 : index
        %get3A_109 = arith.constant 0 : index
        %get3A_110 = vector.load %arg24[%get3A_108, %get3A_109] : memref<64x4096xf32, #tpu.memory_space<vmem>>, vector<64x4096xf32>
        %reduce_max3A_111 = arith.constant dense<0xFF800000> : vector<64xf32>
        %reduce_max3A_112 = vector.multi_reduction <maximumf>, %get3A_110, %reduce_max3A_111 [1] : vector<64x4096xf32> to vector<64xf32>
        %broadcast_in_dim3A_113 = vector.shape_cast %reduce_max3A_112 : vector<64xf32> to vector<64x1xf32>
        %eq3A_114 = vector.broadcast %broadcast_in_dim3A_113 : vector<64x1xf32> to vector<64x4096xf32>
        %eq3A_115 = arith.cmpf oeq, %get3A_110, %eq3A_114 : vector<64x4096xf32>
        %jit3A_116 = arith.constant 1073741824 : i32
        %broadcast_in_dim3A_117 = vector.broadcast %jit3A_116 : i32 to vector<64x4096xi32>
        %select_n3A_118 = arith.select %eq3A_115, %add3A_35, %broadcast_in_dim3A_117 : vector<64x4096xi1>, vector<64x4096xi32>
        %reduce_min3A = arith.constant dense<2147483647> : vector<64xi32>
        %reduce_min3A_119 = vector.multi_reduction <minsi>, %select_n3A_118, %reduce_min3A [1] : vector<64x4096xi32> to vector<64xi32>
        %broadcast_in_dim3A_120 = vector.shape_cast %reduce_min3A_119 : vector<64xi32> to vector<64x1xi32>
        %eq3A_121 = vector.broadcast %broadcast_in_dim3A_113 : vector<64x1xf32> to vector<64x4096xf32>
        %eq3A_122 = arith.cmpf oeq, %get3A_110, %eq3A_121 : vector<64x4096xf32>
        %eq3A_123 = vector.broadcast %broadcast_in_dim3A_120 : vector<64x1xi32> to vector<64x4096xi32>
        %eq3A_124 = arith.cmpi eq, %add3A_35, %eq3A_123 : vector<64x4096xi32>
        %and3A_125 = arith.andi %eq3A_122, %eq3A_124 : vector<64x4096xi1>
        %jit3A_126 = arith.constant -1.000000e+30 : f32
        %broadcast_in_dim3A_127 = vector.broadcast %jit3A_126 : f32 to vector<64x4096xf32>
        %select_n3A_128 = arith.select %and3A_125, %broadcast_in_dim3A_127, %get3A_110 : vector<64x4096xi1>, vector<64x4096xf32>
        %swap3A_129 = arith.constant 0 : index
        %swap3A_130 = arith.constant 0 : index
        %swap3A_131 = vector.load %arg24[%swap3A_129, %swap3A_130] : memref<64x4096xf32, #tpu.memory_space<vmem>>, vector<64x4096xf32>
        tpu.vector_store %arg24[%swap3A_129, %swap3A_130], %select_n3A_128 {strides = array<i32>} : memref<64x4096xf32, #tpu.memory_space<vmem>>, vector<64x4096xf32>,
        %get3A_132 = arith.constant 0 : index
        %get3A_133 = arith.constant 0 : index
        %get3A_134 = vector.load %arg20[%get3A_132, %get3A_133] : memref<64x8xf32, #tpu.memory_space<vmem>>, vector<64x8xf32>
        %get3A_135 = arith.constant 0 : index
        %get3A_136 = arith.constant 0 : index
        %get3A_137 = vector.load %arg21[%get3A_135, %get3A_136] : memref<64x8xi32, #tpu.memory_space<vmem>>, vector<64x8xi32>
        %gt3A_138 = vector.broadcast %broadcast_in_dim3A_113 : vector<64x1xf32> to vector<64x8xf32>
        %gt3A_139 = arith.cmpf ogt, %get3A_134, %gt3A_138 : vector<64x8xf32>
        %eq3A_140 = vector.broadcast %broadcast_in_dim3A_113 : vector<64x1xf32> to vector<64x8xf32>
        %eq3A_141 = arith.cmpf oeq, %get3A_134, %eq3A_140 : vector<64x8xf32>
        %lt3A_142 = vector.broadcast %broadcast_in_dim3A_120 : vector<64x1xi32> to vector<64x8xi32>
        %lt3A_143 = arith.cmpi slt, %get3A_137, %lt3A_142 : vector<64x8xi32>
        %and3A_144 = arith.andi %eq3A_141, %lt3A_143 : vector<64x8xi1>
        %or3A = arith.ori %gt3A_139, %and3A_144 : vector<64x8xi1>
        %jit3A_145 = arith.constant 1.000000e+00 : f32
        %jit3A_146 = arith.constant 0.000000e+00 : f32
        %broadcast_in_dim3A_147 = vector.broadcast %jit3A_145 : f32 to vector<64x8xf32>
        %broadcast_in_dim3A_148 = vector.broadcast %jit3A_146 : f32 to vector<64x8xf32>
        %select_n3A_149 = arith.select %or3A, %broadcast_in_dim3A_147, %broadcast_in_dim3A_148 : vector<64x8xi1>, vector<64x8xf32>
        %broadcast_in_dim3A_150 = arith.constant 1.000000e+00 : f32
        %broadcast_in_dim3A_151 = vector.broadcast %broadcast_in_dim3A_150 : f32 to vector<64x1xf32>
        %slice3A = vector.extract_strided_slice %select_n3A_149 {offsets = [0, 0], sizes = [64, 7], strides = [1, 1]} : vector<64x8xf32> to vector<64x7xf32>
        %concatenate3A = tpu.concatenate %broadcast_in_dim3A_151, %slice3A in 1 : vector<64x1xf32>, vector<64x7xf32> -> vector<64x8xf32>
        %gt3A_152 = arith.constant 5.000000e-01 : f32
        %gt3A_153 = vector.broadcast %gt3A_152 : f32 to vector<64x8xf32>
        %gt3A_154 = arith.cmpf ogt, %concatenate3A, %gt3A_153 : vector<64x8xf32>
        %slice3A_155 = vector.extract_strided_slice %get3A_134 {offsets = [0, 0], sizes = [64, 1], strides = [1, 1]} : vector<64x8xf32> to vector<64x1xf32>
        %slice3A_156 = vector.extract_strided_slice %get3A_134 {offsets = [0, 0], sizes = [64, 7], strides = [1, 1]} : vector<64x8xf32> to vector<64x7xf32>
        %concatenate3A_157 = tpu.concatenate %slice3A_155, %slice3A_156 in 1 : vector<64x1xf32>, vector<64x7xf32> -> vector<64x8xf32>
        %slice3A_158 = vector.extract_strided_slice %get3A_137 {offsets = [0, 0], sizes = [64, 1], strides = [1, 1]} : vector<64x8xi32> to vector<64x1xi32>
        %slice3A_159 = vector.extract_strided_slice %get3A_137 {offsets = [0, 0], sizes = [64, 7], strides = [1, 1]} : vector<64x8xi32> to vector<64x7xi32>
        %concatenate3A_160 = tpu.concatenate %slice3A_158, %slice3A_159 in 1 : vector<64x1xi32>, vector<64x7xi32> -> vector<64x8xi32>
        %broadcast_in_dim3A_161 = vector.shape_cast %broadcast_in_dim3A_113 : vector<64x1xf32> to vector<64x1xf32>
        %broadcast_in_dim3A_162 = vector.broadcast %broadcast_in_dim3A_161 : vector<64x1xf32> to vector<64x8xf32>
        %broadcast_in_dim3A_163 = vector.shape_cast %broadcast_in_dim3A_120 : vector<64x1xi32> to vector<64x1xi32>
        %broadcast_in_dim3A_164 = vector.broadcast %broadcast_in_dim3A_163 : vector<64x1xi32> to vector<64x8xi32>
        %select_n3A_165 = arith.select %gt3A_154, %broadcast_in_dim3A_162, %concatenate3A_157 : vector<64x8xi1>, vector<64x8xf32>
        %select_n3A_166 = arith.select %or3A, %get3A_134, %select_n3A_165 : vector<64x8xi1>, vector<64x8xf32>
        %swap3A_167 = arith.constant 0 : index
        %swap3A_168 = arith.constant 0 : index
        %swap3A_169 = vector.load %arg20[%swap3A_167, %swap3A_168] : memref<64x8xf32, #tpu.memory_space<vmem>>, vector<64x8xf32>
        tpu.vector_store %arg20[%swap3A_167, %swap3A_168], %select_n3A_166 {strides = array<i32>} : memref<64x8xf32, #tpu.memory_space<vmem>>, vector<64x8xf32>,
        %select_n3A_170 = arith.select %gt3A_154, %broadcast_in_dim3A_164, %concatenate3A_160 : vector<64x8xi1>, vector<64x8xi32>
        %select_n3A_171 = arith.select %or3A, %get3A_137, %select_n3A_170 : vector<64x8xi1>, vector<64x8xi32>
        %swap3A_172 = arith.constant 0 : index
        %swap3A_173 = arith.constant 0 : index
        %swap3A_174 = vector.load %arg21[%swap3A_172, %swap3A_173] : memref<64x8xi32, #tpu.memory_space<vmem>>, vector<64x8xi32>
        tpu.vector_store %arg21[%swap3A_172, %swap3A_173], %select_n3A_171 {strides = array<i32>} : memref<64x8xi32, #tpu.memory_space<vmem>>, vector<64x8xi32>,
      } else {
      }
      %gt3A_83 = arith.constant 3.000000e+00 : f32
      %gt3A_84 = arith.cmpf ogt, %reduce_max3A_65, %gt3A_83 : f32
      %convert_element_type3A_85 = arith.extui %gt3A_84 : i1 to i32
      %cond3A_86 = arith.constant 0 : i32
      %cond3A_87 = arith.cmpi ne, %convert_element_type3A_85, %cond3A_86 : i32
      scf.if %cond3A_87 {
        %get3A_108 = arith.constant 0 : index
        %get3A_109 = arith.constant 0 : index
        %get3A_110 = vector.load %arg24[%get3A_108, %get3A_109] : memref<64x4096xf32, #tpu.memory_space<vmem>>, vector<64x4096xf32>
        %reduce_max3A_111 = arith.constant dense<0xFF800000> : vector<64xf32>
        %reduce_max3A_112 = vector.multi_reduction <maximumf>, %get3A_110, %reduce_max3A_111 [1] : vector<64x4096xf32> to vector<64xf32>
        %broadcast_in_dim3A_113 = vector.shape_cast %reduce_max3A_112 : vector<64xf32> to vector<64x1xf32>
        %eq3A_114 = vector.broadcast %broadcast_in_dim3A_113 : vector<64x1xf32> to vector<64x4096xf32>
        %eq3A_115 = arith.cmpf oeq, %get3A_110, %eq3A_114 : vector<64x4096xf32>
        %jit3A_116 = arith.constant 1073741824 : i32
        %broadcast_in_dim3A_117 = vector.broadcast %jit3A_116 : i32 to vector<64x4096xi32>
        %select_n3A_118 = arith.select %eq3A_115, %add3A_35, %broadcast_in_dim3A_117 : vector<64x4096xi1>, vector<64x4096xi32>
        %reduce_min3A = arith.constant dense<2147483647> : vector<64xi32>
        %reduce_min3A_119 = vector.multi_reduction <minsi>, %select_n3A_118, %reduce_min3A [1] : vector<64x4096xi32> to vector<64xi32>
        %broadcast_in_dim3A_120 = vector.shape_cast %reduce_min3A_119 : vector<64xi32> to vector<64x1xi32>
        %eq3A_121 = vector.broadcast %broadcast_in_dim3A_113 : vector<64x1xf32> to vector<64x4096xf32>
        %eq3A_122 = arith.cmpf oeq, %get3A_110, %eq3A_121 : vector<64x4096xf32>
        %eq3A_123 = vector.broadcast %broadcast_in_dim3A_120 : vector<64x1xi32> to vector<64x4096xi32>
        %eq3A_124 = arith.cmpi eq, %add3A_35, %eq3A_123 : vector<64x4096xi32>
        %and3A_125 = arith.andi %eq3A_122, %eq3A_124 : vector<64x4096xi1>
        %jit3A_126 = arith.constant -1.000000e+30 : f32
        %broadcast_in_dim3A_127 = vector.broadcast %jit3A_126 : f32 to vector<64x4096xf32>
        %select_n3A_128 = arith.select %and3A_125, %broadcast_in_dim3A_127, %get3A_110 : vector<64x4096xi1>, vector<64x4096xf32>
        %swap3A_129 = arith.constant 0 : index
        %swap3A_130 = arith.constant 0 : index
        %swap3A_131 = vector.load %arg24[%swap3A_129, %swap3A_130] : memref<64x4096xf32, #tpu.memory_space<vmem>>, vector<64x4096xf32>
        tpu.vector_store %arg24[%swap3A_129, %swap3A_130], %select_n3A_128 {strides = array<i32>} : memref<64x4096xf32, #tpu.memory_space<vmem>>, vector<64x4096xf32>,
        %get3A_132 = arith.constant 0 : index
        %get3A_133 = arith.constant 0 : index
        %get3A_134 = vector.load %arg20[%get3A_132, %get3A_133] : memref<64x8xf32, #tpu.memory_space<vmem>>, vector<64x8xf32>
        %get3A_135 = arith.constant 0 : index
        %get3A_136 = arith.constant 0 : index
        %get3A_137 = vector.load %arg21[%get3A_135, %get3A_136] : memref<64x8xi32, #tpu.memory_space<vmem>>, vector<64x8xi32>
        %gt3A_138 = vector.broadcast %broadcast_in_dim3A_113 : vector<64x1xf32> to vector<64x8xf32>
        %gt3A_139 = arith.cmpf ogt, %get3A_134, %gt3A_138 : vector<64x8xf32>
        %eq3A_140 = vector.broadcast %broadcast_in_dim3A_113 : vector<64x1xf32> to vector<64x8xf32>
        %eq3A_141 = arith.cmpf oeq, %get3A_134, %eq3A_140 : vector<64x8xf32>
        %lt3A_142 = vector.broadcast %broadcast_in_dim3A_120 : vector<64x1xi32> to vector<64x8xi32>
        %lt3A_143 = arith.cmpi slt, %get3A_137, %lt3A_142 : vector<64x8xi32>
        %and3A_144 = arith.andi %eq3A_141, %lt3A_143 : vector<64x8xi1>
        %or3A = arith.ori %gt3A_139, %and3A_144 : vector<64x8xi1>
        %jit3A_145 = arith.constant 1.000000e+00 : f32
        %jit3A_146 = arith.constant 0.000000e+00 : f32
        %broadcast_in_dim3A_147 = vector.broadcast %jit3A_145 : f32 to vector<64x8xf32>
        %broadcast_in_dim3A_148 = vector.broadcast %jit3A_146 : f32 to vector<64x8xf32>
        %select_n3A_149 = arith.select %or3A, %broadcast_in_dim3A_147, %broadcast_in_dim3A_148 : vector<64x8xi1>, vector<64x8xf32>
        %broadcast_in_dim3A_150 = arith.constant 1.000000e+00 : f32
        %broadcast_in_dim3A_151 = vector.broadcast %broadcast_in_dim3A_150 : f32 to vector<64x1xf32>
        %slice3A = vector.extract_strided_slice %select_n3A_149 {offsets = [0, 0], sizes = [64, 7], strides = [1, 1]} : vector<64x8xf32> to vector<64x7xf32>
        %concatenate3A = tpu.concatenate %broadcast_in_dim3A_151, %slice3A in 1 : vector<64x1xf32>, vector<64x7xf32> -> vector<64x8xf32>
        %gt3A_152 = arith.constant 5.000000e-01 : f32
        %gt3A_153 = vector.broadcast %gt3A_152 : f32 to vector<64x8xf32>
        %gt3A_154 = arith.cmpf ogt, %concatenate3A, %gt3A_153 : vector<64x8xf32>
        %slice3A_155 = vector.extract_strided_slice %get3A_134 {offsets = [0, 0], sizes = [64, 1], strides = [1, 1]} : vector<64x8xf32> to vector<64x1xf32>
        %slice3A_156 = vector.extract_strided_slice %get3A_134 {offsets = [0, 0], sizes = [64, 7], strides = [1, 1]} : vector<64x8xf32> to vector<64x7xf32>
        %concatenate3A_157 = tpu.concatenate %slice3A_155, %slice3A_156 in 1 : vector<64x1xf32>, vector<64x7xf32> -> vector<64x8xf32>
        %slice3A_158 = vector.extract_strided_slice %get3A_137 {offsets = [0, 0], sizes = [64, 1], strides = [1, 1]} : vector<64x8xi32> to vector<64x1xi32>
        %slice3A_159 = vector.extract_strided_slice %get3A_137 {offsets = [0, 0], sizes = [64, 7], strides = [1, 1]} : vector<64x8xi32> to vector<64x7xi32>
        %concatenate3A_160 = tpu.concatenate %slice3A_158, %slice3A_159 in 1 : vector<64x1xi32>, vector<64x7xi32> -> vector<64x8xi32>
        %broadcast_in_dim3A_161 = vector.shape_cast %broadcast_in_dim3A_113 : vector<64x1xf32> to vector<64x1xf32>
        %broadcast_in_dim3A_162 = vector.broadcast %broadcast_in_dim3A_161 : vector<64x1xf32> to vector<64x8xf32>
        %broadcast_in_dim3A_163 = vector.shape_cast %broadcast_in_dim3A_120 : vector<64x1xi32> to vector<64x1xi32>
        %broadcast_in_dim3A_164 = vector.broadcast %broadcast_in_dim3A_163 : vector<64x1xi32> to vector<64x8xi32>
        %select_n3A_165 = arith.select %gt3A_154, %broadcast_in_dim3A_162, %concatenate3A_157 : vector<64x8xi1>, vector<64x8xf32>
        %select_n3A_166 = arith.select %or3A, %get3A_134, %select_n3A_165 : vector<64x8xi1>, vector<64x8xf32>
        %swap3A_167 = arith.constant 0 : index
        %swap3A_168 = arith.constant 0 : index
        %swap3A_169 = vector.load %arg20[%swap3A_167, %swap3A_168] : memref<64x8xf32, #tpu.memory_space<vmem>>, vector<64x8xf32>
        tpu.vector_store %arg20[%swap3A_167, %swap3A_168], %select_n3A_166 {strides = array<i32>} : memref<64x8xf32, #tpu.memory_space<vmem>>, vector<64x8xf32>,
        %select_n3A_170 = arith.select %gt3A_154, %broadcast_in_dim3A_164, %concatenate3A_160 : vector<64x8xi1>, vector<64x8xi32>
        %select_n3A_171 = arith.select %or3A, %get3A_137, %select_n3A_170 : vector<64x8xi1>, vector<64x8xi32>
        %swap3A_172 = arith.constant 0 : index
        %swap3A_173 = arith.constant 0 : index
        %swap3A_174 = vector.load %arg21[%swap3A_172, %swap3A_173] : memref<64x8xi32, #tpu.memory_space<vmem>>, vector<64x8xi32>
        tpu.vector_store %arg21[%swap3A_172, %swap3A_173], %select_n3A_171 {strides = array<i32>} : memref<64x8xi32, #tpu.memory_space<vmem>>, vector<64x8xi32>,
      } else {
      }
      %gt3A_88 = arith.constant 4.000000e+00 : f32
      %gt3A_89 = arith.cmpf ogt, %reduce_max3A_65, %gt3A_88 : f32
      %convert_element_type3A_90 = arith.extui %gt3A_89 : i1 to i32
      %cond3A_91 = arith.constant 0 : i32
      %cond3A_92 = arith.cmpi ne, %convert_element_type3A_90, %cond3A_91 : i32
      scf.if %cond3A_92 {
        %get3A_108 = arith.constant 0 : index
        %get3A_109 = arith.constant 0 : index
        %get3A_110 = vector.load %arg24[%get3A_108, %get3A_109] : memref<64x4096xf32, #tpu.memory_space<vmem>>, vector<64x4096xf32>
        %reduce_max3A_111 = arith.constant dense<0xFF800000> : vector<64xf32>
        %reduce_max3A_112 = vector.multi_reduction <maximumf>, %get3A_110, %reduce_max3A_111 [1] : vector<64x4096xf32> to vector<64xf32>
        %broadcast_in_dim3A_113 = vector.shape_cast %reduce_max3A_112 : vector<64xf32> to vector<64x1xf32>
        %eq3A_114 = vector.broadcast %broadcast_in_dim3A_113 : vector<64x1xf32> to vector<64x4096xf32>
        %eq3A_115 = arith.cmpf oeq, %get3A_110, %eq3A_114 : vector<64x4096xf32>
        %jit3A_116 = arith.constant 1073741824 : i32
        %broadcast_in_dim3A_117 = vector.broadcast %jit3A_116 : i32 to vector<64x4096xi32>
        %select_n3A_118 = arith.select %eq3A_115, %add3A_35, %broadcast_in_dim3A_117 : vector<64x4096xi1>, vector<64x4096xi32>
        %reduce_min3A = arith.constant dense<2147483647> : vector<64xi32>
        %reduce_min3A_119 = vector.multi_reduction <minsi>, %select_n3A_118, %reduce_min3A [1] : vector<64x4096xi32> to vector<64xi32>
        %broadcast_in_dim3A_120 = vector.shape_cast %reduce_min3A_119 : vector<64xi32> to vector<64x1xi32>
        %eq3A_121 = vector.broadcast %broadcast_in_dim3A_113 : vector<64x1xf32> to vector<64x4096xf32>
        %eq3A_122 = arith.cmpf oeq, %get3A_110, %eq3A_121 : vector<64x4096xf32>
        %eq3A_123 = vector.broadcast %broadcast_in_dim3A_120 : vector<64x1xi32> to vector<64x4096xi32>
        %eq3A_124 = arith.cmpi eq, %add3A_35, %eq3A_123 : vector<64x4096xi32>
        %and3A_125 = arith.andi %eq3A_122, %eq3A_124 : vector<64x4096xi1>
        %jit3A_126 = arith.constant -1.000000e+30 : f32
        %broadcast_in_dim3A_127 = vector.broadcast %jit3A_126 : f32 to vector<64x4096xf32>
        %select_n3A_128 = arith.select %and3A_125, %broadcast_in_dim3A_127, %get3A_110 : vector<64x4096xi1>, vector<64x4096xf32>
        %swap3A_129 = arith.constant 0 : index
        %swap3A_130 = arith.constant 0 : index
        %swap3A_131 = vector.load %arg24[%swap3A_129, %swap3A_130] : memref<64x4096xf32, #tpu.memory_space<vmem>>, vector<64x4096xf32>
        tpu.vector_store %arg24[%swap3A_129, %swap3A_130], %select_n3A_128 {strides = array<i32>} : memref<64x4096xf32, #tpu.memory_space<vmem>>, vector<64x4096xf32>,
        %get3A_132 = arith.constant 0 : index
        %get3A_133 = arith.constant 0 : index
        %get3A_134 = vector.load %arg20[%get3A_132, %get3A_133] : memref<64x8xf32, #tpu.memory_space<vmem>>, vector<64x8xf32>
        %get3A_135 = arith.constant 0 : index
        %get3A_136 = arith.constant 0 : index
        %get3A_137 = vector.load %arg21[%get3A_135, %get3A_136] : memref<64x8xi32, #tpu.memory_space<vmem>>, vector<64x8xi32>
        %gt3A_138 = vector.broadcast %broadcast_in_dim3A_113 : vector<64x1xf32> to vector<64x8xf32>
        %gt3A_139 = arith.cmpf ogt, %get3A_134, %gt3A_138 : vector<64x8xf32>
        %eq3A_140 = vector.broadcast %broadcast_in_dim3A_113 : vector<64x1xf32> to vector<64x8xf32>
        %eq3A_141 = arith.cmpf oeq, %get3A_134, %eq3A_140 : vector<64x8xf32>
        %lt3A_142 = vector.broadcast %broadcast_in_dim3A_120 : vector<64x1xi32> to vector<64x8xi32>
        %lt3A_143 = arith.cmpi slt, %get3A_137, %lt3A_142 : vector<64x8xi32>
        %and3A_144 = arith.andi %eq3A_141, %lt3A_143 : vector<64x8xi1>
        %or3A = arith.ori %gt3A_139, %and3A_144 : vector<64x8xi1>
        %jit3A_145 = arith.constant 1.000000e+00 : f32
        %jit3A_146 = arith.constant 0.000000e+00 : f32
        %broadcast_in_dim3A_147 = vector.broadcast %jit3A_145 : f32 to vector<64x8xf32>
        %broadcast_in_dim3A_148 = vector.broadcast %jit3A_146 : f32 to vector<64x8xf32>
        %select_n3A_149 = arith.select %or3A, %broadcast_in_dim3A_147, %broadcast_in_dim3A_148 : vector<64x8xi1>, vector<64x8xf32>
        %broadcast_in_dim3A_150 = arith.constant 1.000000e+00 : f32
        %broadcast_in_dim3A_151 = vector.broadcast %broadcast_in_dim3A_150 : f32 to vector<64x1xf32>
        %slice3A = vector.extract_strided_slice %select_n3A_149 {offsets = [0, 0], sizes = [64, 7], strides = [1, 1]} : vector<64x8xf32> to vector<64x7xf32>
        %concatenate3A = tpu.concatenate %broadcast_in_dim3A_151, %slice3A in 1 : vector<64x1xf32>, vector<64x7xf32> -> vector<64x8xf32>
        %gt3A_152 = arith.constant 5.000000e-01 : f32
        %gt3A_153 = vector.broadcast %gt3A_152 : f32 to vector<64x8xf32>
        %gt3A_154 = arith.cmpf ogt, %concatenate3A, %gt3A_153 : vector<64x8xf32>
        %slice3A_155 = vector.extract_strided_slice %get3A_134 {offsets = [0, 0], sizes = [64, 1], strides = [1, 1]} : vector<64x8xf32> to vector<64x1xf32>
        %slice3A_156 = vector.extract_strided_slice %get3A_134 {offsets = [0, 0], sizes = [64, 7], strides = [1, 1]} : vector<64x8xf32> to vector<64x7xf32>
        %concatenate3A_157 = tpu.concatenate %slice3A_155, %slice3A_156 in 1 : vector<64x1xf32>, vector<64x7xf32> -> vector<64x8xf32>
        %slice3A_158 = vector.extract_strided_slice %get3A_137 {offsets = [0, 0], sizes = [64, 1], strides = [1, 1]} : vector<64x8xi32> to vector<64x1xi32>
        %slice3A_159 = vector.extract_strided_slice %get3A_137 {offsets = [0, 0], sizes = [64, 7], strides = [1, 1]} : vector<64x8xi32> to vector<64x7xi32>
        %concatenate3A_160 = tpu.concatenate %slice3A_158, %slice3A_159 in 1 : vector<64x1xi32>, vector<64x7xi32> -> vector<64x8xi32>
        %broadcast_in_dim3A_161 = vector.shape_cast %broadcast_in_dim3A_113 : vector<64x1xf32> to vector<64x1xf32>
        %broadcast_in_dim3A_162 = vector.broadcast %broadcast_in_dim3A_161 : vector<64x1xf32> to vector<64x8xf32>
        %broadcast_in_dim3A_163 = vector.shape_cast %broadcast_in_dim3A_120 : vector<64x1xi32> to vector<64x1xi32>
        %broadcast_in_dim3A_164 = vector.broadcast %broadcast_in_dim3A_163 : vector<64x1xi32> to vector<64x8xi32>
        %select_n3A_165 = arith.select %gt3A_154, %broadcast_in_dim3A_162, %concatenate3A_157 : vector<64x8xi1>, vector<64x8xf32>
        %select_n3A_166 = arith.select %or3A, %get3A_134, %select_n3A_165 : vector<64x8xi1>, vector<64x8xf32>
        %swap3A_167 = arith.constant 0 : index
        %swap3A_168 = arith.constant 0 : index
        %swap3A_169 = vector.load %arg20[%swap3A_167, %swap3A_168] : memref<64x8xf32, #tpu.memory_space<vmem>>, vector<64x8xf32>
        tpu.vector_store %arg20[%swap3A_167, %swap3A_168], %select_n3A_166 {strides = array<i32>} : memref<64x8xf32, #tpu.memory_space<vmem>>, vector<64x8xf32>,
        %select_n3A_170 = arith.select %gt3A_154, %broadcast_in_dim3A_164, %concatenate3A_160 : vector<64x8xi1>, vector<64x8xi32>
        %select_n3A_171 = arith.select %or3A, %get3A_137, %select_n3A_170 : vector<64x8xi1>, vector<64x8xi32>
        %swap3A_172 = arith.constant 0 : index
        %swap3A_173 = arith.constant 0 : index
        %swap3A_174 = vector.load %arg21[%swap3A_172, %swap3A_173] : memref<64x8xi32, #tpu.memory_space<vmem>>, vector<64x8xi32>
        tpu.vector_store %arg21[%swap3A_172, %swap3A_173], %select_n3A_171 {strides = array<i32>} : memref<64x8xi32, #tpu.memory_space<vmem>>, vector<64x8xi32>,
      } else {
      }
      %gt3A_93 = arith.constant 5.000000e+00 : f32
      %gt3A_94 = arith.cmpf ogt, %reduce_max3A_65, %gt3A_93 : f32
      %convert_element_type3A_95 = arith.extui %gt3A_94 : i1 to i32
      %cond3A_96 = arith.constant 0 : i32
      %cond3A_97 = arith.cmpi ne, %convert_element_type3A_95, %cond3A_96 : i32
      scf.if %cond3A_97 {
        %get3A_108 = arith.constant 0 : index
        %get3A_109 = arith.constant 0 : index
        %get3A_110 = vector.load %arg24[%get3A_108, %get3A_109] : memref<64x4096xf32, #tpu.memory_space<vmem>>, vector<64x4096xf32>
        %reduce_max3A_111 = arith.constant dense<0xFF800000> : vector<64xf32>
        %reduce_max3A_112 = vector.multi_reduction <maximumf>, %get3A_110, %reduce_max3A_111 [1] : vector<64x4096xf32> to vector<64xf32>
        %broadcast_in_dim3A_113 = vector.shape_cast %reduce_max3A_112 : vector<64xf32> to vector<64x1xf32>
        %eq3A_114 = vector.broadcast %broadcast_in_dim3A_113 : vector<64x1xf32> to vector<64x4096xf32>
        %eq3A_115 = arith.cmpf oeq, %get3A_110, %eq3A_114 : vector<64x4096xf32>
        %jit3A_116 = arith.constant 1073741824 : i32
        %broadcast_in_dim3A_117 = vector.broadcast %jit3A_116 : i32 to vector<64x4096xi32>
        %select_n3A_118 = arith.select %eq3A_115, %add3A_35, %broadcast_in_dim3A_117 : vector<64x4096xi1>, vector<64x4096xi32>
        %reduce_min3A = arith.constant dense<2147483647> : vector<64xi32>
        %reduce_min3A_119 = vector.multi_reduction <minsi>, %select_n3A_118, %reduce_min3A [1] : vector<64x4096xi32> to vector<64xi32>
        %broadcast_in_dim3A_120 = vector.shape_cast %reduce_min3A_119 : vector<64xi32> to vector<64x1xi32>
        %eq3A_121 = vector.broadcast %broadcast_in_dim3A_113 : vector<64x1xf32> to vector<64x4096xf32>
        %eq3A_122 = arith.cmpf oeq, %get3A_110, %eq3A_121 : vector<64x4096xf32>
        %eq3A_123 = vector.broadcast %broadcast_in_dim3A_120 : vector<64x1xi32> to vector<64x4096xi32>
        %eq3A_124 = arith.cmpi eq, %add3A_35, %eq3A_123 : vector<64x4096xi32>
        %and3A_125 = arith.andi %eq3A_122, %eq3A_124 : vector<64x4096xi1>
        %jit3A_126 = arith.constant -1.000000e+30 : f32
        %broadcast_in_dim3A_127 = vector.broadcast %jit3A_126 : f32 to vector<64x4096xf32>
        %select_n3A_128 = arith.select %and3A_125, %broadcast_in_dim3A_127, %get3A_110 : vector<64x4096xi1>, vector<64x4096xf32>
        %swap3A_129 = arith.constant 0 : index
        %swap3A_130 = arith.constant 0 : index
        %swap3A_131 = vector.load %arg24[%swap3A_129, %swap3A_130] : memref<64x4096xf32, #tpu.memory_space<vmem>>, vector<64x4096xf32>
        tpu.vector_store %arg24[%swap3A_129, %swap3A_130], %select_n3A_128 {strides = array<i32>} : memref<64x4096xf32, #tpu.memory_space<vmem>>, vector<64x4096xf32>,
        %get3A_132 = arith.constant 0 : index
        %get3A_133 = arith.constant 0 : index
        %get3A_134 = vector.load %arg20[%get3A_132, %get3A_133] : memref<64x8xf32, #tpu.memory_space<vmem>>, vector<64x8xf32>
        %get3A_135 = arith.constant 0 : index
        %get3A_136 = arith.constant 0 : index
        %get3A_137 = vector.load %arg21[%get3A_135, %get3A_136] : memref<64x8xi32, #tpu.memory_space<vmem>>, vector<64x8xi32>
        %gt3A_138 = vector.broadcast %broadcast_in_dim3A_113 : vector<64x1xf32> to vector<64x8xf32>
        %gt3A_139 = arith.cmpf ogt, %get3A_134, %gt3A_138 : vector<64x8xf32>
        %eq3A_140 = vector.broadcast %broadcast_in_dim3A_113 : vector<64x1xf32> to vector<64x8xf32>
        %eq3A_141 = arith.cmpf oeq, %get3A_134, %eq3A_140 : vector<64x8xf32>
        %lt3A_142 = vector.broadcast %broadcast_in_dim3A_120 : vector<64x1xi32> to vector<64x8xi32>
        %lt3A_143 = arith.cmpi slt, %get3A_137, %lt3A_142 : vector<64x8xi32>
        %and3A_144 = arith.andi %eq3A_141, %lt3A_143 : vector<64x8xi1>
        %or3A = arith.ori %gt3A_139, %and3A_144 : vector<64x8xi1>
        %jit3A_145 = arith.constant 1.000000e+00 : f32
        %jit3A_146 = arith.constant 0.000000e+00 : f32
        %broadcast_in_dim3A_147 = vector.broadcast %jit3A_145 : f32 to vector<64x8xf32>
        %broadcast_in_dim3A_148 = vector.broadcast %jit3A_146 : f32 to vector<64x8xf32>
        %select_n3A_149 = arith.select %or3A, %broadcast_in_dim3A_147, %broadcast_in_dim3A_148 : vector<64x8xi1>, vector<64x8xf32>
        %broadcast_in_dim3A_150 = arith.constant 1.000000e+00 : f32
        %broadcast_in_dim3A_151 = vector.broadcast %broadcast_in_dim3A_150 : f32 to vector<64x1xf32>
        %slice3A = vector.extract_strided_slice %select_n3A_149 {offsets = [0, 0], sizes = [64, 7], strides = [1, 1]} : vector<64x8xf32> to vector<64x7xf32>
        %concatenate3A = tpu.concatenate %broadcast_in_dim3A_151, %slice3A in 1 : vector<64x1xf32>, vector<64x7xf32> -> vector<64x8xf32>
        %gt3A_152 = arith.constant 5.000000e-01 : f32
        %gt3A_153 = vector.broadcast %gt3A_152 : f32 to vector<64x8xf32>
        %gt3A_154 = arith.cmpf ogt, %concatenate3A, %gt3A_153 : vector<64x8xf32>
        %slice3A_155 = vector.extract_strided_slice %get3A_134 {offsets = [0, 0], sizes = [64, 1], strides = [1, 1]} : vector<64x8xf32> to vector<64x1xf32>
        %slice3A_156 = vector.extract_strided_slice %get3A_134 {offsets = [0, 0], sizes = [64, 7], strides = [1, 1]} : vector<64x8xf32> to vector<64x7xf32>
        %concatenate3A_157 = tpu.concatenate %slice3A_155, %slice3A_156 in 1 : vector<64x1xf32>, vector<64x7xf32> -> vector<64x8xf32>
        %slice3A_158 = vector.extract_strided_slice %get3A_137 {offsets = [0, 0], sizes = [64, 1], strides = [1, 1]} : vector<64x8xi32> to vector<64x1xi32>
        %slice3A_159 = vector.extract_strided_slice %get3A_137 {offsets = [0, 0], sizes = [64, 7], strides = [1, 1]} : vector<64x8xi32> to vector<64x7xi32>
        %concatenate3A_160 = tpu.concatenate %slice3A_158, %slice3A_159 in 1 : vector<64x1xi32>, vector<64x7xi32> -> vector<64x8xi32>
        %broadcast_in_dim3A_161 = vector.shape_cast %broadcast_in_dim3A_113 : vector<64x1xf32> to vector<64x1xf32>
        %broadcast_in_dim3A_162 = vector.broadcast %broadcast_in_dim3A_161 : vector<64x1xf32> to vector<64x8xf32>
        %broadcast_in_dim3A_163 = vector.shape_cast %broadcast_in_dim3A_120 : vector<64x1xi32> to vector<64x1xi32>
        %broadcast_in_dim3A_164 = vector.broadcast %broadcast_in_dim3A_163 : vector<64x1xi32> to vector<64x8xi32>
        %select_n3A_165 = arith.select %gt3A_154, %broadcast_in_dim3A_162, %concatenate3A_157 : vector<64x8xi1>, vector<64x8xf32>
        %select_n3A_166 = arith.select %or3A, %get3A_134, %select_n3A_165 : vector<64x8xi1>, vector<64x8xf32>
        %swap3A_167 = arith.constant 0 : index
        %swap3A_168 = arith.constant 0 : index
        %swap3A_169 = vector.load %arg20[%swap3A_167, %swap3A_168] : memref<64x8xf32, #tpu.memory_space<vmem>>, vector<64x8xf32>
        tpu.vector_store %arg20[%swap3A_167, %swap3A_168], %select_n3A_166 {strides = array<i32>} : memref<64x8xf32, #tpu.memory_space<vmem>>, vector<64x8xf32>,
        %select_n3A_170 = arith.select %gt3A_154, %broadcast_in_dim3A_164, %concatenate3A_160 : vector<64x8xi1>, vector<64x8xi32>
        %select_n3A_171 = arith.select %or3A, %get3A_137, %select_n3A_170 : vector<64x8xi1>, vector<64x8xi32>
        %swap3A_172 = arith.constant 0 : index
        %swap3A_173 = arith.constant 0 : index
        %swap3A_174 = vector.load %arg21[%swap3A_172, %swap3A_173] : memref<64x8xi32, #tpu.memory_space<vmem>>, vector<64x8xi32>
        tpu.vector_store %arg21[%swap3A_172, %swap3A_173], %select_n3A_171 {strides = array<i32>} : memref<64x8xi32, #tpu.memory_space<vmem>>, vector<64x8xi32>,
      } else {
      }
      %gt3A_98 = arith.constant 6.000000e+00 : f32
      %gt3A_99 = arith.cmpf ogt, %reduce_max3A_65, %gt3A_98 : f32
      %convert_element_type3A_100 = arith.extui %gt3A_99 : i1 to i32
      %cond3A_101 = arith.constant 0 : i32
      %cond3A_102 = arith.cmpi ne, %convert_element_type3A_100, %cond3A_101 : i32
      scf.if %cond3A_102 {
        %get3A_108 = arith.constant 0 : index
        %get3A_109 = arith.constant 0 : index
        %get3A_110 = vector.load %arg24[%get3A_108, %get3A_109] : memref<64x4096xf32, #tpu.memory_space<vmem>>, vector<64x4096xf32>
        %reduce_max3A_111 = arith.constant dense<0xFF800000> : vector<64xf32>
        %reduce_max3A_112 = vector.multi_reduction <maximumf>, %get3A_110, %reduce_max3A_111 [1] : vector<64x4096xf32> to vector<64xf32>
        %broadcast_in_dim3A_113 = vector.shape_cast %reduce_max3A_112 : vector<64xf32> to vector<64x1xf32>
        %eq3A_114 = vector.broadcast %broadcast_in_dim3A_113 : vector<64x1xf32> to vector<64x4096xf32>
        %eq3A_115 = arith.cmpf oeq, %get3A_110, %eq3A_114 : vector<64x4096xf32>
        %jit3A_116 = arith.constant 1073741824 : i32
        %broadcast_in_dim3A_117 = vector.broadcast %jit3A_116 : i32 to vector<64x4096xi32>
        %select_n3A_118 = arith.select %eq3A_115, %add3A_35, %broadcast_in_dim3A_117 : vector<64x4096xi1>, vector<64x4096xi32>
        %reduce_min3A = arith.constant dense<2147483647> : vector<64xi32>
        %reduce_min3A_119 = vector.multi_reduction <minsi>, %select_n3A_118, %reduce_min3A [1] : vector<64x4096xi32> to vector<64xi32>
        %broadcast_in_dim3A_120 = vector.shape_cast %reduce_min3A_119 : vector<64xi32> to vector<64x1xi32>
        %eq3A_121 = vector.broadcast %broadcast_in_dim3A_113 : vector<64x1xf32> to vector<64x4096xf32>
        %eq3A_122 = arith.cmpf oeq, %get3A_110, %eq3A_121 : vector<64x4096xf32>
        %eq3A_123 = vector.broadcast %broadcast_in_dim3A_120 : vector<64x1xi32> to vector<64x4096xi32>
        %eq3A_124 = arith.cmpi eq, %add3A_35, %eq3A_123 : vector<64x4096xi32>
        %and3A_125 = arith.andi %eq3A_122, %eq3A_124 : vector<64x4096xi1>
        %jit3A_126 = arith.constant -1.000000e+30 : f32
        %broadcast_in_dim3A_127 = vector.broadcast %jit3A_126 : f32 to vector<64x4096xf32>
        %select_n3A_128 = arith.select %and3A_125, %broadcast_in_dim3A_127, %get3A_110 : vector<64x4096xi1>, vector<64x4096xf32>
        %swap3A_129 = arith.constant 0 : index
        %swap3A_130 = arith.constant 0 : index
        %swap3A_131 = vector.load %arg24[%swap3A_129, %swap3A_130] : memref<64x4096xf32, #tpu.memory_space<vmem>>, vector<64x4096xf32>
        tpu.vector_store %arg24[%swap3A_129, %swap3A_130], %select_n3A_128 {strides = array<i32>} : memref<64x4096xf32, #tpu.memory_space<vmem>>, vector<64x4096xf32>,
        %get3A_132 = arith.constant 0 : index
        %get3A_133 = arith.constant 0 : index
        %get3A_134 = vector.load %arg20[%get3A_132, %get3A_133] : memref<64x8xf32, #tpu.memory_space<vmem>>, vector<64x8xf32>
        %get3A_135 = arith.constant 0 : index
        %get3A_136 = arith.constant 0 : index
        %get3A_137 = vector.load %arg21[%get3A_135, %get3A_136] : memref<64x8xi32, #tpu.memory_space<vmem>>, vector<64x8xi32>
        %gt3A_138 = vector.broadcast %broadcast_in_dim3A_113 : vector<64x1xf32> to vector<64x8xf32>
        %gt3A_139 = arith.cmpf ogt, %get3A_134, %gt3A_138 : vector<64x8xf32>
        %eq3A_140 = vector.broadcast %broadcast_in_dim3A_113 : vector<64x1xf32> to vector<64x8xf32>
        %eq3A_141 = arith.cmpf oeq, %get3A_134, %eq3A_140 : vector<64x8xf32>
        %lt3A_142 = vector.broadcast %broadcast_in_dim3A_120 : vector<64x1xi32> to vector<64x8xi32>
        %lt3A_143 = arith.cmpi slt, %get3A_137, %lt3A_142 : vector<64x8xi32>
        %and3A_144 = arith.andi %eq3A_141, %lt3A_143 : vector<64x8xi1>
        %or3A = arith.ori %gt3A_139, %and3A_144 : vector<64x8xi1>
        %jit3A_145 = arith.constant 1.000000e+00 : f32
        %jit3A_146 = arith.constant 0.000000e+00 : f32
        %broadcast_in_dim3A_147 = vector.broadcast %jit3A_145 : f32 to vector<64x8xf32>
        %broadcast_in_dim3A_148 = vector.broadcast %jit3A_146 : f32 to vector<64x8xf32>
        %select_n3A_149 = arith.select %or3A, %broadcast_in_dim3A_147, %broadcast_in_dim3A_148 : vector<64x8xi1>, vector<64x8xf32>
        %broadcast_in_dim3A_150 = arith.constant 1.000000e+00 : f32
        %broadcast_in_dim3A_151 = vector.broadcast %broadcast_in_dim3A_150 : f32 to vector<64x1xf32>
        %slice3A = vector.extract_strided_slice %select_n3A_149 {offsets = [0, 0], sizes = [64, 7], strides = [1, 1]} : vector<64x8xf32> to vector<64x7xf32>
        %concatenate3A = tpu.concatenate %broadcast_in_dim3A_151, %slice3A in 1 : vector<64x1xf32>, vector<64x7xf32> -> vector<64x8xf32>
        %gt3A_152 = arith.constant 5.000000e-01 : f32
        %gt3A_153 = vector.broadcast %gt3A_152 : f32 to vector<64x8xf32>
        %gt3A_154 = arith.cmpf ogt, %concatenate3A, %gt3A_153 : vector<64x8xf32>
        %slice3A_155 = vector.extract_strided_slice %get3A_134 {offsets = [0, 0], sizes = [64, 1], strides = [1, 1]} : vector<64x8xf32> to vector<64x1xf32>
        %slice3A_156 = vector.extract_strided_slice %get3A_134 {offsets = [0, 0], sizes = [64, 7], strides = [1, 1]} : vector<64x8xf32> to vector<64x7xf32>
        %concatenate3A_157 = tpu.concatenate %slice3A_155, %slice3A_156 in 1 : vector<64x1xf32>, vector<64x7xf32> -> vector<64x8xf32>
        %slice3A_158 = vector.extract_strided_slice %get3A_137 {offsets = [0, 0], sizes = [64, 1], strides = [1, 1]} : vector<64x8xi32> to vector<64x1xi32>
        %slice3A_159 = vector.extract_strided_slice %get3A_137 {offsets = [0, 0], sizes = [64, 7], strides = [1, 1]} : vector<64x8xi32> to vector<64x7xi32>
        %concatenate3A_160 = tpu.concatenate %slice3A_158, %slice3A_159 in 1 : vector<64x1xi32>, vector<64x7xi32> -> vector<64x8xi32>
        %broadcast_in_dim3A_161 = vector.shape_cast %broadcast_in_dim3A_113 : vector<64x1xf32> to vector<64x1xf32>
        %broadcast_in_dim3A_162 = vector.broadcast %broadcast_in_dim3A_161 : vector<64x1xf32> to vector<64x8xf32>
        %broadcast_in_dim3A_163 = vector.shape_cast %broadcast_in_dim3A_120 : vector<64x1xi32> to vector<64x1xi32>
        %broadcast_in_dim3A_164 = vector.broadcast %broadcast_in_dim3A_163 : vector<64x1xi32> to vector<64x8xi32>
        %select_n3A_165 = arith.select %gt3A_154, %broadcast_in_dim3A_162, %concatenate3A_157 : vector<64x8xi1>, vector<64x8xf32>
        %select_n3A_166 = arith.select %or3A, %get3A_134, %select_n3A_165 : vector<64x8xi1>, vector<64x8xf32>
        %swap3A_167 = arith.constant 0 : index
        %swap3A_168 = arith.constant 0 : index
        %swap3A_169 = vector.load %arg20[%swap3A_167, %swap3A_168] : memref<64x8xf32, #tpu.memory_space<vmem>>, vector<64x8xf32>
        tpu.vector_store %arg20[%swap3A_167, %swap3A_168], %select_n3A_166 {strides = array<i32>} : memref<64x8xf32, #tpu.memory_space<vmem>>, vector<64x8xf32>,
        %select_n3A_170 = arith.select %gt3A_154, %broadcast_in_dim3A_164, %concatenate3A_160 : vector<64x8xi1>, vector<64x8xi32>
        %select_n3A_171 = arith.select %or3A, %get3A_137, %select_n3A_170 : vector<64x8xi1>, vector<64x8xi32>
        %swap3A_172 = arith.constant 0 : index
        %swap3A_173 = arith.constant 0 : index
        %swap3A_174 = vector.load %arg21[%swap3A_172, %swap3A_173] : memref<64x8xi32, #tpu.memory_space<vmem>>, vector<64x8xi32>
        tpu.vector_store %arg21[%swap3A_172, %swap3A_173], %select_n3A_171 {strides = array<i32>} : memref<64x8xi32, #tpu.memory_space<vmem>>, vector<64x8xi32>,
      } else {
      }
      %gt3A_103 = arith.constant 7.000000e+00 : f32
      %gt3A_104 = arith.cmpf ogt, %reduce_max3A_65, %gt3A_103 : f32
      %convert_element_type3A_105 = arith.extui %gt3A_104 : i1 to i32
      %cond3A_106 = arith.constant 0 : i32
      %cond3A_107 = arith.cmpi ne, %convert_element_type3A_105, %cond3A_106 : i32
      scf.if %cond3A_107 {
        %get3A_108 = arith.constant 0 : index
        %get3A_109 = arith.constant 0 : index
        %get3A_110 = vector.load %arg24[%get3A_108, %get3A_109] : memref<64x4096xf32, #tpu.memory_space<vmem>>, vector<64x4096xf32>
        %reduce_max3A_111 = arith.constant dense<0xFF800000> : vector<64xf32>
        %reduce_max3A_112 = vector.multi_reduction <maximumf>, %get3A_110, %reduce_max3A_111 [1] : vector<64x4096xf32> to vector<64xf32>
        %broadcast_in_dim3A_113 = vector.shape_cast %reduce_max3A_112 : vector<64xf32> to vector<64x1xf32>
        %eq3A_114 = vector.broadcast %broadcast_in_dim3A_113 : vector<64x1xf32> to vector<64x4096xf32>
        %eq3A_115 = arith.cmpf oeq, %get3A_110, %eq3A_114 : vector<64x4096xf32>
        %jit3A_116 = arith.constant 1073741824 : i32
        %broadcast_in_dim3A_117 = vector.broadcast %jit3A_116 : i32 to vector<64x4096xi32>
        %select_n3A_118 = arith.select %eq3A_115, %add3A_35, %broadcast_in_dim3A_117 : vector<64x4096xi1>, vector<64x4096xi32>
        %reduce_min3A = arith.constant dense<2147483647> : vector<64xi32>
        %reduce_min3A_119 = vector.multi_reduction <minsi>, %select_n3A_118, %reduce_min3A [1] : vector<64x4096xi32> to vector<64xi32>
        %broadcast_in_dim3A_120 = vector.shape_cast %reduce_min3A_119 : vector<64xi32> to vector<64x1xi32>
        %eq3A_121 = vector.broadcast %broadcast_in_dim3A_113 : vector<64x1xf32> to vector<64x4096xf32>
        %eq3A_122 = arith.cmpf oeq, %get3A_110, %eq3A_121 : vector<64x4096xf32>
        %eq3A_123 = vector.broadcast %broadcast_in_dim3A_120 : vector<64x1xi32> to vector<64x4096xi32>
        %eq3A_124 = arith.cmpi eq, %add3A_35, %eq3A_123 : vector<64x4096xi32>
        %and3A_125 = arith.andi %eq3A_122, %eq3A_124 : vector<64x4096xi1>
        %jit3A_126 = arith.constant -1.000000e+30 : f32
        %broadcast_in_dim3A_127 = vector.broadcast %jit3A_126 : f32 to vector<64x4096xf32>
        %select_n3A_128 = arith.select %and3A_125, %broadcast_in_dim3A_127, %get3A_110 : vector<64x4096xi1>, vector<64x4096xf32>
        %swap3A_129 = arith.constant 0 : index
        %swap3A_130 = arith.constant 0 : index
        %swap3A_131 = vector.load %arg24[%swap3A_129, %swap3A_130] : memref<64x4096xf32, #tpu.memory_space<vmem>>, vector<64x4096xf32>
        tpu.vector_store %arg24[%swap3A_129, %swap3A_130], %select_n3A_128 {strides = array<i32>} : memref<64x4096xf32, #tpu.memory_space<vmem>>, vector<64x4096xf32>,
        %get3A_132 = arith.constant 0 : index
        %get3A_133 = arith.constant 0 : index
        %get3A_134 = vector.load %arg20[%get3A_132, %get3A_133] : memref<64x8xf32, #tpu.memory_space<vmem>>, vector<64x8xf32>
        %get3A_135 = arith.constant 0 : index
        %get3A_136 = arith.constant 0 : index
        %get3A_137 = vector.load %arg21[%get3A_135, %get3A_136] : memref<64x8xi32, #tpu.memory_space<vmem>>, vector<64x8xi32>
        %gt3A_138 = vector.broadcast %broadcast_in_dim3A_113 : vector<64x1xf32> to vector<64x8xf32>
        %gt3A_139 = arith.cmpf ogt, %get3A_134, %gt3A_138 : vector<64x8xf32>
        %eq3A_140 = vector.broadcast %broadcast_in_dim3A_113 : vector<64x1xf32> to vector<64x8xf32>
        %eq3A_141 = arith.cmpf oeq, %get3A_134, %eq3A_140 : vector<64x8xf32>
        %lt3A_142 = vector.broadcast %broadcast_in_dim3A_120 : vector<64x1xi32> to vector<64x8xi32>
        %lt3A_143 = arith.cmpi slt, %get3A_137, %lt3A_142 : vector<64x8xi32>
        %and3A_144 = arith.andi %eq3A_141, %lt3A_143 : vector<64x8xi1>
        %or3A = arith.ori %gt3A_139, %and3A_144 : vector<64x8xi1>
        %jit3A_145 = arith.constant 1.000000e+00 : f32
        %jit3A_146 = arith.constant 0.000000e+00 : f32
        %broadcast_in_dim3A_147 = vector.broadcast %jit3A_145 : f32 to vector<64x8xf32>
        %broadcast_in_dim3A_148 = vector.broadcast %jit3A_146 : f32 to vector<64x8xf32>
        %select_n3A_149 = arith.select %or3A, %broadcast_in_dim3A_147, %broadcast_in_dim3A_148 : vector<64x8xi1>, vector<64x8xf32>
        %broadcast_in_dim3A_150 = arith.constant 1.000000e+00 : f32
        %broadcast_in_dim3A_151 = vector.broadcast %broadcast_in_dim3A_150 : f32 to vector<64x1xf32>
        %slice3A = vector.extract_strided_slice %select_n3A_149 {offsets = [0, 0], sizes = [64, 7], strides = [1, 1]} : vector<64x8xf32> to vector<64x7xf32>
        %concatenate3A = tpu.concatenate %broadcast_in_dim3A_151, %slice3A in 1 : vector<64x1xf32>, vector<64x7xf32> -> vector<64x8xf32>
        %gt3A_152 = arith.constant 5.000000e-01 : f32
        %gt3A_153 = vector.broadcast %gt3A_152 : f32 to vector<64x8xf32>
        %gt3A_154 = arith.cmpf ogt, %concatenate3A, %gt3A_153 : vector<64x8xf32>
        %slice3A_155 = vector.extract_strided_slice %get3A_134 {offsets = [0, 0], sizes = [64, 1], strides = [1, 1]} : vector<64x8xf32> to vector<64x1xf32>
        %slice3A_156 = vector.extract_strided_slice %get3A_134 {offsets = [0, 0], sizes = [64, 7], strides = [1, 1]} : vector<64x8xf32> to vector<64x7xf32>
        %concatenate3A_157 = tpu.concatenate %slice3A_155, %slice3A_156 in 1 : vector<64x1xf32>, vector<64x7xf32> -> vector<64x8xf32>
        %slice3A_158 = vector.extract_strided_slice %get3A_137 {offsets = [0, 0], sizes = [64, 1], strides = [1, 1]} : vector<64x8xi32> to vector<64x1xi32>
        %slice3A_159 = vector.extract_strided_slice %get3A_137 {offsets = [0, 0], sizes = [64, 7], strides = [1, 1]} : vector<64x8xi32> to vector<64x7xi32>
        %concatenate3A_160 = tpu.concatenate %slice3A_158, %slice3A_159 in 1 : vector<64x1xi32>, vector<64x7xi32> -> vector<64x8xi32>
        %broadcast_in_dim3A_161 = vector.shape_cast %broadcast_in_dim3A_113 : vector<64x1xf32> to vector<64x1xf32>
        %broadcast_in_dim3A_162 = vector.broadcast %broadcast_in_dim3A_161 : vector<64x1xf32> to vector<64x8xf32>
        %broadcast_in_dim3A_163 = vector.shape_cast %broadcast_in_dim3A_120 : vector<64x1xi32> to vector<64x1xi32>
        %broadcast_in_dim3A_164 = vector.broadcast %broadcast_in_dim3A_163 : vector<64x1xi32> to vector<64x8xi32>
        %select_n3A_165 = arith.select %gt3A_154, %broadcast_in_dim3A_162, %concatenate3A_157 : vector<64x8xi1>, vector<64x8xf32>
        %select_n3A_166 = arith.select %or3A, %get3A_134, %select_n3A_165 : vector<64x8xi1>, vector<64x8xf32>
        %swap3A_167 = arith.constant 0 : index
        %swap3A_168 = arith.constant 0 : index
        %swap3A_169 = vector.load %arg20[%swap3A_167, %swap3A_168] : memref<64x8xf32, #tpu.memory_space<vmem>>, vector<64x8xf32>
        tpu.vector_store %arg20[%swap3A_167, %swap3A_168], %select_n3A_166 {strides = array<i32>} : memref<64x8xf32, #tpu.memory_space<vmem>>, vector<64x8xf32>,
        %select_n3A_170 = arith.select %gt3A_154, %broadcast_in_dim3A_164, %concatenate3A_160 : vector<64x8xi1>, vector<64x8xi32>
        %select_n3A_171 = arith.select %or3A, %get3A_137, %select_n3A_170 : vector<64x8xi1>, vector<64x8xi32>
        %swap3A_172 = arith.constant 0 : index
        %swap3A_173 = arith.constant 0 : index
        %swap3A_174 = vector.load %arg21[%swap3A_172, %swap3A_173] : memref<64x8xi32, #tpu.memory_space<vmem>>, vector<64x8xi32>
        tpu.vector_store %arg21[%swap3A_172, %swap3A_173], %select_n3A_171 {strides = array<i32>} : memref<64x8xi32, #tpu.memory_space<vmem>>, vector<64x8xi32>,
      } else {
      }
    } else {
    }
    %eq3A_9 = arith.constant 1 : i32
    %eq3A_10 = arith.cmpi eq, %arg0, %eq3A_9 : i32
    %convert_element_type3A_11 = arith.extui %eq3A_10 : i1 to i32
    %cond3A_12 = arith.constant 0 : i32
    %cond3A_13 = arith.cmpi ne, %convert_element_type3A_11, %cond3A_12 : i32
    scf.if %cond3A_13 {
      %mul3A = arith.constant 4096 : i32
      %mul3A_22 = arith.muli %arg1, %mul3A : i32
      %get3A = arith.constant 0 : index
      %get3A_23 = arith.index_cast %mul3A_22 : i32 to index
      %get3A_24 = vector.load %arg22[%get3A, %get3A_23] : memref<64x102400xf32, #tpu.memory_space<vmem>>, vector<64x4096xf32>
      %get3A_25 = arith.constant 0 : index
      %get3A_26 = arith.constant 0 : index
      %get3A_27 = vector.load %arg19[%get3A_25, %get3A_26] : memref<64x1xf32, #tpu.memory_space<vmem>>, vector<64x1xf32>
      %sub3A = vector.broadcast %get3A_27 : vector<64x1xf32> to vector<64x4096xf32>
      %sub3A_28 = arith.subf %get3A_24, %sub3A : vector<64x4096xf32>
      %exp3A = math.exp %sub3A_28 : vector<64x4096xf32>
      %get3A_29 = arith.constant 0 : index
      %get3A_30 = arith.constant 0 : index
      %get3A_31 = vector.load %arg23[%get3A_29, %get3A_30] : memref<64x128xf32, #tpu.memory_space<vmem>>, vector<64x128xf32>
      %slice3A = vector.extract_strided_slice %exp3A {offsets = [0, 0], sizes = [64, 128], strides = [1, 1]} : vector<64x4096xf32> to vector<64x128xf32>
      %add3A = arith.addf %get3A_31, %slice3A : vector<64x128xf32>
      %slice3A_32 = vector.extract_strided_slice %exp3A {offsets = [0, 128], sizes = [64, 128], strides = [1, 1]} : vector<64x4096xf32> to vector<64x128xf32>
      %add3A_33 = arith.addf %add3A, %slice3A_32 : vector<64x128xf32>
      %slice3A_34 = vector.extract_strided_slice %exp3A {offsets = [0, 256], sizes = [64, 128], strides = [1, 1]} : vector<64x4096xf32> to vector<64x128xf32>
      %add3A_35 = arith.addf %add3A_33, %slice3A_34 : vector<64x128xf32>
      %slice3A_36 = vector.extract_strided_slice %exp3A {offsets = [0, 384], sizes = [64, 128], strides = [1, 1]} : vector<64x4096xf32> to vector<64x128xf32>
      %add3A_37 = arith.addf %add3A_35, %slice3A_36 : vector<64x128xf32>
      %slice3A_38 = vector.extract_strided_slice %exp3A {offsets = [0, 512], sizes = [64, 128], strides = [1, 1]} : vector<64x4096xf32> to vector<64x128xf32>
      %add3A_39 = arith.addf %add3A_37, %slice3A_38 : vector<64x128xf32>
      %slice3A_40 = vector.extract_strided_slice %exp3A {offsets = [0, 640], sizes = [64, 128], strides = [1, 1]} : vector<64x4096xf32> to vector<64x128xf32>
      %add3A_41 = arith.addf %add3A_39, %slice3A_40 : vector<64x128xf32>
      %slice3A_42 = vector.extract_strided_slice %exp3A {offsets = [0, 768], sizes = [64, 128], strides = [1, 1]} : vector<64x4096xf32> to vector<64x128xf32>
      %add3A_43 = arith.addf %add3A_41, %slice3A_42 : vector<64x128xf32>
      %slice3A_44 = vector.extract_strided_slice %exp3A {offsets = [0, 896], sizes = [64, 128], strides = [1, 1]} : vector<64x4096xf32> to vector<64x128xf32>
      %add3A_45 = arith.addf %add3A_43, %slice3A_44 : vector<64x128xf32>
      %slice3A_46 = vector.extract_strided_slice %exp3A {offsets = [0, 1024], sizes = [64, 128], strides = [1, 1]} : vector<64x4096xf32> to vector<64x128xf32>
      %add3A_47 = arith.addf %add3A_45, %slice3A_46 : vector<64x128xf32>
      %slice3A_48 = vector.extract_strided_slice %exp3A {offsets = [0, 1152], sizes = [64, 128], strides = [1, 1]} : vector<64x4096xf32> to vector<64x128xf32>
      %add3A_49 = arith.addf %add3A_47, %slice3A_48 : vector<64x128xf32>
      %slice3A_50 = vector.extract_strided_slice %exp3A {offsets = [0, 1280], sizes = [64, 128], strides = [1, 1]} : vector<64x4096xf32> to vector<64x128xf32>
      %add3A_51 = arith.addf %add3A_49, %slice3A_50 : vector<64x128xf32>
      %slice3A_52 = vector.extract_strided_slice %exp3A {offsets = [0, 1408], sizes = [64, 128], strides = [1, 1]} : vector<64x4096xf32> to vector<64x128xf32>
      %add3A_53 = arith.addf %add3A_51, %slice3A_52 : vector<64x128xf32>
      %slice3A_54 = vector.extract_strided_slice %exp3A {offsets = [0, 1536], sizes = [64, 128], strides = [1, 1]} : vector<64x4096xf32> to vector<64x128xf32>
      %add3A_55 = arith.addf %add3A_53, %slice3A_54 : vector<64x128xf32>
      %slice3A_56 = vector.extract_strided_slice %exp3A {offsets = [0, 1664], sizes = [64, 128], strides = [1, 1]} : vector<64x4096xf32> to vector<64x128xf32>
      %add3A_57 = arith.addf %add3A_55, %slice3A_56 : vector<64x128xf32>
      %slice3A_58 = vector.extract_strided_slice %exp3A {offsets = [0, 1792], sizes = [64, 128], strides = [1, 1]} : vector<64x4096xf32> to vector<64x128xf32>
      %add3A_59 = arith.addf %add3A_57, %slice3A_58 : vector<64x128xf32>
      %slice3A_60 = vector.extract_strided_slice %exp3A {offsets = [0, 1920], sizes = [64, 128], strides = [1, 1]} : vector<64x4096xf32> to vector<64x128xf32>
      %add3A_61 = arith.addf %add3A_59, %slice3A_60 : vector<64x128xf32>
      %slice3A_62 = vector.extract_strided_slice %exp3A {offsets = [0, 2048], sizes = [64, 128], strides = [1, 1]} : vector<64x4096xf32> to vector<64x128xf32>
      %add3A_63 = arith.addf %add3A_61, %slice3A_62 : vector<64x128xf32>
      %slice3A_64 = vector.extract_strided_slice %exp3A {offsets = [0, 2176], sizes = [64, 128], strides = [1, 1]} : vector<64x4096xf32> to vector<64x128xf32>
      %add3A_65 = arith.addf %add3A_63, %slice3A_64 : vector<64x128xf32>
      %slice3A_66 = vector.extract_strided_slice %exp3A {offsets = [0, 2304], sizes = [64, 128], strides = [1, 1]} : vector<64x4096xf32> to vector<64x128xf32>
      %add3A_67 = arith.addf %add3A_65, %slice3A_66 : vector<64x128xf32>
      %slice3A_68 = vector.extract_strided_slice %exp3A {offsets = [0, 2432], sizes = [64, 128], strides = [1, 1]} : vector<64x4096xf32> to vector<64x128xf32>
      %add3A_69 = arith.addf %add3A_67, %slice3A_68 : vector<64x128xf32>
      %slice3A_70 = vector.extract_strided_slice %exp3A {offsets = [0, 2560], sizes = [64, 128], strides = [1, 1]} : vector<64x4096xf32> to vector<64x128xf32>
      %add3A_71 = arith.addf %add3A_69, %slice3A_70 : vector<64x128xf32>
      %slice3A_72 = vector.extract_strided_slice %exp3A {offsets = [0, 2688], sizes = [64, 128], strides = [1, 1]} : vector<64x4096xf32> to vector<64x128xf32>
      %add3A_73 = arith.addf %add3A_71, %slice3A_72 : vector<64x128xf32>
      %slice3A_74 = vector.extract_strided_slice %exp3A {offsets = [0, 2816], sizes = [64, 128], strides = [1, 1]} : vector<64x4096xf32> to vector<64x128xf32>
      %add3A_75 = arith.addf %add3A_73, %slice3A_74 : vector<64x128xf32>
      %slice3A_76 = vector.extract_strided_slice %exp3A {offsets = [0, 2944], sizes = [64, 128], strides = [1, 1]} : vector<64x4096xf32> to vector<64x128xf32>
      %add3A_77 = arith.addf %add3A_75, %slice3A_76 : vector<64x128xf32>
      %slice3A_78 = vector.extract_strided_slice %exp3A {offsets = [0, 3072], sizes = [64, 128], strides = [1, 1]} : vector<64x4096xf32> to vector<64x128xf32>
      %add3A_79 = arith.addf %add3A_77, %slice3A_78 : vector<64x128xf32>
      %slice3A_80 = vector.extract_strided_slice %exp3A {offsets = [0, 3200], sizes = [64, 128], strides = [1, 1]} : vector<64x4096xf32> to vector<64x128xf32>
      %add3A_81 = arith.addf %add3A_79, %slice3A_80 : vector<64x128xf32>
      %slice3A_82 = vector.extract_strided_slice %exp3A {offsets = [0, 3328], sizes = [64, 128], strides = [1, 1]} : vector<64x4096xf32> to vector<64x128xf32>
      %add3A_83 = arith.addf %add3A_81, %slice3A_82 : vector<64x128xf32>
      %slice3A_84 = vector.extract_strided_slice %exp3A {offsets = [0, 3456], sizes = [64, 128], strides = [1, 1]} : vector<64x4096xf32> to vector<64x128xf32>
      %add3A_85 = arith.addf %add3A_83, %slice3A_84 : vector<64x128xf32>
      %slice3A_86 = vector.extract_strided_slice %exp3A {offsets = [0, 3584], sizes = [64, 128], strides = [1, 1]} : vector<64x4096xf32> to vector<64x128xf32>
      %add3A_87 = arith.addf %add3A_85, %slice3A_86 : vector<64x128xf32>
      %slice3A_88 = vector.extract_strided_slice %exp3A {offsets = [0, 3712], sizes = [64, 128], strides = [1, 1]} : vector<64x4096xf32> to vector<64x128xf32>
      %add3A_89 = arith.addf %add3A_87, %slice3A_88 : vector<64x128xf32>
      %slice3A_90 = vector.extract_strided_slice %exp3A {offsets = [0, 3840], sizes = [64, 128], strides = [1, 1]} : vector<64x4096xf32> to vector<64x128xf32>
      %add3A_91 = arith.addf %add3A_89, %slice3A_90 : vector<64x128xf32>
      %slice3A_92 = vector.extract_strided_slice %exp3A {offsets = [0, 3968], sizes = [64, 128], strides = [1, 1]} : vector<64x4096xf32> to vector<64x128xf32>
      %add3A_93 = arith.addf %add3A_91, %slice3A_92 : vector<64x128xf32>
      %swap3A = arith.constant 0 : index
      %swap3A_94 = arith.constant 0 : index
      %swap3A_95 = vector.load %arg23[%swap3A, %swap3A_94] : memref<64x128xf32, #tpu.memory_space<vmem>>, vector<64x128xf32>
      tpu.vector_store %arg23[%swap3A, %swap3A_94], %add3A_93 {strides = array<i32>} : memref<64x128xf32, #tpu.memory_space<vmem>>, vector<64x128xf32>,
      %iota3A = tpu.iota {dimensions = array<i32: 1>} : vector<8x64xi32>
      %iota3A_96 = tpu.iota {dimensions = array<i32: 0>} : vector<8x64xi32>
      %mul3A_97 = arith.constant 8 : i32
      %mul3A_98 = vector.broadcast %mul3A_97 : i32 to vector<8x64xi32>
      %mul3A_99 = arith.muli %iota3A_96, %mul3A_98 : vector<8x64xi32>
      %add3A_100 = arith.constant 0 : i32
      %add3A_101 = vector.broadcast %add3A_100 : i32 to vector<8x64xi32>
      %add3A_102 = arith.addi %mul3A_99, %add3A_101 : vector<8x64xi32>
      %eq3A_103 = arith.cmpi eq, %iota3A, %add3A_102 : vector<8x64xi32>
      %convert_element_type3A_104 = arith.extui %eq3A_103 : vector<8x64xi1> to vector<8x64xi32>
      %convert_element_type3A_105 = arith.sitofp %convert_element_type3A_104 : vector<8x64xi32> to vector<8x64xf32>
      %dot_general3A = arith.constant dense<0.000000e+00> : vector<8x4096xf32>
      %dot_general3A_106 = tpu.matmul %convert_element_type3A_105, %get3A_24, %dot_general3A {dimension_numbers = #tpu.dot_dimension_numbers<[1], [0], [0], [1], [0, 0, 1, 1], [], []>, precision = #tpu.contract_precision<fp32>, transpose_lhs_hint = false} : vector<8x64xf32>, vector<64x4096xf32>, vector<8x4096xf32> -> vector<8x4096xf32>
      %swap3A_107 = arith.constant 0 : index
      %swap3A_108 = arith.constant 0 : index
      %swap3A_109 = vector.load %arg12[%swap3A_107, %swap3A_108] : memref<8x4096xf32, #tpu.memory_space<vmem>>, vector<8x4096xf32>
      tpu.vector_store %arg12[%swap3A_107, %swap3A_108], %dot_general3A_106 {strides = array<i32>} : memref<8x4096xf32, #tpu.memory_space<vmem>>, vector<8x4096xf32>,
    } else {
    }
    %eq3A_14 = arith.constant 1 : i32
    %eq3A_15 = arith.cmpi eq, %arg0, %eq3A_14 : i32
    %eq3A_16 = arith.constant 24 : i32
    %eq3A_17 = arith.cmpi eq, %arg1, %eq3A_16 : i32
    %and3A_18 = arith.andi %eq3A_15, %eq3A_17 : i1
    %convert_element_type3A_19 = arith.extui %and3A_18 : i1 to i32
    %cond3A_20 = arith.constant 0 : i32
    %cond3A_21 = arith.cmpi ne, %convert_element_type3A_19, %cond3A_20 : i32
    scf.if %cond3A_21 {
      %get3A = arith.constant 0 : index
      %get3A_22 = arith.constant 0 : index
      %get3A_23 = vector.load %arg19[%get3A, %get3A_22] : memref<64x1xf32, #tpu.memory_space<vmem>>, vector<64x1xf32>
      %get3A_24 = arith.constant 0 : index
      %get3A_25 = arith.constant 0 : index
      %get3A_26 = vector.load %arg23[%get3A_24, %get3A_25] : memref<64x128xf32, #tpu.memory_space<vmem>>, vector<64x128xf32>
      %reduce_sum3A = arith.constant dense<0.000000e+00> : vector<64xf32>
      %reduce_sum3A_27 = vector.multi_reduction <add>, %get3A_26, %reduce_sum3A [1] : vector<64x128xf32> to vector<64xf32>
      %broadcast_in_dim3A = vector.shape_cast %reduce_sum3A_27 : vector<64xf32> to vector<64x1xf32>
      %log3A = math.log %broadcast_in_dim3A : vector<64x1xf32>
      %get3A_28 = arith.constant 0 : index
      %get3A_29 = arith.constant 0 : index
      %get3A_30 = vector.load %arg5[%get3A_28, %get3A_29] : memref<64x1xi32, #tpu.memory_space<vmem>>, vector<64x1xi32>
      %eq3A_31 = arith.constant 2 : i32
      %eq3A_32 = vector.broadcast %eq3A_31 : i32 to vector<64x1xi32>
      %eq3A_33 = arith.cmpi eq, %get3A_30, %eq3A_32 : vector<64x1xi32>
      %get3A_34 = arith.constant 0 : index
      %get3A_35 = arith.constant 0 : index
      %get3A_36 = vector.load %arg4[%get3A_34, %get3A_35] : memref<64x1xf32, #tpu.memory_space<vmem>>, vector<64x1xf32>
      %jit3A = arith.constant -9.99999968E+37 : f32
      %broadcast_in_dim3A_37 = vector.broadcast %jit3A : f32 to vector<64x1xf32>
      %select_n3A = arith.select %eq3A_33, %broadcast_in_dim3A_37, %get3A_36 : vector<64x1xi1>, vector<64x1xf32>
      %get3A_38 = arith.constant 0 : index
      %get3A_39 = arith.constant 0 : index
      %get3A_40 = vector.load %arg20[%get3A_38, %get3A_39] : memref<64x8xf32, #tpu.memory_space<vmem>>, vector<64x8xf32>
      %sub3A = vector.broadcast %get3A_23 : vector<64x1xf32> to vector<64x8xf32>
      %sub3A_41 = arith.subf %get3A_40, %sub3A : vector<64x8xf32>
      %sub3A_42 = vector.broadcast %log3A : vector<64x1xf32> to vector<64x8xf32>
      %sub3A_43 = arith.subf %sub3A_41, %sub3A_42 : vector<64x8xf32>
      %add3A = vector.broadcast %select_n3A : vector<64x1xf32> to vector<64x8xf32>
      %add3A_44 = arith.addf %add3A, %sub3A_43 : vector<64x8xf32>
      %iota3A = tpu.iota {dimensions = array<i32: 0>} : vector<64x8xi32>
      %jit3A_45 = arith.constant 8 : i32
      %eq3A_46 = arith.constant 0 : i32
      %eq3A_47 = arith.cmpi eq, %jit3A_45, %eq3A_46 : i32
      %jit3A_48 = arith.constant 1 : i32
      %select_n3A_49 = arith.select %eq3A_47, %jit3A_48, %jit3A_45 : i32
      %rem3A = vector.broadcast %select_n3A_49 : i32 to vector<64x8xi32>
      %rem3A_50 = arith.remsi %iota3A, %rem3A : vector<64x8xi32>
      %ne3A = arith.constant 0 : i32
      %ne3A_51 = vector.broadcast %ne3A : i32 to vector<64x8xi32>
      %ne3A_52 = arith.cmpi ne, %rem3A_50, %ne3A_51 : vector<64x8xi32>
      %lt3A = arith.constant 0 : i32
      %lt3A_53 = vector.broadcast %lt3A : i32 to vector<64x8xi32>
      %lt3A_54 = arith.cmpi slt, %rem3A_50, %lt3A_53 : vector<64x8xi32>
      %lt3A_55 = arith.constant 0 : i32
      %lt3A_56 = arith.cmpi slt, %select_n3A_49, %lt3A_55 : i32
      %ne3A_57 = vector.broadcast %lt3A_56 : i1 to vector<64x8xi1>
      %ne3A_58 = vector.broadcast %ne3A_57 : vector<64x8xi1> to vector<64x8xi1>
      %ne3A_59 = arith.xori %lt3A_54, %ne3A_58 : vector<64x8xi1>
      %and3A_60 = arith.andi %ne3A_59, %ne3A_52 : vector<64x8xi1>
      %add3A_61 = vector.broadcast %select_n3A_49 : i32 to vector<64x8xi32>
      %add3A_62 = arith.addi %rem3A_50, %add3A_61 : vector<64x8xi32>
      %select_n3A_63 = arith.select %and3A_60, %add3A_62, %rem3A_50 : vector<64x8xi1>, vector<64x8xi32>
      %mul3A = arith.constant 100000 : i32
      %mul3A_64 = vector.broadcast %mul3A : i32 to vector<64x8xi32>
      %mul3A_65 = arith.muli %select_n3A_63, %mul3A_64 : vector<64x8xi32>
      %get3A_66 = arith.constant 0 : index
      %get3A_67 = arith.constant 0 : index
      %get3A_68 = vector.load %arg21[%get3A_66, %get3A_67] : memref<64x8xi32, #tpu.memory_space<vmem>>, vector<64x8xi32>
      %add3A_69 = arith.addi %mul3A_65, %get3A_68 : vector<64x8xi32>
      %convert_element_type3A_70 = arith.sitofp %add3A_69 : vector<64x8xi32> to vector<64x8xf32>
      %iota3A_71 = tpu.iota {dimensions = array<i32: 1>} : vector<8x64xi32>
      %iota3A_72 = tpu.iota {dimensions = array<i32: 0>} : vector<8x64xi32>
      %mul3A_73 = arith.constant 8 : i32
      %mul3A_74 = vector.broadcast %mul3A_73 : i32 to vector<8x64xi32>
      %mul3A_75 = arith.muli %iota3A_72, %mul3A_74 : vector<8x64xi32>
      %add3A_76 = arith.constant 0 : i32
      %add3A_77 = vector.broadcast %add3A_76 : i32 to vector<8x64xi32>
      %add3A_78 = arith.addi %mul3A_75, %add3A_77 : vector<8x64xi32>
      %eq3A_79 = arith.cmpi eq, %iota3A_71, %add3A_78 : vector<8x64xi32>
      %convert_element_type3A_80 = arith.extui %eq3A_79 : vector<8x64xi1> to vector<8x64xi32>
      %convert_element_type3A_81 = arith.sitofp %convert_element_type3A_80 : vector<8x64xi32> to vector<8x64xf32>
      %dot_general3A = arith.constant dense<0.000000e+00> : vector<8x8xf32>
      %dot_general3A_82 = tpu.matmul %convert_element_type3A_81, %add3A_44, %dot_general3A {dimension_numbers = #tpu.dot_dimension_numbers<[1], [0], [0], [1], [0, 0, 1, 1], [], []>, precision = #tpu.contract_precision<fp32>, transpose_lhs_hint = false} : vector<8x64xf32>, vector<64x8xf32>, vector<8x8xf32> -> vector<8x8xf32>
      %iota3A_83 = tpu.iota {dimensions = array<i32: 1>} : vector<8x64xi32>
      %iota3A_84 = tpu.iota {dimensions = array<i32: 0>} : vector<8x64xi32>
      %mul3A_85 = arith.constant 8 : i32
      %mul3A_86 = vector.broadcast %mul3A_85 : i32 to vector<8x64xi32>
      %mul3A_87 = arith.muli %iota3A_84, %mul3A_86 : vector<8x64xi32>
      %add3A_88 = arith.constant 1 : i32
      %add3A_89 = vector.broadcast %add3A_88 : i32 to vector<8x64xi32>
      %add3A_90 = arith.addi %mul3A_87, %add3A_89 : vector<8x64xi32>
      %eq3A_91 = arith.cmpi eq, %iota3A_83, %add3A_90 : vector<8x64xi32>
      %convert_element_type3A_92 = arith.extui %eq3A_91 : vector<8x64xi1> to vector<8x64xi32>
      %convert_element_type3A_93 = arith.sitofp %convert_element_type3A_92 : vector<8x64xi32> to vector<8x64xf32>
      %dot_general3A_94 = arith.constant dense<0.000000e+00> : vector<8x8xf32>
      %dot_general3A_95 = tpu.matmul %convert_element_type3A_93, %add3A_44, %dot_general3A_94 {dimension_numbers = #tpu.dot_dimension_numbers<[1], [0], [0], [1], [0, 0, 1, 1], [], []>, precision = #tpu.contract_precision<fp32>, transpose_lhs_hint = false} : vector<8x64xf32>, vector<64x8xf32>, vector<8x8xf32> -> vector<8x8xf32>
      %iota3A_96 = tpu.iota {dimensions = array<i32: 1>} : vector<8x64xi32>
      %iota3A_97 = tpu.iota {dimensions = array<i32: 0>} : vector<8x64xi32>
      %mul3A_98 = arith.constant 8 : i32
      %mul3A_99 = vector.broadcast %mul3A_98 : i32 to vector<8x64xi32>
      %mul3A_100 = arith.muli %iota3A_97, %mul3A_99 : vector<8x64xi32>
      %add3A_101 = arith.constant 2 : i32
      %add3A_102 = vector.broadcast %add3A_101 : i32 to vector<8x64xi32>
      %add3A_103 = arith.addi %mul3A_100, %add3A_102 : vector<8x64xi32>
      %eq3A_104 = arith.cmpi eq, %iota3A_96, %add3A_103 : vector<8x64xi32>
      %convert_element_type3A_105 = arith.extui %eq3A_104 : vector<8x64xi1> to vector<8x64xi32>
      %convert_element_type3A_106 = arith.sitofp %convert_element_type3A_105 : vector<8x64xi32> to vector<8x64xf32>
      %dot_general3A_107 = arith.constant dense<0.000000e+00> : vector<8x8xf32>
      %dot_general3A_108 = tpu.matmul %convert_element_type3A_106, %add3A_44, %dot_general3A_107 {dimension_numbers = #tpu.dot_dimension_numbers<[1], [0], [0], [1], [0, 0, 1, 1], [], []>, precision = #tpu.contract_precision<fp32>, transpose_lhs_hint = false} : vector<8x64xf32>, vector<64x8xf32>, vector<8x8xf32> -> vector<8x8xf32>
      %iota3A_109 = tpu.iota {dimensions = array<i32: 1>} : vector<8x64xi32>
      %iota3A_110 = tpu.iota {dimensions = array<i32: 0>} : vector<8x64xi32>
      %mul3A_111 = arith.constant 8 : i32
      %mul3A_112 = vector.broadcast %mul3A_111 : i32 to vector<8x64xi32>
      %mul3A_113 = arith.muli %iota3A_110, %mul3A_112 : vector<8x64xi32>
      %add3A_114 = arith.constant 3 : i32
      %add3A_115 = vector.broadcast %add3A_114 : i32 to vector<8x64xi32>
      %add3A_116 = arith.addi %mul3A_113, %add3A_115 : vector<8x64xi32>
      %eq3A_117 = arith.cmpi eq, %iota3A_109, %add3A_116 : vector<8x64xi32>
      %convert_element_type3A_118 = arith.extui %eq3A_117 : vector<8x64xi1> to vector<8x64xi32>
      %convert_element_type3A_119 = arith.sitofp %convert_element_type3A_118 : vector<8x64xi32> to vector<8x64xf32>
      %dot_general3A_120 = arith.constant dense<0.000000e+00> : vector<8x8xf32>
      %dot_general3A_121 = tpu.matmul %convert_element_type3A_119, %add3A_44, %dot_general3A_120 {dimension_numbers = #tpu.dot_dimension_numbers<[1], [0], [0], [1], [0, 0, 1, 1], [], []>, precision = #tpu.contract_precision<fp32>, transpose_lhs_hint = false} : vector<8x64xf32>, vector<64x8xf32>, vector<8x8xf32> -> vector<8x8xf32>
      %iota3A_122 = tpu.iota {dimensions = array<i32: 1>} : vector<8x64xi32>
      %iota3A_123 = tpu.iota {dimensions = array<i32: 0>} : vector<8x64xi32>
      %mul3A_124 = arith.constant 8 : i32
      %mul3A_125 = vector.broadcast %mul3A_124 : i32 to vector<8x64xi32>
      %mul3A_126 = arith.muli %iota3A_123, %mul3A_125 : vector<8x64xi32>
      %add3A_127 = arith.constant 4 : i32
      %add3A_128 = vector.broadcast %add3A_127 : i32 to vector<8x64xi32>
      %add3A_129 = arith.addi %mul3A_126, %add3A_128 : vector<8x64xi32>
      %eq3A_130 = arith.cmpi eq, %iota3A_122, %add3A_129 : vector<8x64xi32>
      %convert_element_type3A_131 = arith.extui %eq3A_130 : vector<8x64xi1> to vector<8x64xi32>
      %convert_element_type3A_132 = arith.sitofp %convert_element_type3A_131 : vector<8x64xi32> to vector<8x64xf32>
      %dot_general3A_133 = arith.constant dense<0.000000e+00> : vector<8x8xf32>
      %dot_general3A_134 = tpu.matmul %convert_element_type3A_132, %add3A_44, %dot_general3A_133 {dimension_numbers = #tpu.dot_dimension_numbers<[1], [0], [0], [1], [0, 0, 1, 1], [], []>, precision = #tpu.contract_precision<fp32>, transpose_lhs_hint = false} : vector<8x64xf32>, vector<64x8xf32>, vector<8x8xf32> -> vector<8x8xf32>
      %iota3A_135 = tpu.iota {dimensions = array<i32: 1>} : vector<8x64xi32>
      %iota3A_136 = tpu.iota {dimensions = array<i32: 0>} : vector<8x64xi32>
      %mul3A_137 = arith.constant 8 : i32
      %mul3A_138 = vector.broadcast %mul3A_137 : i32 to vector<8x64xi32>
      %mul3A_139 = arith.muli %iota3A_136, %mul3A_138 : vector<8x64xi32>
      %add3A_140 = arith.constant 5 : i32
      %add3A_141 = vector.broadcast %add3A_140 : i32 to vector<8x64xi32>
      %add3A_142 = arith.addi %mul3A_139, %add3A_141 : vector<8x64xi32>
      %eq3A_143 = arith.cmpi eq, %iota3A_135, %add3A_142 : vector<8x64xi32>
      %convert_element_type3A_144 = arith.extui %eq3A_143 : vector<8x64xi1> to vector<8x64xi32>
      %convert_element_type3A_145 = arith.sitofp %convert_element_type3A_144 : vector<8x64xi32> to vector<8x64xf32>
      %dot_general3A_146 = arith.constant dense<0.000000e+00> : vector<8x8xf32>
      %dot_general3A_147 = tpu.matmul %convert_element_type3A_145, %add3A_44, %dot_general3A_146 {dimension_numbers = #tpu.dot_dimension_numbers<[1], [0], [0], [1], [0, 0, 1, 1], [], []>, precision = #tpu.contract_precision<fp32>, transpose_lhs_hint = false} : vector<8x64xf32>, vector<64x8xf32>, vector<8x8xf32> -> vector<8x8xf32>
      %iota3A_148 = tpu.iota {dimensions = array<i32: 1>} : vector<8x64xi32>
      %iota3A_149 = tpu.iota {dimensions = array<i32: 0>} : vector<8x64xi32>
      %mul3A_150 = arith.constant 8 : i32
      %mul3A_151 = vector.broadcast %mul3A_150 : i32 to vector<8x64xi32>
      %mul3A_152 = arith.muli %iota3A_149, %mul3A_151 : vector<8x64xi32>
      %add3A_153 = arith.constant 6 : i32
      %add3A_154 = vector.broadcast %add3A_153 : i32 to vector<8x64xi32>
      %add3A_155 = arith.addi %mul3A_152, %add3A_154 : vector<8x64xi32>
      %eq3A_156 = arith.cmpi eq, %iota3A_148, %add3A_155 : vector<8x64xi32>
      %convert_element_type3A_157 = arith.extui %eq3A_156 : vector<8x64xi1> to vector<8x64xi32>
      %convert_element_type3A_158 = arith.sitofp %convert_element_type3A_157 : vector<8x64xi32> to vector<8x64xf32>
      %dot_general3A_159 = arith.constant dense<0.000000e+00> : vector<8x8xf32>
      %dot_general3A_160 = tpu.matmul %convert_element_type3A_158, %add3A_44, %dot_general3A_159 {dimension_numbers = #tpu.dot_dimension_numbers<[1], [0], [0], [1], [0, 0, 1, 1], [], []>, precision = #tpu.contract_precision<fp32>, transpose_lhs_hint = false} : vector<8x64xf32>, vector<64x8xf32>, vector<8x8xf32> -> vector<8x8xf32>
      %iota3A_161 = tpu.iota {dimensions = array<i32: 1>} : vector<8x64xi32>
      %iota3A_162 = tpu.iota {dimensions = array<i32: 0>} : vector<8x64xi32>
      %mul3A_163 = arith.constant 8 : i32
      %mul3A_164 = vector.broadcast %mul3A_163 : i32 to vector<8x64xi32>
      %mul3A_165 = arith.muli %iota3A_162, %mul3A_164 : vector<8x64xi32>
      %add3A_166 = arith.constant 7 : i32
      %add3A_167 = vector.broadcast %add3A_166 : i32 to vector<8x64xi32>
      %add3A_168 = arith.addi %mul3A_165, %add3A_167 : vector<8x64xi32>
      %eq3A_169 = arith.cmpi eq, %iota3A_161, %add3A_168 : vector<8x64xi32>
      %convert_element_type3A_170 = arith.extui %eq3A_169 : vector<8x64xi1> to vector<8x64xi32>
      %convert_element_type3A_171 = arith.sitofp %convert_element_type3A_170 : vector<8x64xi32> to vector<8x64xf32>
      %dot_general3A_172 = arith.constant dense<0.000000e+00> : vector<8x8xf32>
      %dot_general3A_173 = tpu.matmul %convert_element_type3A_171, %add3A_44, %dot_general3A_172 {dimension_numbers = #tpu.dot_dimension_numbers<[1], [0], [0], [1], [0, 0, 1, 1], [], []>, precision = #tpu.contract_precision<fp32>, transpose_lhs_hint = false} : vector<8x64xf32>, vector<64x8xf32>, vector<8x8xf32> -> vector<8x8xf32>
      %concatenate3A = tpu.concatenate %dot_general3A_82, %dot_general3A_95, %dot_general3A_108, %dot_general3A_121, %dot_general3A_134, %dot_general3A_147, %dot_general3A_160, %dot_general3A_173 in 1 : vector<8x8xf32>, vector<8x8xf32>, vector<8x8xf32>, vector<8x8xf32>, vector<8x8xf32>, vector<8x8xf32>, vector<8x8xf32>, vector<8x8xf32> -> vector<8x64xf32>
      %iota3A_174 = tpu.iota {dimensions = array<i32: 1>} : vector<8x64xi32>
      %iota3A_175 = tpu.iota {dimensions = array<i32: 0>} : vector<8x64xi32>
      %mul3A_176 = arith.constant 8 : i32
      %mul3A_177 = vector.broadcast %mul3A_176 : i32 to vector<8x64xi32>
      %mul3A_178 = arith.muli %iota3A_175, %mul3A_177 : vector<8x64xi32>
      %add3A_179 = arith.constant 0 : i32
      %add3A_180 = vector.broadcast %add3A_179 : i32 to vector<8x64xi32>
      %add3A_181 = arith.addi %mul3A_178, %add3A_180 : vector<8x64xi32>
      %eq3A_182 = arith.cmpi eq, %iota3A_174, %add3A_181 : vector<8x64xi32>
      %convert_element_type3A_183 = arith.extui %eq3A_182 : vector<8x64xi1> to vector<8x64xi32>
      %convert_element_type3A_184 = arith.sitofp %convert_element_type3A_183 : vector<8x64xi32> to vector<8x64xf32>
      %dot_general3A_185 = arith.constant dense<0.000000e+00> : vector<8x8xf32>
      %dot_general3A_186 = tpu.matmul %convert_element_type3A_184, %convert_element_type3A_70, %dot_general3A_185 {dimension_numbers = #tpu.dot_dimension_numbers<[1], [0], [0], [1], [0, 0, 1, 1], [], []>, precision = #tpu.contract_precision<fp32>, transpose_lhs_hint = false} : vector<8x64xf32>, vector<64x8xf32>, vector<8x8xf32> -> vector<8x8xf32>
      %iota3A_187 = tpu.iota {dimensions = array<i32: 1>} : vector<8x64xi32>
      %iota3A_188 = tpu.iota {dimensions = array<i32: 0>} : vector<8x64xi32>
      %mul3A_189 = arith.constant 8 : i32
      %mul3A_190 = vector.broadcast %mul3A_189 : i32 to vector<8x64xi32>
      %mul3A_191 = arith.muli %iota3A_188, %mul3A_190 : vector<8x64xi32>
      %add3A_192 = arith.constant 1 : i32
      %add3A_193 = vector.broadcast %add3A_192 : i32 to vector<8x64xi32>
      %add3A_194 = arith.addi %mul3A_191, %add3A_193 : vector<8x64xi32>
      %eq3A_195 = arith.cmpi eq, %iota3A_187, %add3A_194 : vector<8x64xi32>
      %convert_element_type3A_196 = arith.extui %eq3A_195 : vector<8x64xi1> to vector<8x64xi32>
      %convert_element_type3A_197 = arith.sitofp %convert_element_type3A_196 : vector<8x64xi32> to vector<8x64xf32>
      %dot_general3A_198 = arith.constant dense<0.000000e+00> : vector<8x8xf32>
      %dot_general3A_199 = tpu.matmul %convert_element_type3A_197, %convert_element_type3A_70, %dot_general3A_198 {dimension_numbers = #tpu.dot_dimension_numbers<[1], [0], [0], [1], [0, 0, 1, 1], [], []>, precision = #tpu.contract_precision<fp32>, transpose_lhs_hint = false} : vector<8x64xf32>, vector<64x8xf32>, vector<8x8xf32> -> vector<8x8xf32>
      %iota3A_200 = tpu.iota {dimensions = array<i32: 1>} : vector<8x64xi32>
      %iota3A_201 = tpu.iota {dimensions = array<i32: 0>} : vector<8x64xi32>
      %mul3A_202 = arith.constant 8 : i32
      %mul3A_203 = vector.broadcast %mul3A_202 : i32 to vector<8x64xi32>
      %mul3A_204 = arith.muli %iota3A_201, %mul3A_203 : vector<8x64xi32>
      %add3A_205 = arith.constant 2 : i32
      %add3A_206 = vector.broadcast %add3A_205 : i32 to vector<8x64xi32>
      %add3A_207 = arith.addi %mul3A_204, %add3A_206 : vector<8x64xi32>
      %eq3A_208 = arith.cmpi eq, %iota3A_200, %add3A_207 : vector<8x64xi32>
      %convert_element_type3A_209 = arith.extui %eq3A_208 : vector<8x64xi1> to vector<8x64xi32>
      %convert_element_type3A_210 = arith.sitofp %convert_element_type3A_209 : vector<8x64xi32> to vector<8x64xf32>
      %dot_general3A_211 = arith.constant dense<0.000000e+00> : vector<8x8xf32>
      %dot_general3A_212 = tpu.matmul %convert_element_type3A_210, %convert_element_type3A_70, %dot_general3A_211 {dimension_numbers = #tpu.dot_dimension_numbers<[1], [0], [0], [1], [0, 0, 1, 1], [], []>, precision = #tpu.contract_precision<fp32>, transpose_lhs_hint = false} : vector<8x64xf32>, vector<64x8xf32>, vector<8x8xf32> -> vector<8x8xf32>
      %iota3A_213 = tpu.iota {dimensions = array<i32: 1>} : vector<8x64xi32>
      %iota3A_214 = tpu.iota {dimensions = array<i32: 0>} : vector<8x64xi32>
      %mul3A_215 = arith.constant 8 : i32
      %mul3A_216 = vector.broadcast %mul3A_215 : i32 to vector<8x64xi32>
      %mul3A_217 = arith.muli %iota3A_214, %mul3A_216 : vector<8x64xi32>
      %add3A_218 = arith.constant 3 : i32
      %add3A_219 = vector.broadcast %add3A_218 : i32 to vector<8x64xi32>
      %add3A_220 = arith.addi %mul3A_217, %add3A_219 : vector<8x64xi32>
      %eq3A_221 = arith.cmpi eq, %iota3A_213, %add3A_220 : vector<8x64xi32>
      %convert_element_type3A_222 = arith.extui %eq3A_221 : vector<8x64xi1> to vector<8x64xi32>
      %convert_element_type3A_223 = arith.sitofp %convert_element_type3A_222 : vector<8x64xi32> to vector<8x64xf32>
      %dot_general3A_224 = arith.constant dense<0.000000e+00> : vector<8x8xf32>
      %dot_general3A_225 = tpu.matmul %convert_element_type3A_223, %convert_element_type3A_70, %dot_general3A_224 {dimension_numbers = #tpu.dot_dimension_numbers<[1], [0], [0], [1], [0, 0, 1, 1], [], []>, precision = #tpu.contract_precision<fp32>, transpose_lhs_hint = false} : vector<8x64xf32>, vector<64x8xf32>, vector<8x8xf32> -> vector<8x8xf32>
      %iota3A_226 = tpu.iota {dimensions = array<i32: 1>} : vector<8x64xi32>
      %iota3A_227 = tpu.iota {dimensions = array<i32: 0>} : vector<8x64xi32>
      %mul3A_228 = arith.constant 8 : i32
      %mul3A_229 = vector.broadcast %mul3A_228 : i32 to vector<8x64xi32>
      %mul3A_230 = arith.muli %iota3A_227, %mul3A_229 : vector<8x64xi32>
      %add3A_231 = arith.constant 4 : i32
      %add3A_232 = vector.broadcast %add3A_231 : i32 to vector<8x64xi32>
      %add3A_233 = arith.addi %mul3A_230, %add3A_232 : vector<8x64xi32>
      %eq3A_234 = arith.cmpi eq, %iota3A_226, %add3A_233 : vector<8x64xi32>
      %convert_element_type3A_235 = arith.extui %eq3A_234 : vector<8x64xi1> to vector<8x64xi32>
      %convert_element_type3A_236 = arith.sitofp %convert_element_type3A_235 : vector<8x64xi32> to vector<8x64xf32>
      %dot_general3A_237 = arith.constant dense<0.000000e+00> : vector<8x8xf32>
      %dot_general3A_238 = tpu.matmul %convert_element_type3A_236, %convert_element_type3A_70, %dot_general3A_237 {dimension_numbers = #tpu.dot_dimension_numbers<[1], [0], [0], [1], [0, 0, 1, 1], [], []>, precision = #tpu.contract_precision<fp32>, transpose_lhs_hint = false} : vector<8x64xf32>, vector<64x8xf32>, vector<8x8xf32> -> vector<8x8xf32>
      %iota3A_239 = tpu.iota {dimensions = array<i32: 1>} : vector<8x64xi32>
      %iota3A_240 = tpu.iota {dimensions = array<i32: 0>} : vector<8x64xi32>
      %mul3A_241 = arith.constant 8 : i32
      %mul3A_242 = vector.broadcast %mul3A_241 : i32 to vector<8x64xi32>
      %mul3A_243 = arith.muli %iota3A_240, %mul3A_242 : vector<8x64xi32>
      %add3A_244 = arith.constant 5 : i32
      %add3A_245 = vector.broadcast %add3A_244 : i32 to vector<8x64xi32>
      %add3A_246 = arith.addi %mul3A_243, %add3A_245 : vector<8x64xi32>
      %eq3A_247 = arith.cmpi eq, %iota3A_239, %add3A_246 : vector<8x64xi32>
      %convert_element_type3A_248 = arith.extui %eq3A_247 : vector<8x64xi1> to vector<8x64xi32>
      %convert_element_type3A_249 = arith.sitofp %convert_element_type3A_248 : vector<8x64xi32> to vector<8x64xf32>
      %dot_general3A_250 = arith.constant dense<0.000000e+00> : vector<8x8xf32>
      %dot_general3A_251 = tpu.matmul %convert_element_type3A_249, %convert_element_type3A_70, %dot_general3A_250 {dimension_numbers = #tpu.dot_dimension_numbers<[1], [0], [0], [1], [0, 0, 1, 1], [], []>, precision = #tpu.contract_precision<fp32>, transpose_lhs_hint = false} : vector<8x64xf32>, vector<64x8xf32>, vector<8x8xf32> -> vector<8x8xf32>
      %iota3A_252 = tpu.iota {dimensions = array<i32: 1>} : vector<8x64xi32>
      %iota3A_253 = tpu.iota {dimensions = array<i32: 0>} : vector<8x64xi32>
      %mul3A_254 = arith.constant 8 : i32
      %mul3A_255 = vector.broadcast %mul3A_254 : i32 to vector<8x64xi32>
      %mul3A_256 = arith.muli %iota3A_253, %mul3A_255 : vector<8x64xi32>
      %add3A_257 = arith.constant 6 : i32
      %add3A_258 = vector.broadcast %add3A_257 : i32 to vector<8x64xi32>
      %add3A_259 = arith.addi %mul3A_256, %add3A_258 : vector<8x64xi32>
      %eq3A_260 = arith.cmpi eq, %iota3A_252, %add3A_259 : vector<8x64xi32>
      %convert_element_type3A_261 = arith.extui %eq3A_260 : vector<8x64xi1> to vector<8x64xi32>
      %convert_element_type3A_262 = arith.sitofp %convert_element_type3A_261 : vector<8x64xi32> to vector<8x64xf32>
      %dot_general3A_263 = arith.constant dense<0.000000e+00> : vector<8x8xf32>
      %dot_general3A_264 = tpu.matmul %convert_element_type3A_262, %convert_element_type3A_70, %dot_general3A_263 {dimension_numbers = #tpu.dot_dimension_numbers<[1], [0], [0], [1], [0, 0, 1, 1], [], []>, precision = #tpu.contract_precision<fp32>, transpose_lhs_hint = false} : vector<8x64xf32>, vector<64x8xf32>, vector<8x8xf32> -> vector<8x8xf32>
      %iota3A_265 = tpu.iota {dimensions = array<i32: 1>} : vector<8x64xi32>
      %iota3A_266 = tpu.iota {dimensions = array<i32: 0>} : vector<8x64xi32>
      %mul3A_267 = arith.constant 8 : i32
      %mul3A_268 = vector.broadcast %mul3A_267 : i32 to vector<8x64xi32>
      %mul3A_269 = arith.muli %iota3A_266, %mul3A_268 : vector<8x64xi32>
      %add3A_270 = arith.constant 7 : i32
      %add3A_271 = vector.broadcast %add3A_270 : i32 to vector<8x64xi32>
      %add3A_272 = arith.addi %mul3A_269, %add3A_271 : vector<8x64xi32>
      %eq3A_273 = arith.cmpi eq, %iota3A_265, %add3A_272 : vector<8x64xi32>
      %convert_element_type3A_274 = arith.extui %eq3A_273 : vector<8x64xi1> to vector<8x64xi32>
      %convert_element_type3A_275 = arith.sitofp %convert_element_type3A_274 : vector<8x64xi32> to vector<8x64xf32>
      %dot_general3A_276 = arith.constant dense<0.000000e+00> : vector<8x8xf32>
      %dot_general3A_277 = tpu.matmul %convert_element_type3A_275, %convert_element_type3A_70, %dot_general3A_276 {dimension_numbers = #tpu.dot_dimension_numbers<[1], [0], [0], [1], [0, 0, 1, 1], [], []>, precision = #tpu.contract_precision<fp32>, transpose_lhs_hint = false} : vector<8x64xf32>, vector<64x8xf32>, vector<8x8xf32> -> vector<8x8xf32>
      %concatenate3A_278 = tpu.concatenate %dot_general3A_186, %dot_general3A_199, %dot_general3A_212, %dot_general3A_225, %dot_general3A_238, %dot_general3A_251, %dot_general3A_264, %dot_general3A_277 in 1 : vector<8x8xf32>, vector<8x8xf32>, vector<8x8xf32>, vector<8x8xf32>, vector<8x8xf32>, vector<8x8xf32>, vector<8x8xf32>, vector<8x8xf32> -> vector<8x64xf32>
      %reduce_max3A = arith.constant dense<0xFF800000> : vector<8xf32>
      %reduce_max3A_279 = vector.multi_reduction <maximumf>, %concatenate3A, %reduce_max3A [1] : vector<8x64xf32> to vector<8xf32>
      %broadcast_in_dim3A_280 = vector.shape_cast %reduce_max3A_279 : vector<8xf32> to vector<8x1xf32>
      %eq3A_281 = vector.broadcast %broadcast_in_dim3A_280 : vector<8x1xf32> to vector<8x64xf32>
      %eq3A_282 = arith.cmpf oeq, %concatenate3A, %eq3A_281 : vector<8x64xf32>
      %jit3A_283 = arith.constant 1.000000e+30 : f32
      %broadcast_in_dim3A_284 = vector.broadcast %jit3A_283 : f32 to vector<8x64xf32>
      %select_n3A_285 = arith.select %eq3A_282, %concatenate3A_278, %broadcast_in_dim3A_284 : vector<8x64xi1>, vector<8x64xf32>
      %reduce_min3A = arith.constant dense<0x7F800000> : vector<8xf32>
      %reduce_min3A_286 = vector.multi_reduction <minimumf>, %select_n3A_285, %reduce_min3A [1] : vector<8x64xf32> to vector<8xf32>
      %broadcast_in_dim3A_287 = vector.shape_cast %reduce_min3A_286 : vector<8xf32> to vector<8x1xf32>
      %eq3A_288 = vector.broadcast %broadcast_in_dim3A_280 : vector<8x1xf32> to vector<8x64xf32>
      %eq3A_289 = arith.cmpf oeq, %concatenate3A, %eq3A_288 : vector<8x64xf32>
      %eq3A_290 = vector.broadcast %broadcast_in_dim3A_287 : vector<8x1xf32> to vector<8x64xf32>
      %eq3A_291 = arith.cmpf oeq, %concatenate3A_278, %eq3A_290 : vector<8x64xf32>
      %and3A_292 = arith.andi %eq3A_289, %eq3A_291 : vector<8x64xi1>
      %jit3A_293 = arith.constant -3.000000e+38 : f32
      %broadcast_in_dim3A_294 = vector.broadcast %jit3A_293 : f32 to vector<8x64xf32>
      %select_n3A_295 = arith.select %and3A_292, %broadcast_in_dim3A_294, %concatenate3A : vector<8x64xi1>, vector<8x64xf32>
      %jit3A_296 = arith.constant 1.000000e+30 : f32
      %broadcast_in_dim3A_297 = vector.broadcast %jit3A_296 : f32 to vector<8x64xf32>
      %select_n3A_298 = arith.select %and3A_292, %broadcast_in_dim3A_297, %concatenate3A_278 : vector<8x64xi1>, vector<8x64xf32>
      %reduce_max3A_299 = arith.constant dense<0xFF800000> : vector<8xf32>
      %reduce_max3A_300 = vector.multi_reduction <maximumf>, %select_n3A_295, %reduce_max3A_299 [1] : vector<8x64xf32> to vector<8xf32>
      %broadcast_in_dim3A_301 = vector.shape_cast %reduce_max3A_300 : vector<8xf32> to vector<8x1xf32>
      %eq3A_302 = vector.broadcast %broadcast_in_dim3A_301 : vector<8x1xf32> to vector<8x64xf32>
      %eq3A_303 = arith.cmpf oeq, %select_n3A_295, %eq3A_302 : vector<8x64xf32>
      %jit3A_304 = arith.constant 1.000000e+30 : f32
      %broadcast_in_dim3A_305 = vector.broadcast %jit3A_304 : f32 to vector<8x64xf32>
      %select_n3A_306 = arith.select %eq3A_303, %select_n3A_298, %broadcast_in_dim3A_305 : vector<8x64xi1>, vector<8x64xf32>
      %reduce_min3A_307 = arith.constant dense<0x7F800000> : vector<8xf32>
      %reduce_min3A_308 = vector.multi_reduction <minimumf>, %select_n3A_306, %reduce_min3A_307 [1] : vector<8x64xf32> to vector<8xf32>
      %broadcast_in_dim3A_309 = vector.shape_cast %reduce_min3A_308 : vector<8xf32> to vector<8x1xf32>
      %eq3A_310 = vector.broadcast %broadcast_in_dim3A_301 : vector<8x1xf32> to vector<8x64xf32>
      %eq3A_311 = arith.cmpf oeq, %select_n3A_295, %eq3A_310 : vector<8x64xf32>
      %eq3A_312 = vector.broadcast %broadcast_in_dim3A_309 : vector<8x1xf32> to vector<8x64xf32>
      %eq3A_313 = arith.cmpf oeq, %select_n3A_298, %eq3A_312 : vector<8x64xf32>
      %and3A_314 = arith.andi %eq3A_311, %eq3A_313 : vector<8x64xi1>
      %jit3A_315 = arith.constant -3.000000e+38 : f32
      %broadcast_in_dim3A_316 = vector.broadcast %jit3A_315 : f32 to vector<8x64xf32>
      %select_n3A_317 = arith.select %and3A_314, %broadcast_in_dim3A_316, %select_n3A_295 : vector<8x64xi1>, vector<8x64xf32>
      %jit3A_318 = arith.constant 1.000000e+30 : f32
      %broadcast_in_dim3A_319 = vector.broadcast %jit3A_318 : f32 to vector<8x64xf32>
      %select_n3A_320 = arith.select %and3A_314, %broadcast_in_dim3A_319, %select_n3A_298 : vector<8x64xi1>, vector<8x64xf32>
      %reduce_max3A_321 = arith.constant dense<0xFF800000> : vector<8xf32>
      %reduce_max3A_322 = vector.multi_reduction <maximumf>, %select_n3A_317, %reduce_max3A_321 [1] : vector<8x64xf32> to vector<8xf32>
      %broadcast_in_dim3A_323 = vector.shape_cast %reduce_max3A_322 : vector<8xf32> to vector<8x1xf32>
      %eq3A_324 = vector.broadcast %broadcast_in_dim3A_323 : vector<8x1xf32> to vector<8x64xf32>
      %eq3A_325 = arith.cmpf oeq, %select_n3A_317, %eq3A_324 : vector<8x64xf32>
      %jit3A_326 = arith.constant 1.000000e+30 : f32
      %broadcast_in_dim3A_327 = vector.broadcast %jit3A_326 : f32 to vector<8x64xf32>
      %select_n3A_328 = arith.select %eq3A_325, %select_n3A_320, %broadcast_in_dim3A_327 : vector<8x64xi1>, vector<8x64xf32>
      %reduce_min3A_329 = arith.constant dense<0x7F800000> : vector<8xf32>
      %reduce_min3A_330 = vector.multi_reduction <minimumf>, %select_n3A_328, %reduce_min3A_329 [1] : vector<8x64xf32> to vector<8xf32>
      %broadcast_in_dim3A_331 = vector.shape_cast %reduce_min3A_330 : vector<8xf32> to vector<8x1xf32>
      %eq3A_332 = vector.broadcast %broadcast_in_dim3A_323 : vector<8x1xf32> to vector<8x64xf32>
      %eq3A_333 = arith.cmpf oeq, %select_n3A_317, %eq3A_332 : vector<8x64xf32>
      %eq3A_334 = vector.broadcast %broadcast_in_dim3A_331 : vector<8x1xf32> to vector<8x64xf32>
      %eq3A_335 = arith.cmpf oeq, %select_n3A_320, %eq3A_334 : vector<8x64xf32>
      %and3A_336 = arith.andi %eq3A_333, %eq3A_335 : vector<8x64xi1>
      %jit3A_337 = arith.constant -3.000000e+38 : f32
      %broadcast_in_dim3A_338 = vector.broadcast %jit3A_337 : f32 to vector<8x64xf32>
      %select_n3A_339 = arith.select %and3A_336, %broadcast_in_dim3A_338, %select_n3A_317 : vector<8x64xi1>, vector<8x64xf32>
      %jit3A_340 = arith.constant 1.000000e+30 : f32
      %broadcast_in_dim3A_341 = vector.broadcast %jit3A_340 : f32 to vector<8x64xf32>
      %select_n3A_342 = arith.select %and3A_336, %broadcast_in_dim3A_341, %select_n3A_320 : vector<8x64xi1>, vector<8x64xf32>
      %reduce_max3A_343 = arith.constant dense<0xFF800000> : vector<8xf32>
      %reduce_max3A_344 = vector.multi_reduction <maximumf>, %select_n3A_339, %reduce_max3A_343 [1] : vector<8x64xf32> to vector<8xf32>
      %broadcast_in_dim3A_345 = vector.shape_cast %reduce_max3A_344 : vector<8xf32> to vector<8x1xf32>
      %eq3A_346 = vector.broadcast %broadcast_in_dim3A_345 : vector<8x1xf32> to vector<8x64xf32>
      %eq3A_347 = arith.cmpf oeq, %select_n3A_339, %eq3A_346 : vector<8x64xf32>
      %jit3A_348 = arith.constant 1.000000e+30 : f32
      %broadcast_in_dim3A_349 = vector.broadcast %jit3A_348 : f32 to vector<8x64xf32>
      %select_n3A_350 = arith.select %eq3A_347, %select_n3A_342, %broadcast_in_dim3A_349 : vector<8x64xi1>, vector<8x64xf32>
      %reduce_min3A_351 = arith.constant dense<0x7F800000> : vector<8xf32>
      %reduce_min3A_352 = vector.multi_reduction <minimumf>, %select_n3A_350, %reduce_min3A_351 [1] : vector<8x64xf32> to vector<8xf32>
      %broadcast_in_dim3A_353 = vector.shape_cast %reduce_min3A_352 : vector<8xf32> to vector<8x1xf32>
      %eq3A_354 = vector.broadcast %broadcast_in_dim3A_345 : vector<8x1xf32> to vector<8x64xf32>
      %eq3A_355 = arith.cmpf oeq, %select_n3A_339, %eq3A_354 : vector<8x64xf32>
      %eq3A_356 = vector.broadcast %broadcast_in_dim3A_353 : vector<8x1xf32> to vector<8x64xf32>
      %eq3A_357 = arith.cmpf oeq, %select_n3A_342, %eq3A_356 : vector<8x64xf32>
      %and3A_358 = arith.andi %eq3A_355, %eq3A_357 : vector<8x64xi1>
      %jit3A_359 = arith.constant -3.000000e+38 : f32
      %broadcast_in_dim3A_360 = vector.broadcast %jit3A_359 : f32 to vector<8x64xf32>
      %select_n3A_361 = arith.select %and3A_358, %broadcast_in_dim3A_360, %select_n3A_339 : vector<8x64xi1>, vector<8x64xf32>
      %jit3A_362 = arith.constant 1.000000e+30 : f32
      %broadcast_in_dim3A_363 = vector.broadcast %jit3A_362 : f32 to vector<8x64xf32>
      %select_n3A_364 = arith.select %and3A_358, %broadcast_in_dim3A_363, %select_n3A_342 : vector<8x64xi1>, vector<8x64xf32>
      %reduce_max3A_365 = arith.constant dense<0xFF800000> : vector<8xf32>
      %reduce_max3A_366 = vector.multi_reduction <maximumf>, %select_n3A_361, %reduce_max3A_365 [1] : vector<8x64xf32> to vector<8xf32>
      %broadcast_in_dim3A_367 = vector.shape_cast %reduce_max3A_366 : vector<8xf32> to vector<8x1xf32>
      %eq3A_368 = vector.broadcast %broadcast_in_dim3A_367 : vector<8x1xf32> to vector<8x64xf32>
      %eq3A_369 = arith.cmpf oeq, %select_n3A_361, %eq3A_368 : vector<8x64xf32>
      %jit3A_370 = arith.constant 1.000000e+30 : f32
      %broadcast_in_dim3A_371 = vector.broadcast %jit3A_370 : f32 to vector<8x64xf32>
      %select_n3A_372 = arith.select %eq3A_369, %select_n3A_364, %broadcast_in_dim3A_371 : vector<8x64xi1>, vector<8x64xf32>
      %reduce_min3A_373 = arith.constant dense<0x7F800000> : vector<8xf32>
      %reduce_min3A_374 = vector.multi_reduction <minimumf>, %select_n3A_372, %reduce_min3A_373 [1] : vector<8x64xf32> to vector<8xf32>
      %broadcast_in_dim3A_375 = vector.shape_cast %reduce_min3A_374 : vector<8xf32> to vector<8x1xf32>
      %eq3A_376 = vector.broadcast %broadcast_in_dim3A_367 : vector<8x1xf32> to vector<8x64xf32>
      %eq3A_377 = arith.cmpf oeq, %select_n3A_361, %eq3A_376 : vector<8x64xf32>
      %eq3A_378 = vector.broadcast %broadcast_in_dim3A_375 : vector<8x1xf32> to vector<8x64xf32>
      %eq3A_379 = arith.cmpf oeq, %select_n3A_364, %eq3A_378 : vector<8x64xf32>
      %and3A_380 = arith.andi %eq3A_377, %eq3A_379 : vector<8x64xi1>
      %jit3A_381 = arith.constant -3.000000e+38 : f32
      %broadcast_in_dim3A_382 = vector.broadcast %jit3A_381 : f32 to vector<8x64xf32>
      %select_n3A_383 = arith.select %and3A_380, %broadcast_in_dim3A_382, %select_n3A_361 : vector<8x64xi1>, vector<8x64xf32>
      %jit3A_384 = arith.constant 1.000000e+30 : f32
      %broadcast_in_dim3A_385 = vector.broadcast %jit3A_384 : f32 to vector<8x64xf32>
      %select_n3A_386 = arith.select %and3A_380, %broadcast_in_dim3A_385, %select_n3A_364 : vector<8x64xi1>, vector<8x64xf32>
      %reduce_max3A_387 = arith.constant dense<0xFF800000> : vector<8xf32>
      %reduce_max3A_388 = vector.multi_reduction <maximumf>, %select_n3A_383, %reduce_max3A_387 [1] : vector<8x64xf32> to vector<8xf32>
      %broadcast_in_dim3A_389 = vector.shape_cast %reduce_max3A_388 : vector<8xf32> to vector<8x1xf32>
      %eq3A_390 = vector.broadcast %broadcast_in_dim3A_389 : vector<8x1xf32> to vector<8x64xf32>
      %eq3A_391 = arith.cmpf oeq, %select_n3A_383, %eq3A_390 : vector<8x64xf32>
      %jit3A_392 = arith.constant 1.000000e+30 : f32
      %broadcast_in_dim3A_393 = vector.broadcast %jit3A_392 : f32 to vector<8x64xf32>
      %select_n3A_394 = arith.select %eq3A_391, %select_n3A_386, %broadcast_in_dim3A_393 : vector<8x64xi1>, vector<8x64xf32>
      %reduce_min3A_395 = arith.constant dense<0x7F800000> : vector<8xf32>
      %reduce_min3A_396 = vector.multi_reduction <minimumf>, %select_n3A_394, %reduce_min3A_395 [1] : vector<8x64xf32> to vector<8xf32>
      %broadcast_in_dim3A_397 = vector.shape_cast %reduce_min3A_396 : vector<8xf32> to vector<8x1xf32>
      %eq3A_398 = vector.broadcast %broadcast_in_dim3A_389 : vector<8x1xf32> to vector<8x64xf32>
      %eq3A_399 = arith.cmpf oeq, %select_n3A_383, %eq3A_398 : vector<8x64xf32>
      %eq3A_400 = vector.broadcast %broadcast_in_dim3A_397 : vector<8x1xf32> to vector<8x64xf32>
      %eq3A_401 = arith.cmpf oeq, %select_n3A_386, %eq3A_400 : vector<8x64xf32>
      %and3A_402 = arith.andi %eq3A_399, %eq3A_401 : vector<8x64xi1>
      %jit3A_403 = arith.constant -3.000000e+38 : f32
      %broadcast_in_dim3A_404 = vector.broadcast %jit3A_403 : f32 to vector<8x64xf32>
      %select_n3A_405 = arith.select %and3A_402, %broadcast_in_dim3A_404, %select_n3A_383 : vector<8x64xi1>, vector<8x64xf32>
      %jit3A_406 = arith.constant 1.000000e+30 : f32
      %broadcast_in_dim3A_407 = vector.broadcast %jit3A_406 : f32 to vector<8x64xf32>
      %select_n3A_408 = arith.select %and3A_402, %broadcast_in_dim3A_407, %select_n3A_386 : vector<8x64xi1>, vector<8x64xf32>
      %reduce_max3A_409 = arith.constant dense<0xFF800000> : vector<8xf32>
      %reduce_max3A_410 = vector.multi_reduction <maximumf>, %select_n3A_405, %reduce_max3A_409 [1] : vector<8x64xf32> to vector<8xf32>
      %broadcast_in_dim3A_411 = vector.shape_cast %reduce_max3A_410 : vector<8xf32> to vector<8x1xf32>
      %eq3A_412 = vector.broadcast %broadcast_in_dim3A_411 : vector<8x1xf32> to vector<8x64xf32>
      %eq3A_413 = arith.cmpf oeq, %select_n3A_405, %eq3A_412 : vector<8x64xf32>
      %jit3A_414 = arith.constant 1.000000e+30 : f32
      %broadcast_in_dim3A_415 = vector.broadcast %jit3A_414 : f32 to vector<8x64xf32>
      %select_n3A_416 = arith.select %eq3A_413, %select_n3A_408, %broadcast_in_dim3A_415 : vector<8x64xi1>, vector<8x64xf32>
      %reduce_min3A_417 = arith.constant dense<0x7F800000> : vector<8xf32>
      %reduce_min3A_418 = vector.multi_reduction <minimumf>, %select_n3A_416, %reduce_min3A_417 [1] : vector<8x64xf32> to vector<8xf32>
      %broadcast_in_dim3A_419 = vector.shape_cast %reduce_min3A_418 : vector<8xf32> to vector<8x1xf32>
      %eq3A_420 = vector.broadcast %broadcast_in_dim3A_411 : vector<8x1xf32> to vector<8x64xf32>
      %eq3A_421 = arith.cmpf oeq, %select_n3A_405, %eq3A_420 : vector<8x64xf32>
      %eq3A_422 = vector.broadcast %broadcast_in_dim3A_419 : vector<8x1xf32> to vector<8x64xf32>
      %eq3A_423 = arith.cmpf oeq, %select_n3A_408, %eq3A_422 : vector<8x64xf32>
      %and3A_424 = arith.andi %eq3A_421, %eq3A_423 : vector<8x64xi1>
      %jit3A_425 = arith.constant -3.000000e+38 : f32
      %broadcast_in_dim3A_426 = vector.broadcast %jit3A_425 : f32 to vector<8x64xf32>
      %select_n3A_427 = arith.select %and3A_424, %broadcast_in_dim3A_426, %select_n3A_405 : vector<8x64xi1>, vector<8x64xf32>
      %jit3A_428 = arith.constant 1.000000e+30 : f32
      %broadcast_in_dim3A_429 = vector.broadcast %jit3A_428 : f32 to vector<8x64xf32>
      %select_n3A_430 = arith.select %and3A_424, %broadcast_in_dim3A_429, %select_n3A_408 : vector<8x64xi1>, vector<8x64xf32>
      %reduce_max3A_431 = arith.constant dense<0xFF800000> : vector<8xf32>
      %reduce_max3A_432 = vector.multi_reduction <maximumf>, %select_n3A_427, %reduce_max3A_431 [1] : vector<8x64xf32> to vector<8xf32>
      %broadcast_in_dim3A_433 = vector.shape_cast %reduce_max3A_432 : vector<8xf32> to vector<8x1xf32>
      %eq3A_434 = vector.broadcast %broadcast_in_dim3A_433 : vector<8x1xf32> to vector<8x64xf32>
      %eq3A_435 = arith.cmpf oeq, %select_n3A_427, %eq3A_434 : vector<8x64xf32>
      %jit3A_436 = arith.constant 1.000000e+30 : f32
      %broadcast_in_dim3A_437 = vector.broadcast %jit3A_436 : f32 to vector<8x64xf32>
      %select_n3A_438 = arith.select %eq3A_435, %select_n3A_430, %broadcast_in_dim3A_437 : vector<8x64xi1>, vector<8x64xf32>
      %reduce_min3A_439 = arith.constant dense<0x7F800000> : vector<8xf32>
      %reduce_min3A_440 = vector.multi_reduction <minimumf>, %select_n3A_438, %reduce_min3A_439 [1] : vector<8x64xf32> to vector<8xf32>
      %broadcast_in_dim3A_441 = vector.shape_cast %reduce_min3A_440 : vector<8xf32> to vector<8x1xf32>
      %concatenate3A_442 = tpu.concatenate %broadcast_in_dim3A_280, %broadcast_in_dim3A_301, %broadcast_in_dim3A_323, %broadcast_in_dim3A_345, %broadcast_in_dim3A_367, %broadcast_in_dim3A_389, %broadcast_in_dim3A_411, %broadcast_in_dim3A_433 in 1 : vector<8x1xf32>, vector<8x1xf32>, vector<8x1xf32>, vector<8x1xf32>, vector<8x1xf32>, vector<8x1xf32>, vector<8x1xf32>, vector<8x1xf32> -> vector<8x8xf32>
      %concatenate3A_443 = tpu.concatenate %broadcast_in_dim3A_287, %broadcast_in_dim3A_309, %broadcast_in_dim3A_331, %broadcast_in_dim3A_353, %broadcast_in_dim3A_375, %broadcast_in_dim3A_397, %broadcast_in_dim3A_419, %broadcast_in_dim3A_441 in 1 : vector<8x1xf32>, vector<8x1xf32>, vector<8x1xf32>, vector<8x1xf32>, vector<8x1xf32>, vector<8x1xf32>, vector<8x1xf32>, vector<8x1xf32> -> vector<8x8xf32>
      %convert_element_type3A_444 = arith.fptosi %concatenate3A_443 : vector<8x8xf32> to vector<8x8xi32>
      %jit3A_445 = arith.constant 100000 : i32
      %div3A = vector.broadcast %jit3A_445 : i32 to vector<8x8xi32>
      %div3A_446 = arith.divsi %convert_element_type3A_444, %div3A : vector<8x8xi32>
      %sign3A = arith.constant 0 : i32
      %sign3A_447 = vector.broadcast %sign3A : i32 to vector<8x8xi32>
      %sign3A_448 = arith.cmpi sgt, %convert_element_type3A_444, %sign3A_447 : vector<8x8xi32>
      %sign3A_449 = arith.extui %sign3A_448 : vector<8x8xi1> to vector<8x8xi32>
      %sign3A_450 = arith.constant 0 : i32
      %sign3A_451 = vector.broadcast %sign3A_450 : i32 to vector<8x8xi32>
      %sign3A_452 = arith.cmpi slt, %convert_element_type3A_444, %sign3A_451 : vector<8x8xi32>
      %sign3A_453 = arith.extui %sign3A_452 : vector<8x8xi1> to vector<8x8xi32>
      %sign3A_454 = arith.subi %sign3A_449, %sign3A_453 : vector<8x8xi32>
      %sign3A_455 = arith.constant 0 : i32
      %sign3A_456 = arith.cmpi sgt, %jit3A_445, %sign3A_455 : i32
      %sign3A_457 = arith.extui %sign3A_456 : i1 to i32
      %sign3A_458 = arith.constant 0 : i32
      %sign3A_459 = arith.cmpi slt, %jit3A_445, %sign3A_458 : i32
      %sign3A_460 = arith.extui %sign3A_459 : i1 to i32
      %sign3A_461 = arith.subi %sign3A_457, %sign3A_460 : i32
      %ne3A_462 = vector.broadcast %sign3A_461 : i32 to vector<8x8xi32>
      %ne3A_463 = arith.cmpi ne, %sign3A_454, %ne3A_462 : vector<8x8xi32>
      %rem3A_464 = vector.broadcast %jit3A_445 : i32 to vector<8x8xi32>
      %rem3A_465 = arith.remsi %convert_element_type3A_444, %rem3A_464 : vector<8x8xi32>
      %ne3A_466 = arith.constant 0 : i32
      %ne3A_467 = vector.broadcast %ne3A_466 : i32 to vector<8x8xi32>
      %ne3A_468 = arith.cmpi ne, %rem3A_465, %ne3A_467 : vector<8x8xi32>
      %and3A_469 = arith.andi %ne3A_463, %ne3A_468 : vector<8x8xi1>
      %sub3A_470 = arith.constant 1 : i32
      %sub3A_471 = vector.broadcast %sub3A_470 : i32 to vector<8x8xi32>
      %sub3A_472 = arith.subi %div3A_446, %sub3A_471 : vector<8x8xi32>
      %select_n3A_473 = arith.select %and3A_469, %sub3A_472, %div3A_446 : vector<8x8xi1>, vector<8x8xi32>
      %mul3A_474 = arith.constant 100000 : i32
      %mul3A_475 = vector.broadcast %mul3A_474 : i32 to vector<8x8xi32>
      %mul3A_476 = arith.muli %select_n3A_473, %mul3A_475 : vector<8x8xi32>
      %sub3A_477 = arith.subi %convert_element_type3A_444, %mul3A_476 : vector<8x8xi32>
      %iota3A_478 = tpu.iota {dimensions = array<i32: 0>} : vector<8x8xi32>
      %mul3A_479 = arith.constant 8 : i32
      %mul3A_480 = vector.broadcast %mul3A_479 : i32 to vector<8x8xi32>
      %mul3A_481 = arith.muli %iota3A_478, %mul3A_480 : vector<8x8xi32>
      %add3A_482 = arith.addi %select_n3A_473, %mul3A_481 : vector<8x8xi32>
      %swap3A = arith.constant 0 : index
      %swap3A_483 = arith.constant 0 : index
      %swap3A_484 = vector.load %arg14[%swap3A, %swap3A_483] : memref<8x8xf32, #tpu.memory_space<vmem>>, vector<8x8xf32>
      tpu.vector_store %arg14[%swap3A, %swap3A_483], %concatenate3A_442 {strides = array<i32>} : memref<8x8xf32, #tpu.memory_space<vmem>>, vector<8x8xf32>,
      %swap3A_485 = arith.constant 0 : index
      %swap3A_486 = arith.constant 0 : index
      %swap3A_487 = vector.load %arg15[%swap3A_485, %swap3A_486] : memref<8x8xi32, #tpu.memory_space<vmem>>, vector<8x8xi32>
      tpu.vector_store %arg15[%swap3A_485, %swap3A_486], %sub3A_477 {strides = array<i32>} : memref<8x8xi32, #tpu.memory_space<vmem>>, vector<8x8xi32>,
      %swap3A_488 = arith.constant 0 : index
      %swap3A_489 = arith.constant 0 : index
      %swap3A_490 = vector.load %arg16[%swap3A_488, %swap3A_489] : memref<8x8xi32, #tpu.memory_space<vmem>>, vector<8x8xi32>
      tpu.vector_store %arg16[%swap3A_488, %swap3A_489], %add3A_482 {strides = array<i32>} : memref<8x8xi32, #tpu.memory_space<vmem>>, vector<8x8xi32>,
      %concatenate3A_491 = tpu.concatenate %get3A_23, %log3A in 1 : vector<64x1xf32>, vector<64x1xf32> -> vector<64x2xf32>
      %swap3A_492 = arith.constant 0 : index
      %swap3A_493 = arith.constant 0 : index
      %swap3A_494 = vector.load %arg17[%swap3A_492, %swap3A_493] : memref<64x2xf32, #tpu.memory_space<vmem>>, vector<64x2xf32>
      tpu.vector_store %arg17[%swap3A_492, %swap3A_493], %concatenate3A_491 {strides = array<i32>} : memref<64x2xf32, #tpu.memory_space<vmem>>, vector<64x2xf32>,
      %get3A_495 = arith.constant 0 : index
      %get3A_496 = arith.constant 0 : index
      %get3A_497 = vector.load %arg18[%get3A_495, %get3A_496] : memref<64x256xf32, #tpu.memory_space<vmem>>, vector<64x256xf32>
      %iota3A_498 = tpu.iota {dimensions = array<i32: 1>} : vector<8x64xi32>
      %iota3A_499 = tpu.iota {dimensions = array<i32: 0>} : vector<64x8xi32>
      %iota3A_500 = tpu.iota {dimensions = array<i32: 1>} : vector<64x8xi32>
      %broadcast_in_dim3A_501 = arith.constant 0.000000e+00 : f32
      %broadcast_in_dim3A_502 = vector.broadcast %broadcast_in_dim3A_501 : f32 to vector<64x256xf32>
      %slice3A = vector.extract_strided_slice %add3A_482 {offsets = [0, 0], sizes = [8, 1], strides = [1, 1]} : vector<8x8xi32> to vector<8x1xi32>
      %eq3A_503 = vector.broadcast %slice3A : vector<8x1xi32> to vector<8x64xi32>
      %eq3A_504 = arith.cmpi eq, %eq3A_503, %iota3A_498 : vector<8x64xi32>
      %convert_element_type3A_505 = arith.extui %eq3A_504 : vector<8x64xi1> to vector<8x64xi32>
      %convert_element_type3A_506 = arith.sitofp %convert_element_type3A_505 : vector<8x64xi32> to vector<8x64xf32>
      %dot_general3A_507 = arith.constant dense<0.000000e+00> : vector<8x256xf32>
      %dot_general3A_508 = tpu.matmul %convert_element_type3A_506, %get3A_497, %dot_general3A_507 {dimension_numbers = #tpu.dot_dimension_numbers<[1], [0], [0], [1], [0, 0, 1, 1], [], []>, precision = #tpu.contract_precision<fp32>, transpose_lhs_hint = false} : vector<8x64xf32>, vector<64x256xf32>, vector<8x256xf32> -> vector<8x256xf32>
      %mul3A_509 = arith.constant 8 : i32
      %mul3A_510 = vector.broadcast %mul3A_509 : i32 to vector<64x8xi32>
      %mul3A_511 = arith.muli %iota3A_500, %mul3A_510 : vector<64x8xi32>
      %add3A_512 = arith.constant 0 : i32
      %add3A_513 = vector.broadcast %add3A_512 : i32 to vector<64x8xi32>
      %add3A_514 = arith.addi %mul3A_511, %add3A_513 : vector<64x8xi32>
      %eq3A_515 = arith.cmpi eq, %iota3A_499, %add3A_514 : vector<64x8xi32>
      %convert_element_type3A_516 = arith.extui %eq3A_515 : vector<64x8xi1> to vector<64x8xi32>
      %convert_element_type3A_517 = arith.sitofp %convert_element_type3A_516 : vector<64x8xi32> to vector<64x8xf32>
      %dot_general3A_518 = arith.constant dense<0.000000e+00> : vector<64x256xf32>
      %dot_general3A_519 = tpu.matmul %convert_element_type3A_517, %dot_general3A_508, %dot_general3A_518 {dimension_numbers = #tpu.dot_dimension_numbers<[1], [0], [0], [1], [0, 0, 1, 1], [], []>, precision = #tpu.contract_precision<fp32>, transpose_lhs_hint = false} : vector<64x8xf32>, vector<8x256xf32>, vector<64x256xf32> -> vector<64x256xf32>
      %add3A_520 = arith.addf %broadcast_in_dim3A_502, %dot_general3A_519 : vector<64x256xf32>
      %slice3A_521 = vector.extract_strided_slice %add3A_482 {offsets = [0, 1], sizes = [8, 1], strides = [1, 1]} : vector<8x8xi32> to vector<8x1xi32>
      %eq3A_522 = vector.broadcast %slice3A_521 : vector<8x1xi32> to vector<8x64xi32>
      %eq3A_523 = arith.cmpi eq, %eq3A_522, %iota3A_498 : vector<8x64xi32>
      %convert_element_type3A_524 = arith.extui %eq3A_523 : vector<8x64xi1> to vector<8x64xi32>
      %convert_element_type3A_525 = arith.sitofp %convert_element_type3A_524 : vector<8x64xi32> to vector<8x64xf32>
      %dot_general3A_526 = arith.constant dense<0.000000e+00> : vector<8x256xf32>
      %dot_general3A_527 = tpu.matmul %convert_element_type3A_525, %get3A_497, %dot_general3A_526 {dimension_numbers = #tpu.dot_dimension_numbers<[1], [0], [0], [1], [0, 0, 1, 1], [], []>, precision = #tpu.contract_precision<fp32>, transpose_lhs_hint = false} : vector<8x64xf32>, vector<64x256xf32>, vector<8x256xf32> -> vector<8x256xf32>
      %mul3A_528 = arith.constant 8 : i32
      %mul3A_529 = vector.broadcast %mul3A_528 : i32 to vector<64x8xi32>
      %mul3A_530 = arith.muli %iota3A_500, %mul3A_529 : vector<64x8xi32>
      %add3A_531 = arith.constant 1 : i32
      %add3A_532 = vector.broadcast %add3A_531 : i32 to vector<64x8xi32>
      %add3A_533 = arith.addi %mul3A_530, %add3A_532 : vector<64x8xi32>
      %eq3A_534 = arith.cmpi eq, %iota3A_499, %add3A_533 : vector<64x8xi32>
      %convert_element_type3A_535 = arith.extui %eq3A_534 : vector<64x8xi1> to vector<64x8xi32>
      %convert_element_type3A_536 = arith.sitofp %convert_element_type3A_535 : vector<64x8xi32> to vector<64x8xf32>
      %dot_general3A_537 = arith.constant dense<0.000000e+00> : vector<64x256xf32>
      %dot_general3A_538 = tpu.matmul %convert_element_type3A_536, %dot_general3A_527, %dot_general3A_537 {dimension_numbers = #tpu.dot_dimension_numbers<[1], [0], [0], [1], [0, 0, 1, 1], [], []>, precision = #tpu.contract_precision<fp32>, transpose_lhs_hint = false} : vector<64x8xf32>, vector<8x256xf32>, vector<64x256xf32> -> vector<64x256xf32>
      %add3A_539 = arith.addf %add3A_520, %dot_general3A_538 : vector<64x256xf32>
      %slice3A_540 = vector.extract_strided_slice %add3A_482 {offsets = [0, 2], sizes = [8, 1], strides = [1, 1]} : vector<8x8xi32> to vector<8x1xi32>
      %eq3A_541 = vector.broadcast %slice3A_540 : vector<8x1xi32> to vector<8x64xi32>
      %eq3A_542 = arith.cmpi eq, %eq3A_541, %iota3A_498 : vector<8x64xi32>
      %convert_element_type3A_543 = arith.extui %eq3A_542 : vector<8x64xi1> to vector<8x64xi32>
      %convert_element_type3A_544 = arith.sitofp %convert_element_type3A_543 : vector<8x64xi32> to vector<8x64xf32>
      %dot_general3A_545 = arith.constant dense<0.000000e+00> : vector<8x256xf32>
      %dot_general3A_546 = tpu.matmul %convert_element_type3A_544, %get3A_497, %dot_general3A_545 {dimension_numbers = #tpu.dot_dimension_numbers<[1], [0], [0], [1], [0, 0, 1, 1], [], []>, precision = #tpu.contract_precision<fp32>, transpose_lhs_hint = false} : vector<8x64xf32>, vector<64x256xf32>, vector<8x256xf32> -> vector<8x256xf32>
      %mul3A_547 = arith.constant 8 : i32
      %mul3A_548 = vector.broadcast %mul3A_547 : i32 to vector<64x8xi32>
      %mul3A_549 = arith.muli %iota3A_500, %mul3A_548 : vector<64x8xi32>
      %add3A_550 = arith.constant 2 : i32
      %add3A_551 = vector.broadcast %add3A_550 : i32 to vector<64x8xi32>
      %add3A_552 = arith.addi %mul3A_549, %add3A_551 : vector<64x8xi32>
      %eq3A_553 = arith.cmpi eq, %iota3A_499, %add3A_552 : vector<64x8xi32>
      %convert_element_type3A_554 = arith.extui %eq3A_553 : vector<64x8xi1> to vector<64x8xi32>
      %convert_element_type3A_555 = arith.sitofp %convert_element_type3A_554 : vector<64x8xi32> to vector<64x8xf32>
      %dot_general3A_556 = arith.constant dense<0.000000e+00> : vector<64x256xf32>
      %dot_general3A_557 = tpu.matmul %convert_element_type3A_555, %dot_general3A_546, %dot_general3A_556 {dimension_numbers = #tpu.dot_dimension_numbers<[1], [0], [0], [1], [0, 0, 1, 1], [], []>, precision = #tpu.contract_precision<fp32>, transpose_lhs_hint = false} : vector<64x8xf32>, vector<8x256xf32>, vector<64x256xf32> -> vector<64x256xf32>
      %add3A_558 = arith.addf %add3A_539, %dot_general3A_557 : vector<64x256xf32>
      %slice3A_559 = vector.extract_strided_slice %add3A_482 {offsets = [0, 3], sizes = [8, 1], strides = [1, 1]} : vector<8x8xi32> to vector<8x1xi32>
      %eq3A_560 = vector.broadcast %slice3A_559 : vector<8x1xi32> to vector<8x64xi32>
      %eq3A_561 = arith.cmpi eq, %eq3A_560, %iota3A_498 : vector<8x64xi32>
      %convert_element_type3A_562 = arith.extui %eq3A_561 : vector<8x64xi1> to vector<8x64xi32>
      %convert_element_type3A_563 = arith.sitofp %convert_element_type3A_562 : vector<8x64xi32> to vector<8x64xf32>
      %dot_general3A_564 = arith.constant dense<0.000000e+00> : vector<8x256xf32>
      %dot_general3A_565 = tpu.matmul %convert_element_type3A_563, %get3A_497, %dot_general3A_564 {dimension_numbers = #tpu.dot_dimension_numbers<[1], [0], [0], [1], [0, 0, 1, 1], [], []>, precision = #tpu.contract_precision<fp32>, transpose_lhs_hint = false} : vector<8x64xf32>, vector<64x256xf32>, vector<8x256xf32> -> vector<8x256xf32>
      %mul3A_566 = arith.constant 8 : i32
      %mul3A_567 = vector.broadcast %mul3A_566 : i32 to vector<64x8xi32>
      %mul3A_568 = arith.muli %iota3A_500, %mul3A_567 : vector<64x8xi32>
      %add3A_569 = arith.constant 3 : i32
      %add3A_570 = vector.broadcast %add3A_569 : i32 to vector<64x8xi32>
      %add3A_571 = arith.addi %mul3A_568, %add3A_570 : vector<64x8xi32>
      %eq3A_572 = arith.cmpi eq, %iota3A_499, %add3A_571 : vector<64x8xi32>
      %convert_element_type3A_573 = arith.extui %eq3A_572 : vector<64x8xi1> to vector<64x8xi32>
      %convert_element_type3A_574 = arith.sitofp %convert_element_type3A_573 : vector<64x8xi32> to vector<64x8xf32>
      %dot_general3A_575 = arith.constant dense<0.000000e+00> : vector<64x256xf32>
      %dot_general3A_576 = tpu.matmul %convert_element_type3A_574, %dot_general3A_565, %dot_general3A_575 {dimension_numbers = #tpu.dot_dimension_numbers<[1], [0], [0], [1], [0, 0, 1, 1], [], []>, precision = #tpu.contract_precision<fp32>, transpose_lhs_hint = false} : vector<64x8xf32>, vector<8x256xf32>, vector<64x256xf32> -> vector<64x256xf32>
      %add3A_577 = arith.addf %add3A_558, %dot_general3A_576 : vector<64x256xf32>
      %slice3A_578 = vector.extract_strided_slice %add3A_482 {offsets = [0, 4], sizes = [8, 1], strides = [1, 1]} : vector<8x8xi32> to vector<8x1xi32>
      %eq3A_579 = vector.broadcast %slice3A_578 : vector<8x1xi32> to vector<8x64xi32>
      %eq3A_580 = arith.cmpi eq, %eq3A_579, %iota3A_498 : vector<8x64xi32>
      %convert_element_type3A_581 = arith.extui %eq3A_580 : vector<8x64xi1> to vector<8x64xi32>
      %convert_element_type3A_582 = arith.sitofp %convert_element_type3A_581 : vector<8x64xi32> to vector<8x64xf32>
      %dot_general3A_583 = arith.constant dense<0.000000e+00> : vector<8x256xf32>
      %dot_general3A_584 = tpu.matmul %convert_element_type3A_582, %get3A_497, %dot_general3A_583 {dimension_numbers = #tpu.dot_dimension_numbers<[1], [0], [0], [1], [0, 0, 1, 1], [], []>, precision = #tpu.contract_precision<fp32>, transpose_lhs_hint = false} : vector<8x64xf32>, vector<64x256xf32>, vector<8x256xf32> -> vector<8x256xf32>
      %mul3A_585 = arith.constant 8 : i32
      %mul3A_586 = vector.broadcast %mul3A_585 : i32 to vector<64x8xi32>
      %mul3A_587 = arith.muli %iota3A_500, %mul3A_586 : vector<64x8xi32>
      %add3A_588 = arith.constant 4 : i32
      %add3A_589 = vector.broadcast %add3A_588 : i32 to vector<64x8xi32>
      %add3A_590 = arith.addi %mul3A_587, %add3A_589 : vector<64x8xi32>
      %eq3A_591 = arith.cmpi eq, %iota3A_499, %add3A_590 : vector<64x8xi32>
      %convert_element_type3A_592 = arith.extui %eq3A_591 : vector<64x8xi1> to vector<64x8xi32>
      %convert_element_type3A_593 = arith.sitofp %convert_element_type3A_592 : vector<64x8xi32> to vector<64x8xf32>
      %dot_general3A_594 = arith.constant dense<0.000000e+00> : vector<64x256xf32>
      %dot_general3A_595 = tpu.matmul %convert_element_type3A_593, %dot_general3A_584, %dot_general3A_594 {dimension_numbers = #tpu.dot_dimension_numbers<[1], [0], [0], [1], [0, 0, 1, 1], [], []>, precision = #tpu.contract_precision<fp32>, transpose_lhs_hint = false} : vector<64x8xf32>, vector<8x256xf32>, vector<64x256xf32> -> vector<64x256xf32>
      %add3A_596 = arith.addf %add3A_577, %dot_general3A_595 : vector<64x256xf32>
      %slice3A_597 = vector.extract_strided_slice %add3A_482 {offsets = [0, 5], sizes = [8, 1], strides = [1, 1]} : vector<8x8xi32> to vector<8x1xi32>
      %eq3A_598 = vector.broadcast %slice3A_597 : vector<8x1xi32> to vector<8x64xi32>
      %eq3A_599 = arith.cmpi eq, %eq3A_598, %iota3A_498 : vector<8x64xi32>
      %convert_element_type3A_600 = arith.extui %eq3A_599 : vector<8x64xi1> to vector<8x64xi32>
      %convert_element_type3A_601 = arith.sitofp %convert_element_type3A_600 : vector<8x64xi32> to vector<8x64xf32>
      %dot_general3A_602 = arith.constant dense<0.000000e+00> : vector<8x256xf32>
      %dot_general3A_603 = tpu.matmul %convert_element_type3A_601, %get3A_497, %dot_general3A_602 {dimension_numbers = #tpu.dot_dimension_numbers<[1], [0], [0], [1], [0, 0, 1, 1], [], []>, precision = #tpu.contract_precision<fp32>, transpose_lhs_hint = false} : vector<8x64xf32>, vector<64x256xf32>, vector<8x256xf32> -> vector<8x256xf32>
      %mul3A_604 = arith.constant 8 : i32
      %mul3A_605 = vector.broadcast %mul3A_604 : i32 to vector<64x8xi32>
      %mul3A_606 = arith.muli %iota3A_500, %mul3A_605 : vector<64x8xi32>
      %add3A_607 = arith.constant 5 : i32
      %add3A_608 = vector.broadcast %add3A_607 : i32 to vector<64x8xi32>
      %add3A_609 = arith.addi %mul3A_606, %add3A_608 : vector<64x8xi32>
      %eq3A_610 = arith.cmpi eq, %iota3A_499, %add3A_609 : vector<64x8xi32>
      %convert_element_type3A_611 = arith.extui %eq3A_610 : vector<64x8xi1> to vector<64x8xi32>
      %convert_element_type3A_612 = arith.sitofp %convert_element_type3A_611 : vector<64x8xi32> to vector<64x8xf32>
      %dot_general3A_613 = arith.constant dense<0.000000e+00> : vector<64x256xf32>
      %dot_general3A_614 = tpu.matmul %convert_element_type3A_612, %dot_general3A_603, %dot_general3A_613 {dimension_numbers = #tpu.dot_dimension_numbers<[1], [0], [0], [1], [0, 0, 1, 1], [], []>, precision = #tpu.contract_precision<fp32>, transpose_lhs_hint = false} : vector<64x8xf32>, vector<8x256xf32>, vector<64x256xf32> -> vector<64x256xf32>
      %add3A_615 = arith.addf %add3A_596, %dot_general3A_614 : vector<64x256xf32>
      %slice3A_616 = vector.extract_strided_slice %add3A_482 {offsets = [0, 6], sizes = [8, 1], strides = [1, 1]} : vector<8x8xi32> to vector<8x1xi32>
      %eq3A_617 = vector.broadcast %slice3A_616 : vector<8x1xi32> to vector<8x64xi32>
      %eq3A_618 = arith.cmpi eq, %eq3A_617, %iota3A_498 : vector<8x64xi32>
      %convert_element_type3A_619 = arith.extui %eq3A_618 : vector<8x64xi1> to vector<8x64xi32>
      %convert_element_type3A_620 = arith.sitofp %convert_element_type3A_619 : vector<8x64xi32> to vector<8x64xf32>
      %dot_general3A_621 = arith.constant dense<0.000000e+00> : vector<8x256xf32>
      %dot_general3A_622 = tpu.matmul %convert_element_type3A_620, %get3A_497, %dot_general3A_621 {dimension_numbers = #tpu.dot_dimension_numbers<[1], [0], [0], [1], [0, 0, 1, 1], [], []>, precision = #tpu.contract_precision<fp32>, transpose_lhs_hint = false} : vector<8x64xf32>, vector<64x256xf32>, vector<8x256xf32> -> vector<8x256xf32>
      %mul3A_623 = arith.constant 8 : i32
      %mul3A_624 = vector.broadcast %mul3A_623 : i32 to vector<64x8xi32>
      %mul3A_625 = arith.muli %iota3A_500, %mul3A_624 : vector<64x8xi32>
      %add3A_626 = arith.constant 6 : i32
      %add3A_627 = vector.broadcast %add3A_626 : i32 to vector<64x8xi32>
      %add3A_628 = arith.addi %mul3A_625, %add3A_627 : vector<64x8xi32>
      %eq3A_629 = arith.cmpi eq, %iota3A_499, %add3A_628 : vector<64x8xi32>
      %convert_element_type3A_630 = arith.extui %eq3A_629 : vector<64x8xi1> to vector<64x8xi32>
      %convert_element_type3A_631 = arith.sitofp %convert_element_type3A_630 : vector<64x8xi32> to vector<64x8xf32>
      %dot_general3A_632 = arith.constant dense<0.000000e+00> : vector<64x256xf32>
      %dot_general3A_633 = tpu.matmul %convert_element_type3A_631, %dot_general3A_622, %dot_general3A_632 {dimension_numbers = #tpu.dot_dimension_numbers<[1], [0], [0], [1], [0, 0, 1, 1], [], []>, precision = #tpu.contract_precision<fp32>, transpose_lhs_hint = false} : vector<64x8xf32>, vector<8x256xf32>, vector<64x256xf32> -> vector<64x256xf32>
      %add3A_634 = arith.addf %add3A_615, %dot_general3A_633 : vector<64x256xf32>
      %slice3A_635 = vector.extract_strided_slice %add3A_482 {offsets = [0, 7], sizes = [8, 1], strides = [1, 1]} : vector<8x8xi32> to vector<8x1xi32>
      %eq3A_636 = vector.broadcast %slice3A_635 : vector<8x1xi32> to vector<8x64xi32>
      %eq3A_637 = arith.cmpi eq, %eq3A_636, %iota3A_498 : vector<8x64xi32>
      %convert_element_type3A_638 = arith.extui %eq3A_637 : vector<8x64xi1> to vector<8x64xi32>
      %convert_element_type3A_639 = arith.sitofp %convert_element_type3A_638 : vector<8x64xi32> to vector<8x64xf32>
      %dot_general3A_640 = arith.constant dense<0.000000e+00> : vector<8x256xf32>
      %dot_general3A_641 = tpu.matmul %convert_element_type3A_639, %get3A_497, %dot_general3A_640 {dimension_numbers = #tpu.dot_dimension_numbers<[1], [0], [0], [1], [0, 0, 1, 1], [], []>, precision = #tpu.contract_precision<fp32>, transpose_lhs_hint = false} : vector<8x64xf32>, vector<64x256xf32>, vector<8x256xf32> -> vector<8x256xf32>
      %mul3A_642 = arith.constant 8 : i32
      %mul3A_643 = vector.broadcast %mul3A_642 : i32 to vector<64x8xi32>
      %mul3A_644 = arith.muli %iota3A_500, %mul3A_643 : vector<64x8xi32>
      %add3A_645 = arith.constant 7 : i32
      %add3A_646 = vector.broadcast %add3A_645 : i32 to vector<64x8xi32>
      %add3A_647 = arith.addi %mul3A_644, %add3A_646 : vector<64x8xi32>
      %eq3A_648 = arith.cmpi eq, %iota3A_499, %add3A_647 : vector<64x8xi32>
      %convert_element_type3A_649 = arith.extui %eq3A_648 : vector<64x8xi1> to vector<64x8xi32>
      %convert_element_type3A_650 = arith.sitofp %convert_element_type3A_649 : vector<64x8xi32> to vector<64x8xf32>
      %dot_general3A_651 = arith.constant dense<0.000000e+00> : vector<64x256xf32>
      %dot_general3A_652 = tpu.matmul %convert_element_type3A_650, %dot_general3A_641, %dot_general3A_651 {dimension_numbers = #tpu.dot_dimension_numbers<[1], [0], [0], [1], [0, 0, 1, 1], [], []>, precision = #tpu.contract_precision<fp32>, transpose_lhs_hint = false} : vector<64x8xf32>, vector<8x256xf32>, vector<64x256xf32> -> vector<64x256xf32>
      %add3A_653 = arith.addf %add3A_634, %dot_general3A_652 : vector<64x256xf32>
      %swap3A_654 = arith.constant 0 : index
      %swap3A_655 = arith.constant 0 : index
      %swap3A_656 = vector.load %arg13[%swap3A_654, %swap3A_655] : memref<64x256xf32, #tpu.memory_space<vmem>>, vector<64x256xf32>
      tpu.vector_store %arg13[%swap3A_654, %swap3A_655], %add3A_653 {strides = array<i32>} : memref<64x256xf32, #tpu.memory_space<vmem>>, vector<64x256xf32>,
    } else {
    }
    return
  }
  func.func @transform_0(%arg0: i32, %arg1: i32) -> (i32, i32) {
    %c0_i32 = arith.constant 0 : i32
    %c0_i32_0 = arith.constant 0 : i32
    %c0_i32_1 = arith.constant 0 : i32
    return %c0_i32, %c0_i32_0 : i32, i32
  }
  func.func @transform_1(%arg0: i32, %arg1: i32) -> (i32, i32) {
    %c0_i32 = arith.constant 0 : i32
    %c0_i32_0 = arith.constant 0 : i32
    %c0_i32_1 = arith.constant 0 : i32
    return %c0_i32, %c0_i32_0 : i32, i32
  }
  func.func @transform_2(%arg0: i32, %arg1: i32) -> (i32, i32) {
    %c0_i32 = arith.constant 0 : i32
    %c0_i32_0 = arith.constant 0 : i32
    %c0_i32_1 = arith.constant 0 : i32
    return %c0_i32, %c0_i32_0 : i32, i32
  }
  func.func @transform_3(%arg0: i32, %arg1: i32) -> (i32, i32) {
    %c0_i32 = arith.constant 0 : i32
    %c0_i32_0 = arith.constant 0 : i32
    %c0_i32_1 = arith.constant 0 : i32
    return %c0_i32, %c0_i32_0 : i32, i32
  }
  func.func @transform_4(%arg0: i32, %arg1: i32) -> (i32, i32) {
    %c0_i32 = arith.constant 0 : i32
    %c0_i32_0 = arith.constant 0 : i32
    %c0_i32_1 = arith.constant 0 : i32
    return %c0_i32, %c0_i32_0 : i32, i32
  }
  func.func @transform_5(%arg0: i32, %arg1: i32) -> (i32, i32) {
    %c0_i32 = arith.constant 0 : i32
    %c0_i32_0 = arith.constant 0 : i32
    %c0_i32_1 = arith.constant 0 : i32
    return %c0_i32, %c0_i32_0 : i32, i32
  }
  func.func @transform_6(%arg0: i32, %arg1: i32) -> (i32, i32) {
    %c0_i32 = arith.constant 0 : i32
    %c0_i32_0 = arith.constant 0 : i32
    %c0_i32_1 = arith.constant 0 : i32
    return %c0_i32, %c0_i32_0 : i32, i32
  }
  func.func @transform_7(%arg0: i32, %arg1: i32) -> (i32, i32) {
    %c0_i32 = arith.constant 0 : i32
    %c0_i32_0 = arith.constant 0 : i32
    %c0_i32_1 = arith.constant 0 : i32
    return %c0_i32, %c0_i32_0 : i32, i32
  }
  func.func @transform_8(%arg0: i32, %arg1: i32) -> (i32, i32) {
    %eq3A = arith.constant 0 : i32
    %eq3A_0 = arith.cmpi eq, %arg0, %eq3A : i32
    %jit3A = arith.constant 0 : i32
    %select_n3A = arith.select %eq3A_0, %arg1, %jit3A : i32
    %c0_i32 = arith.constant 0 : i32
    %c0_i32_1 = arith.constant 0 : i32
    return %c0_i32, %select_n3A : i32, i32
  }
  func.func @transform_9(%arg0: i32, %arg1: i32) -> (i32, i32) {
    %eq3A = arith.constant 0 : i32
    %eq3A_0 = arith.cmpi eq, %arg0, %eq3A : i32
    %jit3A = arith.constant 0 : i32
    %select_n3A = arith.select %eq3A_0, %arg1, %jit3A : i32
    %c0_i32 = arith.constant 0 : i32
    %c0_i32_1 = arith.constant 0 : i32
    return %c0_i32, %select_n3A : i32, i32
  }
  func.func @transform_10(%arg0: i32, %arg1: i32) -> (i32, i32) {
    %eq3A = arith.constant 1 : i32
    %eq3A_0 = arith.cmpi eq, %arg0, %eq3A : i32
    %jit3A = arith.constant 0 : i32
    %select_n3A = arith.select %eq3A_0, %arg1, %jit3A : i32
    %c0_i32 = arith.constant 0 : i32
    %c0_i32_1 = arith.constant 0 : i32
    return %c0_i32, %select_n3A : i32, i32
  }
  func.func @transform_11(%arg0: i32, %arg1: i32) -> (i32, i32) {
    %c0_i32 = arith.constant 0 : i32
    %c0_i32_0 = arith.constant 0 : i32
    %c0_i32_1 = arith.constant 0 : i32
    return %c0_i32, %c0_i32_0 : i32, i32
  }
  func.func @transform_12(%arg0: i32, %arg1: i32) -> (i32, i32) {
    %c0_i32 = arith.constant 0 : i32
    %c0_i32_0 = arith.constant 0 : i32
    %c0_i32_1 = arith.constant 0 : i32
    return %c0_i32, %c0_i32_0 : i32, i32
  }
  func.func @transform_13(%arg0: i32, %arg1: i32) -> (i32, i32) {
    %c0_i32 = arith.constant 0 : i32
    %c0_i32_0 = arith.constant 0 : i32
    %c0_i32_1 = arith.constant 0 : i32
    return %c0_i32, %c0_i32_0 : i32, i32
  }
  func.func @transform_14(%arg0: i32, %arg1: i32) -> (i32, i32) {
    %c0_i32 = arith.constant 0 : i32
    %c0_i32_0 = arith.constant 0 : i32
    %c0_i32_1 = arith.constant 0 : i32
    return %c0_i32, %c0_i32_0 : i32, i32
  }
  func.func @transform_15(%arg0: i32, %arg1: i32) -> (i32, i32) {
    %c0_i32 = arith.constant 0 : i32
    %c0_i32_0 = arith.constant 0 : i32
    %c0_i32_1 = arith.constant 0 : i32
    return %c0_i32, %c0_i32_0 : i32, i32
  }
}

module attributes {stable_mosaic.version = 14 : i64} {
  func.func @body(%arg0: i32, %arg1: memref<32x4096xf32, #tpu.memory_space<vmem>>, %arg2: memref<32x2xf32, #tpu.memory_space<vmem>>, %arg3: memref<32x4096xf32, #tpu.memory_space<vmem>>) attributes {dimension_semantics = [#tpu.dimension_semantics<arbitrary>], iteration_bounds = array<i64: 25>, scalar_prefetch = 0 : i64, scratch_operands = 0 : i64, tpu.core_type = #tpu.core_type<tc>, window_params = [{transform_indices = @transform_0, window_bounds = array<i64: 32, 4096>}, {pipeline_mode = #tpu.pipeline_mode<synchronous>, transform_indices = @transform_1, window_bounds = array<i64: 32, 2>}, {transform_indices = @transform_2, window_bounds = array<i64: 32, 4096>}]} {
    %get3A = arith.constant 0 : index
    %get3A_0 = arith.constant 0 : index
    %get3A_1 = vector.load %arg1[%get3A, %get3A_0] : memref<32x4096xf32, #tpu.memory_space<vmem>>, vector<32x4096xf32>
    %get3A_2 = arith.constant 0 : index
    %get3A_3 = arith.constant 0 : index
    %get3A_4 = vector.load %arg2[%get3A_2, %get3A_3] : memref<32x2xf32, #tpu.memory_space<vmem>>, vector<32x1xf32>
    %sub3A = vector.broadcast %get3A_4 : vector<32x1xf32> to vector<32x4096xf32>
    %sub3A_5 = arith.subf %get3A_1, %sub3A : vector<32x4096xf32>
    %get3A_6 = arith.constant 0 : index
    %get3A_7 = arith.constant 1 : index
    %get3A_8 = vector.load %arg2[%get3A_6, %get3A_7] : memref<32x2xf32, #tpu.memory_space<vmem>>, vector<32x1xf32>
    %sub3A_9 = vector.broadcast %get3A_8 : vector<32x1xf32> to vector<32x4096xf32>
    %sub3A_10 = arith.subf %sub3A_5, %sub3A_9 : vector<32x4096xf32>
    %swap3A = arith.constant 0 : index
    %swap3A_11 = arith.constant 0 : index
    %swap3A_12 = vector.load %arg3[%swap3A, %swap3A_11] : memref<32x4096xf32, #tpu.memory_space<vmem>>, vector<32x4096xf32>
    tpu.vector_store %arg3[%swap3A, %swap3A_11], %sub3A_10 {strides = array<i32>} : memref<32x4096xf32, #tpu.memory_space<vmem>>, vector<32x4096xf32>,
    return
  }
  func.func @transform_0(%arg0: i32) -> (i32, i32) {
    %c0_i32 = arith.constant 0 : i32
    %c0_i32_0 = arith.constant 0 : i32
    return %c0_i32, %arg0 : i32, i32
  }
  func.func @transform_1(%arg0: i32) -> (i32, i32) {
    %c0_i32 = arith.constant 0 : i32
    %c0_i32_0 = arith.constant 0 : i32
    %c0_i32_1 = arith.constant 0 : i32
    return %c0_i32, %c0_i32_0 : i32, i32
  }
  func.func @transform_2(%arg0: i32) -> (i32, i32) {
    %c0_i32 = arith.constant 0 : i32
    %c0_i32_0 = arith.constant 0 : i32
    return %c0_i32, %arg0 : i32, i32
  }
}

</mosaic_0001>

<sc_bundles>
// kernel: kernel.11.cloned.1.call-start
scs
__scs_entry_jumppad:
0x0: {  	(pc) =	sbr.rel $0x88, $3  }
0x1: {  	(tag) =	ssettag $0x0;
	lr =	simm.s32 $0x1  }
0x2: {  	[smem:$0x3F99] =	sst lr;
	_ =	strace $0xD0000000  }
0x3: {  	_ = 	snop  }
0x4: {  	_ = 	snop  }
0x5: {  	_ = 	snop  }
0x6: {  	_ = 	snop  }
0x7: {  	_ = 	snop  }
__scs_overlays_trampoline_lowered:
0x8: {  	[smem:$0x3FA8] =	sst s0  }
0x9: {  	[smem:$0x3FA9] =	sst s1  }
0xa: {  	[smem:$0x3FAA] =	sst s2  }
0xb: {  	[smem:$0x3FAB] =	sst s3  }
0xc: {  	[smem:$0x3FAC] =	sst s4  }
0xd: {  	[smem:$0x3FAD] =	sst s5  }
0xe: {  	[smem:$0x3FAE] =	sst s6  }
0xf: {  	[smem:$0x3FAF] =	sst s7  }
0x10: {  	[smem:$0x3FB0] =	sst s8  }
0x11: {  	[smem:$0x3FB1] =	sst s9;
	s0 =	simm.s32 @!p0 $0x0  }
0x12: {  	s1 =	sld [smem:$0x3F97];
	s0 =	simm.s32 @p0 $0x1  }
0x13: {  	[smem:$0x3FB2] =	sst s0;
	s0 =	simm.s32 @!p1 $0x0  }
0x14: {  	s2 =	sld [smem:$0x3F96];
	s0 =	simm.s32 @p1 $0x1  }
0x15: {  	[smem:$0x3FB3] =	sst s0;
	s0 =	simm.s32 @!p2 $0x0  }
0x16: {  	s3 =	sld [smem:$0x3FDB];
	s0 =	simm.s32 @p2 $0x1  }
0x17: {  	s4 =	simm.s32 $0x1BF5;
	[smem:$0x3FB5] =	sst s0  }
0x18: {  	s0 =	sld [smem:$0x3F98];
	_ =	swait.ge [sflag:s4], $0x0  }
0x19: {  	s7 =	sld [smem:$0x3F99]  }
0x1a: {  	s8 =	sadd.s32 $0xFFFFE003, lr  }
0x1b: {  	s9 =	sadd.s32 $0xFFFFFEF7, lr;
	s5 =	simm.s32 $0xFFFFFFFF;
	p2 =	slt.u32 s8, $0xFFFFF086  }
0x1c: {  	p1 =	slt.u32 s9, $0xF7A;
	s5 =	simm.s32 @!p2 $0x0  }
0x1d: {  	s5 =	simm.s32 @p1 $0x1;
	p0 =	seq.s32 s7, s2  }
0x1e: {  	s7 =	smul.u32 @!p0 $0xF7A, s2;
	p2 =	seq.s32 @!p0 s5, $0x0  }
0x1f: {  	s9 =	smul.u32 $0xF7A, s1;
	s8 =	simm.s32 @!p0 $0x1BF5;
	p2 =	por !p2, p0  }
0x20: {  	[sflag:s8] =	ssyncset.s32 @!p0 $0xFFFFF086;
	s6 =	sadd.s32 @!p0 s3, s7;
	s7 =	simm.s32 @!p0 $0x108  }
0x21: {  	s3 =	sadd.s32 s3, s9;
	s6 =	sadd.s32 @!p0 $0x88, s6;
	s7 =	simm.s32 @p2 $0x1082  }
0x22: {  	[simem:s7], [sflag:s8] =	dma.local @!p0 [hbm:s6], $0xF7A  }
0x23: {  	s9 =	sor.u32 $0xD0000000, s2;
	s6 =	simm.s32 $0x108;
	_ =	swait.ge @!p0 [sflag:s8], $0x0  }
0x24: {  	s3 =	sadd.s32 $0x88, s3;
	s6 =	simm.s32 @!p1 $0x1082;
	[sflag:s4] =	ssyncset.s32 $0xFFFFF086  }
0x25: {  	[simem:s6], [sflag:s4] =	dma.local [hbm:s3], $0xF7A  }
0x26: {  	[smem:$0x3F99] =	sst s1;
	(tag) =	ssettag s2;
	_ =	strace s9  }
0x27: {  	s1 =	sld [smem:$0x3FA9]  }
0x28: {  	s2 =	sld [smem:$0x3FAA]  }
0x29: {  	s4 =	sld [smem:$0x3FAC]  }
0x2a: {  	p0 =	seq.s32 s5, $0x0;
	s5 =	sld [smem:$0x3FAD]  }
0x2b: {  	s6 =	sld [smem:$0x3FAE]  }
0x2c: {  	s7 =	sld [smem:$0x3FAF]  }
0x2d: {  	s3 =	simm.s32 $0x108;
	s8 =	sld [smem:$0x3FB0]  }
0x2e: {  	s3 =	simm.s32 @!p0 $0x1082;
	s9 =	sld [smem:$0x3FB1]  }
0x2f: {  	lr =	sadd.s32 s0, s3;
	s0 =	sld [smem:$0x3FA8]  }
0x30: {  	s3 =	sld [smem:$0x3FAB]  }
0x31: {  	[smem:$0x3FB4] =	sst s10  }
0x32: {  	s10 =	sld [smem:$0x3FB2];
	_ =	sdelay $0x3  }
0x33: {  	p0 =	seq.s32 s10, $0x1;
	s10 =	sld [smem:$0x3FB4];
	_ =	sdelay $0x3  }
0x34: {  	[smem:$0x3FB4] =	sst s10  }
0x35: {  	s10 =	sld [smem:$0x3FB3];
	_ =	sdelay $0x3  }
0x36: {  	p1 =	seq.s32 s10, $0x1;
	s10 =	sld [smem:$0x3FB4];
	_ =	sdelay $0x3  }
0x37: {  	[smem:$0x3FB4] =	sst s10  }
0x38: {  	s10 =	sld [smem:$0x3FB5]  }
0x39: {  	_ = 	snop;
	(pc) =	sbr.ind lr, $3  }
0x3a: {  	_ = 	snop  }
0x3b: {  	_ = 	snop  }
0x3c: {  	p2 =	seq.s32 s10, $0x1;
	s10 =	sld [smem:$0x3FB4]  }
0x3d: {  	_ =	shalt  }
0x3e: {  	_ =	shalt  }
0x3f: {  	_ =	shalt  }
0x40: {  	_ =	shalt  }
0x41: {  	_ =	shalt  }
0x42: {  	_ =	shalt  }
0x43: {  	_ =	shalt  }
0x44: {  	_ =	shalt  }
0x45: {  	_ =	shalt  }
0x46: {  	_ =	shalt  }
0x47: {  	_ =	shalt  }
0x48: {  	_ =	shalt  }
0x49: {  	_ =	shalt  }
0x4a: {  	_ =	shalt  }
0x4b: {  	_ =	shalt  }
0x4c: {  	_ =	shalt  }
0x4d: {  	_ =	shalt  }
0x4e: {  	_ =	shalt  }
0x4f: {  	_ =	shalt  }
0x50: {  	_ =	shalt  }
0x51: {  	_ =	shalt  }
0x52: {  	_ =	shalt  }
0x53: {  	_ =	shalt  }
0x54: {  	_ =	shalt  }
0x55: {  	_ =	shalt  }
0x56: {  	_ =	shalt  }
0x57: {  	_ =	shalt  }
0x58: {  	_ =	shalt  }
0x59: {  	_ =	shalt  }
0x5a: {  	_ =	shalt  }
0x5b: {  	_ =	shalt  }
0x5c: {  	_ =	shalt  }
0x5d: {  	_ =	shalt  }
0x5e: {  	_ =	shalt  }
0x5f: {  	_ =	shalt  }
0x60: {  	_ =	shalt  }
0x61: {  	_ =	shalt  }
0x62: {  	_ =	shalt  }
0x63: {  	_ =	shalt  }
0x64: {  	_ =	shalt  }
0x65: {  	_ =	shalt  }
0x66: {  	_ =	shalt  }
0x67: {  	_ =	shalt  }
0x68: {  	_ =	shalt  }
0x69: {  	_ =	shalt  }
0x6a: {  	_ =	shalt  }
0x6b: {  	_ =	shalt  }
0x6c: {  	_ =	shalt  }
0x6d: {  	_ =	shalt  }
0x6e: {  	_ =	shalt  }
0x6f: {  	_ =	shalt  }
0x70: {  	_ =	shalt  }
0x71: {  	_ =	shalt  }
0x72: {  	_ =	shalt  }
0x73: {  	_ =	shalt  }
0x74: {  	_ =	shalt  }
0x75: {  	_ =	shalt  }
0x76: {  	_ =	shalt  }
0x77: {  	_ =	shalt  }
0x78: {  	_ =	shalt  }
0x79: {  	_ =	shalt  }
0x7a: {  	_ =	shalt  }
0x7b: {  	_ =	shalt  }
0x7c: {  	_ =	shalt  }
0x7d: {  	_ =	shalt  }
0x7e: {  	_ =	shalt  }
0x7f: {  	_ =	shalt  }
0x80: {  	_ =	shalt  }
0x81: {  	_ =	shalt  }
0x82: {  	_ =	shalt  }
0x83: {  	_ =	shalt  }
0x84: {  	_ =	shalt  }
0x85: {  	_ =	shalt  }
0x86: {  	_ =	shalt  }
0x87: {  	_ =	shalt  }
.Lfunc_end0:
.L_simem_size_0:
called_computation_lowered:
.L_overlay_start_0:
0x88: {  	s2 =	sld [smem:$0x3FD9]  }
0x89: {  	s3 =	sld [smem:$0x3FFE];
	_ =	sdelay $0x1  }
0x8a: {  	s1 =	srdreg.scid  }
0x8b: {  	s0 =	sand.u32 $0x1, s1  }
0x8c: {  	s15 =	sshll.u32 s0, $0xA;
	s2 =	sadd.s32 s3, s2  }
0x8d: {  	s2 =	sadd.s32 s2, s15  }
0x8e: {  	[smem:$0x3FC0] =	sst s2  }
0x8f: {  	_ = 	snop  }
0x90: {  	s2 =	sld [smem:$0x3FD0];
	_ =	sdelay $0x2  }
0x91: {  	s4 =	simm.s32 $0xA;
	s5 =	simm.s32 $0x10;
	s16 =	sld [smem:$0x3FC8]  }
0x92: {  	[smem:s5], [sflag:s4] =	dma.local [hbm:s2], $0x1  }
0x93: {  	_ =	swait.eq [sflag:s4], $0x1  }
0x94: {  	[sflag:s4] =	ssyncset.done $0x0  }
0x95: {  	s17 =	sld [smem:$0x10];
	[sflag:s4] =	ssyncadd.s32 $0xFFFFFFFF  }
0x96: {  	s18 =	sld [smem:$0x13];
	(tm) =	ssettm $0x1  }
0x97: {  	s19 =	sld [smem:$0x3FFB];
	_ =	sdelay $0x3  }
0x98: {  	_ =	strace s19  }
0x99: {  	s5 =	sld [smem:$0x3FFC];
	_ =	sdelay $0x3  }
0x9a: {  	_ =	strace s5  }
0x9b: {  	s5 =	sld [smem:$0x3FFD];
	_ =	sdelay $0x3  }
0x9c: {  	_ =	strace s5  }
0x9d: {  	_ =	strace $0x8FFFFFFF  }
0x9e: {  	s20 =	sld [smem:$0x3FDB];
	_ =	sdelay $0x1  }
0x9f: {  	s6 =	simm.s32 $_scs_section_size  }
0xa0: {  	s7 =	simm.s32 $_size__tile_overlayer_lowered;
	s8 =	simm.s32 $_tile_overlayer_lowered  }
0xa1: {  	s23 =	simm.s32 $0x1BFF;
	s22 =	sshll.u32 s8, $0x1;
	s5 =	sadd.s32 s6, s20  }
0xa2: {  	s9 =	simm.s32 $0x0;
	s21 =	sshll.u32 s7, $0x1;
	s7 =	sadd.s32 s22, s5  }
0xa3: {  	[timem:s9], [sflag:s23] =	dma.local [hbm:s7], s21  }
0xa4: {  	_ =	swait.ge [sflag:s23], s21  }
0xa5: {  	s6 =	ssub.s32 $0x0, s21;
	[sflag:s23] =	ssyncset.done $0x0  }
0xa6: {  	[sflag:s23] =	ssyncadd.s32 s6;
	_ =	sdelay $0x1  }
0xa7: {  	s24 =	simm.s32 $0x1B8B  }
0xa8: {  	_ =	swait.ge [sflag:s24], $0x1  }
0xa9: {  	[sflag:s24] =	ssyncset.done $0x0  }
0xaa: {  	s25 =	simm.s32 $0x1B8E;
	[sflag:s24] =	ssyncadd.s32 $0xFFFFFFFF  }
0xab: {  	s26 =	simm.s32 $execute0_lowered;
	[smem:$0x3FD2] =	sst s25  }
0xac: {  	s6 =	sshll.u32 s26, $0x1;
	_ =	strace $0x80000046;
	[dreg:$0x1] =	wrdreg $0xFFFFFFFF  }
0xad: {  	s28 =	simm.s32 $_size_execute0_lowered;
	s5 =	sadd.s32 s5, s6;
	[dreg:$0x0] =	wrdreg $0x0  }
0xae: {  	s6 =	sshll.u32 s28, $0x1;
	[dreg:$0x2] =	wrdreg s5  }
0xaf: {  	[dreg:$0x3] =	wrdreg s6  }
0xb0: {  	[dreg:$0x4] =	wrdreg $0xC0  }
0xb1: {  	_ =	task [dreg:s9], $0x5FFFF  }
0xb2: {  	[dreg:$0x1] =	wrdreg $0xFFFFFFFF  }
0xb3: {  	[dreg:$0x0] =	wrdreg $0x60  }
0xb4: {  	[dreg:$0x2] =	wrdreg s16  }
0xb5: {  	[dreg:$0x3] =	wrdreg s18  }
0xb6: {  	[dreg:$0x4] =	wrdreg s17  }
0xb7: {  	[dreg:$0x5] =	wrdreg $0x9  }
0xb8: {  	_ =	task.clear_ibuf [dreg:s9], $0x6FFFF;
	_ =	strace $0x90000046  }
0xb9: {  	s29 =	simm.s32 $0x9;
	_ =	strace $0x80000048  }
0xba: {  	_ =	swait.ge [sflag:s29], $0x1  }
0xbb: {  	[sflag:s29] =	ssyncadd.s32 $0xFFFFFFFF  }
0xbc: {  	_ =	strace $0x90000048  }
0xbd: {  	_ =	sfence  }
0xbe: {  	s30 =	sld [smem:$0x0];
	_ =	sdelay $0x2  }
0xbf: {  	s31 =	sshll.u32 s1, $0xD;
	s1 =	sshrl.u32 s1, $0x2  }
0xc0: {  	s3 =	sand.u32 $0x4000, s31;
	s1 =	sadd.s32 s1, s30  }
0xc1: {  	s0 =	sor.u32 s3, s0;
	s1 =	sshll.u32 s1, $0x11  }
0xc2: {  	s0 =	sor.u32 s1, s0  }
0xc3: {  	s0 =	sadd.s32 $0x8F2B, s0  }
0xc4: {  	[sflag:s0] =	ssyncadd.remote.s32 $0x1  }
0xc5: {  	_ =	sfence.sel $0xFFFF  }
0xc6: {  	[dreg:$0x0] =	wrdreg $0xFFFFFFFF;
	(pc) =	sbr.abs _section_cstart, $3  }
0xc7: {  	[dreg:$0x1] =	wrdreg $0xFFFFFFFF  }
0xc8: {  	_ =	task.clear_ibuf [dreg:s9], $0x2FFFF;
	_ =	strace $0x9FFFFFFF  }
0xc9: {  	(tm) =	ssettm $0x7FFFFFFF  }
tec
execute0_lowered:
.L_overlay_start_1:
0x0: {  	(tag) =	ssettag $0x1  }
0x1: {  	s1 =	stileid.u32  }
0x2: {  	p0 =	sgt.u32 s1, $0x1  }
.Ltmp0:
0x3: {  	s2 =	rddreg [dreg:$0x0];
	(pc) =	sbr.rel @p0 .LBB2_4-.Ltmp0, $4  }
0x4: {  	s4 =	rddreg [dreg:$0x1]  }
0x5: {  	s9 =	rddreg [dreg:$0x2];
	s3 =	simm.s32 $0x0  }
0x6: {  	[smem:$0x7FF] =	sst s3  }
0x7: {  	s0 =	rddreg [dreg:$0x3];
	_ =	strace $0x80000047  }
0x8: {  	s5 =	srdreg.scid  }
0x9: {  	s30 =	sshll.u32 s1, $0x1;
	s7 =	sand.u32 $0x1, s5  }
0xa: {  	s10 =	sor.u32 s7, s30  }
0xb: {  	s5 =	sshll.u32 s10, $0x1  }
0xc: {  	s5 =	sadd.s32 s4, s5;
	s4 =	simm.s32 $0x2  }
0xd: {  	[tilespmem:s3], [sflag:$0x2] =	stream.linear.gather [hbm4b:s5+s3], $0x10, $0x38;
	[tilespmem:$0x1080] =	vst v63  }
0xe: {  	_ =	swait.ge [sflag:s4], $0x10  }
0xf: {  	[sflag:s4] =	ssyncset.done $0x0  }
0x10: {  	[sflag:s4] =	ssyncadd.s32 $0xFFFFFFF0  }
0x11: {  	v0 =	vld [tilespmem:$0x0];
	_ =	sdelay $0x4  }
0x12: {  	v1 =	vshll.u32 v0, $0x1  }
0x13: {  	v2 =	vlaneseq.u32;
	v3 =	vand.u32 $0x7, v0;
	v1 =	vand.u32 $0xFFFFFFF0, v1  }
0x14: {  	v4 =	vshrl.u32 v2, $0x3;
	v0 =	vand.u32 $0x7, v2;
	v3 =	vor.u32 v3, v1  }
0x15: {  	v1 =	vmul.u32 $0x8, v4;
	v63 =	vperm.xlane v3, v0  }
0x16: {  	v2 =	vor.u32 $0x8, v2  }
0x17: {  	v3 =	vperm.xlane v3, v2;
	v4 =	vadd.s32 v1, v63;
	_ =	sdelay $0x1  }
0x18: {  	s11 =	ssub.s32 $0x2, s7;
	v3 =	vadd.s32 v1, v3  }
0x19: {  	s12 =	sshrl.u32 s11, $0x1  }
0x1a: {  	vm0 =	vmmov $0xffff;
	s6 =	simm.s32 $0x80;
	s11 =	ssub.s32 s11, s12  }
0x1b: {  	[tilespmem:s6], [sflag:$0x1] =	stream.indirect_vreg.gather [hbm4b:s2+s3], $0x80, v4, vm0, $0xb8;
	[tilespmem:$0x1080] =	vst v63  }
0x1c: {  	s8 =	simm.s32 $0x1;
	s7 =	simm.s32 $0x880;
	s31 =	smax.u32 s11, $0x1  }
0x1d: {  	[tilespmem:s7], [sflag:$0x1] =	stream.indirect_vreg.gather [hbm4b:s2+s3], $0x80, v3, vm0, $0xb8;
	[tilespmem:$0x1080] =	vst v63  }
0x1e: {  	p0 =	sne.s32 s31, $0x1;
	_ =	swait.ge [sflag:s8], $0x1000  }
.Ltmp1:
0x1f: {  	s10 =	sshll.u32 s10, $0x9;
	[sflag:s8] =	ssyncset.done $0x0;
	(pc) =	sbr.rel @!p0 .LBB2_3-.Ltmp1, $4  }
0x20: {  	s9 =	sadd.s32 s9, s10;
	[sflag:s8] =	ssyncadd.s32 $0xFFFFF000  }
0x21: {  	[hbm4b:s9+s3] =	stream.linear.scatter [tilespmem:s6], [sflag:$0x2], $0x1000, $0x38;
	[tilespmem:$0x1080] =	vst v63  }
0x22: {  	_ =	swait.ge [sflag:s4], $0x1000  }
0x23: {  	s10 =	sadd.s32 $0xFFFFFFFF, s31;
	[sflag:s4] =	ssyncset.done $0x0  }
.LBB2_2:
0x24: {  	p0 =	sne.s32 s10, $0x1;
	s10 =	sadd.s32 $0xFFFFFFFF, s10;
	[sflag:s4] =	ssyncadd.s32 $0xFFFFF000  }
0x25: {  	[tilespmem:s3], [sflag:$0x2] =	stream.linear.gather [hbm4b:s5+s3], $0x10, $0x38;
	[tilespmem:$0x1080] =	vst v63  }
0x26: {  	_ =	swait.ge [sflag:s4], $0x10  }
0x27: {  	[sflag:s4] =	ssyncset.done $0x0  }
0x28: {  	[sflag:s4] =	ssyncadd.s32 $0xFFFFFFF0  }
0x29: {  	v3 =	vld [tilespmem:$0x0];
	_ =	sdelay $0x4  }
0x2a: {  	v4 =	vshll.u32 v3, $0x1  }
0x2b: {  	v3 =	vand.u32 $0x7, v3;
	v4 =	vand.u32 $0xFFFFFFF0, v4  }
0x2c: {  	v3 =	vor.u32 v3, v4  }
0x2d: {  	v4 =	vperm.xlane v3, v0;
	v3 =	vperm.xlane v3, v2;
	_ =	sdelay $0x1  }
0x2e: {  	v4 =	vadd.s32 v1, v4;
	_ =	sdelay $0x1  }
0x2f: {  	v3 =	vadd.s32 v1, v3;
	_ =	sdelay $0x2  }
0x30: {  	[tilespmem:s6], [sflag:$0x1] =	stream.indirect_vreg.gather [hbm4b:s2+s3], $0x80, v4, vm0, $0xb8;
	[tilespmem:$0x1080] =	vst v63  }
0x31: {  	_ = 	snop  }
0x32: {  	[tilespmem:s7], [sflag:$0x1] =	stream.indirect_vreg.gather [hbm4b:s2+s3], $0x80, v3, vm0, $0xb8;
	[tilespmem:$0x1080] =	vst v63  }
0x33: {  	_ =	swait.ge [sflag:s8], $0x1000  }
.Ltmp2:
0x34: {  	[sflag:s8] =	ssyncset.done $0x0;
	(pc) =	sbr.rel @p0 .LBB2_2-.Ltmp2, $4  }
0x35: {  	[sflag:s8] =	ssyncadd.s32 $0xFFFFF000  }
0x36: {  	[hbm4b:s9+s3] =	stream.linear.scatter [tilespmem:s6], [sflag:$0x2], $0x1000, $0x38;
	[tilespmem:$0x1080] =	vst v63  }
0x37: {  	_ =	swait.ge [sflag:s4], $0x1000  }
0x38: {  	[sflag:s4] =	ssyncset.done $0x0  }
.LBB2_3:
0x39: {  	[sflag:s4] =	ssyncadd.s32 $0xFFFFF000  }
.LBB2_4:
0x3a: {  	_ =	sfence.sel $0x180000  }
0x3b: {  	[bflag:$0x0] =	sbarrier.arrive $0xFFFF  }
0x3c: {  	p0 =	sne.s32 s1, $0x0;
	_ =	strace $0x90000047  }
0x3d: {  	s0 =	sadd.s32 @!p0 $0x100000, s0;
	[bflag:$0x2] =	sbarrier.arrive $0xFFFF  }
0x3e: {  	[sflag:s0] =	ssyncadd.tile.s32 @!p0 $0x1;
	_ =	shalt  }
.Lfunc_end2:
_tile_overlayer_lowered:
.L_overlay_start_2:
0x3f: {  	(tag) =	ssettag $0x2  }
0x40: {  	s0 =	rddreg [dreg:$0x0];
	s2 =	stileid.u32  }
0x41: {  	s1 =	rddreg [dreg:$0x1];
	p0 =	sne.s32 s2, $0x0  }
0x42: {  	s3 =	rddreg [dreg:$0x2];
	[bflag:$0x3] =	sbarrier.arrive $0xFFFF;
	s2 =	simm.s32 @!p0 $0x1C02  }
0x43: {  	[timem:s3], [sflag:s2] =	dma.local @!p0 [hbm:s0], s1  }
0x44: {  	s0 =	simm.s32 @!p0 $0x2  }
0x45: {  	_ =	swait.ge @!p0 [sflag:s0], s1  }
0x46: {  	s1 =	ssub.s32 @!p0 $0x0, s1;
	[sflag:s0] =	ssyncset.done @!p0 $0x0  }
0x47: {  	[sflag:s0] =	ssyncadd.s32 @!p0 s1  }
0x48: {  	[bflag:$0x3] =	sbarrier.arrive $0xFFFF  }
0x49: {  	_ =	shalt  }

// kernel: kernel.14.cloned.1.call-start
scs
__scs_entry_jumppad:
0x0: {  	(pc) =	sbr.rel $0x88, $3  }
0x1: {  	(tag) =	ssettag $0x0;
	lr =	simm.s32 $0x1  }
0x2: {  	[smem:$0x3F99] =	sst lr;
	_ =	strace $0xD0000000  }
0x3: {  	_ = 	snop  }
0x4: {  	_ = 	snop  }
0x5: {  	_ = 	snop  }
0x6: {  	_ = 	snop  }
0x7: {  	_ = 	snop  }
__scs_overlays_trampoline_lowered:
0x8: {  	[smem:$0x3FA8] =	sst s0  }
0x9: {  	[smem:$0x3FA9] =	sst s1  }
0xa: {  	[smem:$0x3FAA] =	sst s2  }
0xb: {  	[smem:$0x3FAB] =	sst s3  }
0xc: {  	[smem:$0x3FAC] =	sst s4  }
0xd: {  	[smem:$0x3FAD] =	sst s5  }
0xe: {  	[smem:$0x3FAE] =	sst s6  }
0xf: {  	[smem:$0x3FAF] =	sst s7  }
0x10: {  	[smem:$0x3FB0] =	sst s8  }
0x11: {  	[smem:$0x3FB1] =	sst s9;
	s0 =	simm.s32 @!p0 $0x0  }
0x12: {  	s1 =	sld [smem:$0x3F97];
	s0 =	simm.s32 @p0 $0x1  }
0x13: {  	[smem:$0x3FB2] =	sst s0;
	s0 =	simm.s32 @!p1 $0x0  }
0x14: {  	s2 =	sld [smem:$0x3F96];
	s0 =	simm.s32 @p1 $0x1  }
0x15: {  	[smem:$0x3FB3] =	sst s0;
	s0 =	simm.s32 @!p2 $0x0  }
0x16: {  	s3 =	sld [smem:$0x3FDB];
	s0 =	simm.s32 @p2 $0x1  }
0x17: {  	s4 =	simm.s32 $0x1BF5;
	[smem:$0x3FB5] =	sst s0  }
0x18: {  	s0 =	sld [smem:$0x3F98];
	_ =	swait.ge [sflag:s4], $0x0  }
0x19: {  	s7 =	sld [smem:$0x3F99]  }
0x1a: {  	s8 =	sadd.s32 $0xFFFFE003, lr  }
0x1b: {  	s9 =	sadd.s32 $0xFFFFFEF7, lr;
	s5 =	simm.s32 $0xFFFFFFFF;
	p2 =	slt.u32 s8, $0xFFFFF086  }
0x1c: {  	p1 =	slt.u32 s9, $0xF7A;
	s5 =	simm.s32 @!p2 $0x0  }
0x1d: {  	s5 =	simm.s32 @p1 $0x1;
	p0 =	seq.s32 s7, s2  }
0x1e: {  	s7 =	smul.u32 @!p0 $0xF7A, s2;
	p2 =	seq.s32 @!p0 s5, $0x0  }
0x1f: {  	s9 =	smul.u32 $0xF7A, s1;
	s8 =	simm.s32 @!p0 $0x1BF5;
	p2 =	por !p2, p0  }
0x20: {  	[sflag:s8] =	ssyncset.s32 @!p0 $0xFFFFF086;
	s6 =	sadd.s32 @!p0 s3, s7;
	s7 =	simm.s32 @!p0 $0x108  }
0x21: {  	s3 =	sadd.s32 s3, s9;
	s6 =	sadd.s32 @!p0 $0x88, s6;
	s7 =	simm.s32 @p2 $0x1082  }
0x22: {  	[simem:s7], [sflag:s8] =	dma.local @!p0 [hbm:s6], $0xF7A  }
0x23: {  	s9 =	sor.u32 $0xD0000000, s2;
	s6 =	simm.s32 $0x108;
	_ =	swait.ge @!p0 [sflag:s8], $0x0  }
0x24: {  	s3 =	sadd.s32 $0x88, s3;
	s6 =	simm.s32 @!p1 $0x1082;
	[sflag:s4] =	ssyncset.s32 $0xFFFFF086  }
0x25: {  	[simem:s6], [sflag:s4] =	dma.local [hbm:s3], $0xF7A  }
0x26: {  	[smem:$0x3F99] =	sst s1;
	(tag) =	ssettag s2;
	_ =	strace s9  }
0x27: {  	s1 =	sld [smem:$0x3FA9]  }
0x28: {  	s2 =	sld [smem:$0x3FAA]  }
0x29: {  	s4 =	sld [smem:$0x3FAC]  }
0x2a: {  	p0 =	seq.s32 s5, $0x0;
	s5 =	sld [smem:$0x3FAD]  }
0x2b: {  	s6 =	sld [smem:$0x3FAE]  }
0x2c: {  	s7 =	sld [smem:$0x3FAF]  }
0x2d: {  	s3 =	simm.s32 $0x108;
	s8 =	sld [smem:$0x3FB0]  }
0x2e: {  	s3 =	simm.s32 @!p0 $0x1082;
	s9 =	sld [smem:$0x3FB1]  }
0x2f: {  	lr =	sadd.s32 s0, s3;
	s0 =	sld [smem:$0x3FA8]  }
0x30: {  	s3 =	sld [smem:$0x3FAB]  }
0x31: {  	[smem:$0x3FB4] =	sst s10  }
0x32: {  	s10 =	sld [smem:$0x3FB2];
	_ =	sdelay $0x3  }
0x33: {  	p0 =	seq.s32 s10, $0x1;
	s10 =	sld [smem:$0x3FB4];
	_ =	sdelay $0x3  }
0x34: {  	[smem:$0x3FB4] =	sst s10  }
0x35: {  	s10 =	sld [smem:$0x3FB3];
	_ =	sdelay $0x3  }
0x36: {  	p1 =	seq.s32 s10, $0x1;
	s10 =	sld [smem:$0x3FB4];
	_ =	sdelay $0x3  }
0x37: {  	[smem:$0x3FB4] =	sst s10  }
0x38: {  	s10 =	sld [smem:$0x3FB5]  }
0x39: {  	_ = 	snop;
	(pc) =	sbr.ind lr, $3  }
0x3a: {  	_ = 	snop  }
0x3b: {  	_ = 	snop  }
0x3c: {  	p2 =	seq.s32 s10, $0x1;
	s10 =	sld [smem:$0x3FB4]  }
0x3d: {  	_ =	shalt  }
0x3e: {  	_ =	shalt  }
0x3f: {  	_ =	shalt  }
0x40: {  	_ =	shalt  }
0x41: {  	_ =	shalt  }
0x42: {  	_ =	shalt  }
0x43: {  	_ =	shalt  }
0x44: {  	_ =	shalt  }
0x45: {  	_ =	shalt  }
0x46: {  	_ =	shalt  }
0x47: {  	_ =	shalt  }
0x48: {  	_ =	shalt  }
0x49: {  	_ =	shalt  }
0x4a: {  	_ =	shalt  }
0x4b: {  	_ =	shalt  }
0x4c: {  	_ =	shalt  }
0x4d: {  	_ =	shalt  }
0x4e: {  	_ =	shalt  }
0x4f: {  	_ =	shalt  }
0x50: {  	_ =	shalt  }
0x51: {  	_ =	shalt  }
0x52: {  	_ =	shalt  }
0x53: {  	_ =	shalt  }
0x54: {  	_ =	shalt  }
0x55: {  	_ =	shalt  }
0x56: {  	_ =	shalt  }
0x57: {  	_ =	shalt  }
0x58: {  	_ =	shalt  }
0x59: {  	_ =	shalt  }
0x5a: {  	_ =	shalt  }
0x5b: {  	_ =	shalt  }
0x5c: {  	_ =	shalt  }
0x5d: {  	_ =	shalt  }
0x5e: {  	_ =	shalt  }
0x5f: {  	_ =	shalt  }
0x60: {  	_ =	shalt  }
0x61: {  	_ =	shalt  }
0x62: {  	_ =	shalt  }
0x63: {  	_ =	shalt  }
0x64: {  	_ =	shalt  }
0x65: {  	_ =	shalt  }
0x66: {  	_ =	shalt  }
0x67: {  	_ =	shalt  }
0x68: {  	_ =	shalt  }
0x69: {  	_ =	shalt  }
0x6a: {  	_ =	shalt  }
0x6b: {  	_ =	shalt  }
0x6c: {  	_ =	shalt  }
0x6d: {  	_ =	shalt  }
0x6e: {  	_ =	shalt  }
0x6f: {  	_ =	shalt  }
0x70: {  	_ =	shalt  }
0x71: {  	_ =	shalt  }
0x72: {  	_ =	shalt  }
0x73: {  	_ =	shalt  }
0x74: {  	_ =	shalt  }
0x75: {  	_ =	shalt  }
0x76: {  	_ =	shalt  }
0x77: {  	_ =	shalt  }
0x78: {  	_ =	shalt  }
0x79: {  	_ =	shalt  }
0x7a: {  	_ =	shalt  }
0x7b: {  	_ =	shalt  }
0x7c: {  	_ =	shalt  }
0x7d: {  	_ =	shalt  }
0x7e: {  	_ =	shalt  }
0x7f: {  	_ =	shalt  }
0x80: {  	_ =	shalt  }
0x81: {  	_ =	shalt  }
0x82: {  	_ =	shalt  }
0x83: {  	_ =	shalt  }
0x84: {  	_ =	shalt  }
0x85: {  	_ =	shalt  }
0x86: {  	_ =	shalt  }
0x87: {  	_ =	shalt  }
.Lfunc_end0:
.L_simem_size_0:
called_computation.1_lowered:
.L_overlay_start_0:
0x88: {  	s2 =	sld [smem:$0x3FD9]  }
0x89: {  	s3 =	sld [smem:$0x3FFE];
	_ =	sdelay $0x1  }
0x8a: {  	s1 =	srdreg.scid  }
0x8b: {  	s0 =	sand.u32 $0x1, s1  }
0x8c: {  	s15 =	sshll.u32 s0, $0xA;
	s2 =	sadd.s32 s3, s2  }
0x8d: {  	s2 =	sadd.s32 s2, s15  }
0x8e: {  	[smem:$0x3FC0] =	sst s2  }
0x8f: {  	_ = 	snop  }
0x90: {  	s2 =	sld [smem:$0x3FD0];
	_ =	sdelay $0x2  }
0x91: {  	s4 =	simm.s32 $0xA;
	s5 =	simm.s32 $0x10;
	s16 =	sld [smem:$0x3FC8]  }
0x92: {  	[smem:s5], [sflag:s4] =	dma.local [hbm:s2], $0x1  }
0x93: {  	_ =	swait.eq [sflag:s4], $0x1  }
0x94: {  	[sflag:s4] =	ssyncset.done $0x0  }
0x95: {  	s17 =	sld [smem:$0x10];
	[sflag:s4] =	ssyncadd.s32 $0xFFFFFFFF  }
0x96: {  	s18 =	sld [smem:$0x13];
	(tm) =	ssettm $0x1  }
0x97: {  	s19 =	sld [smem:$0x3FFB];
	_ =	sdelay $0x3  }
0x98: {  	_ =	strace s19  }
0x99: {  	s5 =	sld [smem:$0x3FFC];
	_ =	sdelay $0x3  }
0x9a: {  	_ =	strace s5  }
0x9b: {  	s5 =	sld [smem:$0x3FFD];
	_ =	sdelay $0x3  }
0x9c: {  	_ =	strace s5  }
0x9d: {  	_ =	strace $0x8FFFFFFF  }
0x9e: {  	s20 =	sld [smem:$0x3FDB];
	_ =	sdelay $0x1  }
0x9f: {  	s6 =	simm.s32 $_scs_section_size  }
0xa0: {  	s7 =	simm.s32 $_size__tile_overlayer_lowered;
	s8 =	simm.s32 $_tile_overlayer_lowered  }
0xa1: {  	s23 =	simm.s32 $0x1BFF;
	s22 =	sshll.u32 s8, $0x1;
	s5 =	sadd.s32 s6, s20  }
0xa2: {  	s9 =	simm.s32 $0x0;
	s21 =	sshll.u32 s7, $0x1;
	s7 =	sadd.s32 s22, s5  }
0xa3: {  	[timem:s9], [sflag:s23] =	dma.local [hbm:s7], s21  }
0xa4: {  	_ =	swait.ge [sflag:s23], s21  }
0xa5: {  	s6 =	ssub.s32 $0x0, s21;
	[sflag:s23] =	ssyncset.done $0x0  }
0xa6: {  	[sflag:s23] =	ssyncadd.s32 s6;
	_ =	sdelay $0x1  }
0xa7: {  	s24 =	simm.s32 $0x1B8B  }
0xa8: {  	_ =	swait.ge [sflag:s24], $0x1  }
0xa9: {  	[sflag:s24] =	ssyncset.done $0x0  }
0xaa: {  	s25 =	simm.s32 $0x1B8E;
	[sflag:s24] =	ssyncadd.s32 $0xFFFFFFFF  }
0xab: {  	s26 =	simm.s32 $execute0_lowered;
	[smem:$0x3FD2] =	sst s25  }
0xac: {  	s6 =	sshll.u32 s26, $0x1;
	_ =	strace $0x80000049;
	[dreg:$0x1] =	wrdreg $0xFFFFFFFF  }
0xad: {  	s28 =	simm.s32 $_size_execute0_lowered;
	s5 =	sadd.s32 s5, s6;
	[dreg:$0x0] =	wrdreg $0x0  }
0xae: {  	s6 =	sshll.u32 s28, $0x1;
	[dreg:$0x2] =	wrdreg s5  }
0xaf: {  	[dreg:$0x3] =	wrdreg s6  }
0xb0: {  	[dreg:$0x4] =	wrdreg $0xC0  }
0xb1: {  	_ =	task [dreg:s9], $0x5FFFF  }
0xb2: {  	[dreg:$0x1] =	wrdreg $0xFFFFFFFF  }
0xb3: {  	[dreg:$0x0] =	wrdreg $0x60  }
0xb4: {  	[dreg:$0x2] =	wrdreg s16  }
0xb5: {  	[dreg:$0x3] =	wrdreg s18  }
0xb6: {  	[dreg:$0x4] =	wrdreg s17  }
0xb7: {  	[dreg:$0x5] =	wrdreg $0x9  }
0xb8: {  	_ =	task.clear_ibuf [dreg:s9], $0x6FFFF;
	_ =	strace $0x90000049  }
0xb9: {  	s29 =	simm.s32 $0x9;
	_ =	strace $0x8000004B  }
0xba: {  	_ =	swait.ge [sflag:s29], $0x1  }
0xbb: {  	[sflag:s29] =	ssyncadd.s32 $0xFFFFFFFF  }
0xbc: {  	_ =	strace $0x9000004B  }
0xbd: {  	_ =	sfence  }
0xbe: {  	s30 =	sld [smem:$0x0];
	_ =	sdelay $0x2  }
0xbf: {  	s31 =	sshll.u32 s1, $0xD;
	s1 =	sshrl.u32 s1, $0x2  }
0xc0: {  	s3 =	sand.u32 $0x4000, s31;
	s1 =	sadd.s32 s1, s30  }
0xc1: {  	s0 =	sor.u32 s3, s0;
	s1 =	sshll.u32 s1, $0x11  }
0xc2: {  	s0 =	sor.u32 s1, s0  }
0xc3: {  	s0 =	sadd.s32 $0x8F2B, s0  }
0xc4: {  	[sflag:s0] =	ssyncadd.remote.s32 $0x1  }
0xc5: {  	_ =	sfence.sel $0xFFFF  }
0xc6: {  	[dreg:$0x0] =	wrdreg $0xFFFFFFFF;
	(pc) =	sbr.abs _section_cstart, $3  }
0xc7: {  	[dreg:$0x1] =	wrdreg $0xFFFFFFFF  }
0xc8: {  	_ =	task.clear_ibuf [dreg:s9], $0x2FFFF;
	_ =	strace $0x9FFFFFFF  }
0xc9: {  	(tm) =	ssettm $0x7FFFFFFF  }
tec
execute0_lowered:
.L_overlay_start_1:
0x0: {  	(tag) =	ssettag $0x1  }
0x1: {  	s1 =	stileid.u32  }
0x2: {  	p0 =	sgt.u32 s1, $0x1  }
.Ltmp0:
0x3: {  	s2 =	rddreg [dreg:$0x0];
	(pc) =	sbr.rel @p0 .LBB2_4-.Ltmp0, $4  }
0x4: {  	s4 =	rddreg [dreg:$0x1]  }
0x5: {  	s9 =	rddreg [dreg:$0x2];
	s3 =	simm.s32 $0x0  }
0x6: {  	[smem:$0x7FF] =	sst s3  }
0x7: {  	s0 =	rddreg [dreg:$0x3];
	_ =	strace $0x8000004A  }
0x8: {  	s5 =	srdreg.scid  }
0x9: {  	s30 =	sshll.u32 s1, $0x1;
	s7 =	sand.u32 $0x1, s5  }
0xa: {  	s10 =	sor.u32 s7, s30  }
0xb: {  	s5 =	sshll.u32 s10, $0x1  }
0xc: {  	s5 =	sadd.s32 s4, s5;
	s4 =	simm.s32 $0x2  }
0xd: {  	[tilespmem:s3], [sflag:$0x2] =	stream.linear.gather [hbm4b:s5+s3], $0x10, $0x38;
	[tilespmem:$0x1080] =	vst v63  }
0xe: {  	_ =	swait.ge [sflag:s4], $0x10  }
0xf: {  	[sflag:s4] =	ssyncset.done $0x0  }
0x10: {  	[sflag:s4] =	ssyncadd.s32 $0xFFFFFFF0  }
0x11: {  	v0 =	vld [tilespmem:$0x0];
	_ =	sdelay $0x4  }
0x12: {  	v1 =	vshll.u32 v0, $0x1  }
0x13: {  	v2 =	vlaneseq.u32;
	v3 =	vand.u32 $0x7, v0;
	v1 =	vand.u32 $0xFFFFFFF0, v1  }
0x14: {  	v4 =	vshrl.u32 v2, $0x3;
	v0 =	vand.u32 $0x7, v2;
	v3 =	vor.u32 v3, v1  }
0x15: {  	v1 =	vmul.u32 $0x8, v4;
	v63 =	vperm.xlane v3, v0  }
0x16: {  	v2 =	vor.u32 $0x8, v2  }
0x17: {  	v3 =	vperm.xlane v3, v2;
	v4 =	vadd.s32 v1, v63;
	_ =	sdelay $0x1  }
0x18: {  	s11 =	ssub.s32 $0x2, s7;
	v3 =	vadd.s32 v1, v3  }
0x19: {  	s12 =	sshrl.u32 s11, $0x1  }
0x1a: {  	vm0 =	vmmov $0xffff;
	s6 =	simm.s32 $0x80;
	s11 =	ssub.s32 s11, s12  }
0x1b: {  	[tilespmem:s6], [sflag:$0x1] =	stream.indirect_vreg.gather [hbm4b:s2+s3], $0x80, v4, vm0, $0xb8;
	[tilespmem:$0x1080] =	vst v63  }
0x1c: {  	s8 =	simm.s32 $0x1;
	s7 =	simm.s32 $0x880;
	s31 =	smax.u32 s11, $0x1  }
0x1d: {  	[tilespmem:s7], [sflag:$0x1] =	stream.indirect_vreg.gather [hbm4b:s2+s3], $0x80, v3, vm0, $0xb8;
	[tilespmem:$0x1080] =	vst v63  }
0x1e: {  	p0 =	sne.s32 s31, $0x1;
	_ =	swait.ge [sflag:s8], $0x1000  }
.Ltmp1:
0x1f: {  	s10 =	sshll.u32 s10, $0x9;
	[sflag:s8] =	ssyncset.done $0x0;
	(pc) =	sbr.rel @!p0 .LBB2_3-.Ltmp1, $4  }
0x20: {  	s9 =	sadd.s32 s9, s10;
	[sflag:s8] =	ssyncadd.s32 $0xFFFFF000  }
0x21: {  	[hbm4b:s9+s3] =	stream.linear.scatter [tilespmem:s6], [sflag:$0x2], $0x1000, $0x38;
	[tilespmem:$0x1080] =	vst v63  }
0x22: {  	_ =	swait.ge [sflag:s4], $0x1000  }
0x23: {  	s10 =	sadd.s32 $0xFFFFFFFF, s31;
	[sflag:s4] =	ssyncset.done $0x0  }
.LBB2_2:
0x24: {  	p0 =	sne.s32 s10, $0x1;
	s10 =	sadd.s32 $0xFFFFFFFF, s10;
	[sflag:s4] =	ssyncadd.s32 $0xFFFFF000  }
0x25: {  	[tilespmem:s3], [sflag:$0x2] =	stream.linear.gather [hbm4b:s5+s3], $0x10, $0x38;
	[tilespmem:$0x1080] =	vst v63  }
0x26: {  	_ =	swait.ge [sflag:s4], $0x10  }
0x27: {  	[sflag:s4] =	ssyncset.done $0x0  }
0x28: {  	[sflag:s4] =	ssyncadd.s32 $0xFFFFFFF0  }
0x29: {  	v3 =	vld [tilespmem:$0x0];
	_ =	sdelay $0x4  }
0x2a: {  	v4 =	vshll.u32 v3, $0x1  }
0x2b: {  	v3 =	vand.u32 $0x7, v3;
	v4 =	vand.u32 $0xFFFFFFF0, v4  }
0x2c: {  	v3 =	vor.u32 v3, v4  }
0x2d: {  	v4 =	vperm.xlane v3, v0;
	v3 =	vperm.xlane v3, v2;
	_ =	sdelay $0x1  }
0x2e: {  	v4 =	vadd.s32 v1, v4;
	_ =	sdelay $0x1  }
0x2f: {  	v3 =	vadd.s32 v1, v3;
	_ =	sdelay $0x2  }
0x30: {  	[tilespmem:s6], [sflag:$0x1] =	stream.indirect_vreg.gather [hbm4b:s2+s3], $0x80, v4, vm0, $0xb8;
	[tilespmem:$0x1080] =	vst v63  }
0x31: {  	_ = 	snop  }
0x32: {  	[tilespmem:s7], [sflag:$0x1] =	stream.indirect_vreg.gather [hbm4b:s2+s3], $0x80, v3, vm0, $0xb8;
	[tilespmem:$0x1080] =	vst v63  }
0x33: {  	_ =	swait.ge [sflag:s8], $0x1000  }
.Ltmp2:
0x34: {  	[sflag:s8] =	ssyncset.done $0x0;
	(pc) =	sbr.rel @p0 .LBB2_2-.Ltmp2, $4  }
0x35: {  	[sflag:s8] =	ssyncadd.s32 $0xFFFFF000  }
0x36: {  	[hbm4b:s9+s3] =	stream.linear.scatter [tilespmem:s6], [sflag:$0x2], $0x1000, $0x38;
	[tilespmem:$0x1080] =	vst v63  }
0x37: {  	_ =	swait.ge [sflag:s4], $0x1000  }
0x38: {  	[sflag:s4] =	ssyncset.done $0x0  }
.LBB2_3:
0x39: {  	[sflag:s4] =	ssyncadd.s32 $0xFFFFF000  }
.LBB2_4:
0x3a: {  	_ =	sfence.sel $0x180000  }
0x3b: {  	[bflag:$0x0] =	sbarrier.arrive $0xFFFF  }
0x3c: {  	p0 =	sne.s32 s1, $0x0;
	_ =	strace $0x9000004A  }
0x3d: {  	s0 =	sadd.s32 @!p0 $0x100000, s0;
	[bflag:$0x2] =	sbarrier.arrive $0xFFFF  }
0x3e: {  	[sflag:s0] =	ssyncadd.tile.s32 @!p0 $0x1;
	_ =	shalt  }
.Lfunc_end2:
_tile_overlayer_lowered:
.L_overlay_start_2:
0x3f: {  	(tag) =	ssettag $0x2  }
0x40: {  	s0 =	rddreg [dreg:$0x0];
	s2 =	stileid.u32  }
0x41: {  	s1 =	rddreg [dreg:$0x1];
	p0 =	sne.s32 s2, $0x0  }
0x42: {  	s3 =	rddreg [dreg:$0x2];
	[bflag:$0x3] =	sbarrier.arrive $0xFFFF;
	s2 =	simm.s32 @!p0 $0x1C02  }
0x43: {  	[timem:s3], [sflag:s2] =	dma.local @!p0 [hbm:s0], s1  }
0x44: {  	s0 =	simm.s32 @!p0 $0x2  }
0x45: {  	_ =	swait.ge @!p0 [sflag:s0], s1  }
0x46: {  	s1 =	ssub.s32 @!p0 $0x0, s1;
	[sflag:s0] =	ssyncset.done @!p0 $0x0  }
0x47: {  	[sflag:s0] =	ssyncadd.s32 @!p0 s1  }
0x48: {  	[bflag:$0x3] =	sbarrier.arrive $0xFFFF  }
0x49: {  	_ =	shalt  }

// kernel: kernel.17.cloned.1.call-start
scs
__scs_entry_jumppad:
0x0: {  	(pc) =	sbr.rel $0x88, $3  }
0x1: {  	(tag) =	ssettag $0x0;
	lr =	simm.s32 $0x1  }
0x2: {  	[smem:$0x3F99] =	sst lr;
	_ =	strace $0xD0000000  }
0x3: {  	_ = 	snop  }
0x4: {  	_ = 	snop  }
0x5: {  	_ = 	snop  }
0x6: {  	_ = 	snop  }
0x7: {  	_ = 	snop  }
__scs_overlays_trampoline_lowered:
0x8: {  	[smem:$0x3FA8] =	sst s0  }
0x9: {  	[smem:$0x3FA9] =	sst s1  }
0xa: {  	[smem:$0x3FAA] =	sst s2  }
0xb: {  	[smem:$0x3FAB] =	sst s3  }
0xc: {  	[smem:$0x3FAC] =	sst s4  }
0xd: {  	[smem:$0x3FAD] =	sst s5  }
0xe: {  	[smem:$0x3FAE] =	sst s6  }
0xf: {  	[smem:$0x3FAF] =	sst s7  }
0x10: {  	[smem:$0x3FB0] =	sst s8  }
0x11: {  	[smem:$0x3FB1] =	sst s9;
	s0 =	simm.s32 @!p0 $0x0  }
0x12: {  	s1 =	sld [smem:$0x3F97];
	s0 =	simm.s32 @p0 $0x1  }
0x13: {  	[smem:$0x3FB2] =	sst s0;
	s0 =	simm.s32 @!p1 $0x0  }
0x14: {  	s2 =	sld [smem:$0x3F96];
	s0 =	simm.s32 @p1 $0x1  }
0x15: {  	[smem:$0x3FB3] =	sst s0;
	s0 =	simm.s32 @!p2 $0x0  }
0x16: {  	s3 =	sld [smem:$0x3FDB];
	s0 =	simm.s32 @p2 $0x1  }
0x17: {  	s4 =	simm.s32 $0x1BF5;
	[smem:$0x3FB5] =	sst s0  }
0x18: {  	s0 =	sld [smem:$0x3F98];
	_ =	swait.ge [sflag:s4], $0x0  }
0x19: {  	s7 =	sld [smem:$0x3F99]  }
0x1a: {  	s8 =	sadd.s32 $0xFFFFE003, lr  }
0x1b: {  	s9 =	sadd.s32 $0xFFFFFEF7, lr;
	s5 =	simm.s32 $0xFFFFFFFF;
	p2 =	slt.u32 s8, $0xFFFFF086  }
0x1c: {  	p1 =	slt.u32 s9, $0xF7A;
	s5 =	simm.s32 @!p2 $0x0  }
0x1d: {  	s5 =	simm.s32 @p1 $0x1;
	p0 =	seq.s32 s7, s2  }
0x1e: {  	s7 =	smul.u32 @!p0 $0xF7A, s2;
	p2 =	seq.s32 @!p0 s5, $0x0  }
0x1f: {  	s9 =	smul.u32 $0xF7A, s1;
	s8 =	simm.s32 @!p0 $0x1BF5;
	p2 =	por !p2, p0  }
0x20: {  	[sflag:s8] =	ssyncset.s32 @!p0 $0xFFFFF086;
	s6 =	sadd.s32 @!p0 s3, s7;
	s7 =	simm.s32 @!p0 $0x108  }
0x21: {  	s3 =	sadd.s32 s3, s9;
	s6 =	sadd.s32 @!p0 $0x88, s6;
	s7 =	simm.s32 @p2 $0x1082  }
0x22: {  	[simem:s7], [sflag:s8] =	dma.local @!p0 [hbm:s6], $0xF7A  }
0x23: {  	s9 =	sor.u32 $0xD0000000, s2;
	s6 =	simm.s32 $0x108;
	_ =	swait.ge @!p0 [sflag:s8], $0x0  }
0x24: {  	s3 =	sadd.s32 $0x88, s3;
	s6 =	simm.s32 @!p1 $0x1082;
	[sflag:s4] =	ssyncset.s32 $0xFFFFF086  }
0x25: {  	[simem:s6], [sflag:s4] =	dma.local [hbm:s3], $0xF7A  }
0x26: {  	[smem:$0x3F99] =	sst s1;
	(tag) =	ssettag s2;
	_ =	strace s9  }
0x27: {  	s1 =	sld [smem:$0x3FA9]  }
0x28: {  	s2 =	sld [smem:$0x3FAA]  }
0x29: {  	s4 =	sld [smem:$0x3FAC]  }
0x2a: {  	p0 =	seq.s32 s5, $0x0;
	s5 =	sld [smem:$0x3FAD]  }
0x2b: {  	s6 =	sld [smem:$0x3FAE]  }
0x2c: {  	s7 =	sld [smem:$0x3FAF]  }
0x2d: {  	s3 =	simm.s32 $0x108;
	s8 =	sld [smem:$0x3FB0]  }
0x2e: {  	s3 =	simm.s32 @!p0 $0x1082;
	s9 =	sld [smem:$0x3FB1]  }
0x2f: {  	lr =	sadd.s32 s0, s3;
	s0 =	sld [smem:$0x3FA8]  }
0x30: {  	s3 =	sld [smem:$0x3FAB]  }
0x31: {  	[smem:$0x3FB4] =	sst s10  }
0x32: {  	s10 =	sld [smem:$0x3FB2];
	_ =	sdelay $0x3  }
0x33: {  	p0 =	seq.s32 s10, $0x1;
	s10 =	sld [smem:$0x3FB4];
	_ =	sdelay $0x3  }
0x34: {  	[smem:$0x3FB4] =	sst s10  }
0x35: {  	s10 =	sld [smem:$0x3FB3];
	_ =	sdelay $0x3  }
0x36: {  	p1 =	seq.s32 s10, $0x1;
	s10 =	sld [smem:$0x3FB4];
	_ =	sdelay $0x3  }
0x37: {  	[smem:$0x3FB4] =	sst s10  }
0x38: {  	s10 =	sld [smem:$0x3FB5]  }
0x39: {  	_ = 	snop;
	(pc) =	sbr.ind lr, $3  }
0x3a: {  	_ = 	snop  }
0x3b: {  	_ = 	snop  }
0x3c: {  	p2 =	seq.s32 s10, $0x1;
	s10 =	sld [smem:$0x3FB4]  }
0x3d: {  	_ =	shalt  }
0x3e: {  	_ =	shalt  }
0x3f: {  	_ =	shalt  }
0x40: {  	_ =	shalt  }
0x41: {  	_ =	shalt  }
0x42: {  	_ =	shalt  }
0x43: {  	_ =	shalt  }
0x44: {  	_ =	shalt  }
0x45: {  	_ =	shalt  }
0x46: {  	_ =	shalt  }
0x47: {  	_ =	shalt  }
0x48: {  	_ =	shalt  }
0x49: {  	_ =	shalt  }
0x4a: {  	_ =	shalt  }
0x4b: {  	_ =	shalt  }
0x4c: {  	_ =	shalt  }
0x4d: {  	_ =	shalt  }
0x4e: {  	_ =	shalt  }
0x4f: {  	_ =	shalt  }
0x50: {  	_ =	shalt  }
0x51: {  	_ =	shalt  }
0x52: {  	_ =	shalt  }
0x53: {  	_ =	shalt  }
0x54: {  	_ =	shalt  }
0x55: {  	_ =	shalt  }
0x56: {  	_ =	shalt  }
0x57: {  	_ =	shalt  }
0x58: {  	_ =	shalt  }
0x59: {  	_ =	shalt  }
0x5a: {  	_ =	shalt  }
0x5b: {  	_ =	shalt  }
0x5c: {  	_ =	shalt  }
0x5d: {  	_ =	shalt  }
0x5e: {  	_ =	shalt  }
0x5f: {  	_ =	shalt  }
0x60: {  	_ =	shalt  }
0x61: {  	_ =	shalt  }
0x62: {  	_ =	shalt  }
0x63: {  	_ =	shalt  }
0x64: {  	_ =	shalt  }
0x65: {  	_ =	shalt  }
0x66: {  	_ =	shalt  }
0x67: {  	_ =	shalt  }
0x68: {  	_ =	shalt  }
0x69: {  	_ =	shalt  }
0x6a: {  	_ =	shalt  }
0x6b: {  	_ =	shalt  }
0x6c: {  	_ =	shalt  }
0x6d: {  	_ =	shalt  }
0x6e: {  	_ =	shalt  }
0x6f: {  	_ =	shalt  }
0x70: {  	_ =	shalt  }
0x71: {  	_ =	shalt  }
0x72: {  	_ =	shalt  }
0x73: {  	_ =	shalt  }
0x74: {  	_ =	shalt  }
0x75: {  	_ =	shalt  }
0x76: {  	_ =	shalt  }
0x77: {  	_ =	shalt  }
0x78: {  	_ =	shalt  }
0x79: {  	_ =	shalt  }
0x7a: {  	_ =	shalt  }
0x7b: {  	_ =	shalt  }
0x7c: {  	_ =	shalt  }
0x7d: {  	_ =	shalt  }
0x7e: {  	_ =	shalt  }
0x7f: {  	_ =	shalt  }
0x80: {  	_ =	shalt  }
0x81: {  	_ =	shalt  }
0x82: {  	_ =	shalt  }
0x83: {  	_ =	shalt  }
0x84: {  	_ =	shalt  }
0x85: {  	_ =	shalt  }
0x86: {  	_ =	shalt  }
0x87: {  	_ =	shalt  }
.Lfunc_end0:
.L_simem_size_0:
called_computation.2_lowered:
.L_overlay_start_0:
0x88: {  	s2 =	sld [smem:$0x3FD9]  }
0x89: {  	s3 =	sld [smem:$0x3FFE];
	_ =	sdelay $0x1  }
0x8a: {  	s1 =	srdreg.scid  }
0x8b: {  	s0 =	sand.u32 $0x1, s1  }
0x8c: {  	s14 =	sshll.u32 s0, $0xA;
	s2 =	sadd.s32 s3, s2  }
0x8d: {  	s2 =	sadd.s32 s2, s14  }
0x8e: {  	[smem:$0x3FC0] =	sst s2  }
0x8f: {  	_ = 	snop  }
0x90: {  	s2 =	sld [smem:$0x3FD0];
	_ =	sdelay $0x2  }
0x91: {  	s4 =	simm.s32 $0xA;
	s5 =	simm.s32 $0x10;
	s15 =	sld [smem:$0x3FC8]  }
0x92: {  	[smem:s5], [sflag:s4] =	dma.local [hbm:s2], $0x1  }
0x93: {  	_ =	swait.eq [sflag:s4], $0x1  }
0x94: {  	[sflag:s4] =	ssyncset.done $0x0  }
0x95: {  	[sflag:s4] =	ssyncadd.s32 $0xFFFFFFFF  }
0x96: {  	s16 =	sld [smem:$0x13];
	(tm) =	ssettm $0x1  }
0x97: {  	s17 =	sld [smem:$0x3FFB];
	_ =	sdelay $0x3  }
0x98: {  	_ =	strace s17  }
0x99: {  	s4 =	sld [smem:$0x3FFC];
	_ =	sdelay $0x3  }
0x9a: {  	_ =	strace s4  }
0x9b: {  	s4 =	sld [smem:$0x3FFD];
	_ =	sdelay $0x3  }
0x9c: {  	_ =	strace s4  }
0x9d: {  	_ =	strace $0x8FFFFFFF  }
0x9e: {  	s18 =	sld [smem:$0x3FDB];
	_ =	sdelay $0x1  }
0x9f: {  	s19 =	simm.s32 $_scs_section_size  }
0xa0: {  	s6 =	simm.s32 $_size__tile_overlayer_lowered;
	s7 =	simm.s32 $_tile_overlayer_lowered  }
0xa1: {  	s22 =	simm.s32 $0x1BFF;
	s21 =	sshll.u32 s7, $0x1;
	s4 =	sadd.s32 s19, s18  }
0xa2: {  	s8 =	simm.s32 $0x0;
	s20 =	sshll.u32 s6, $0x1;
	s6 =	sadd.s32 s21, s4  }
0xa3: {  	[timem:s8], [sflag:s22] =	dma.local [hbm:s6], s20  }
0xa4: {  	_ =	swait.ge [sflag:s22], s20  }
0xa5: {  	s5 =	ssub.s32 $0x0, s20;
	[sflag:s22] =	ssyncset.done $0x0  }
0xa6: {  	[sflag:s22] =	ssyncadd.s32 s5;
	_ =	sdelay $0x1  }
0xa7: {  	s23 =	simm.s32 $0x1B8B  }
0xa8: {  	_ =	swait.ge [sflag:s23], $0x1  }
0xa9: {  	[sflag:s23] =	ssyncset.done $0x0  }
0xaa: {  	s25 =	simm.s32 $0x1B8E;
	s24 =	sld [smem:$0x3FFE];
	[sflag:s23] =	ssyncadd.s32 $0xFFFFFFFF  }
0xab: {  	s26 =	simm.s32 $execute0_lowered;
	[smem:$0x3FD2] =	sst s25  }
0xac: {  	s6 =	sshll.u32 s26, $0x1;
	_ =	strace $0x8000004C;
	[dreg:$0x1] =	wrdreg $0xFFFFFFFF  }
0xad: {  	s28 =	simm.s32 $_size_execute0_lowered;
	s4 =	sadd.s32 s4, s6;
	[dreg:$0x0] =	wrdreg $0x0  }
0xae: {  	s6 =	sshll.u32 s28, $0x1;
	[dreg:$0x2] =	wrdreg s4  }
0xaf: {  	[dreg:$0x3] =	wrdreg s6  }
0xb0: {  	[dreg:$0x4] =	wrdreg $0xC0  }
0xb1: {  	_ =	task [dreg:s8], $0x5FFFF  }
0xb2: {  	[dreg:$0x1] =	wrdreg $0xFFFFFFFF  }
0xb3: {  	[dreg:$0x0] =	wrdreg $0x60  }
0xb4: {  	[dreg:$0x2] =	wrdreg s15  }
0xb5: {  	[dreg:$0x3] =	wrdreg s16  }
0xb6: {  	[dreg:$0x4] =	wrdreg s24  }
0xb7: {  	[dreg:$0x5] =	wrdreg $0x9  }
0xb8: {  	_ =	task.clear_ibuf [dreg:s8], $0x6FFFF;
	_ =	strace $0x9000004C  }
0xb9: {  	s29 =	simm.s32 $0x9;
	_ =	strace $0x8000004E  }
0xba: {  	_ =	swait.ge [sflag:s29], $0x1  }
0xbb: {  	[sflag:s29] =	ssyncadd.s32 $0xFFFFFFFF  }
0xbc: {  	_ =	strace $0x9000004E  }
0xbd: {  	_ =	sfence  }
0xbe: {  	s30 =	sld [smem:$0x0];
	_ =	sdelay $0x2  }
0xbf: {  	s31 =	sshll.u32 s1, $0xD;
	s1 =	sshrl.u32 s1, $0x2  }
0xc0: {  	s3 =	sand.u32 $0x4000, s31;
	s1 =	sadd.s32 s1, s30  }
0xc1: {  	s0 =	sor.u32 s3, s0;
	s1 =	sshll.u32 s1, $0x11  }
0xc2: {  	s0 =	sor.u32 s1, s0  }
0xc3: {  	s0 =	sadd.s32 $0x8F2B, s0  }
0xc4: {  	[sflag:s0] =	ssyncadd.remote.s32 $0x1  }
0xc5: {  	_ =	sfence.sel $0xFFFF  }
0xc6: {  	[dreg:$0x0] =	wrdreg $0xFFFFFFFF;
	(pc) =	sbr.abs _section_cstart, $3  }
0xc7: {  	[dreg:$0x1] =	wrdreg $0xFFFFFFFF  }
0xc8: {  	_ =	task.clear_ibuf [dreg:s8], $0x2FFFF;
	_ =	strace $0x9FFFFFFF  }
0xc9: {  	(tm) =	ssettm $0x7FFFFFFF  }
tec
execute0_lowered:
.L_overlay_start_1:
0x0: {  	(tag) =	ssettag $0x1  }
0x1: {  	s1 =	stileid.u32  }
0x2: {  	p0 =	sgt.u32 s1, $0x1  }
.Ltmp0:
0x3: {  	s2 =	rddreg [dreg:$0x0];
	(pc) =	sbr.rel @p0 .LBB2_4-.Ltmp0, $4  }
0x4: {  	s4 =	rddreg [dreg:$0x1]  }
0x5: {  	s9 =	rddreg [dreg:$0x2];
	s3 =	simm.s32 $0x0  }
0x6: {  	[smem:$0x7FF] =	sst s3  }
0x7: {  	s0 =	rddreg [dreg:$0x3];
	_ =	strace $0x8000004D  }
0x8: {  	s5 =	srdreg.scid  }
0x9: {  	s30 =	sshll.u32 s1, $0x1;
	s7 =	sand.u32 $0x1, s5  }
0xa: {  	s10 =	sor.u32 s7, s30  }
0xb: {  	s5 =	sshll.u32 s10, $0x1  }
0xc: {  	s5 =	sadd.s32 s4, s5;
	s4 =	simm.s32 $0x2  }
0xd: {  	[tilespmem:s3], [sflag:$0x2] =	stream.linear.gather [hbm4b:s5+s3], $0x10, $0x38;
	[tilespmem:$0x1080] =	vst v63  }
0xe: {  	_ =	swait.ge [sflag:s4], $0x10  }
0xf: {  	[sflag:s4] =	ssyncset.done $0x0  }
0x10: {  	[sflag:s4] =	ssyncadd.s32 $0xFFFFFFF0  }
0x11: {  	v0 =	vld [tilespmem:$0x0];
	_ =	sdelay $0x4  }
0x12: {  	v1 =	vshll.u32 v0, $0x1  }
0x13: {  	v2 =	vlaneseq.u32;
	v3 =	vand.u32 $0x7, v0;
	v1 =	vand.u32 $0xFFFFFFF0, v1  }
0x14: {  	v4 =	vshrl.u32 v2, $0x3;
	v0 =	vand.u32 $0x7, v2;
	v3 =	vor.u32 v3, v1  }
0x15: {  	v1 =	vmul.u32 $0x8, v4;
	v63 =	vperm.xlane v3, v0  }
0x16: {  	v2 =	vor.u32 $0x8, v2  }
0x17: {  	v3 =	vperm.xlane v3, v2;
	v4 =	vadd.s32 v1, v63;
	_ =	sdelay $0x1  }
0x18: {  	s11 =	ssub.s32 $0x2, s7;
	v3 =	vadd.s32 v1, v3  }
0x19: {  	s6 =	simm.s32 $0x80;
	s12 =	sshrl.u32 s11, $0x1  }
0x1a: {  	vm0 =	vmmov $0xffff;
	s8 =	simm.s32 $0x1;
	s10 =	sshll.u32 s10, $0x9;
	s31 =	ssub.s32 s11, s12  }
0x1b: {  	[tilespmem:s6], [sflag:$0x1] =	stream.indirect_vreg.gather [hbm4b:s2+s3], $0x80, v4, vm0, $0xb8;
	[tilespmem:$0x1080] =	vst v63  }
0x1c: {  	s7 =	simm.s32 $0x880;
	s9 =	sadd.s32 s10, s9;
	s10 =	smax.u32 s31, $0x1  }
0x1d: {  	[tilespmem:s7], [sflag:$0x1] =	stream.indirect_vreg.gather [hbm4b:s2+s3], $0x80, v3, vm0, $0xb8;
	[tilespmem:$0x1080] =	vst v63  }
0x1e: {  	p0 =	sne.s32 s10, $0x1;
	_ =	swait.ge [sflag:s8], $0x1000  }
.Ltmp1:
0x1f: {  	[sflag:s8] =	ssyncset.done $0x0;
	(pc) =	sbr.rel @!p0 .LBB2_3-.Ltmp1, $4  }
0x20: {  	s9 =	sadd.s32 $0x1A4C00, s9;
	[sflag:s8] =	ssyncadd.s32 $0xFFFFF000  }
0x21: {  	[hbm4b:s9+s3] =	stream.linear.scatter [tilespmem:s6], [sflag:$0x2], $0x1000, $0x38;
	[tilespmem:$0x1080] =	vst v63  }
0x22: {  	_ =	swait.ge [sflag:s4], $0x1000  }
0x23: {  	s10 =	sadd.s32 $0xFFFFFFFF, s10;
	[sflag:s4] =	ssyncset.done $0x0  }
.LBB2_2:
0x24: {  	p0 =	sne.s32 s10, $0x1;
	s10 =	sadd.s32 $0xFFFFFFFF, s10;
	[sflag:s4] =	ssyncadd.s32 $0xFFFFF000  }
0x25: {  	[tilespmem:s3], [sflag:$0x2] =	stream.linear.gather [hbm4b:s5+s3], $0x10, $0x38;
	[tilespmem:$0x1080] =	vst v63  }
0x26: {  	_ =	swait.ge [sflag:s4], $0x10  }
0x27: {  	[sflag:s4] =	ssyncset.done $0x0  }
0x28: {  	[sflag:s4] =	ssyncadd.s32 $0xFFFFFFF0  }
0x29: {  	v3 =	vld [tilespmem:$0x0];
	_ =	sdelay $0x4  }
0x2a: {  	v4 =	vshll.u32 v3, $0x1  }
0x2b: {  	v3 =	vand.u32 $0x7, v3;
	v4 =	vand.u32 $0xFFFFFFF0, v4  }
0x2c: {  	v3 =	vor.u32 v3, v4  }
0x2d: {  	v4 =	vperm.xlane v3, v0;
	v3 =	vperm.xlane v3, v2;
	_ =	sdelay $0x1  }
0x2e: {  	v4 =	vadd.s32 v1, v4;
	_ =	sdelay $0x1  }
0x2f: {  	v3 =	vadd.s32 v1, v3;
	_ =	sdelay $0x2  }
0x30: {  	[tilespmem:s6], [sflag:$0x1] =	stream.indirect_vreg.gather [hbm4b:s2+s3], $0x80, v4, vm0, $0xb8;
	[tilespmem:$0x1080] =	vst v63  }
0x31: {  	_ = 	snop  }
0x32: {  	[tilespmem:s7], [sflag:$0x1] =	stream.indirect_vreg.gather [hbm4b:s2+s3], $0x80, v3, vm0, $0xb8;
	[tilespmem:$0x1080] =	vst v63  }
0x33: {  	_ =	swait.ge [sflag:s8], $0x1000  }
.Ltmp2:
0x34: {  	[sflag:s8] =	ssyncset.done $0x0;
	(pc) =	sbr.rel @p0 .LBB2_2-.Ltmp2, $4  }
0x35: {  	[sflag:s8] =	ssyncadd.s32 $0xFFFFF000  }
0x36: {  	[hbm4b:s9+s3] =	stream.linear.scatter [tilespmem:s6], [sflag:$0x2], $0x1000, $0x38;
	[tilespmem:$0x1080] =	vst v63  }
0x37: {  	_ =	swait.ge [sflag:s4], $0x1000  }
0x38: {  	[sflag:s4] =	ssyncset.done $0x0  }
.LBB2_3:
0x39: {  	[sflag:s4] =	ssyncadd.s32 $0xFFFFF000  }
.LBB2_4:
0x3a: {  	_ =	sfence.sel $0x180000  }
0x3b: {  	[bflag:$0x0] =	sbarrier.arrive $0xFFFF  }
0x3c: {  	p0 =	sne.s32 s1, $0x0;
	_ =	strace $0x9000004D  }
0x3d: {  	s0 =	sadd.s32 @!p0 $0x100000, s0;
	[bflag:$0x2] =	sbarrier.arrive $0xFFFF  }
0x3e: {  	[sflag:s0] =	ssyncadd.tile.s32 @!p0 $0x1;
	_ =	shalt  }
.Lfunc_end2:
_tile_overlayer_lowered:
.L_overlay_start_2:
0x3f: {  	(tag) =	ssettag $0x2  }
0x40: {  	s0 =	rddreg [dreg:$0x0];
	s2 =	stileid.u32  }
0x41: {  	s1 =	rddreg [dreg:$0x1];
	p0 =	sne.s32 s2, $0x0  }
0x42: {  	s3 =	rddreg [dreg:$0x2];
	[bflag:$0x3] =	sbarrier.arrive $0xFFFF;
	s2 =	simm.s32 @!p0 $0x1C02  }
0x43: {  	[timem:s3], [sflag:s2] =	dma.local @!p0 [hbm:s0], s1  }
0x44: {  	s0 =	simm.s32 @!p0 $0x2  }
0x45: {  	_ =	swait.ge @!p0 [sflag:s0], s1  }
0x46: {  	s1 =	ssub.s32 @!p0 $0x0, s1;
	[sflag:s0] =	ssyncset.done @!p0 $0x0  }
0x47: {  	[sflag:s0] =	ssyncadd.s32 @!p0 s1  }
0x48: {  	[bflag:$0x3] =	sbarrier.arrive $0xFFFF  }
0x49: {  	_ =	shalt  }

// kernel: kernel.20.cloned.1.call-start
scs
__scs_entry_jumppad:
0x0: {  	(pc) =	sbr.rel $0x88, $3  }
0x1: {  	(tag) =	ssettag $0x0;
	lr =	simm.s32 $0x1  }
0x2: {  	[smem:$0x3F99] =	sst lr;
	_ =	strace $0xD0000000  }
0x3: {  	_ = 	snop  }
0x4: {  	_ = 	snop  }
0x5: {  	_ = 	snop  }
0x6: {  	_ = 	snop  }
0x7: {  	_ = 	snop  }
__scs_overlays_trampoline_lowered:
0x8: {  	[smem:$0x3FA8] =	sst s0  }
0x9: {  	[smem:$0x3FA9] =	sst s1  }
0xa: {  	[smem:$0x3FAA] =	sst s2  }
0xb: {  	[smem:$0x3FAB] =	sst s3  }
0xc: {  	[smem:$0x3FAC] =	sst s4  }
0xd: {  	[smem:$0x3FAD] =	sst s5  }
0xe: {  	[smem:$0x3FAE] =	sst s6  }
0xf: {  	[smem:$0x3FAF] =	sst s7  }
0x10: {  	[smem:$0x3FB0] =	sst s8  }
0x11: {  	[smem:$0x3FB1] =	sst s9;
	s0 =	simm.s32 @!p0 $0x0  }
0x12: {  	s1 =	sld [smem:$0x3F97];
	s0 =	simm.s32 @p0 $0x1  }
0x13: {  	[smem:$0x3FB2] =	sst s0;
	s0 =	simm.s32 @!p1 $0x0  }
0x14: {  	s2 =	sld [smem:$0x3F96];
	s0 =	simm.s32 @p1 $0x1  }
0x15: {  	[smem:$0x3FB3] =	sst s0;
	s0 =	simm.s32 @!p2 $0x0  }
0x16: {  	s3 =	sld [smem:$0x3FDB];
	s0 =	simm.s32 @p2 $0x1  }
0x17: {  	s4 =	simm.s32 $0x1BF5;
	[smem:$0x3FB5] =	sst s0  }
0x18: {  	s0 =	sld [smem:$0x3F98];
	_ =	swait.ge [sflag:s4], $0x0  }
0x19: {  	s7 =	sld [smem:$0x3F99]  }
0x1a: {  	s8 =	sadd.s32 $0xFFFFE003, lr  }
0x1b: {  	s9 =	sadd.s32 $0xFFFFFEF7, lr;
	s5 =	simm.s32 $0xFFFFFFFF;
	p2 =	slt.u32 s8, $0xFFFFF086  }
0x1c: {  	p1 =	slt.u32 s9, $0xF7A;
	s5 =	simm.s32 @!p2 $0x0  }
0x1d: {  	s5 =	simm.s32 @p1 $0x1;
	p0 =	seq.s32 s7, s2  }
0x1e: {  	s7 =	smul.u32 @!p0 $0xF7A, s2;
	p2 =	seq.s32 @!p0 s5, $0x0  }
0x1f: {  	s9 =	smul.u32 $0xF7A, s1;
	s8 =	simm.s32 @!p0 $0x1BF5;
	p2 =	por !p2, p0  }
0x20: {  	[sflag:s8] =	ssyncset.s32 @!p0 $0xFFFFF086;
	s6 =	sadd.s32 @!p0 s3, s7;
	s7 =	simm.s32 @!p0 $0x108  }
0x21: {  	s3 =	sadd.s32 s3, s9;
	s6 =	sadd.s32 @!p0 $0x88, s6;
	s7 =	simm.s32 @p2 $0x1082  }
0x22: {  	[simem:s7], [sflag:s8] =	dma.local @!p0 [hbm:s6], $0xF7A  }
0x23: {  	s9 =	sor.u32 $0xD0000000, s2;
	s6 =	simm.s32 $0x108;
	_ =	swait.ge @!p0 [sflag:s8], $0x0  }
0x24: {  	s3 =	sadd.s32 $0x88, s3;
	s6 =	simm.s32 @!p1 $0x1082;
	[sflag:s4] =	ssyncset.s32 $0xFFFFF086  }
0x25: {  	[simem:s6], [sflag:s4] =	dma.local [hbm:s3], $0xF7A  }
0x26: {  	[smem:$0x3F99] =	sst s1;
	(tag) =	ssettag s2;
	_ =	strace s9  }
0x27: {  	s1 =	sld [smem:$0x3FA9]  }
0x28: {  	s2 =	sld [smem:$0x3FAA]  }
0x29: {  	s4 =	sld [smem:$0x3FAC]  }
0x2a: {  	p0 =	seq.s32 s5, $0x0;
	s5 =	sld [smem:$0x3FAD]  }
0x2b: {  	s6 =	sld [smem:$0x3FAE]  }
0x2c: {  	s7 =	sld [smem:$0x3FAF]  }
0x2d: {  	s3 =	simm.s32 $0x108;
	s8 =	sld [smem:$0x3FB0]  }
0x2e: {  	s3 =	simm.s32 @!p0 $0x1082;
	s9 =	sld [smem:$0x3FB1]  }
0x2f: {  	lr =	sadd.s32 s0, s3;
	s0 =	sld [smem:$0x3FA8]  }
0x30: {  	s3 =	sld [smem:$0x3FAB]  }
0x31: {  	[smem:$0x3FB4] =	sst s10  }
0x32: {  	s10 =	sld [smem:$0x3FB2];
	_ =	sdelay $0x3  }
0x33: {  	p0 =	seq.s32 s10, $0x1;
	s10 =	sld [smem:$0x3FB4];
	_ =	sdelay $0x3  }
0x34: {  	[smem:$0x3FB4] =	sst s10  }
0x35: {  	s10 =	sld [smem:$0x3FB3];
	_ =	sdelay $0x3  }
0x36: {  	p1 =	seq.s32 s10, $0x1;
	s10 =	sld [smem:$0x3FB4];
	_ =	sdelay $0x3  }
0x37: {  	[smem:$0x3FB4] =	sst s10  }
0x38: {  	s10 =	sld [smem:$0x3FB5]  }
0x39: {  	_ = 	snop;
	(pc) =	sbr.ind lr, $3  }
0x3a: {  	_ = 	snop  }
0x3b: {  	_ = 	snop  }
0x3c: {  	p2 =	seq.s32 s10, $0x1;
	s10 =	sld [smem:$0x3FB4]  }
0x3d: {  	_ =	shalt  }
0x3e: {  	_ =	shalt  }
0x3f: {  	_ =	shalt  }
0x40: {  	_ =	shalt  }
0x41: {  	_ =	shalt  }
0x42: {  	_ =	shalt  }
0x43: {  	_ =	shalt  }
0x44: {  	_ =	shalt  }
0x45: {  	_ =	shalt  }
0x46: {  	_ =	shalt  }
0x47: {  	_ =	shalt  }
0x48: {  	_ =	shalt  }
0x49: {  	_ =	shalt  }
0x4a: {  	_ =	shalt  }
0x4b: {  	_ =	shalt  }
0x4c: {  	_ =	shalt  }
0x4d: {  	_ =	shalt  }
0x4e: {  	_ =	shalt  }
0x4f: {  	_ =	shalt  }
0x50: {  	_ =	shalt  }
0x51: {  	_ =	shalt  }
0x52: {  	_ =	shalt  }
0x53: {  	_ =	shalt  }
0x54: {  	_ =	shalt  }
0x55: {  	_ =	shalt  }
0x56: {  	_ =	shalt  }
0x57: {  	_ =	shalt  }
0x58: {  	_ =	shalt  }
0x59: {  	_ =	shalt  }
0x5a: {  	_ =	shalt  }
0x5b: {  	_ =	shalt  }
0x5c: {  	_ =	shalt  }
0x5d: {  	_ =	shalt  }
0x5e: {  	_ =	shalt  }
0x5f: {  	_ =	shalt  }
0x60: {  	_ =	shalt  }
0x61: {  	_ =	shalt  }
0x62: {  	_ =	shalt  }
0x63: {  	_ =	shalt  }
0x64: {  	_ =	shalt  }
0x65: {  	_ =	shalt  }
0x66: {  	_ =	shalt  }
0x67: {  	_ =	shalt  }
0x68: {  	_ =	shalt  }
0x69: {  	_ =	shalt  }
0x6a: {  	_ =	shalt  }
0x6b: {  	_ =	shalt  }
0x6c: {  	_ =	shalt  }
0x6d: {  	_ =	shalt  }
0x6e: {  	_ =	shalt  }
0x6f: {  	_ =	shalt  }
0x70: {  	_ =	shalt  }
0x71: {  	_ =	shalt  }
0x72: {  	_ =	shalt  }
0x73: {  	_ =	shalt  }
0x74: {  	_ =	shalt  }
0x75: {  	_ =	shalt  }
0x76: {  	_ =	shalt  }
0x77: {  	_ =	shalt  }
0x78: {  	_ =	shalt  }
0x79: {  	_ =	shalt  }
0x7a: {  	_ =	shalt  }
0x7b: {  	_ =	shalt  }
0x7c: {  	_ =	shalt  }
0x7d: {  	_ =	shalt  }
0x7e: {  	_ =	shalt  }
0x7f: {  	_ =	shalt  }
0x80: {  	_ =	shalt  }
0x81: {  	_ =	shalt  }
0x82: {  	_ =	shalt  }
0x83: {  	_ =	shalt  }
0x84: {  	_ =	shalt  }
0x85: {  	_ =	shalt  }
0x86: {  	_ =	shalt  }
0x87: {  	_ =	shalt  }
.Lfunc_end0:
.L_simem_size_0:
called_computation.3_lowered:
.L_overlay_start_0:
0x88: {  	s2 =	sld [smem:$0x3FD9]  }
0x89: {  	s3 =	sld [smem:$0x3FFE];
	_ =	sdelay $0x1  }
0x8a: {  	s1 =	srdreg.scid  }
0x8b: {  	s0 =	sand.u32 $0x1, s1  }
0x8c: {  	s14 =	sshll.u32 s0, $0xA;
	s2 =	sadd.s32 s3, s2  }
0x8d: {  	s2 =	sadd.s32 s2, s14  }
0x8e: {  	[smem:$0x3FC0] =	sst s2  }
0x8f: {  	_ = 	snop  }
0x90: {  	s2 =	sld [smem:$0x3FD0];
	_ =	sdelay $0x2  }
0x91: {  	s4 =	simm.s32 $0xA;
	s5 =	simm.s32 $0x10;
	s15 =	sld [smem:$0x3FC8]  }
0x92: {  	[smem:s5], [sflag:s4] =	dma.local [hbm:s2], $0x1  }
0x93: {  	_ =	swait.eq [sflag:s4], $0x1  }
0x94: {  	[sflag:s4] =	ssyncset.done $0x0  }
0x95: {  	[sflag:s4] =	ssyncadd.s32 $0xFFFFFFFF  }
0x96: {  	s16 =	sld [smem:$0x13];
	(tm) =	ssettm $0x1  }
0x97: {  	s17 =	sld [smem:$0x3FFB];
	_ =	sdelay $0x3  }
0x98: {  	_ =	strace s17  }
0x99: {  	s4 =	sld [smem:$0x3FFC];
	_ =	sdelay $0x3  }
0x9a: {  	_ =	strace s4  }
0x9b: {  	s4 =	sld [smem:$0x3FFD];
	_ =	sdelay $0x3  }
0x9c: {  	_ =	strace s4  }
0x9d: {  	_ =	strace $0x8FFFFFFF  }
0x9e: {  	s18 =	sld [smem:$0x3FDB];
	_ =	sdelay $0x1  }
0x9f: {  	s19 =	simm.s32 $_scs_section_size  }
0xa0: {  	s6 =	simm.s32 $_size__tile_overlayer_lowered;
	s7 =	simm.s32 $_tile_overlayer_lowered  }
0xa1: {  	s22 =	simm.s32 $0x1BFF;
	s21 =	sshll.u32 s7, $0x1;
	s4 =	sadd.s32 s19, s18  }
0xa2: {  	s8 =	simm.s32 $0x0;
	s20 =	sshll.u32 s6, $0x1;
	s6 =	sadd.s32 s21, s4  }
0xa3: {  	[timem:s8], [sflag:s22] =	dma.local [hbm:s6], s20  }
0xa4: {  	_ =	swait.ge [sflag:s22], s20  }
0xa5: {  	s5 =	ssub.s32 $0x0, s20;
	[sflag:s22] =	ssyncset.done $0x0  }
0xa6: {  	[sflag:s22] =	ssyncadd.s32 s5;
	_ =	sdelay $0x1  }
0xa7: {  	s23 =	simm.s32 $0x1B8B  }
0xa8: {  	_ =	swait.ge [sflag:s23], $0x1  }
0xa9: {  	[sflag:s23] =	ssyncset.done $0x0  }
0xaa: {  	s25 =	simm.s32 $0x1B8E;
	s24 =	sld [smem:$0x3FFE];
	[sflag:s23] =	ssyncadd.s32 $0xFFFFFFFF  }
0xab: {  	s26 =	simm.s32 $execute0_lowered;
	[smem:$0x3FD2] =	sst s25  }
0xac: {  	s6 =	sshll.u32 s26, $0x1;
	_ =	strace $0x8000004F;
	[dreg:$0x1] =	wrdreg $0xFFFFFFFF  }
0xad: {  	s28 =	simm.s32 $_size_execute0_lowered;
	s4 =	sadd.s32 s4, s6;
	[dreg:$0x0] =	wrdreg $0x0  }
0xae: {  	s6 =	sshll.u32 s28, $0x1;
	[dreg:$0x2] =	wrdreg s4  }
0xaf: {  	[dreg:$0x3] =	wrdreg s6  }
0xb0: {  	[dreg:$0x4] =	wrdreg $0xC0  }
0xb1: {  	_ =	task [dreg:s8], $0x5FFFF  }
0xb2: {  	[dreg:$0x1] =	wrdreg $0xFFFFFFFF  }
0xb3: {  	[dreg:$0x0] =	wrdreg $0x60  }
0xb4: {  	[dreg:$0x2] =	wrdreg s15  }
0xb5: {  	[dreg:$0x3] =	wrdreg s16  }
0xb6: {  	[dreg:$0x4] =	wrdreg s24  }
0xb7: {  	[dreg:$0x5] =	wrdreg $0x9  }
0xb8: {  	_ =	task.clear_ibuf [dreg:s8], $0x6FFFF;
	_ =	strace $0x9000004F  }
0xb9: {  	s29 =	simm.s32 $0x9;
	_ =	strace $0x80000051  }
0xba: {  	_ =	swait.ge [sflag:s29], $0x1  }
0xbb: {  	[sflag:s29] =	ssyncadd.s32 $0xFFFFFFFF  }
0xbc: {  	_ =	strace $0x90000051  }
0xbd: {  	_ =	sfence  }
0xbe: {  	s30 =	sld [smem:$0x0];
	_ =	sdelay $0x2  }
0xbf: {  	s31 =	sshll.u32 s1, $0xD;
	s1 =	sshrl.u32 s1, $0x2  }
0xc0: {  	s3 =	sand.u32 $0x4000, s31;
	s1 =	sadd.s32 s1, s30  }
0xc1: {  	s0 =	sor.u32 s3, s0;
	s1 =	sshll.u32 s1, $0x11  }
0xc2: {  	s0 =	sor.u32 s1, s0  }
0xc3: {  	s0 =	sadd.s32 $0x8F2B, s0  }
0xc4: {  	[sflag:s0] =	ssyncadd.remote.s32 $0x1  }
0xc5: {  	_ =	sfence.sel $0xFFFF  }
0xc6: {  	[dreg:$0x0] =	wrdreg $0xFFFFFFFF;
	(pc) =	sbr.abs _section_cstart, $3  }
0xc7: {  	[dreg:$0x1] =	wrdreg $0xFFFFFFFF  }
0xc8: {  	_ =	task.clear_ibuf [dreg:s8], $0x2FFFF;
	_ =	strace $0x9FFFFFFF  }
0xc9: {  	(tm) =	ssettm $0x7FFFFFFF  }
tec
execute0_lowered:
.L_overlay_start_1:
0x0: {  	(tag) =	ssettag $0x1  }
0x1: {  	s1 =	stileid.u32  }
0x2: {  	p0 =	sgt.u32 s1, $0x1  }
.Ltmp0:
0x3: {  	s2 =	rddreg [dreg:$0x0];
	(pc) =	sbr.rel @p0 .LBB2_4-.Ltmp0, $4  }
0x4: {  	s4 =	rddreg [dreg:$0x1]  }
0x5: {  	s9 =	rddreg [dreg:$0x2];
	s3 =	simm.s32 $0x0  }
0x6: {  	[smem:$0x7FF] =	sst s3  }
0x7: {  	s0 =	rddreg [dreg:$0x3];
	_ =	strace $0x80000050  }
0x8: {  	s5 =	srdreg.scid  }
0x9: {  	s30 =	sshll.u32 s1, $0x1;
	s7 =	sand.u32 $0x1, s5  }
0xa: {  	s10 =	sor.u32 s7, s30  }
0xb: {  	s5 =	sshll.u32 s10, $0x1  }
0xc: {  	s5 =	sadd.s32 s4, s5;
	s4 =	simm.s32 $0x2  }
0xd: {  	[tilespmem:s3], [sflag:$0x2] =	stream.linear.gather [hbm4b:s5+s3], $0x10, $0x38;
	[tilespmem:$0x1080] =	vst v63  }
0xe: {  	_ =	swait.ge [sflag:s4], $0x10  }
0xf: {  	[sflag:s4] =	ssyncset.done $0x0  }
0x10: {  	[sflag:s4] =	ssyncadd.s32 $0xFFFFFFF0  }
0x11: {  	v0 =	vld [tilespmem:$0x0];
	_ =	sdelay $0x4  }
0x12: {  	v1 =	vshll.u32 v0, $0x1  }
0x13: {  	v2 =	vlaneseq.u32;
	v3 =	vand.u32 $0x7, v0;
	v1 =	vand.u32 $0xFFFFFFF0, v1  }
0x14: {  	v4 =	vshrl.u32 v2, $0x3;
	v0 =	vand.u32 $0x7, v2;
	v3 =	vor.u32 v3, v1  }
0x15: {  	v1 =	vmul.u32 $0x8, v4;
	v63 =	vperm.xlane v3, v0  }
0x16: {  	v2 =	vor.u32 $0x8, v2  }
0x17: {  	v3 =	vperm.xlane v3, v2;
	v4 =	vadd.s32 v1, v63;
	_ =	sdelay $0x1  }
0x18: {  	s11 =	ssub.s32 $0x2, s7;
	v3 =	vadd.s32 v1, v3  }
0x19: {  	s6 =	simm.s32 $0x80;
	s12 =	sshrl.u32 s11, $0x1  }
0x1a: {  	vm0 =	vmmov $0xffff;
	s8 =	simm.s32 $0x1;
	s10 =	sshll.u32 s10, $0x9;
	s31 =	ssub.s32 s11, s12  }
0x1b: {  	[tilespmem:s6], [sflag:$0x1] =	stream.indirect_vreg.gather [hbm4b:s2+s3], $0x80, v4, vm0, $0xb8;
	[tilespmem:$0x1080] =	vst v63  }
0x1c: {  	s7 =	simm.s32 $0x880;
	s9 =	sadd.s32 s10, s9;
	s10 =	smax.u32 s31, $0x1  }
0x1d: {  	[tilespmem:s7], [sflag:$0x1] =	stream.indirect_vreg.gather [hbm4b:s2+s3], $0x80, v3, vm0, $0xb8;
	[tilespmem:$0x1080] =	vst v63  }
0x1e: {  	p0 =	sne.s32 s10, $0x1;
	_ =	swait.ge [sflag:s8], $0x1000  }
.Ltmp1:
0x1f: {  	[sflag:s8] =	ssyncset.done $0x0;
	(pc) =	sbr.rel @!p0 .LBB2_3-.Ltmp1, $4  }
0x20: {  	s9 =	sadd.s32 $0x1A4C00, s9;
	[sflag:s8] =	ssyncadd.s32 $0xFFFFF000  }
0x21: {  	[hbm4b:s9+s3] =	stream.linear.scatter [tilespmem:s6], [sflag:$0x2], $0x1000, $0x38;
	[tilespmem:$0x1080] =	vst v63  }
0x22: {  	_ =	swait.ge [sflag:s4], $0x1000  }
0x23: {  	s10 =	sadd.s32 $0xFFFFFFFF, s10;
	[sflag:s4] =	ssyncset.done $0x0  }
.LBB2_2:
0x24: {  	p0 =	sne.s32 s10, $0x1;
	s10 =	sadd.s32 $0xFFFFFFFF, s10;
	[sflag:s4] =	ssyncadd.s32 $0xFFFFF000  }
0x25: {  	[tilespmem:s3], [sflag:$0x2] =	stream.linear.gather [hbm4b:s5+s3], $0x10, $0x38;
	[tilespmem:$0x1080] =	vst v63  }
0x26: {  	_ =	swait.ge [sflag:s4], $0x10  }
0x27: {  	[sflag:s4] =	ssyncset.done $0x0  }
0x28: {  	[sflag:s4] =	ssyncadd.s32 $0xFFFFFFF0  }
0x29: {  	v3 =	vld [tilespmem:$0x0];
	_ =	sdelay $0x4  }
0x2a: {  	v4 =	vshll.u32 v3, $0x1  }
0x2b: {  	v3 =	vand.u32 $0x7, v3;
	v4 =	vand.u32 $0xFFFFFFF0, v4  }
0x2c: {  	v3 =	vor.u32 v3, v4  }
0x2d: {  	v4 =	vperm.xlane v3, v0;
	v3 =	vperm.xlane v3, v2;
	_ =	sdelay $0x1  }
0x2e: {  	v4 =	vadd.s32 v1, v4;
	_ =	sdelay $0x1  }
0x2f: {  	v3 =	vadd.s32 v1, v3;
	_ =	sdelay $0x2  }
0x30: {  	[tilespmem:s6], [sflag:$0x1] =	stream.indirect_vreg.gather [hbm4b:s2+s3], $0x80, v4, vm0, $0xb8;
	[tilespmem:$0x1080] =	vst v63  }
0x31: {  	_ = 	snop  }
0x32: {  	[tilespmem:s7], [sflag:$0x1] =	stream.indirect_vreg.gather [hbm4b:s2+s3], $0x80, v3, vm0, $0xb8;
	[tilespmem:$0x1080] =	vst v63  }
0x33: {  	_ =	swait.ge [sflag:s8], $0x1000  }
.Ltmp2:
0x34: {  	[sflag:s8] =	ssyncset.done $0x0;
	(pc) =	sbr.rel @p0 .LBB2_2-.Ltmp2, $4  }
0x35: {  	[sflag:s8] =	ssyncadd.s32 $0xFFFFF000  }
0x36: {  	[hbm4b:s9+s3] =	stream.linear.scatter [tilespmem:s6], [sflag:$0x2], $0x1000, $0x38;
	[tilespmem:$0x1080] =	vst v63  }
0x37: {  	_ =	swait.ge [sflag:s4], $0x1000  }
0x38: {  	[sflag:s4] =	ssyncset.done $0x0  }
.LBB2_3:
0x39: {  	[sflag:s4] =	ssyncadd.s32 $0xFFFFF000  }
.LBB2_4:
0x3a: {  	_ =	sfence.sel $0x180000  }
0x3b: {  	[bflag:$0x0] =	sbarrier.arrive $0xFFFF  }
0x3c: {  	p0 =	sne.s32 s1, $0x0;
	_ =	strace $0x90000050  }
0x3d: {  	s0 =	sadd.s32 @!p0 $0x100000, s0;
	[bflag:$0x2] =	sbarrier.arrive $0xFFFF  }
0x3e: {  	[sflag:s0] =	ssyncadd.tile.s32 @!p0 $0x1;
	_ =	shalt  }
.Lfunc_end2:
_tile_overlayer_lowered:
.L_overlay_start_2:
0x3f: {  	(tag) =	ssettag $0x2  }
0x40: {  	s0 =	rddreg [dreg:$0x0];
	s2 =	stileid.u32  }
0x41: {  	s1 =	rddreg [dreg:$0x1];
	p0 =	sne.s32 s2, $0x0  }
0x42: {  	s3 =	rddreg [dreg:$0x2];
	[bflag:$0x3] =	sbarrier.arrive $0xFFFF;
	s2 =	simm.s32 @!p0 $0x1C02  }
0x43: {  	[timem:s3], [sflag:s2] =	dma.local @!p0 [hbm:s0], s1  }
0x44: {  	s0 =	simm.s32 @!p0 $0x2  }
0x45: {  	_ =	swait.ge @!p0 [sflag:s0], s1  }
0x46: {  	s1 =	ssub.s32 @!p0 $0x0, s1;
	[sflag:s0] =	ssyncset.done @!p0 $0x0  }
0x47: {  	[sflag:s0] =	ssyncadd.s32 @!p0 s1  }
0x48: {  	[bflag:$0x3] =	sbarrier.arrive $0xFFFF  }
0x49: {  	_ =	shalt  }

</sc_bundles>
